<compile_context>
chip_gen: v7x
topology: tpu7x:2x2x1
jax: 0.10.2.dev20260603
libtpu: 0.0.44.dev20260713+nightly
codegen_flags: <defaults>
</compile_context>

<pallas_src>
import functools

import jax
import jax.numpy as jnp
from jax import lax
from jax.experimental import pallas as pl
from jax.experimental.pallas import tpu as pltpu
from jax.experimental.pallas import tpu_sc as plsc

N = 10000
DEG = 32
IN_F = 128
HID = 128
HP = HID // 2
OUT_F = 40
S = 4
L = 4
SSW = 0.05
CW = 0.01

NC = 2
NS = 16
NW = NC * NS

SNP = 40960
WPT = SNP // NW
KG = L * SNP
PER_W = KG // NW
CH = 128
NCH = PER_W // CH

T = 1000
NT = N // T

BF = jnp.bfloat16
F32 = jnp.float32



def _walks_call(edge_flat, r_all, cur0):
  mesh = plsc.VectorSubcoreMesh(core_axis_name="c", subcore_axis_name="s")

  @functools.partial(
      pl.kernel, mesh=mesh,
      out_type=jax.ShapeDtypeStruct((2, L, SNP), jnp.int32),
      scratch_types=[
          pltpu.VMEM((WPT,), jnp.int32),
          pltpu.VMEM((WPT,), jnp.int32),
          pltpu.VMEM((WPT,), jnp.int32),
          pltpu.SemaphoreType.DMA,
      ],
  )
  def wk(ed_hbm, r_hbm, cur0_hbm, walks_hbm, cur_v, r_v, fidx_v, sem):
    wid = lax.axis_index("s") * NC + lax.axis_index("c")
    base = wid * WPT
    for layer in range(2):
      pltpu.sync_copy(cur0_hbm.at[pl.ds(base, WPT)], cur_v)
      for t in range(L):
        pltpu.sync_copy(r_hbm.at[layer, t, pl.ds(base, WPT)], r_v)

        def fidx(j, _):
          sl = pl.ds(j * 16, 16)
          fidx_v[sl] = cur_v[sl] * DEG + r_v[sl]
          return 0

        lax.fori_loop(0, WPT // 16, fidx, 0)

        def issue(c, _):
          sl = pl.ds(c * CH, CH)
          pltpu.async_copy(ed_hbm.at[fidx_v.at[sl]], cur_v.at[sl], sem)
          return 0

        lax.fori_loop(0, WPT // CH, issue, 0)

        def drain(c, _):
          sl = pl.ds(c * CH, CH)
          pltpu.make_async_copy(
              ed_hbm.at[fidx_v.at[sl]], cur_v.at[sl], sem).wait()
          return 0

        lax.fori_loop(0, WPT // CH, drain, 0)
        pltpu.sync_copy(cur_v, walks_hbm.at[layer, t, pl.ds(base, WPT)])

  return wk(edge_flat, r_all, cur0)


def _gather_rows(table, idx):
  mesh = plsc.VectorSubcoreMesh(core_axis_name="c", subcore_axis_name="s")
  w = table.shape[1]

  @functools.partial(
      pl.kernel, mesh=mesh,
      out_type=jax.ShapeDtypeStruct((KG, w), jnp.float32),
      scratch_types=[
          pltpu.VMEM((PER_W,), jnp.int32),
          pltpu.VMEM((4, CH, w), jnp.float32),
          pltpu.SemaphoreType.DMA,
          pltpu.SemaphoreType.DMA,
          pltpu.SemaphoreType.DMA,
          pltpu.SemaphoreType.DMA,
      ],
  )
  def gk(tab_hbm, idx_hbm, out_hbm, idx_v, buf_v, s0, s1, s2, s3):
    wid = lax.axis_index("s") * NC + lax.axis_index("c")
    base = wid * PER_W
    pltpu.sync_copy(idx_hbm.at[pl.ds(base, PER_W)], idx_v)
    sems = [s0, s1, s2, s3]

    def body(c4, _):
      c0 = c4 * 4
      cps = []
      for b in range(4):
        cps.append(pltpu.async_copy(
            tab_hbm.at[idx_v.at[pl.ds((c0 + b) * CH, CH)]],
            buf_v.at[b], sems[b]))
      for b in range(4):
        cps[b].wait()
        pltpu.sync_copy(buf_v.at[b],
                        out_hbm.at[pl.ds(base + (c0 + b) * CH, CH)])
      return 0

    lax.fori_loop(0, NCH // 4, body, 0)

  return gk(table, idx)



def _wprep_body(a_ref, b_ref, bin_ref, bih_ref, wc_ref, be_ref):
  wc_ref[...] = jnp.dot(a_ref[...], b_ref[...], preferred_element_type=F32)
  be_ref[...] = bih_ref[...] + jnp.dot(bin_ref[...], b_ref[...],
                                       preferred_element_type=F32)


def _wprep(win_t, wih_t, bin_, bih):
  return pl.pallas_call(
      _wprep_body,
      out_shape=[
          jax.ShapeDtypeStruct((IN_F, 3 * HID), F32),
          jax.ShapeDtypeStruct((1, 3 * HID), F32),
      ],
  )(win_t, wih_t, bin_, bih)


def _unpack(x):
  xi = jax.lax.bitcast_convert_type(x, jnp.int32)
  lo = jax.lax.bitcast_convert_type(jnp.left_shift(xi, 16), F32)
  hi = jax.lax.bitcast_convert_type(
      jnp.bitwise_and(xi, jnp.int32(-65536)), F32)
  return jnp.concatenate([lo, hi], axis=1)


def _gru_core(raw_fn, tgt_fn, wrz_ref, wnx_ref, wnh_ref, brz_ref, bni_ref,
              bnh_ref, wss_ref, bss_ref):
  ht = jnp.zeros((T, HID), F32)
  lacc = F32(0.0)
  for t in range(L + 1):
    raw = raw_fn(t)
    htb = ht.astype(BF)
    cat = jnp.concatenate([raw, htb], axis=1)
    rz = jnp.dot(cat, wrz_ref[...], preferred_element_type=F32) + brz_ref[...]
    r = jax.nn.sigmoid(rz[:, 0:HID])
    z = jax.nn.sigmoid(rz[:, HID:2 * HID])
    inn = jnp.dot(raw, wnx_ref[...], preferred_element_type=F32) + bni_ref[...]
    hn = jnp.dot(htb, wnh_ref[...], preferred_element_type=F32) + bnh_ref[...]
    n = jnp.tanh(inn + r * hn)
    ht = (1.0 - z) * n + z * ht
    pred = jnp.dot(ht.astype(BF), wss_ref[...],
                   preferred_element_type=F32) + bss_ref[...]
    d = pred - tgt_fn(t)
    lacc = lacc + jnp.sum(d * d)
  return ht, lacc


def _gru0_body(tg_ref, h_ref, wrz_ref, wnx_ref, wnh_ref, brz_ref, bni_ref,
               bnh_ref, wss_ref, bss_ref, mean_ref, loss_ref):
  i = pl.program_id(0)
  s = pl.program_id(1)
  h0f = h_ref[...]
  h0b = h0f.astype(BF)
  ht, lacc = _gru_core(
      lambda t: h0b if t == 0 else tg_ref[t - 1].astype(BF),
      lambda t: h0f if t == 0 else tg_ref[t - 1],
      wrz_ref, wnx_ref, wnh_ref, brz_ref, bni_ref, bnh_ref, wss_ref, bss_ref)

  @pl.when(s == 0)
  def _():
    mean_ref[...] = ht

  @pl.when(s > 0)
  def _():
    mean_ref[...] = mean_ref[...] + ht

  @pl.when(s == S - 1)
  def _():
    mean_ref[...] = mean_ref[...] * (1.0 / S)

  first = (i == 0) & (s == 0)

  @pl.when(first)
  def _():
    loss_ref[0, 0] = lacc

  @pl.when(jnp.logical_not(first))
  def _():
    loss_ref[0, 0] = loss_ref[0, 0] + lacc


def _gru1_body(g_ref, hin_ref, h0_ref, wrz_ref, wnx_ref, wnh_ref,
               brz_ref, bni_ref, bnh_ref, wss_ref, bss_ref, wout_ref,
               bout_ref, probs_ref, loss_ref):
  i = pl.program_id(0)
  s = pl.program_id(1)
  h0f = h0_ref[...]
  hinb = _unpack(hin_ref[...]).astype(BF)
  ht, lacc = _gru_core(
      lambda t: hinb if t == 0 else _unpack(g_ref[t - 1][:, HP:]).astype(BF),
      lambda t: h0f if t == 0 else _unpack(g_ref[t - 1][:, :HP]),
      wrz_ref, wnx_ref, wnh_ref, brz_ref, bni_ref, bnh_ref, wss_ref, bss_ref)
  logits = jnp.dot(ht, wout_ref[...],
                   preferred_element_type=F32) + bout_ref[...]
  m = jnp.max(logits, axis=-1, keepdims=True)
  e = jnp.exp(logits - m)
  probs_ref[0] = e / jnp.sum(e, axis=-1, keepdims=True)

  first = (i == 0) & (s == 0)

  @pl.when(first)
  def _():
    loss_ref[0, 0] = lacc

  @pl.when(jnp.logical_not(first))
  def _():
    loss_ref[0, 0] = loss_ref[0, 0] + lacc


def _wspecs():
  return [
      pl.BlockSpec((2 * HID, 2 * HID), lambda i, s: (0, 0)),
      pl.BlockSpec((HID, HID), lambda i, s: (0, 0)),
      pl.BlockSpec((HID, HID), lambda i, s: (0, 0)),
      pl.BlockSpec((1, 2 * HID), lambda i, s: (0, 0)),
      pl.BlockSpec((1, HID), lambda i, s: (0, 0)),
      pl.BlockSpec((1, HID), lambda i, s: (0, 0)),
      pl.BlockSpec((HID, IN_F), lambda i, s: (0, 0)),
      pl.BlockSpec((1, IN_F), lambda i, s: (0, 0)),
  ]


def _gru_layer0(tg, h, weights):
  return pl.pallas_call(
      _gru0_body,
      grid=(NT, S),
      in_specs=[
          pl.BlockSpec((L, T, HID), lambda i, s: (0, s * NT + i, 0)),
          pl.BlockSpec((T, IN_F), lambda i, s: (i, 0)),
      ] + _wspecs(),
      out_specs=[
          pl.BlockSpec((T, HID), lambda i, s: (i, 0)),
          pl.BlockSpec(memory_space=pltpu.SMEM),
      ],
      out_shape=[
          jax.ShapeDtypeStruct((N, HID), F32),
          jax.ShapeDtypeStruct((1, 1), F32),
      ],
  )(tg, h, *weights)


def _gru_layer1(g1, hin, h0, weights, wout_t, bout):
  return pl.pallas_call(
      _gru1_body,
      grid=(NT, S),
      in_specs=[
          pl.BlockSpec((L, T, HID), lambda i, s: (0, s * NT + i, 0)),
          pl.BlockSpec((T, HP), lambda i, s: (i, 0)),
          pl.BlockSpec((T, IN_F), lambda i, s: (i, 0)),
      ] + _wspecs() + [
          pl.BlockSpec((HID, OUT_F), lambda i, s: (0, 0)),
          pl.BlockSpec((1, OUT_F), lambda i, s: (0, 0)),
      ],
      out_specs=[
          pl.BlockSpec((1, T, OUT_F), lambda i, s: (s, i, 0)),
          pl.BlockSpec(memory_space=pltpu.SMEM),
      ],
      out_shape=[
          jax.ShapeDtypeStruct((S, N, OUT_F), F32),
          jax.ShapeDtypeStruct((1, 1), F32),
      ],
  )(g1, hin, h0, *weights, wout_t, bout)


def _final_body(probs_ref, l0_ref, l1_ref, loss_ref):
  i = pl.program_id(0)
  p = probs_ref[...]
  avg = jnp.mean(p, axis=0)
  a2 = avg * avg
  a4 = a2 * a2
  a8 = a4 * a4
  a10 = a8 * a2
  sharp = a10 / jnp.sum(a10, axis=-1, keepdims=True)
  d = sharp[None] - p
  part = jnp.sum(d * d)

  @pl.when(i == 0)
  def _():
    loss_ref[0, 0] = part

  @pl.when(i > 0)
  def _():
    loss_ref[0, 0] = loss_ref[0, 0] + part

  @pl.when(i == NT - 1)
  def _():
    closs = loss_ref[0, 0] * (1.0 / (S * N * OUT_F))
    sl = (l0_ref[0, 0] + l1_ref[0, 0]) * (1.0 / (S * N * (L + 1) * IN_F))
    loss_ref[0, 0] = SSW * sl + CW * closs


def _final_loss(probs, l0, l1):
  return pl.pallas_call(
      _final_body,
      grid=(NT,),
      in_specs=[
          pl.BlockSpec((S, T, OUT_F), lambda i: (0, i, 0)),
          pl.BlockSpec(memory_space=pltpu.SMEM),
          pl.BlockSpec(memory_space=pltpu.SMEM),
      ],
      out_specs=pl.BlockSpec(memory_space=pltpu.SMEM),
      out_shape=jax.ShapeDtypeStruct((1, 1), F32),
  )(probs, l0, l1)



def _pack_bf(x):
  xb = x.astype(BF).reshape(-1, HP, 2)
  return jax.lax.bitcast_convert_type(xb, F32)


def _gate_weights(wih_t, whh_t, bih, bhh, perm):
  wih_t = wih_t[perm, :]
  wrz = jnp.concatenate([wih_t[:, :2 * HID], whh_t[:, :2 * HID]],
                        axis=0).astype(BF)
  wnx = wih_t[:, 2 * HID:].astype(BF)
  wnh = whh_t[:, 2 * HID:].astype(BF)
  brz = (bih[:, :2 * HID] + bhh[:, :2 * HID]).reshape(1, -1)
  bni = bih[:, 2 * HID:].reshape(1, -1)
  bnh = bhh[:, 2 * HID:].reshape(1, -1)
  return wrz, wnx, wnh, brz, bni, bnh


def kernel(h, edge_index, W_in, b_in, W_out, b_out, Wih0, Whh0, bih0, bhh0,
           Wss0, bss0, Wih1, Whh1, bih1, bhh1, Wss1, bss1):
  edge_flat = edge_index[1]

  base_key = jax.random.key(1234)
  r_list = []
  for layer in range(2):
    k = jax.random.fold_in(base_key, layer)
    for _ in range(L):
      k, sub = jax.random.split(k)
      r_list.append(
          jax.random.randint(sub, (S, N), 0, DEG, dtype=jnp.int32).reshape(-1))
  r_all = jnp.stack(r_list).reshape(2, L, S * N)
  r_all = jnp.pad(r_all, ((0, 0), (0, 0), (0, SNP - S * N)))
  cur0 = (jnp.arange(SNP, dtype=jnp.int32) % N).astype(jnp.int32)

  walks = _walks_call(edge_flat, r_all, cur0)
  w0 = walks[0].reshape(KG)
  w1 = walks[1].reshape(KG)

  t0g = _gather_rows(h, w0).reshape(L, SNP, HID)

  perm = jnp.concatenate([jnp.arange(0, HID, 2), jnp.arange(1, HID, 2)])
  h_p = h[:, perm]
  identity = jnp.arange(HID)

  wcmb0, bih0e = _wprep(W_in.T, Wih0.T, b_in.reshape(1, -1),
                        bih0.reshape(1, -1))
  wts0 = _gate_weights(wcmb0, Whh0.T, bih0e, bhh0.reshape(1, -1),
                       identity) + (
      Wss0.T.astype(BF), bss0.reshape(1, -1))
  wts1 = _gate_weights(Wih1.T, Whh1.T, bih1.reshape(1, -1),
                       bhh1.reshape(1, -1), perm) + (
      Wss1.T[:, perm].astype(BF), bss1[perm].reshape(1, -1))

  mean0, l0 = _gru_layer0(t0g, h, wts0)

  m0p = _pack_bf(mean0)
  chp = jnp.concatenate([_pack_bf(h), m0p], axis=1)
  g1 = _gather_rows(chp, w1).reshape(L, SNP, HID)

  probs, l1 = _gru_layer1(g1, m0p, h_p, wts1, W_out.T,
                          b_out.reshape(1, OUT_F))

  loss = _final_loss(probs, l0, l1)
  return probs, loss.reshape(())

# --- scband reference (transcript-rebuilt; emitter-appended) ---
"""Pipeline reference for scband-rummodel-55929064129380 (READ-ONLY COPY).

The authoritative reference and input builder live on the scoring server;
editing this copy changes nothing except your own understanding.
"""

import jax, jax.numpy as jnp
import numpy as np

N = 10000
DEG = 32
E = N * DEG
IN_F = 128
HID = 128
OUT_F = 40
S = 4
L = 4
SSW = 0.05
CW = 0.01
TEMP = 0.1


def _init(key, shape, fan_in):
    return jax.random.normal(key, shape, dtype=jnp.float32) / np.sqrt(fan_in)


def setup_inputs(seed: int = 0):
    key = jax.random.key(seed)
    ks = jax.random.split(key, 32)
    inp = {}
    inp["h"] = jax.random.normal(ks[0], (N, IN_F), dtype=jnp.float32)
    inp["edge_index"] = jax.random.randint(ks[1], (2, E), 0, N, dtype=jnp.int32)
    inp["W_in"] = _init(ks[2], (HID, IN_F), IN_F)
    inp["b_in"] = jnp.zeros((HID,), jnp.float32)
    inp["W_out"] = _init(ks[3], (OUT_F, HID), HID)
    inp["b_out"] = jnp.zeros((OUT_F,), jnp.float32)
    for i in range(2):
        inp["Wih%d" % i] = _init(ks[4 + 5 * i], (3 * HID, HID), HID)
        inp["Whh%d" % i] = _init(ks[5 + 5 * i], (3 * HID, HID), HID)
        inp["bih%d" % i] = jnp.zeros((3 * HID,), jnp.float32)
        inp["bhh%d" % i] = jnp.zeros((3 * HID,), jnp.float32)
        inp["Wss%d" % i] = _init(ks[6 + 5 * i], (IN_F, HID), HID)
        inp["bss%d" % i] = jnp.zeros((IN_F,), jnp.float32)
    return inp


def _sample_walks(nbr, layer_idx):
    # uniform random walks of length L starting at every node, S samples each
    key = jax.random.fold_in(jax.random.key(1234), layer_idx)
    cur = jnp.broadcast_to(jnp.arange(N, dtype=jnp.int32), (S, N))
    walk = [cur]
    for _ in range(L):
        key, sub = jax.random.split(key)
        r = jax.random.randint(sub, (S, N), 0, DEG, dtype=jnp.int32)
        cur = nbr[cur, r]
        walk.append(cur)
    return jnp.stack(walk, axis=-1)  # [S, N, L+1]


def _rum_layer(h_in, h0, walks, Wih, Whh, bih, bhh, Wss, bss):
    x = h_in[walks]  # gather walk features: [S, N, L+1, HID]
    ht = jnp.zeros(x.shape[:2] + (HID,), jnp.float32)
    ys = []
    for t in range(L + 1):
        xt = x[:, :, t, :]
        gi = xt @ Wih.T + bih
        gh = ht @ Whh.T + bhh
        ir, iz, inn = jnp.split(gi, 3, axis=-1)
        hr, hz, hn = jnp.split(gh, 3, axis=-1)
        r = jax.nn.sigmoid(ir + hr)
        z = jax.nn.sigmoid(iz + hz)
        n = jnp.tanh(inn + r * hn)
        ht = (1.0 - z) * n + z * ht
        ys.append(ht)
    y = jnp.stack(ys, axis=2)  # [S, N, L+1, HID]
    pred = y @ Wss.T + bss  # self-supervised reconstruction of original feats
    tgt = h0[walks]
    loss = jnp.mean((pred - tgt) ** 2)
    return ht, loss


def reference(h, edge_index, W_in, b_in, W_out, b_out, Wih0, Whh0, bih0, bhh0, Wss0, bss0, Wih1, Whh1, bih1, bhh1, Wss1, bss1):
    # adjacency as fixed-degree neighbor table: node v's neighbors are dst
    # entries of its DEG edges
    nbr = edge_index[1].reshape(N, DEG)
    h0 = h
    hh = h @ W_in.T + b_in
    loss = 0.0
    layers = [(Wih0, Whh0, bih0, bhh0, Wss0, bss0),
              (Wih1, Whh1, bih1, bhh1, Wss1, bss1)]
    for idx, params in enumerate(layers):
        if idx > 0:
            hh = hh.mean(0)
        walks = _sample_walks(nbr, idx)
        hh, l = _rum_layer(hh, h0, walks, *params)
        loss = loss + SSW * l
    logits = hh @ W_out.T + b_out
    probs = jax.nn.softmax(logits, axis=-1)  # [S, N, OUT_F]
    # consistency regularizer across walk samples (training-mode path)
    avg = probs.mean(0)
    sharp = avg ** (1.0 / TEMP)
    sharp = sharp / sharp.sum(-1, keepdims=True)
    closs = jnp.mean((jax.lax.stop_gradient(sharp)[None] - probs) ** 2)
    loss = loss + CW * closs
    return probs, loss

if __name__ == "__main__":
    import jax
    _d = setup_inputs()
    print(jax.jit(kernel)(*tuple(_d.values())))

</pallas_src>

<mosaic_0001>
#map = affine_map<(d0, d1) -> (0)>
#map1 = affine_map<(d0, d1) -> (0, 0, 0)>
module attributes {stable_mosaic.version = 14 : i64} {
  func.func @wk(%arg0: i32, %arg1: i32, %arg2: memref<320000xi32, #tpu.memory_space<hbm>>, %arg3: memref<2x4x40960xi32, #tpu.memory_space<hbm>>, %arg4: memref<40960xi32, #tpu.memory_space<hbm>>, %arg5: memref<2x4x40960xi32, #tpu.memory_space<hbm>>, %arg6: memref<1280xi32, #tpu.memory_space<vmem>>, %arg7: memref<1280xi32, #tpu.memory_space<vmem>>, %arg8: memref<1280xi32, #tpu.memory_space<vmem>>, %arg9: memref<!tpu.dma_semaphore, #tpu.memory_space<semaphore_mem>>) attributes {dimension_semantics = [#tpu.dimension_semantics<core_parallel>, #tpu.dimension_semantics<subcore_parallel>], iteration_bounds = array<i64: 2, 16>, scalar_prefetch = 0 : i64, scratch_operands = 4 : i64, tpu.core_type = #tpu.core_type<sc_vector_subcore>, window_params = [{transform_indices = #map}, {transform_indices = #map1}, {transform_indices = #map}, {transform_indices = #map1}]} {
    %mul3A = arith.constant 2 : i32
    %mul3A_0 = arith.muli %arg1, %mul3A : i32
    %add3A = arith.addi %mul3A_0, %arg0 : i32
    %mul3A_1 = arith.constant 1280 : i32
    %mul3A_2 = arith.muli %add3A, %mul3A_1 : i32
    "tpu.region"() ({
      %run_scoped3A_201 = tpu.sem_alloc : memref<!tpu.dma_semaphore, #tpu.memory_space<semaphore_mem>>
      %dma_start3A = tpu.memref_slice %arg4[%mul3A_2] : memref<40960xi32, #tpu.memory_space<hbm>> -> memref<1280xi32, #tpu.memory_space<hbm>>
      %dma_start3A_202 = tpu.memref_slice %arg4[%mul3A_2] : memref<40960xi32, #tpu.memory_space<hbm>> -> memref<1280xi32, #tpu.memory_space<hbm>>
      tpu.enqueue_dma source(%dma_start3A_202 : memref<1280xi32, #tpu.memory_space<hbm>>) target(%arg6 : memref<1280xi32, #tpu.memory_space<vmem>>) target_semaphore(%run_scoped3A_201 : memref<!tpu.dma_semaphore, #tpu.memory_space<semaphore_mem>>)
      %dma_wait3A = tpu.memref_slice %arg4[%mul3A_2] : memref<40960xi32, #tpu.memory_space<hbm>> -> memref<1280xi32, #tpu.memory_space<hbm>>
      %dma_wait3A_203 = tpu.memref_slice %arg4[%mul3A_2] : memref<40960xi32, #tpu.memory_space<hbm>> -> memref<1280xi32, #tpu.memory_space<hbm>>
      tpu.wait_dma2 semaphore(%run_scoped3A_201 : memref<!tpu.dma_semaphore, #tpu.memory_space<semaphore_mem>>) src(%dma_wait3A_203 : memref<1280xi32, #tpu.memory_space<hbm>>) dst(%arg6 : memref<1280xi32, #tpu.memory_space<vmem>>)
      tpu.yield
    }) : () -> ()
    %run_scoped3A = arith.constant 0 : i32
    %run_scoped3A_3 = arith.constant 0 : i32
    "tpu.region"() ({
      %run_scoped3A_201 = tpu.sem_alloc : memref<!tpu.dma_semaphore, #tpu.memory_space<semaphore_mem>>
      %dma_start3A = tpu.memref_slice %arg3[%run_scoped3A, %run_scoped3A_3, %mul3A_2] : memref<2x4x40960xi32, #tpu.memory_space<hbm>> -> memref<1x1x1280xi32, #tpu.memory_space<hbm>>
      %dma_start3A_202 = tpu.memref_squeeze %dma_start3A : memref<1x1x1280xi32, #tpu.memory_space<hbm>> -> memref<1280xi32, #tpu.memory_space<hbm>>
      %dma_start3A_203 = tpu.memref_slice %arg3[%run_scoped3A, %run_scoped3A_3, %mul3A_2] : memref<2x4x40960xi32, #tpu.memory_space<hbm>> -> memref<1x1x1280xi32, #tpu.memory_space<hbm>>
      %dma_start3A_204 = tpu.memref_squeeze %dma_start3A_203 : memref<1x1x1280xi32, #tpu.memory_space<hbm>> -> memref<1280xi32, #tpu.memory_space<hbm>>
      tpu.enqueue_dma source(%dma_start3A_204 : memref<1280xi32, #tpu.memory_space<hbm>>) target(%arg7 : memref<1280xi32, #tpu.memory_space<vmem>>) target_semaphore(%run_scoped3A_201 : memref<!tpu.dma_semaphore, #tpu.memory_space<semaphore_mem>>)
      %dma_wait3A = tpu.memref_slice %arg3[%run_scoped3A, %run_scoped3A_3, %mul3A_2] : memref<2x4x40960xi32, #tpu.memory_space<hbm>> -> memref<1x1x1280xi32, #tpu.memory_space<hbm>>
      %dma_wait3A_205 = tpu.memref_squeeze %dma_wait3A : memref<1x1x1280xi32, #tpu.memory_space<hbm>> -> memref<1280xi32, #tpu.memory_space<hbm>>
      %dma_wait3A_206 = tpu.memref_slice %arg3[%run_scoped3A, %run_scoped3A_3, %mul3A_2] : memref<2x4x40960xi32, #tpu.memory_space<hbm>> -> memref<1x1x1280xi32, #tpu.memory_space<hbm>>
      %dma_wait3A_207 = tpu.memref_squeeze %dma_wait3A_206 : memref<1x1x1280xi32, #tpu.memory_space<hbm>> -> memref<1280xi32, #tpu.memory_space<hbm>>
      tpu.wait_dma2 semaphore(%run_scoped3A_201 : memref<!tpu.dma_semaphore, #tpu.memory_space<semaphore_mem>>) src(%dma_wait3A_207 : memref<1280xi32, #tpu.memory_space<hbm>>) dst(%arg7 : memref<1280xi32, #tpu.memory_space<vmem>>)
      tpu.yield
    }) : () -> ()
    %scan3A = arith.constant 0 : i32
    %scan3A_4 = arith.constant 0 : i32
    %scan3A_5 = arith.constant 80 : i32
    %scan3A_6 = arith.addi %scan3A_4, %scan3A_5 : i32
    %scan3A_7 = arith.constant 1 : i32
    %scan3A_8 = scf.for %scan3A_201 = %scan3A_4 to %scan3A_6 step %scan3A_7 iter_args(%scan3A_202 = %scan3A) -> (i32)  : i32 {
      %mul3A_203 = arith.constant 16 : i32
      %mul3A_204 = arith.muli %scan3A_201, %mul3A_203 : i32
      %get3A = arith.index_cast %mul3A_204 : i32 to index
      %get3A_205 = tpu.vector_load %arg6[%get3A] {strides = array<i32>} : memref<1280xi32, #tpu.memory_space<vmem>>, vector<16xi32>,
      %get3A_206 = vector.shape_cast %get3A_205 : vector<16xi32> to vector<16xi32>
      %mul3A_207 = arith.constant 32 : i32
      %mul3A_208 = vector.broadcast %mul3A_207 : i32 to vector<16xi32>
      %mul3A_209 = arith.muli %get3A_206, %mul3A_208 : vector<16xi32>
      %get3A_210 = arith.index_cast %mul3A_204 : i32 to index
      %get3A_211 = tpu.vector_load %arg7[%get3A_210] {strides = array<i32>} : memref<1280xi32, #tpu.memory_space<vmem>>, vector<16xi32>,
      %get3A_212 = vector.shape_cast %get3A_211 : vector<16xi32> to vector<16xi32>
      %add3A_213 = arith.addi %mul3A_209, %get3A_212 : vector<16xi32>
      %swap3A = arith.index_cast %mul3A_204 : i32 to index
      %swap3A_214 = tpu.vector_load %arg8[%swap3A] {strides = array<i32>} : memref<1280xi32, #tpu.memory_space<vmem>>, vector<16xi32>,
      %swap3A_215 = vector.shape_cast %swap3A_214 : vector<16xi32> to vector<16xi32>
      %swap3A_216 = vector.shape_cast %add3A_213 : vector<16xi32> to vector<16xi32>
      tpu.vector_store %arg8[%swap3A], %swap3A_216 {strides = array<i32>} : memref<1280xi32, #tpu.memory_space<vmem>>, vector<16xi32>,
      %scan3A_217 = arith.constant 0 : i32
      scf.yield %scan3A_217 : i32
    }
    %scan3A_9 = arith.constant 80 : i32
    %scan3A_10 = arith.constant 0 : i32
    %scan3A_11 = arith.constant 0 : i32
    %scan3A_12 = arith.constant 10 : i32
    %scan3A_13 = arith.addi %scan3A_11, %scan3A_12 : i32
    %scan3A_14 = arith.constant 1 : i32
    %scan3A_15 = scf.for %scan3A_201 = %scan3A_11 to %scan3A_13 step %scan3A_14 iter_args(%scan3A_202 = %scan3A_10) -> (i32)  : i32 {
      %mul3A_203 = arith.constant 128 : i32
      %mul3A_204 = arith.muli %scan3A_201, %mul3A_203 : i32
      %dma_start3A = tpu.memref_slice %arg6[%mul3A_204] : memref<1280xi32, #tpu.memory_space<vmem>> -> memref<128xi32, #tpu.memory_space<vmem>>
      %dma_start3A_205 = tpu.memref_slice %arg8[%mul3A_204] : memref<1280xi32, #tpu.memory_space<vmem>> -> memref<128xi32, #tpu.memory_space<vmem>>
      %dma_start3A_206 = arith.constant 0 : i32
      %dma_start3A_207 = tpu.memref_slice %arg2[%dma_start3A_206] : memref<320000xi32, #tpu.memory_space<hbm>> -> memref<320000xi32, #tpu.memory_space<hbm>>
      tpu.enqueue_indirect_dma source(%dma_start3A_207 : memref<320000xi32, #tpu.memory_space<hbm>>) target(%dma_start3A : memref<128xi32, #tpu.memory_space<vmem>>) offsets(%dma_start3A_205 : memref<128xi32, #tpu.memory_space<vmem>>) semaphore(%arg9 : memref<!tpu.dma_semaphore, #tpu.memory_space<semaphore_mem>>)
      %scan3A_208 = arith.constant 0 : i32
      scf.yield %scan3A_208 : i32
    }
    %scan3A_16 = arith.constant 10 : i32
    %scan3A_17 = arith.constant 0 : i32
    %scan3A_18 = arith.constant 0 : i32
    %scan3A_19 = arith.constant 10 : i32
    %scan3A_20 = arith.addi %scan3A_18, %scan3A_19 : i32
    %scan3A_21 = arith.constant 1 : i32
    %scan3A_22 = scf.for %scan3A_201 = %scan3A_18 to %scan3A_20 step %scan3A_21 iter_args(%scan3A_202 = %scan3A_17) -> (i32)  : i32 {
      %mul3A_203 = arith.constant 128 : i32
      %mul3A_204 = arith.muli %scan3A_201, %mul3A_203 : i32
      %dma_wait3A = tpu.memref_slice %arg6[%mul3A_204] : memref<1280xi32, #tpu.memory_space<vmem>> -> memref<128xi32, #tpu.memory_space<vmem>>
      %dma_wait3A_205 = tpu.memref_slice %arg8[%mul3A_204] : memref<1280xi32, #tpu.memory_space<vmem>> -> memref<128xi32, #tpu.memory_space<vmem>>
      %dma_wait3A_206 = arith.constant 0 : i32
      %dma_wait3A_207 = tpu.memref_slice %arg2[%dma_wait3A_206] : memref<320000xi32, #tpu.memory_space<hbm>> -> memref<320000xi32, #tpu.memory_space<hbm>>
      tpu.wait_indirect_dma semaphore(%arg9 : memref<!tpu.dma_semaphore, #tpu.memory_space<semaphore_mem>>) src(%dma_wait3A_207 : memref<320000xi32, #tpu.memory_space<hbm>>) dst(%dma_wait3A : memref<128xi32, #tpu.memory_space<vmem>>)
      %scan3A_208 = arith.constant 0 : i32
      scf.yield %scan3A_208 : i32
    }
    %scan3A_23 = arith.constant 10 : i32
    %run_scoped3A_24 = arith.constant 0 : i32
    %run_scoped3A_25 = arith.constant 0 : i32
    "tpu.region"() ({
      %run_scoped3A_201 = tpu.sem_alloc : memref<!tpu.dma_semaphore, #tpu.memory_space<semaphore_mem>>
      %dma_start3A = tpu.memref_slice %arg5[%run_scoped3A_24, %run_scoped3A_25, %mul3A_2] : memref<2x4x40960xi32, #tpu.memory_space<hbm>> -> memref<1x1x1280xi32, #tpu.memory_space<hbm>>
      %dma_start3A_202 = tpu.memref_squeeze %dma_start3A : memref<1x1x1280xi32, #tpu.memory_space<hbm>> -> memref<1280xi32, #tpu.memory_space<hbm>>
      %dma_start3A_203 = tpu.memref_slice %arg5[%run_scoped3A_24, %run_scoped3A_25, %mul3A_2] : memref<2x4x40960xi32, #tpu.memory_space<hbm>> -> memref<1x1x1280xi32, #tpu.memory_space<hbm>>
      %dma_start3A_204 = tpu.memref_squeeze %dma_start3A_203 : memref<1x1x1280xi32, #tpu.memory_space<hbm>> -> memref<1280xi32, #tpu.memory_space<hbm>>
      tpu.enqueue_dma source(%arg6 : memref<1280xi32, #tpu.memory_space<vmem>>) target(%dma_start3A_204 : memref<1280xi32, #tpu.memory_space<hbm>>) target_semaphore(%run_scoped3A_201 : memref<!tpu.dma_semaphore, #tpu.memory_space<semaphore_mem>>)
      %dma_wait3A = tpu.memref_slice %arg5[%run_scoped3A_24, %run_scoped3A_25, %mul3A_2] : memref<2x4x40960xi32, #tpu.memory_space<hbm>> -> memref<1x1x1280xi32, #tpu.memory_space<hbm>>
      %dma_wait3A_205 = tpu.memref_squeeze %dma_wait3A : memref<1x1x1280xi32, #tpu.memory_space<hbm>> -> memref<1280xi32, #tpu.memory_space<hbm>>
      %dma_wait3A_206 = tpu.memref_slice %arg5[%run_scoped3A_24, %run_scoped3A_25, %mul3A_2] : memref<2x4x40960xi32, #tpu.memory_space<hbm>> -> memref<1x1x1280xi32, #tpu.memory_space<hbm>>
      %dma_wait3A_207 = tpu.memref_squeeze %dma_wait3A_206 : memref<1x1x1280xi32, #tpu.memory_space<hbm>> -> memref<1280xi32, #tpu.memory_space<hbm>>
      tpu.wait_dma2 semaphore(%run_scoped3A_201 : memref<!tpu.dma_semaphore, #tpu.memory_space<semaphore_mem>>) src(%arg6 : memref<1280xi32, #tpu.memory_space<vmem>>) dst(%dma_wait3A_207 : memref<1280xi32, #tpu.memory_space<hbm>>)
      tpu.yield
    }) : () -> ()
    %run_scoped3A_26 = arith.constant 0 : i32
    %run_scoped3A_27 = arith.constant 1 : i32
    "tpu.region"() ({
      %run_scoped3A_201 = tpu.sem_alloc : memref<!tpu.dma_semaphore, #tpu.memory_space<semaphore_mem>>
      %dma_start3A = tpu.memref_slice %arg3[%run_scoped3A_26, %run_scoped3A_27, %mul3A_2] : memref<2x4x40960xi32, #tpu.memory_space<hbm>> -> memref<1x1x1280xi32, #tpu.memory_space<hbm>>
      %dma_start3A_202 = tpu.memref_squeeze %dma_start3A : memref<1x1x1280xi32, #tpu.memory_space<hbm>> -> memref<1280xi32, #tpu.memory_space<hbm>>
      %dma_start3A_203 = tpu.memref_slice %arg3[%run_scoped3A_26, %run_scoped3A_27, %mul3A_2] : memref<2x4x40960xi32, #tpu.memory_space<hbm>> -> memref<1x1x1280xi32, #tpu.memory_space<hbm>>
      %dma_start3A_204 = tpu.memref_squeeze %dma_start3A_203 : memref<1x1x1280xi32, #tpu.memory_space<hbm>> -> memref<1280xi32, #tpu.memory_space<hbm>>
      tpu.enqueue_dma source(%dma_start3A_204 : memref<1280xi32, #tpu.memory_space<hbm>>) target(%arg7 : memref<1280xi32, #tpu.memory_space<vmem>>) target_semaphore(%run_scoped3A_201 : memref<!tpu.dma_semaphore, #tpu.memory_space<semaphore_mem>>)
      %dma_wait3A = tpu.memref_slice %arg3[%run_scoped3A_26, %run_scoped3A_27, %mul3A_2] : memref<2x4x40960xi32, #tpu.memory_space<hbm>> -> memref<1x1x1280xi32, #tpu.memory_space<hbm>>
      %dma_wait3A_205 = tpu.memref_squeeze %dma_wait3A : memref<1x1x1280xi32, #tpu.memory_space<hbm>> -> memref<1280xi32, #tpu.memory_space<hbm>>
      %dma_wait3A_206 = tpu.memref_slice %arg3[%run_scoped3A_26, %run_scoped3A_27, %mul3A_2] : memref<2x4x40960xi32, #tpu.memory_space<hbm>> -> memref<1x1x1280xi32, #tpu.memory_space<hbm>>
      %dma_wait3A_207 = tpu.memref_squeeze %dma_wait3A_206 : memref<1x1x1280xi32, #tpu.memory_space<hbm>> -> memref<1280xi32, #tpu.memory_space<hbm>>
      tpu.wait_dma2 semaphore(%run_scoped3A_201 : memref<!tpu.dma_semaphore, #tpu.memory_space<semaphore_mem>>) src(%dma_wait3A_207 : memref<1280xi32, #tpu.memory_space<hbm>>) dst(%arg7 : memref<1280xi32, #tpu.memory_space<vmem>>)
      tpu.yield
    }) : () -> ()
    %scan3A_28 = arith.constant 0 : i32
    %scan3A_29 = arith.constant 0 : i32
    %scan3A_30 = arith.constant 80 : i32
    %scan3A_31 = arith.addi %scan3A_29, %scan3A_30 : i32
    %scan3A_32 = arith.constant 1 : i32
    %scan3A_33 = scf.for %scan3A_201 = %scan3A_29 to %scan3A_31 step %scan3A_32 iter_args(%scan3A_202 = %scan3A_28) -> (i32)  : i32 {
      %mul3A_203 = arith.constant 16 : i32
      %mul3A_204 = arith.muli %scan3A_201, %mul3A_203 : i32
      %get3A = arith.index_cast %mul3A_204 : i32 to index
      %get3A_205 = tpu.vector_load %arg6[%get3A] {strides = array<i32>} : memref<1280xi32, #tpu.memory_space<vmem>>, vector<16xi32>,
      %get3A_206 = vector.shape_cast %get3A_205 : vector<16xi32> to vector<16xi32>
      %mul3A_207 = arith.constant 32 : i32
      %mul3A_208 = vector.broadcast %mul3A_207 : i32 to vector<16xi32>
      %mul3A_209 = arith.muli %get3A_206, %mul3A_208 : vector<16xi32>
      %get3A_210 = arith.index_cast %mul3A_204 : i32 to index
      %get3A_211 = tpu.vector_load %arg7[%get3A_210] {strides = array<i32>} : memref<1280xi32, #tpu.memory_space<vmem>>, vector<16xi32>,
      %get3A_212 = vector.shape_cast %get3A_211 : vector<16xi32> to vector<16xi32>
      %add3A_213 = arith.addi %mul3A_209, %get3A_212 : vector<16xi32>
      %swap3A = arith.index_cast %mul3A_204 : i32 to index
      %swap3A_214 = tpu.vector_load %arg8[%swap3A] {strides = array<i32>} : memref<1280xi32, #tpu.memory_space<vmem>>, vector<16xi32>,
      %swap3A_215 = vector.shape_cast %swap3A_214 : vector<16xi32> to vector<16xi32>
      %swap3A_216 = vector.shape_cast %add3A_213 : vector<16xi32> to vector<16xi32>
      tpu.vector_store %arg8[%swap3A], %swap3A_216 {strides = array<i32>} : memref<1280xi32, #tpu.memory_space<vmem>>, vector<16xi32>,
      %scan3A_217 = arith.constant 0 : i32
      scf.yield %scan3A_217 : i32
    }
    %scan3A_34 = arith.constant 80 : i32
    %scan3A_35 = arith.constant 0 : i32
    %scan3A_36 = arith.constant 0 : i32
    %scan3A_37 = arith.constant 10 : i32
    %scan3A_38 = arith.addi %scan3A_36, %scan3A_37 : i32
    %scan3A_39 = arith.constant 1 : i32
    %scan3A_40 = scf.for %scan3A_201 = %scan3A_36 to %scan3A_38 step %scan3A_39 iter_args(%scan3A_202 = %scan3A_35) -> (i32)  : i32 {
      %mul3A_203 = arith.constant 128 : i32
      %mul3A_204 = arith.muli %scan3A_201, %mul3A_203 : i32
      %dma_start3A = tpu.memref_slice %arg6[%mul3A_204] : memref<1280xi32, #tpu.memory_space<vmem>> -> memref<128xi32, #tpu.memory_space<vmem>>
      %dma_start3A_205 = tpu.memref_slice %arg8[%mul3A_204] : memref<1280xi32, #tpu.memory_space<vmem>> -> memref<128xi32, #tpu.memory_space<vmem>>
      %dma_start3A_206 = arith.constant 0 : i32
      %dma_start3A_207 = tpu.memref_slice %arg2[%dma_start3A_206] : memref<320000xi32, #tpu.memory_space<hbm>> -> memref<320000xi32, #tpu.memory_space<hbm>>
      tpu.enqueue_indirect_dma source(%dma_start3A_207 : memref<320000xi32, #tpu.memory_space<hbm>>) target(%dma_start3A : memref<128xi32, #tpu.memory_space<vmem>>) offsets(%dma_start3A_205 : memref<128xi32, #tpu.memory_space<vmem>>) semaphore(%arg9 : memref<!tpu.dma_semaphore, #tpu.memory_space<semaphore_mem>>)
      %scan3A_208 = arith.constant 0 : i32
      scf.yield %scan3A_208 : i32
    }
    %scan3A_41 = arith.constant 10 : i32
    %scan3A_42 = arith.constant 0 : i32
    %scan3A_43 = arith.constant 0 : i32
    %scan3A_44 = arith.constant 10 : i32
    %scan3A_45 = arith.addi %scan3A_43, %scan3A_44 : i32
    %scan3A_46 = arith.constant 1 : i32
    %scan3A_47 = scf.for %scan3A_201 = %scan3A_43 to %scan3A_45 step %scan3A_46 iter_args(%scan3A_202 = %scan3A_42) -> (i32)  : i32 {
      %mul3A_203 = arith.constant 128 : i32
      %mul3A_204 = arith.muli %scan3A_201, %mul3A_203 : i32
      %dma_wait3A = tpu.memref_slice %arg6[%mul3A_204] : memref<1280xi32, #tpu.memory_space<vmem>> -> memref<128xi32, #tpu.memory_space<vmem>>
      %dma_wait3A_205 = tpu.memref_slice %arg8[%mul3A_204] : memref<1280xi32, #tpu.memory_space<vmem>> -> memref<128xi32, #tpu.memory_space<vmem>>
      %dma_wait3A_206 = arith.constant 0 : i32
      %dma_wait3A_207 = tpu.memref_slice %arg2[%dma_wait3A_206] : memref<320000xi32, #tpu.memory_space<hbm>> -> memref<320000xi32, #tpu.memory_space<hbm>>
      tpu.wait_indirect_dma semaphore(%arg9 : memref<!tpu.dma_semaphore, #tpu.memory_space<semaphore_mem>>) src(%dma_wait3A_207 : memref<320000xi32, #tpu.memory_space<hbm>>) dst(%dma_wait3A : memref<128xi32, #tpu.memory_space<vmem>>)
      %scan3A_208 = arith.constant 0 : i32
      scf.yield %scan3A_208 : i32
    }
    %scan3A_48 = arith.constant 10 : i32
    %run_scoped3A_49 = arith.constant 0 : i32
    %run_scoped3A_50 = arith.constant 1 : i32
    "tpu.region"() ({
      %run_scoped3A_201 = tpu.sem_alloc : memref<!tpu.dma_semaphore, #tpu.memory_space<semaphore_mem>>
      %dma_start3A = tpu.memref_slice %arg5[%run_scoped3A_49, %run_scoped3A_50, %mul3A_2] : memref<2x4x40960xi32, #tpu.memory_space<hbm>> -> memref<1x1x1280xi32, #tpu.memory_space<hbm>>
      %dma_start3A_202 = tpu.memref_squeeze %dma_start3A : memref<1x1x1280xi32, #tpu.memory_space<hbm>> -> memref<1280xi32, #tpu.memory_space<hbm>>
      %dma_start3A_203 = tpu.memref_slice %arg5[%run_scoped3A_49, %run_scoped3A_50, %mul3A_2] : memref<2x4x40960xi32, #tpu.memory_space<hbm>> -> memref<1x1x1280xi32, #tpu.memory_space<hbm>>
      %dma_start3A_204 = tpu.memref_squeeze %dma_start3A_203 : memref<1x1x1280xi32, #tpu.memory_space<hbm>> -> memref<1280xi32, #tpu.memory_space<hbm>>
      tpu.enqueue_dma source(%arg6 : memref<1280xi32, #tpu.memory_space<vmem>>) target(%dma_start3A_204 : memref<1280xi32, #tpu.memory_space<hbm>>) target_semaphore(%run_scoped3A_201 : memref<!tpu.dma_semaphore, #tpu.memory_space<semaphore_mem>>)
      %dma_wait3A = tpu.memref_slice %arg5[%run_scoped3A_49, %run_scoped3A_50, %mul3A_2] : memref<2x4x40960xi32, #tpu.memory_space<hbm>> -> memref<1x1x1280xi32, #tpu.memory_space<hbm>>
      %dma_wait3A_205 = tpu.memref_squeeze %dma_wait3A : memref<1x1x1280xi32, #tpu.memory_space<hbm>> -> memref<1280xi32, #tpu.memory_space<hbm>>
      %dma_wait3A_206 = tpu.memref_slice %arg5[%run_scoped3A_49, %run_scoped3A_50, %mul3A_2] : memref<2x4x40960xi32, #tpu.memory_space<hbm>> -> memref<1x1x1280xi32, #tpu.memory_space<hbm>>
      %dma_wait3A_207 = tpu.memref_squeeze %dma_wait3A_206 : memref<1x1x1280xi32, #tpu.memory_space<hbm>> -> memref<1280xi32, #tpu.memory_space<hbm>>
      tpu.wait_dma2 semaphore(%run_scoped3A_201 : memref<!tpu.dma_semaphore, #tpu.memory_space<semaphore_mem>>) src(%arg6 : memref<1280xi32, #tpu.memory_space<vmem>>) dst(%dma_wait3A_207 : memref<1280xi32, #tpu.memory_space<hbm>>)
      tpu.yield
    }) : () -> ()
    %run_scoped3A_51 = arith.constant 0 : i32
    %run_scoped3A_52 = arith.constant 2 : i32
    "tpu.region"() ({
      %run_scoped3A_201 = tpu.sem_alloc : memref<!tpu.dma_semaphore, #tpu.memory_space<semaphore_mem>>
      %dma_start3A = tpu.memref_slice %arg3[%run_scoped3A_51, %run_scoped3A_52, %mul3A_2] : memref<2x4x40960xi32, #tpu.memory_space<hbm>> -> memref<1x1x1280xi32, #tpu.memory_space<hbm>>
      %dma_start3A_202 = tpu.memref_squeeze %dma_start3A : memref<1x1x1280xi32, #tpu.memory_space<hbm>> -> memref<1280xi32, #tpu.memory_space<hbm>>
      %dma_start3A_203 = tpu.memref_slice %arg3[%run_scoped3A_51, %run_scoped3A_52, %mul3A_2] : memref<2x4x40960xi32, #tpu.memory_space<hbm>> -> memref<1x1x1280xi32, #tpu.memory_space<hbm>>
      %dma_start3A_204 = tpu.memref_squeeze %dma_start3A_203 : memref<1x1x1280xi32, #tpu.memory_space<hbm>> -> memref<1280xi32, #tpu.memory_space<hbm>>
      tpu.enqueue_dma source(%dma_start3A_204 : memref<1280xi32, #tpu.memory_space<hbm>>) target(%arg7 : memref<1280xi32, #tpu.memory_space<vmem>>) target_semaphore(%run_scoped3A_201 : memref<!tpu.dma_semaphore, #tpu.memory_space<semaphore_mem>>)
      %dma_wait3A = tpu.memref_slice %arg3[%run_scoped3A_51, %run_scoped3A_52, %mul3A_2] : memref<2x4x40960xi32, #tpu.memory_space<hbm>> -> memref<1x1x1280xi32, #tpu.memory_space<hbm>>
      %dma_wait3A_205 = tpu.memref_squeeze %dma_wait3A : memref<1x1x1280xi32, #tpu.memory_space<hbm>> -> memref<1280xi32, #tpu.memory_space<hbm>>
      %dma_wait3A_206 = tpu.memref_slice %arg3[%run_scoped3A_51, %run_scoped3A_52, %mul3A_2] : memref<2x4x40960xi32, #tpu.memory_space<hbm>> -> memref<1x1x1280xi32, #tpu.memory_space<hbm>>
      %dma_wait3A_207 = tpu.memref_squeeze %dma_wait3A_206 : memref<1x1x1280xi32, #tpu.memory_space<hbm>> -> memref<1280xi32, #tpu.memory_space<hbm>>
      tpu.wait_dma2 semaphore(%run_scoped3A_201 : memref<!tpu.dma_semaphore, #tpu.memory_space<semaphore_mem>>) src(%dma_wait3A_207 : memref<1280xi32, #tpu.memory_space<hbm>>) dst(%arg7 : memref<1280xi32, #tpu.memory_space<vmem>>)
      tpu.yield
    }) : () -> ()
    %scan3A_53 = arith.constant 0 : i32
    %scan3A_54 = arith.constant 0 : i32
    %scan3A_55 = arith.constant 80 : i32
    %scan3A_56 = arith.addi %scan3A_54, %scan3A_55 : i32
    %scan3A_57 = arith.constant 1 : i32
    %scan3A_58 = scf.for %scan3A_201 = %scan3A_54 to %scan3A_56 step %scan3A_57 iter_args(%scan3A_202 = %scan3A_53) -> (i32)  : i32 {
      %mul3A_203 = arith.constant 16 : i32
      %mul3A_204 = arith.muli %scan3A_201, %mul3A_203 : i32
      %get3A = arith.index_cast %mul3A_204 : i32 to index
      %get3A_205 = tpu.vector_load %arg6[%get3A] {strides = array<i32>} : memref<1280xi32, #tpu.memory_space<vmem>>, vector<16xi32>,
      %get3A_206 = vector.shape_cast %get3A_205 : vector<16xi32> to vector<16xi32>
      %mul3A_207 = arith.constant 32 : i32
      %mul3A_208 = vector.broadcast %mul3A_207 : i32 to vector<16xi32>
      %mul3A_209 = arith.muli %get3A_206, %mul3A_208 : vector<16xi32>
      %get3A_210 = arith.index_cast %mul3A_204 : i32 to index
      %get3A_211 = tpu.vector_load %arg7[%get3A_210] {strides = array<i32>} : memref<1280xi32, #tpu.memory_space<vmem>>, vector<16xi32>,
      %get3A_212 = vector.shape_cast %get3A_211 : vector<16xi32> to vector<16xi32>
      %add3A_213 = arith.addi %mul3A_209, %get3A_212 : vector<16xi32>
      %swap3A = arith.index_cast %mul3A_204 : i32 to index
      %swap3A_214 = tpu.vector_load %arg8[%swap3A] {strides = array<i32>} : memref<1280xi32, #tpu.memory_space<vmem>>, vector<16xi32>,
      %swap3A_215 = vector.shape_cast %swap3A_214 : vector<16xi32> to vector<16xi32>
      %swap3A_216 = vector.shape_cast %add3A_213 : vector<16xi32> to vector<16xi32>
      tpu.vector_store %arg8[%swap3A], %swap3A_216 {strides = array<i32>} : memref<1280xi32, #tpu.memory_space<vmem>>, vector<16xi32>,
      %scan3A_217 = arith.constant 0 : i32
      scf.yield %scan3A_217 : i32
    }
    %scan3A_59 = arith.constant 80 : i32
    %scan3A_60 = arith.constant 0 : i32
    %scan3A_61 = arith.constant 0 : i32
    %scan3A_62 = arith.constant 10 : i32
    %scan3A_63 = arith.addi %scan3A_61, %scan3A_62 : i32
    %scan3A_64 = arith.constant 1 : i32
    %scan3A_65 = scf.for %scan3A_201 = %scan3A_61 to %scan3A_63 step %scan3A_64 iter_args(%scan3A_202 = %scan3A_60) -> (i32)  : i32 {
      %mul3A_203 = arith.constant 128 : i32
      %mul3A_204 = arith.muli %scan3A_201, %mul3A_203 : i32
      %dma_start3A = tpu.memref_slice %arg6[%mul3A_204] : memref<1280xi32, #tpu.memory_space<vmem>> -> memref<128xi32, #tpu.memory_space<vmem>>
      %dma_start3A_205 = tpu.memref_slice %arg8[%mul3A_204] : memref<1280xi32, #tpu.memory_space<vmem>> -> memref<128xi32, #tpu.memory_space<vmem>>
      %dma_start3A_206 = arith.constant 0 : i32
      %dma_start3A_207 = tpu.memref_slice %arg2[%dma_start3A_206] : memref<320000xi32, #tpu.memory_space<hbm>> -> memref<320000xi32, #tpu.memory_space<hbm>>
      tpu.enqueue_indirect_dma source(%dma_start3A_207 : memref<320000xi32, #tpu.memory_space<hbm>>) target(%dma_start3A : memref<128xi32, #tpu.memory_space<vmem>>) offsets(%dma_start3A_205 : memref<128xi32, #tpu.memory_space<vmem>>) semaphore(%arg9 : memref<!tpu.dma_semaphore, #tpu.memory_space<semaphore_mem>>)
      %scan3A_208 = arith.constant 0 : i32
      scf.yield %scan3A_208 : i32
    }
    %scan3A_66 = arith.constant 10 : i32
    %scan3A_67 = arith.constant 0 : i32
    %scan3A_68 = arith.constant 0 : i32
    %scan3A_69 = arith.constant 10 : i32
    %scan3A_70 = arith.addi %scan3A_68, %scan3A_69 : i32
    %scan3A_71 = arith.constant 1 : i32
    %scan3A_72 = scf.for %scan3A_201 = %scan3A_68 to %scan3A_70 step %scan3A_71 iter_args(%scan3A_202 = %scan3A_67) -> (i32)  : i32 {
      %mul3A_203 = arith.constant 128 : i32
      %mul3A_204 = arith.muli %scan3A_201, %mul3A_203 : i32
      %dma_wait3A = tpu.memref_slice %arg6[%mul3A_204] : memref<1280xi32, #tpu.memory_space<vmem>> -> memref<128xi32, #tpu.memory_space<vmem>>
      %dma_wait3A_205 = tpu.memref_slice %arg8[%mul3A_204] : memref<1280xi32, #tpu.memory_space<vmem>> -> memref<128xi32, #tpu.memory_space<vmem>>
      %dma_wait3A_206 = arith.constant 0 : i32
      %dma_wait3A_207 = tpu.memref_slice %arg2[%dma_wait3A_206] : memref<320000xi32, #tpu.memory_space<hbm>> -> memref<320000xi32, #tpu.memory_space<hbm>>
      tpu.wait_indirect_dma semaphore(%arg9 : memref<!tpu.dma_semaphore, #tpu.memory_space<semaphore_mem>>) src(%dma_wait3A_207 : memref<320000xi32, #tpu.memory_space<hbm>>) dst(%dma_wait3A : memref<128xi32, #tpu.memory_space<vmem>>)
      %scan3A_208 = arith.constant 0 : i32
      scf.yield %scan3A_208 : i32
    }
    %scan3A_73 = arith.constant 10 : i32
    %run_scoped3A_74 = arith.constant 0 : i32
    %run_scoped3A_75 = arith.constant 2 : i32
    "tpu.region"() ({
      %run_scoped3A_201 = tpu.sem_alloc : memref<!tpu.dma_semaphore, #tpu.memory_space<semaphore_mem>>
      %dma_start3A = tpu.memref_slice %arg5[%run_scoped3A_74, %run_scoped3A_75, %mul3A_2] : memref<2x4x40960xi32, #tpu.memory_space<hbm>> -> memref<1x1x1280xi32, #tpu.memory_space<hbm>>
      %dma_start3A_202 = tpu.memref_squeeze %dma_start3A : memref<1x1x1280xi32, #tpu.memory_space<hbm>> -> memref<1280xi32, #tpu.memory_space<hbm>>
      %dma_start3A_203 = tpu.memref_slice %arg5[%run_scoped3A_74, %run_scoped3A_75, %mul3A_2] : memref<2x4x40960xi32, #tpu.memory_space<hbm>> -> memref<1x1x1280xi32, #tpu.memory_space<hbm>>
      %dma_start3A_204 = tpu.memref_squeeze %dma_start3A_203 : memref<1x1x1280xi32, #tpu.memory_space<hbm>> -> memref<1280xi32, #tpu.memory_space<hbm>>
      tpu.enqueue_dma source(%arg6 : memref<1280xi32, #tpu.memory_space<vmem>>) target(%dma_start3A_204 : memref<1280xi32, #tpu.memory_space<hbm>>) target_semaphore(%run_scoped3A_201 : memref<!tpu.dma_semaphore, #tpu.memory_space<semaphore_mem>>)
      %dma_wait3A = tpu.memref_slice %arg5[%run_scoped3A_74, %run_scoped3A_75, %mul3A_2] : memref<2x4x40960xi32, #tpu.memory_space<hbm>> -> memref<1x1x1280xi32, #tpu.memory_space<hbm>>
      %dma_wait3A_205 = tpu.memref_squeeze %dma_wait3A : memref<1x1x1280xi32, #tpu.memory_space<hbm>> -> memref<1280xi32, #tpu.memory_space<hbm>>
      %dma_wait3A_206 = tpu.memref_slice %arg5[%run_scoped3A_74, %run_scoped3A_75, %mul3A_2] : memref<2x4x40960xi32, #tpu.memory_space<hbm>> -> memref<1x1x1280xi32, #tpu.memory_space<hbm>>
      %dma_wait3A_207 = tpu.memref_squeeze %dma_wait3A_206 : memref<1x1x1280xi32, #tpu.memory_space<hbm>> -> memref<1280xi32, #tpu.memory_space<hbm>>
      tpu.wait_dma2 semaphore(%run_scoped3A_201 : memref<!tpu.dma_semaphore, #tpu.memory_space<semaphore_mem>>) src(%arg6 : memref<1280xi32, #tpu.memory_space<vmem>>) dst(%dma_wait3A_207 : memref<1280xi32, #tpu.memory_space<hbm>>)
      tpu.yield
    }) : () -> ()
    %run_scoped3A_76 = arith.constant 0 : i32
    %run_scoped3A_77 = arith.constant 3 : i32
    "tpu.region"() ({
      %run_scoped3A_201 = tpu.sem_alloc : memref<!tpu.dma_semaphore, #tpu.memory_space<semaphore_mem>>
      %dma_start3A = tpu.memref_slice %arg3[%run_scoped3A_76, %run_scoped3A_77, %mul3A_2] : memref<2x4x40960xi32, #tpu.memory_space<hbm>> -> memref<1x1x1280xi32, #tpu.memory_space<hbm>>
      %dma_start3A_202 = tpu.memref_squeeze %dma_start3A : memref<1x1x1280xi32, #tpu.memory_space<hbm>> -> memref<1280xi32, #tpu.memory_space<hbm>>
      %dma_start3A_203 = tpu.memref_slice %arg3[%run_scoped3A_76, %run_scoped3A_77, %mul3A_2] : memref<2x4x40960xi32, #tpu.memory_space<hbm>> -> memref<1x1x1280xi32, #tpu.memory_space<hbm>>
      %dma_start3A_204 = tpu.memref_squeeze %dma_start3A_203 : memref<1x1x1280xi32, #tpu.memory_space<hbm>> -> memref<1280xi32, #tpu.memory_space<hbm>>
      tpu.enqueue_dma source(%dma_start3A_204 : memref<1280xi32, #tpu.memory_space<hbm>>) target(%arg7 : memref<1280xi32, #tpu.memory_space<vmem>>) target_semaphore(%run_scoped3A_201 : memref<!tpu.dma_semaphore, #tpu.memory_space<semaphore_mem>>)
      %dma_wait3A = tpu.memref_slice %arg3[%run_scoped3A_76, %run_scoped3A_77, %mul3A_2] : memref<2x4x40960xi32, #tpu.memory_space<hbm>> -> memref<1x1x1280xi32, #tpu.memory_space<hbm>>
      %dma_wait3A_205 = tpu.memref_squeeze %dma_wait3A : memref<1x1x1280xi32, #tpu.memory_space<hbm>> -> memref<1280xi32, #tpu.memory_space<hbm>>
      %dma_wait3A_206 = tpu.memref_slice %arg3[%run_scoped3A_76, %run_scoped3A_77, %mul3A_2] : memref<2x4x40960xi32, #tpu.memory_space<hbm>> -> memref<1x1x1280xi32, #tpu.memory_space<hbm>>
      %dma_wait3A_207 = tpu.memref_squeeze %dma_wait3A_206 : memref<1x1x1280xi32, #tpu.memory_space<hbm>> -> memref<1280xi32, #tpu.memory_space<hbm>>
      tpu.wait_dma2 semaphore(%run_scoped3A_201 : memref<!tpu.dma_semaphore, #tpu.memory_space<semaphore_mem>>) src(%dma_wait3A_207 : memref<1280xi32, #tpu.memory_space<hbm>>) dst(%arg7 : memref<1280xi32, #tpu.memory_space<vmem>>)
      tpu.yield
    }) : () -> ()
    %scan3A_78 = arith.constant 0 : i32
    %scan3A_79 = arith.constant 0 : i32
    %scan3A_80 = arith.constant 80 : i32
    %scan3A_81 = arith.addi %scan3A_79, %scan3A_80 : i32
    %scan3A_82 = arith.constant 1 : i32
    %scan3A_83 = scf.for %scan3A_201 = %scan3A_79 to %scan3A_81 step %scan3A_82 iter_args(%scan3A_202 = %scan3A_78) -> (i32)  : i32 {
      %mul3A_203 = arith.constant 16 : i32
      %mul3A_204 = arith.muli %scan3A_201, %mul3A_203 : i32
      %get3A = arith.index_cast %mul3A_204 : i32 to index
      %get3A_205 = tpu.vector_load %arg6[%get3A] {strides = array<i32>} : memref<1280xi32, #tpu.memory_space<vmem>>, vector<16xi32>,
      %get3A_206 = vector.shape_cast %get3A_205 : vector<16xi32> to vector<16xi32>
      %mul3A_207 = arith.constant 32 : i32
      %mul3A_208 = vector.broadcast %mul3A_207 : i32 to vector<16xi32>
      %mul3A_209 = arith.muli %get3A_206, %mul3A_208 : vector<16xi32>
      %get3A_210 = arith.index_cast %mul3A_204 : i32 to index
      %get3A_211 = tpu.vector_load %arg7[%get3A_210] {strides = array<i32>} : memref<1280xi32, #tpu.memory_space<vmem>>, vector<16xi32>,
      %get3A_212 = vector.shape_cast %get3A_211 : vector<16xi32> to vector<16xi32>
      %add3A_213 = arith.addi %mul3A_209, %get3A_212 : vector<16xi32>
      %swap3A = arith.index_cast %mul3A_204 : i32 to index
      %swap3A_214 = tpu.vector_load %arg8[%swap3A] {strides = array<i32>} : memref<1280xi32, #tpu.memory_space<vmem>>, vector<16xi32>,
      %swap3A_215 = vector.shape_cast %swap3A_214 : vector<16xi32> to vector<16xi32>
      %swap3A_216 = vector.shape_cast %add3A_213 : vector<16xi32> to vector<16xi32>
      tpu.vector_store %arg8[%swap3A], %swap3A_216 {strides = array<i32>} : memref<1280xi32, #tpu.memory_space<vmem>>, vector<16xi32>,
      %scan3A_217 = arith.constant 0 : i32
      scf.yield %scan3A_217 : i32
    }
    %scan3A_84 = arith.constant 80 : i32
    %scan3A_85 = arith.constant 0 : i32
    %scan3A_86 = arith.constant 0 : i32
    %scan3A_87 = arith.constant 10 : i32
    %scan3A_88 = arith.addi %scan3A_86, %scan3A_87 : i32
    %scan3A_89 = arith.constant 1 : i32
    %scan3A_90 = scf.for %scan3A_201 = %scan3A_86 to %scan3A_88 step %scan3A_89 iter_args(%scan3A_202 = %scan3A_85) -> (i32)  : i32 {
      %mul3A_203 = arith.constant 128 : i32
      %mul3A_204 = arith.muli %scan3A_201, %mul3A_203 : i32
      %dma_start3A = tpu.memref_slice %arg6[%mul3A_204] : memref<1280xi32, #tpu.memory_space<vmem>> -> memref<128xi32, #tpu.memory_space<vmem>>
      %dma_start3A_205 = tpu.memref_slice %arg8[%mul3A_204] : memref<1280xi32, #tpu.memory_space<vmem>> -> memref<128xi32, #tpu.memory_space<vmem>>
      %dma_start3A_206 = arith.constant 0 : i32
      %dma_start3A_207 = tpu.memref_slice %arg2[%dma_start3A_206] : memref<320000xi32, #tpu.memory_space<hbm>> -> memref<320000xi32, #tpu.memory_space<hbm>>
      tpu.enqueue_indirect_dma source(%dma_start3A_207 : memref<320000xi32, #tpu.memory_space<hbm>>) target(%dma_start3A : memref<128xi32, #tpu.memory_space<vmem>>) offsets(%dma_start3A_205 : memref<128xi32, #tpu.memory_space<vmem>>) semaphore(%arg9 : memref<!tpu.dma_semaphore, #tpu.memory_space<semaphore_mem>>)
      %scan3A_208 = arith.constant 0 : i32
      scf.yield %scan3A_208 : i32
    }
    %scan3A_91 = arith.constant 10 : i32
    %scan3A_92 = arith.constant 0 : i32
    %scan3A_93 = arith.constant 0 : i32
    %scan3A_94 = arith.constant 10 : i32
    %scan3A_95 = arith.addi %scan3A_93, %scan3A_94 : i32
    %scan3A_96 = arith.constant 1 : i32
    %scan3A_97 = scf.for %scan3A_201 = %scan3A_93 to %scan3A_95 step %scan3A_96 iter_args(%scan3A_202 = %scan3A_92) -> (i32)  : i32 {
      %mul3A_203 = arith.constant 128 : i32
      %mul3A_204 = arith.muli %scan3A_201, %mul3A_203 : i32
      %dma_wait3A = tpu.memref_slice %arg6[%mul3A_204] : memref<1280xi32, #tpu.memory_space<vmem>> -> memref<128xi32, #tpu.memory_space<vmem>>
      %dma_wait3A_205 = tpu.memref_slice %arg8[%mul3A_204] : memref<1280xi32, #tpu.memory_space<vmem>> -> memref<128xi32, #tpu.memory_space<vmem>>
      %dma_wait3A_206 = arith.constant 0 : i32
      %dma_wait3A_207 = tpu.memref_slice %arg2[%dma_wait3A_206] : memref<320000xi32, #tpu.memory_space<hbm>> -> memref<320000xi32, #tpu.memory_space<hbm>>
      tpu.wait_indirect_dma semaphore(%arg9 : memref<!tpu.dma_semaphore, #tpu.memory_space<semaphore_mem>>) src(%dma_wait3A_207 : memref<320000xi32, #tpu.memory_space<hbm>>) dst(%dma_wait3A : memref<128xi32, #tpu.memory_space<vmem>>)
      %scan3A_208 = arith.constant 0 : i32
      scf.yield %scan3A_208 : i32
    }
    %scan3A_98 = arith.constant 10 : i32
    %run_scoped3A_99 = arith.constant 0 : i32
    %run_scoped3A_100 = arith.constant 3 : i32
    "tpu.region"() ({
      %run_scoped3A_201 = tpu.sem_alloc : memref<!tpu.dma_semaphore, #tpu.memory_space<semaphore_mem>>
      %dma_start3A = tpu.memref_slice %arg5[%run_scoped3A_99, %run_scoped3A_100, %mul3A_2] : memref<2x4x40960xi32, #tpu.memory_space<hbm>> -> memref<1x1x1280xi32, #tpu.memory_space<hbm>>
      %dma_start3A_202 = tpu.memref_squeeze %dma_start3A : memref<1x1x1280xi32, #tpu.memory_space<hbm>> -> memref<1280xi32, #tpu.memory_space<hbm>>
      %dma_start3A_203 = tpu.memref_slice %arg5[%run_scoped3A_99, %run_scoped3A_100, %mul3A_2] : memref<2x4x40960xi32, #tpu.memory_space<hbm>> -> memref<1x1x1280xi32, #tpu.memory_space<hbm>>
      %dma_start3A_204 = tpu.memref_squeeze %dma_start3A_203 : memref<1x1x1280xi32, #tpu.memory_space<hbm>> -> memref<1280xi32, #tpu.memory_space<hbm>>
      tpu.enqueue_dma source(%arg6 : memref<1280xi32, #tpu.memory_space<vmem>>) target(%dma_start3A_204 : memref<1280xi32, #tpu.memory_space<hbm>>) target_semaphore(%run_scoped3A_201 : memref<!tpu.dma_semaphore, #tpu.memory_space<semaphore_mem>>)
      %dma_wait3A = tpu.memref_slice %arg5[%run_scoped3A_99, %run_scoped3A_100, %mul3A_2] : memref<2x4x40960xi32, #tpu.memory_space<hbm>> -> memref<1x1x1280xi32, #tpu.memory_space<hbm>>
      %dma_wait3A_205 = tpu.memref_squeeze %dma_wait3A : memref<1x1x1280xi32, #tpu.memory_space<hbm>> -> memref<1280xi32, #tpu.memory_space<hbm>>
      %dma_wait3A_206 = tpu.memref_slice %arg5[%run_scoped3A_99, %run_scoped3A_100, %mul3A_2] : memref<2x4x40960xi32, #tpu.memory_space<hbm>> -> memref<1x1x1280xi32, #tpu.memory_space<hbm>>
      %dma_wait3A_207 = tpu.memref_squeeze %dma_wait3A_206 : memref<1x1x1280xi32, #tpu.memory_space<hbm>> -> memref<1280xi32, #tpu.memory_space<hbm>>
      tpu.wait_dma2 semaphore(%run_scoped3A_201 : memref<!tpu.dma_semaphore, #tpu.memory_space<semaphore_mem>>) src(%arg6 : memref<1280xi32, #tpu.memory_space<vmem>>) dst(%dma_wait3A_207 : memref<1280xi32, #tpu.memory_space<hbm>>)
      tpu.yield
    }) : () -> ()
    "tpu.region"() ({
      %run_scoped3A_201 = tpu.sem_alloc : memref<!tpu.dma_semaphore, #tpu.memory_space<semaphore_mem>>
      %dma_start3A = tpu.memref_slice %arg4[%mul3A_2] : memref<40960xi32, #tpu.memory_space<hbm>> -> memref<1280xi32, #tpu.memory_space<hbm>>
      %dma_start3A_202 = tpu.memref_slice %arg4[%mul3A_2] : memref<40960xi32, #tpu.memory_space<hbm>> -> memref<1280xi32, #tpu.memory_space<hbm>>
      tpu.enqueue_dma source(%dma_start3A_202 : memref<1280xi32, #tpu.memory_space<hbm>>) target(%arg6 : memref<1280xi32, #tpu.memory_space<vmem>>) target_semaphore(%run_scoped3A_201 : memref<!tpu.dma_semaphore, #tpu.memory_space<semaphore_mem>>)
      %dma_wait3A = tpu.memref_slice %arg4[%mul3A_2] : memref<40960xi32, #tpu.memory_space<hbm>> -> memref<1280xi32, #tpu.memory_space<hbm>>
      %dma_wait3A_203 = tpu.memref_slice %arg4[%mul3A_2] : memref<40960xi32, #tpu.memory_space<hbm>> -> memref<1280xi32, #tpu.memory_space<hbm>>
      tpu.wait_dma2 semaphore(%run_scoped3A_201 : memref<!tpu.dma_semaphore, #tpu.memory_space<semaphore_mem>>) src(%dma_wait3A_203 : memref<1280xi32, #tpu.memory_space<hbm>>) dst(%arg6 : memref<1280xi32, #tpu.memory_space<vmem>>)
      tpu.yield
    }) : () -> ()
    %run_scoped3A_101 = arith.constant 1 : i32
    %run_scoped3A_102 = arith.constant 0 : i32
    "tpu.region"() ({
      %run_scoped3A_201 = tpu.sem_alloc : memref<!tpu.dma_semaphore, #tpu.memory_space<semaphore_mem>>
      %dma_start3A = tpu.memref_slice %arg3[%run_scoped3A_101, %run_scoped3A_102, %mul3A_2] : memref<2x4x40960xi32, #tpu.memory_space<hbm>> -> memref<1x1x1280xi32, #tpu.memory_space<hbm>>
      %dma_start3A_202 = tpu.memref_squeeze %dma_start3A : memref<1x1x1280xi32, #tpu.memory_space<hbm>> -> memref<1280xi32, #tpu.memory_space<hbm>>
      %dma_start3A_203 = tpu.memref_slice %arg3[%run_scoped3A_101, %run_scoped3A_102, %mul3A_2] : memref<2x4x40960xi32, #tpu.memory_space<hbm>> -> memref<1x1x1280xi32, #tpu.memory_space<hbm>>
      %dma_start3A_204 = tpu.memref_squeeze %dma_start3A_203 : memref<1x1x1280xi32, #tpu.memory_space<hbm>> -> memref<1280xi32, #tpu.memory_space<hbm>>
      tpu.enqueue_dma source(%dma_start3A_204 : memref<1280xi32, #tpu.memory_space<hbm>>) target(%arg7 : memref<1280xi32, #tpu.memory_space<vmem>>) target_semaphore(%run_scoped3A_201 : memref<!tpu.dma_semaphore, #tpu.memory_space<semaphore_mem>>)
      %dma_wait3A = tpu.memref_slice %arg3[%run_scoped3A_101, %run_scoped3A_102, %mul3A_2] : memref<2x4x40960xi32, #tpu.memory_space<hbm>> -> memref<1x1x1280xi32, #tpu.memory_space<hbm>>
      %dma_wait3A_205 = tpu.memref_squeeze %dma_wait3A : memref<1x1x1280xi32, #tpu.memory_space<hbm>> -> memref<1280xi32, #tpu.memory_space<hbm>>
      %dma_wait3A_206 = tpu.memref_slice %arg3[%run_scoped3A_101, %run_scoped3A_102, %mul3A_2] : memref<2x4x40960xi32, #tpu.memory_space<hbm>> -> memref<1x1x1280xi32, #tpu.memory_space<hbm>>
      %dma_wait3A_207 = tpu.memref_squeeze %dma_wait3A_206 : memref<1x1x1280xi32, #tpu.memory_space<hbm>> -> memref<1280xi32, #tpu.memory_space<hbm>>
      tpu.wait_dma2 semaphore(%run_scoped3A_201 : memref<!tpu.dma_semaphore, #tpu.memory_space<semaphore_mem>>) src(%dma_wait3A_207 : memref<1280xi32, #tpu.memory_space<hbm>>) dst(%arg7 : memref<1280xi32, #tpu.memory_space<vmem>>)
      tpu.yield
    }) : () -> ()
    %scan3A_103 = arith.constant 0 : i32
    %scan3A_104 = arith.constant 0 : i32
    %scan3A_105 = arith.constant 80 : i32
    %scan3A_106 = arith.addi %scan3A_104, %scan3A_105 : i32
    %scan3A_107 = arith.constant 1 : i32
    %scan3A_108 = scf.for %scan3A_201 = %scan3A_104 to %scan3A_106 step %scan3A_107 iter_args(%scan3A_202 = %scan3A_103) -> (i32)  : i32 {
      %mul3A_203 = arith.constant 16 : i32
      %mul3A_204 = arith.muli %scan3A_201, %mul3A_203 : i32
      %get3A = arith.index_cast %mul3A_204 : i32 to index
      %get3A_205 = tpu.vector_load %arg6[%get3A] {strides = array<i32>} : memref<1280xi32, #tpu.memory_space<vmem>>, vector<16xi32>,
      %get3A_206 = vector.shape_cast %get3A_205 : vector<16xi32> to vector<16xi32>
      %mul3A_207 = arith.constant 32 : i32
      %mul3A_208 = vector.broadcast %mul3A_207 : i32 to vector<16xi32>
      %mul3A_209 = arith.muli %get3A_206, %mul3A_208 : vector<16xi32>
      %get3A_210 = arith.index_cast %mul3A_204 : i32 to index
      %get3A_211 = tpu.vector_load %arg7[%get3A_210] {strides = array<i32>} : memref<1280xi32, #tpu.memory_space<vmem>>, vector<16xi32>,
      %get3A_212 = vector.shape_cast %get3A_211 : vector<16xi32> to vector<16xi32>
      %add3A_213 = arith.addi %mul3A_209, %get3A_212 : vector<16xi32>
      %swap3A = arith.index_cast %mul3A_204 : i32 to index
      %swap3A_214 = tpu.vector_load %arg8[%swap3A] {strides = array<i32>} : memref<1280xi32, #tpu.memory_space<vmem>>, vector<16xi32>,
      %swap3A_215 = vector.shape_cast %swap3A_214 : vector<16xi32> to vector<16xi32>
      %swap3A_216 = vector.shape_cast %add3A_213 : vector<16xi32> to vector<16xi32>
      tpu.vector_store %arg8[%swap3A], %swap3A_216 {strides = array<i32>} : memref<1280xi32, #tpu.memory_space<vmem>>, vector<16xi32>,
      %scan3A_217 = arith.constant 0 : i32
      scf.yield %scan3A_217 : i32
    }
    %scan3A_109 = arith.constant 80 : i32
    %scan3A_110 = arith.constant 0 : i32
    %scan3A_111 = arith.constant 0 : i32
    %scan3A_112 = arith.constant 10 : i32
    %scan3A_113 = arith.addi %scan3A_111, %scan3A_112 : i32
    %scan3A_114 = arith.constant 1 : i32
    %scan3A_115 = scf.for %scan3A_201 = %scan3A_111 to %scan3A_113 step %scan3A_114 iter_args(%scan3A_202 = %scan3A_110) -> (i32)  : i32 {
      %mul3A_203 = arith.constant 128 : i32
      %mul3A_204 = arith.muli %scan3A_201, %mul3A_203 : i32
      %dma_start3A = tpu.memref_slice %arg6[%mul3A_204] : memref<1280xi32, #tpu.memory_space<vmem>> -> memref<128xi32, #tpu.memory_space<vmem>>
      %dma_start3A_205 = tpu.memref_slice %arg8[%mul3A_204] : memref<1280xi32, #tpu.memory_space<vmem>> -> memref<128xi32, #tpu.memory_space<vmem>>
      %dma_start3A_206 = arith.constant 0 : i32
      %dma_start3A_207 = tpu.memref_slice %arg2[%dma_start3A_206] : memref<320000xi32, #tpu.memory_space<hbm>> -> memref<320000xi32, #tpu.memory_space<hbm>>
      tpu.enqueue_indirect_dma source(%dma_start3A_207 : memref<320000xi32, #tpu.memory_space<hbm>>) target(%dma_start3A : memref<128xi32, #tpu.memory_space<vmem>>) offsets(%dma_start3A_205 : memref<128xi32, #tpu.memory_space<vmem>>) semaphore(%arg9 : memref<!tpu.dma_semaphore, #tpu.memory_space<semaphore_mem>>)
      %scan3A_208 = arith.constant 0 : i32
      scf.yield %scan3A_208 : i32
    }
    %scan3A_116 = arith.constant 10 : i32
    %scan3A_117 = arith.constant 0 : i32
    %scan3A_118 = arith.constant 0 : i32
    %scan3A_119 = arith.constant 10 : i32
    %scan3A_120 = arith.addi %scan3A_118, %scan3A_119 : i32
    %scan3A_121 = arith.constant 1 : i32
    %scan3A_122 = scf.for %scan3A_201 = %scan3A_118 to %scan3A_120 step %scan3A_121 iter_args(%scan3A_202 = %scan3A_117) -> (i32)  : i32 {
      %mul3A_203 = arith.constant 128 : i32
      %mul3A_204 = arith.muli %scan3A_201, %mul3A_203 : i32
      %dma_wait3A = tpu.memref_slice %arg6[%mul3A_204] : memref<1280xi32, #tpu.memory_space<vmem>> -> memref<128xi32, #tpu.memory_space<vmem>>
      %dma_wait3A_205 = tpu.memref_slice %arg8[%mul3A_204] : memref<1280xi32, #tpu.memory_space<vmem>> -> memref<128xi32, #tpu.memory_space<vmem>>
      %dma_wait3A_206 = arith.constant 0 : i32
      %dma_wait3A_207 = tpu.memref_slice %arg2[%dma_wait3A_206] : memref<320000xi32, #tpu.memory_space<hbm>> -> memref<320000xi32, #tpu.memory_space<hbm>>
      tpu.wait_indirect_dma semaphore(%arg9 : memref<!tpu.dma_semaphore, #tpu.memory_space<semaphore_mem>>) src(%dma_wait3A_207 : memref<320000xi32, #tpu.memory_space<hbm>>) dst(%dma_wait3A : memref<128xi32, #tpu.memory_space<vmem>>)
      %scan3A_208 = arith.constant 0 : i32
      scf.yield %scan3A_208 : i32
    }
    %scan3A_123 = arith.constant 10 : i32
    %run_scoped3A_124 = arith.constant 1 : i32
    %run_scoped3A_125 = arith.constant 0 : i32
    "tpu.region"() ({
      %run_scoped3A_201 = tpu.sem_alloc : memref<!tpu.dma_semaphore, #tpu.memory_space<semaphore_mem>>
      %dma_start3A = tpu.memref_slice %arg5[%run_scoped3A_124, %run_scoped3A_125, %mul3A_2] : memref<2x4x40960xi32, #tpu.memory_space<hbm>> -> memref<1x1x1280xi32, #tpu.memory_space<hbm>>
      %dma_start3A_202 = tpu.memref_squeeze %dma_start3A : memref<1x1x1280xi32, #tpu.memory_space<hbm>> -> memref<1280xi32, #tpu.memory_space<hbm>>
      %dma_start3A_203 = tpu.memref_slice %arg5[%run_scoped3A_124, %run_scoped3A_125, %mul3A_2] : memref<2x4x40960xi32, #tpu.memory_space<hbm>> -> memref<1x1x1280xi32, #tpu.memory_space<hbm>>
      %dma_start3A_204 = tpu.memref_squeeze %dma_start3A_203 : memref<1x1x1280xi32, #tpu.memory_space<hbm>> -> memref<1280xi32, #tpu.memory_space<hbm>>
      tpu.enqueue_dma source(%arg6 : memref<1280xi32, #tpu.memory_space<vmem>>) target(%dma_start3A_204 : memref<1280xi32, #tpu.memory_space<hbm>>) target_semaphore(%run_scoped3A_201 : memref<!tpu.dma_semaphore, #tpu.memory_space<semaphore_mem>>)
      %dma_wait3A = tpu.memref_slice %arg5[%run_scoped3A_124, %run_scoped3A_125, %mul3A_2] : memref<2x4x40960xi32, #tpu.memory_space<hbm>> -> memref<1x1x1280xi32, #tpu.memory_space<hbm>>
      %dma_wait3A_205 = tpu.memref_squeeze %dma_wait3A : memref<1x1x1280xi32, #tpu.memory_space<hbm>> -> memref<1280xi32, #tpu.memory_space<hbm>>
      %dma_wait3A_206 = tpu.memref_slice %arg5[%run_scoped3A_124, %run_scoped3A_125, %mul3A_2] : memref<2x4x40960xi32, #tpu.memory_space<hbm>> -> memref<1x1x1280xi32, #tpu.memory_space<hbm>>
      %dma_wait3A_207 = tpu.memref_squeeze %dma_wait3A_206 : memref<1x1x1280xi32, #tpu.memory_space<hbm>> -> memref<1280xi32, #tpu.memory_space<hbm>>
      tpu.wait_dma2 semaphore(%run_scoped3A_201 : memref<!tpu.dma_semaphore, #tpu.memory_space<semaphore_mem>>) src(%arg6 : memref<1280xi32, #tpu.memory_space<vmem>>) dst(%dma_wait3A_207 : memref<1280xi32, #tpu.memory_space<hbm>>)
      tpu.yield
    }) : () -> ()
    %run_scoped3A_126 = arith.constant 1 : i32
    %run_scoped3A_127 = arith.constant 1 : i32
    "tpu.region"() ({
      %run_scoped3A_201 = tpu.sem_alloc : memref<!tpu.dma_semaphore, #tpu.memory_space<semaphore_mem>>
      %dma_start3A = tpu.memref_slice %arg3[%run_scoped3A_126, %run_scoped3A_127, %mul3A_2] : memref<2x4x40960xi32, #tpu.memory_space<hbm>> -> memref<1x1x1280xi32, #tpu.memory_space<hbm>>
      %dma_start3A_202 = tpu.memref_squeeze %dma_start3A : memref<1x1x1280xi32, #tpu.memory_space<hbm>> -> memref<1280xi32, #tpu.memory_space<hbm>>
      %dma_start3A_203 = tpu.memref_slice %arg3[%run_scoped3A_126, %run_scoped3A_127, %mul3A_2] : memref<2x4x40960xi32, #tpu.memory_space<hbm>> -> memref<1x1x1280xi32, #tpu.memory_space<hbm>>
      %dma_start3A_204 = tpu.memref_squeeze %dma_start3A_203 : memref<1x1x1280xi32, #tpu.memory_space<hbm>> -> memref<1280xi32, #tpu.memory_space<hbm>>
      tpu.enqueue_dma source(%dma_start3A_204 : memref<1280xi32, #tpu.memory_space<hbm>>) target(%arg7 : memref<1280xi32, #tpu.memory_space<vmem>>) target_semaphore(%run_scoped3A_201 : memref<!tpu.dma_semaphore, #tpu.memory_space<semaphore_mem>>)
      %dma_wait3A = tpu.memref_slice %arg3[%run_scoped3A_126, %run_scoped3A_127, %mul3A_2] : memref<2x4x40960xi32, #tpu.memory_space<hbm>> -> memref<1x1x1280xi32, #tpu.memory_space<hbm>>
      %dma_wait3A_205 = tpu.memref_squeeze %dma_wait3A : memref<1x1x1280xi32, #tpu.memory_space<hbm>> -> memref<1280xi32, #tpu.memory_space<hbm>>
      %dma_wait3A_206 = tpu.memref_slice %arg3[%run_scoped3A_126, %run_scoped3A_127, %mul3A_2] : memref<2x4x40960xi32, #tpu.memory_space<hbm>> -> memref<1x1x1280xi32, #tpu.memory_space<hbm>>
      %dma_wait3A_207 = tpu.memref_squeeze %dma_wait3A_206 : memref<1x1x1280xi32, #tpu.memory_space<hbm>> -> memref<1280xi32, #tpu.memory_space<hbm>>
      tpu.wait_dma2 semaphore(%run_scoped3A_201 : memref<!tpu.dma_semaphore, #tpu.memory_space<semaphore_mem>>) src(%dma_wait3A_207 : memref<1280xi32, #tpu.memory_space<hbm>>) dst(%arg7 : memref<1280xi32, #tpu.memory_space<vmem>>)
      tpu.yield
    }) : () -> ()
    %scan3A_128 = arith.constant 0 : i32
    %scan3A_129 = arith.constant 0 : i32
    %scan3A_130 = arith.constant 80 : i32
    %scan3A_131 = arith.addi %scan3A_129, %scan3A_130 : i32
    %scan3A_132 = arith.constant 1 : i32
    %scan3A_133 = scf.for %scan3A_201 = %scan3A_129 to %scan3A_131 step %scan3A_132 iter_args(%scan3A_202 = %scan3A_128) -> (i32)  : i32 {
      %mul3A_203 = arith.constant 16 : i32
      %mul3A_204 = arith.muli %scan3A_201, %mul3A_203 : i32
      %get3A = arith.index_cast %mul3A_204 : i32 to index
      %get3A_205 = tpu.vector_load %arg6[%get3A] {strides = array<i32>} : memref<1280xi32, #tpu.memory_space<vmem>>, vector<16xi32>,
      %get3A_206 = vector.shape_cast %get3A_205 : vector<16xi32> to vector<16xi32>
      %mul3A_207 = arith.constant 32 : i32
      %mul3A_208 = vector.broadcast %mul3A_207 : i32 to vector<16xi32>
      %mul3A_209 = arith.muli %get3A_206, %mul3A_208 : vector<16xi32>
      %get3A_210 = arith.index_cast %mul3A_204 : i32 to index
      %get3A_211 = tpu.vector_load %arg7[%get3A_210] {strides = array<i32>} : memref<1280xi32, #tpu.memory_space<vmem>>, vector<16xi32>,
      %get3A_212 = vector.shape_cast %get3A_211 : vector<16xi32> to vector<16xi32>
      %add3A_213 = arith.addi %mul3A_209, %get3A_212 : vector<16xi32>
      %swap3A = arith.index_cast %mul3A_204 : i32 to index
      %swap3A_214 = tpu.vector_load %arg8[%swap3A] {strides = array<i32>} : memref<1280xi32, #tpu.memory_space<vmem>>, vector<16xi32>,
      %swap3A_215 = vector.shape_cast %swap3A_214 : vector<16xi32> to vector<16xi32>
      %swap3A_216 = vector.shape_cast %add3A_213 : vector<16xi32> to vector<16xi32>
      tpu.vector_store %arg8[%swap3A], %swap3A_216 {strides = array<i32>} : memref<1280xi32, #tpu.memory_space<vmem>>, vector<16xi32>,
      %scan3A_217 = arith.constant 0 : i32
      scf.yield %scan3A_217 : i32
    }
    %scan3A_134 = arith.constant 80 : i32
    %scan3A_135 = arith.constant 0 : i32
    %scan3A_136 = arith.constant 0 : i32
    %scan3A_137 = arith.constant 10 : i32
    %scan3A_138 = arith.addi %scan3A_136, %scan3A_137 : i32
    %scan3A_139 = arith.constant 1 : i32
    %scan3A_140 = scf.for %scan3A_201 = %scan3A_136 to %scan3A_138 step %scan3A_139 iter_args(%scan3A_202 = %scan3A_135) -> (i32)  : i32 {
      %mul3A_203 = arith.constant 128 : i32
      %mul3A_204 = arith.muli %scan3A_201, %mul3A_203 : i32
      %dma_start3A = tpu.memref_slice %arg6[%mul3A_204] : memref<1280xi32, #tpu.memory_space<vmem>> -> memref<128xi32, #tpu.memory_space<vmem>>
      %dma_start3A_205 = tpu.memref_slice %arg8[%mul3A_204] : memref<1280xi32, #tpu.memory_space<vmem>> -> memref<128xi32, #tpu.memory_space<vmem>>
      %dma_start3A_206 = arith.constant 0 : i32
      %dma_start3A_207 = tpu.memref_slice %arg2[%dma_start3A_206] : memref<320000xi32, #tpu.memory_space<hbm>> -> memref<320000xi32, #tpu.memory_space<hbm>>
      tpu.enqueue_indirect_dma source(%dma_start3A_207 : memref<320000xi32, #tpu.memory_space<hbm>>) target(%dma_start3A : memref<128xi32, #tpu.memory_space<vmem>>) offsets(%dma_start3A_205 : memref<128xi32, #tpu.memory_space<vmem>>) semaphore(%arg9 : memref<!tpu.dma_semaphore, #tpu.memory_space<semaphore_mem>>)
      %scan3A_208 = arith.constant 0 : i32
      scf.yield %scan3A_208 : i32
    }
    %scan3A_141 = arith.constant 10 : i32
    %scan3A_142 = arith.constant 0 : i32
    %scan3A_143 = arith.constant 0 : i32
    %scan3A_144 = arith.constant 10 : i32
    %scan3A_145 = arith.addi %scan3A_143, %scan3A_144 : i32
    %scan3A_146 = arith.constant 1 : i32
    %scan3A_147 = scf.for %scan3A_201 = %scan3A_143 to %scan3A_145 step %scan3A_146 iter_args(%scan3A_202 = %scan3A_142) -> (i32)  : i32 {
      %mul3A_203 = arith.constant 128 : i32
      %mul3A_204 = arith.muli %scan3A_201, %mul3A_203 : i32
      %dma_wait3A = tpu.memref_slice %arg6[%mul3A_204] : memref<1280xi32, #tpu.memory_space<vmem>> -> memref<128xi32, #tpu.memory_space<vmem>>
      %dma_wait3A_205 = tpu.memref_slice %arg8[%mul3A_204] : memref<1280xi32, #tpu.memory_space<vmem>> -> memref<128xi32, #tpu.memory_space<vmem>>
      %dma_wait3A_206 = arith.constant 0 : i32
      %dma_wait3A_207 = tpu.memref_slice %arg2[%dma_wait3A_206] : memref<320000xi32, #tpu.memory_space<hbm>> -> memref<320000xi32, #tpu.memory_space<hbm>>
      tpu.wait_indirect_dma semaphore(%arg9 : memref<!tpu.dma_semaphore, #tpu.memory_space<semaphore_mem>>) src(%dma_wait3A_207 : memref<320000xi32, #tpu.memory_space<hbm>>) dst(%dma_wait3A : memref<128xi32, #tpu.memory_space<vmem>>)
      %scan3A_208 = arith.constant 0 : i32
      scf.yield %scan3A_208 : i32
    }
    %scan3A_148 = arith.constant 10 : i32
    %run_scoped3A_149 = arith.constant 1 : i32
    %run_scoped3A_150 = arith.constant 1 : i32
    "tpu.region"() ({
      %run_scoped3A_201 = tpu.sem_alloc : memref<!tpu.dma_semaphore, #tpu.memory_space<semaphore_mem>>
      %dma_start3A = tpu.memref_slice %arg5[%run_scoped3A_149, %run_scoped3A_150, %mul3A_2] : memref<2x4x40960xi32, #tpu.memory_space<hbm>> -> memref<1x1x1280xi32, #tpu.memory_space<hbm>>
      %dma_start3A_202 = tpu.memref_squeeze %dma_start3A : memref<1x1x1280xi32, #tpu.memory_space<hbm>> -> memref<1280xi32, #tpu.memory_space<hbm>>
      %dma_start3A_203 = tpu.memref_slice %arg5[%run_scoped3A_149, %run_scoped3A_150, %mul3A_2] : memref<2x4x40960xi32, #tpu.memory_space<hbm>> -> memref<1x1x1280xi32, #tpu.memory_space<hbm>>
      %dma_start3A_204 = tpu.memref_squeeze %dma_start3A_203 : memref<1x1x1280xi32, #tpu.memory_space<hbm>> -> memref<1280xi32, #tpu.memory_space<hbm>>
      tpu.enqueue_dma source(%arg6 : memref<1280xi32, #tpu.memory_space<vmem>>) target(%dma_start3A_204 : memref<1280xi32, #tpu.memory_space<hbm>>) target_semaphore(%run_scoped3A_201 : memref<!tpu.dma_semaphore, #tpu.memory_space<semaphore_mem>>)
      %dma_wait3A = tpu.memref_slice %arg5[%run_scoped3A_149, %run_scoped3A_150, %mul3A_2] : memref<2x4x40960xi32, #tpu.memory_space<hbm>> -> memref<1x1x1280xi32, #tpu.memory_space<hbm>>
      %dma_wait3A_205 = tpu.memref_squeeze %dma_wait3A : memref<1x1x1280xi32, #tpu.memory_space<hbm>> -> memref<1280xi32, #tpu.memory_space<hbm>>
      %dma_wait3A_206 = tpu.memref_slice %arg5[%run_scoped3A_149, %run_scoped3A_150, %mul3A_2] : memref<2x4x40960xi32, #tpu.memory_space<hbm>> -> memref<1x1x1280xi32, #tpu.memory_space<hbm>>
      %dma_wait3A_207 = tpu.memref_squeeze %dma_wait3A_206 : memref<1x1x1280xi32, #tpu.memory_space<hbm>> -> memref<1280xi32, #tpu.memory_space<hbm>>
      tpu.wait_dma2 semaphore(%run_scoped3A_201 : memref<!tpu.dma_semaphore, #tpu.memory_space<semaphore_mem>>) src(%arg6 : memref<1280xi32, #tpu.memory_space<vmem>>) dst(%dma_wait3A_207 : memref<1280xi32, #tpu.memory_space<hbm>>)
      tpu.yield
    }) : () -> ()
    %run_scoped3A_151 = arith.constant 1 : i32
    %run_scoped3A_152 = arith.constant 2 : i32
    "tpu.region"() ({
      %run_scoped3A_201 = tpu.sem_alloc : memref<!tpu.dma_semaphore, #tpu.memory_space<semaphore_mem>>
      %dma_start3A = tpu.memref_slice %arg3[%run_scoped3A_151, %run_scoped3A_152, %mul3A_2] : memref<2x4x40960xi32, #tpu.memory_space<hbm>> -> memref<1x1x1280xi32, #tpu.memory_space<hbm>>
      %dma_start3A_202 = tpu.memref_squeeze %dma_start3A : memref<1x1x1280xi32, #tpu.memory_space<hbm>> -> memref<1280xi32, #tpu.memory_space<hbm>>
      %dma_start3A_203 = tpu.memref_slice %arg3[%run_scoped3A_151, %run_scoped3A_152, %mul3A_2] : memref<2x4x40960xi32, #tpu.memory_space<hbm>> -> memref<1x1x1280xi32, #tpu.memory_space<hbm>>
      %dma_start3A_204 = tpu.memref_squeeze %dma_start3A_203 : memref<1x1x1280xi32, #tpu.memory_space<hbm>> -> memref<1280xi32, #tpu.memory_space<hbm>>
      tpu.enqueue_dma source(%dma_start3A_204 : memref<1280xi32, #tpu.memory_space<hbm>>) target(%arg7 : memref<1280xi32, #tpu.memory_space<vmem>>) target_semaphore(%run_scoped3A_201 : memref<!tpu.dma_semaphore, #tpu.memory_space<semaphore_mem>>)
      %dma_wait3A = tpu.memref_slice %arg3[%run_scoped3A_151, %run_scoped3A_152, %mul3A_2] : memref<2x4x40960xi32, #tpu.memory_space<hbm>> -> memref<1x1x1280xi32, #tpu.memory_space<hbm>>
      %dma_wait3A_205 = tpu.memref_squeeze %dma_wait3A : memref<1x1x1280xi32, #tpu.memory_space<hbm>> -> memref<1280xi32, #tpu.memory_space<hbm>>
      %dma_wait3A_206 = tpu.memref_slice %arg3[%run_scoped3A_151, %run_scoped3A_152, %mul3A_2] : memref<2x4x40960xi32, #tpu.memory_space<hbm>> -> memref<1x1x1280xi32, #tpu.memory_space<hbm>>
      %dma_wait3A_207 = tpu.memref_squeeze %dma_wait3A_206 : memref<1x1x1280xi32, #tpu.memory_space<hbm>> -> memref<1280xi32, #tpu.memory_space<hbm>>
      tpu.wait_dma2 semaphore(%run_scoped3A_201 : memref<!tpu.dma_semaphore, #tpu.memory_space<semaphore_mem>>) src(%dma_wait3A_207 : memref<1280xi32, #tpu.memory_space<hbm>>) dst(%arg7 : memref<1280xi32, #tpu.memory_space<vmem>>)
      tpu.yield
    }) : () -> ()
    %scan3A_153 = arith.constant 0 : i32
    %scan3A_154 = arith.constant 0 : i32
    %scan3A_155 = arith.constant 80 : i32
    %scan3A_156 = arith.addi %scan3A_154, %scan3A_155 : i32
    %scan3A_157 = arith.constant 1 : i32
    %scan3A_158 = scf.for %scan3A_201 = %scan3A_154 to %scan3A_156 step %scan3A_157 iter_args(%scan3A_202 = %scan3A_153) -> (i32)  : i32 {
      %mul3A_203 = arith.constant 16 : i32
      %mul3A_204 = arith.muli %scan3A_201, %mul3A_203 : i32
      %get3A = arith.index_cast %mul3A_204 : i32 to index
      %get3A_205 = tpu.vector_load %arg6[%get3A] {strides = array<i32>} : memref<1280xi32, #tpu.memory_space<vmem>>, vector<16xi32>,
      %get3A_206 = vector.shape_cast %get3A_205 : vector<16xi32> to vector<16xi32>
      %mul3A_207 = arith.constant 32 : i32
      %mul3A_208 = vector.broadcast %mul3A_207 : i32 to vector<16xi32>
      %mul3A_209 = arith.muli %get3A_206, %mul3A_208 : vector<16xi32>
      %get3A_210 = arith.index_cast %mul3A_204 : i32 to index
      %get3A_211 = tpu.vector_load %arg7[%get3A_210] {strides = array<i32>} : memref<1280xi32, #tpu.memory_space<vmem>>, vector<16xi32>,
      %get3A_212 = vector.shape_cast %get3A_211 : vector<16xi32> to vector<16xi32>
      %add3A_213 = arith.addi %mul3A_209, %get3A_212 : vector<16xi32>
      %swap3A = arith.index_cast %mul3A_204 : i32 to index
      %swap3A_214 = tpu.vector_load %arg8[%swap3A] {strides = array<i32>} : memref<1280xi32, #tpu.memory_space<vmem>>, vector<16xi32>,
      %swap3A_215 = vector.shape_cast %swap3A_214 : vector<16xi32> to vector<16xi32>
      %swap3A_216 = vector.shape_cast %add3A_213 : vector<16xi32> to vector<16xi32>
      tpu.vector_store %arg8[%swap3A], %swap3A_216 {strides = array<i32>} : memref<1280xi32, #tpu.memory_space<vmem>>, vector<16xi32>,
      %scan3A_217 = arith.constant 0 : i32
      scf.yield %scan3A_217 : i32
    }
    %scan3A_159 = arith.constant 80 : i32
    %scan3A_160 = arith.constant 0 : i32
    %scan3A_161 = arith.constant 0 : i32
    %scan3A_162 = arith.constant 10 : i32
    %scan3A_163 = arith.addi %scan3A_161, %scan3A_162 : i32
    %scan3A_164 = arith.constant 1 : i32
    %scan3A_165 = scf.for %scan3A_201 = %scan3A_161 to %scan3A_163 step %scan3A_164 iter_args(%scan3A_202 = %scan3A_160) -> (i32)  : i32 {
      %mul3A_203 = arith.constant 128 : i32
      %mul3A_204 = arith.muli %scan3A_201, %mul3A_203 : i32
      %dma_start3A = tpu.memref_slice %arg6[%mul3A_204] : memref<1280xi32, #tpu.memory_space<vmem>> -> memref<128xi32, #tpu.memory_space<vmem>>
      %dma_start3A_205 = tpu.memref_slice %arg8[%mul3A_204] : memref<1280xi32, #tpu.memory_space<vmem>> -> memref<128xi32, #tpu.memory_space<vmem>>
      %dma_start3A_206 = arith.constant 0 : i32
      %dma_start3A_207 = tpu.memref_slice %arg2[%dma_start3A_206] : memref<320000xi32, #tpu.memory_space<hbm>> -> memref<320000xi32, #tpu.memory_space<hbm>>
      tpu.enqueue_indirect_dma source(%dma_start3A_207 : memref<320000xi32, #tpu.memory_space<hbm>>) target(%dma_start3A : memref<128xi32, #tpu.memory_space<vmem>>) offsets(%dma_start3A_205 : memref<128xi32, #tpu.memory_space<vmem>>) semaphore(%arg9 : memref<!tpu.dma_semaphore, #tpu.memory_space<semaphore_mem>>)
      %scan3A_208 = arith.constant 0 : i32
      scf.yield %scan3A_208 : i32
    }
    %scan3A_166 = arith.constant 10 : i32
    %scan3A_167 = arith.constant 0 : i32
    %scan3A_168 = arith.constant 0 : i32
    %scan3A_169 = arith.constant 10 : i32
    %scan3A_170 = arith.addi %scan3A_168, %scan3A_169 : i32
    %scan3A_171 = arith.constant 1 : i32
    %scan3A_172 = scf.for %scan3A_201 = %scan3A_168 to %scan3A_170 step %scan3A_171 iter_args(%scan3A_202 = %scan3A_167) -> (i32)  : i32 {
      %mul3A_203 = arith.constant 128 : i32
      %mul3A_204 = arith.muli %scan3A_201, %mul3A_203 : i32
      %dma_wait3A = tpu.memref_slice %arg6[%mul3A_204] : memref<1280xi32, #tpu.memory_space<vmem>> -> memref<128xi32, #tpu.memory_space<vmem>>
      %dma_wait3A_205 = tpu.memref_slice %arg8[%mul3A_204] : memref<1280xi32, #tpu.memory_space<vmem>> -> memref<128xi32, #tpu.memory_space<vmem>>
      %dma_wait3A_206 = arith.constant 0 : i32
      %dma_wait3A_207 = tpu.memref_slice %arg2[%dma_wait3A_206] : memref<320000xi32, #tpu.memory_space<hbm>> -> memref<320000xi32, #tpu.memory_space<hbm>>
      tpu.wait_indirect_dma semaphore(%arg9 : memref<!tpu.dma_semaphore, #tpu.memory_space<semaphore_mem>>) src(%dma_wait3A_207 : memref<320000xi32, #tpu.memory_space<hbm>>) dst(%dma_wait3A : memref<128xi32, #tpu.memory_space<vmem>>)
      %scan3A_208 = arith.constant 0 : i32
      scf.yield %scan3A_208 : i32
    }
    %scan3A_173 = arith.constant 10 : i32
    %run_scoped3A_174 = arith.constant 1 : i32
    %run_scoped3A_175 = arith.constant 2 : i32
    "tpu.region"() ({
      %run_scoped3A_201 = tpu.sem_alloc : memref<!tpu.dma_semaphore, #tpu.memory_space<semaphore_mem>>
      %dma_start3A = tpu.memref_slice %arg5[%run_scoped3A_174, %run_scoped3A_175, %mul3A_2] : memref<2x4x40960xi32, #tpu.memory_space<hbm>> -> memref<1x1x1280xi32, #tpu.memory_space<hbm>>
      %dma_start3A_202 = tpu.memref_squeeze %dma_start3A : memref<1x1x1280xi32, #tpu.memory_space<hbm>> -> memref<1280xi32, #tpu.memory_space<hbm>>
      %dma_start3A_203 = tpu.memref_slice %arg5[%run_scoped3A_174, %run_scoped3A_175, %mul3A_2] : memref<2x4x40960xi32, #tpu.memory_space<hbm>> -> memref<1x1x1280xi32, #tpu.memory_space<hbm>>
      %dma_start3A_204 = tpu.memref_squeeze %dma_start3A_203 : memref<1x1x1280xi32, #tpu.memory_space<hbm>> -> memref<1280xi32, #tpu.memory_space<hbm>>
      tpu.enqueue_dma source(%arg6 : memref<1280xi32, #tpu.memory_space<vmem>>) target(%dma_start3A_204 : memref<1280xi32, #tpu.memory_space<hbm>>) target_semaphore(%run_scoped3A_201 : memref<!tpu.dma_semaphore, #tpu.memory_space<semaphore_mem>>)
      %dma_wait3A = tpu.memref_slice %arg5[%run_scoped3A_174, %run_scoped3A_175, %mul3A_2] : memref<2x4x40960xi32, #tpu.memory_space<hbm>> -> memref<1x1x1280xi32, #tpu.memory_space<hbm>>
      %dma_wait3A_205 = tpu.memref_squeeze %dma_wait3A : memref<1x1x1280xi32, #tpu.memory_space<hbm>> -> memref<1280xi32, #tpu.memory_space<hbm>>
      %dma_wait3A_206 = tpu.memref_slice %arg5[%run_scoped3A_174, %run_scoped3A_175, %mul3A_2] : memref<2x4x40960xi32, #tpu.memory_space<hbm>> -> memref<1x1x1280xi32, #tpu.memory_space<hbm>>
      %dma_wait3A_207 = tpu.memref_squeeze %dma_wait3A_206 : memref<1x1x1280xi32, #tpu.memory_space<hbm>> -> memref<1280xi32, #tpu.memory_space<hbm>>
      tpu.wait_dma2 semaphore(%run_scoped3A_201 : memref<!tpu.dma_semaphore, #tpu.memory_space<semaphore_mem>>) src(%arg6 : memref<1280xi32, #tpu.memory_space<vmem>>) dst(%dma_wait3A_207 : memref<1280xi32, #tpu.memory_space<hbm>>)
      tpu.yield
    }) : () -> ()
    %run_scoped3A_176 = arith.constant 1 : i32
    %run_scoped3A_177 = arith.constant 3 : i32
    "tpu.region"() ({
      %run_scoped3A_201 = tpu.sem_alloc : memref<!tpu.dma_semaphore, #tpu.memory_space<semaphore_mem>>
      %dma_start3A = tpu.memref_slice %arg3[%run_scoped3A_176, %run_scoped3A_177, %mul3A_2] : memref<2x4x40960xi32, #tpu.memory_space<hbm>> -> memref<1x1x1280xi32, #tpu.memory_space<hbm>>
      %dma_start3A_202 = tpu.memref_squeeze %dma_start3A : memref<1x1x1280xi32, #tpu.memory_space<hbm>> -> memref<1280xi32, #tpu.memory_space<hbm>>
      %dma_start3A_203 = tpu.memref_slice %arg3[%run_scoped3A_176, %run_scoped3A_177, %mul3A_2] : memref<2x4x40960xi32, #tpu.memory_space<hbm>> -> memref<1x1x1280xi32, #tpu.memory_space<hbm>>
      %dma_start3A_204 = tpu.memref_squeeze %dma_start3A_203 : memref<1x1x1280xi32, #tpu.memory_space<hbm>> -> memref<1280xi32, #tpu.memory_space<hbm>>
      tpu.enqueue_dma source(%dma_start3A_204 : memref<1280xi32, #tpu.memory_space<hbm>>) target(%arg7 : memref<1280xi32, #tpu.memory_space<vmem>>) target_semaphore(%run_scoped3A_201 : memref<!tpu.dma_semaphore, #tpu.memory_space<semaphore_mem>>)
      %dma_wait3A = tpu.memref_slice %arg3[%run_scoped3A_176, %run_scoped3A_177, %mul3A_2] : memref<2x4x40960xi32, #tpu.memory_space<hbm>> -> memref<1x1x1280xi32, #tpu.memory_space<hbm>>
      %dma_wait3A_205 = tpu.memref_squeeze %dma_wait3A : memref<1x1x1280xi32, #tpu.memory_space<hbm>> -> memref<1280xi32, #tpu.memory_space<hbm>>
      %dma_wait3A_206 = tpu.memref_slice %arg3[%run_scoped3A_176, %run_scoped3A_177, %mul3A_2] : memref<2x4x40960xi32, #tpu.memory_space<hbm>> -> memref<1x1x1280xi32, #tpu.memory_space<hbm>>
      %dma_wait3A_207 = tpu.memref_squeeze %dma_wait3A_206 : memref<1x1x1280xi32, #tpu.memory_space<hbm>> -> memref<1280xi32, #tpu.memory_space<hbm>>
      tpu.wait_dma2 semaphore(%run_scoped3A_201 : memref<!tpu.dma_semaphore, #tpu.memory_space<semaphore_mem>>) src(%dma_wait3A_207 : memref<1280xi32, #tpu.memory_space<hbm>>) dst(%arg7 : memref<1280xi32, #tpu.memory_space<vmem>>)
      tpu.yield
    }) : () -> ()
    %scan3A_178 = arith.constant 0 : i32
    %scan3A_179 = arith.constant 0 : i32
    %scan3A_180 = arith.constant 80 : i32
    %scan3A_181 = arith.addi %scan3A_179, %scan3A_180 : i32
    %scan3A_182 = arith.constant 1 : i32
    %scan3A_183 = scf.for %scan3A_201 = %scan3A_179 to %scan3A_181 step %scan3A_182 iter_args(%scan3A_202 = %scan3A_178) -> (i32)  : i32 {
      %mul3A_203 = arith.constant 16 : i32
      %mul3A_204 = arith.muli %scan3A_201, %mul3A_203 : i32
      %get3A = arith.index_cast %mul3A_204 : i32 to index
      %get3A_205 = tpu.vector_load %arg6[%get3A] {strides = array<i32>} : memref<1280xi32, #tpu.memory_space<vmem>>, vector<16xi32>,
      %get3A_206 = vector.shape_cast %get3A_205 : vector<16xi32> to vector<16xi32>
      %mul3A_207 = arith.constant 32 : i32
      %mul3A_208 = vector.broadcast %mul3A_207 : i32 to vector<16xi32>
      %mul3A_209 = arith.muli %get3A_206, %mul3A_208 : vector<16xi32>
      %get3A_210 = arith.index_cast %mul3A_204 : i32 to index
      %get3A_211 = tpu.vector_load %arg7[%get3A_210] {strides = array<i32>} : memref<1280xi32, #tpu.memory_space<vmem>>, vector<16xi32>,
      %get3A_212 = vector.shape_cast %get3A_211 : vector<16xi32> to vector<16xi32>
      %add3A_213 = arith.addi %mul3A_209, %get3A_212 : vector<16xi32>
      %swap3A = arith.index_cast %mul3A_204 : i32 to index
      %swap3A_214 = tpu.vector_load %arg8[%swap3A] {strides = array<i32>} : memref<1280xi32, #tpu.memory_space<vmem>>, vector<16xi32>,
      %swap3A_215 = vector.shape_cast %swap3A_214 : vector<16xi32> to vector<16xi32>
      %swap3A_216 = vector.shape_cast %add3A_213 : vector<16xi32> to vector<16xi32>
      tpu.vector_store %arg8[%swap3A], %swap3A_216 {strides = array<i32>} : memref<1280xi32, #tpu.memory_space<vmem>>, vector<16xi32>,
      %scan3A_217 = arith.constant 0 : i32
      scf.yield %scan3A_217 : i32
    }
    %scan3A_184 = arith.constant 80 : i32
    %scan3A_185 = arith.constant 0 : i32
    %scan3A_186 = arith.constant 0 : i32
    %scan3A_187 = arith.constant 10 : i32
    %scan3A_188 = arith.addi %scan3A_186, %scan3A_187 : i32
    %scan3A_189 = arith.constant 1 : i32
    %scan3A_190 = scf.for %scan3A_201 = %scan3A_186 to %scan3A_188 step %scan3A_189 iter_args(%scan3A_202 = %scan3A_185) -> (i32)  : i32 {
      %mul3A_203 = arith.constant 128 : i32
      %mul3A_204 = arith.muli %scan3A_201, %mul3A_203 : i32
      %dma_start3A = tpu.memref_slice %arg6[%mul3A_204] : memref<1280xi32, #tpu.memory_space<vmem>> -> memref<128xi32, #tpu.memory_space<vmem>>
      %dma_start3A_205 = tpu.memref_slice %arg8[%mul3A_204] : memref<1280xi32, #tpu.memory_space<vmem>> -> memref<128xi32, #tpu.memory_space<vmem>>
      %dma_start3A_206 = arith.constant 0 : i32
      %dma_start3A_207 = tpu.memref_slice %arg2[%dma_start3A_206] : memref<320000xi32, #tpu.memory_space<hbm>> -> memref<320000xi32, #tpu.memory_space<hbm>>
      tpu.enqueue_indirect_dma source(%dma_start3A_207 : memref<320000xi32, #tpu.memory_space<hbm>>) target(%dma_start3A : memref<128xi32, #tpu.memory_space<vmem>>) offsets(%dma_start3A_205 : memref<128xi32, #tpu.memory_space<vmem>>) semaphore(%arg9 : memref<!tpu.dma_semaphore, #tpu.memory_space<semaphore_mem>>)
      %scan3A_208 = arith.constant 0 : i32
      scf.yield %scan3A_208 : i32
    }
    %scan3A_191 = arith.constant 10 : i32
    %scan3A_192 = arith.constant 0 : i32
    %scan3A_193 = arith.constant 0 : i32
    %scan3A_194 = arith.constant 10 : i32
    %scan3A_195 = arith.addi %scan3A_193, %scan3A_194 : i32
    %scan3A_196 = arith.constant 1 : i32
    %scan3A_197 = scf.for %scan3A_201 = %scan3A_193 to %scan3A_195 step %scan3A_196 iter_args(%scan3A_202 = %scan3A_192) -> (i32)  : i32 {
      %mul3A_203 = arith.constant 128 : i32
      %mul3A_204 = arith.muli %scan3A_201, %mul3A_203 : i32
      %dma_wait3A = tpu.memref_slice %arg6[%mul3A_204] : memref<1280xi32, #tpu.memory_space<vmem>> -> memref<128xi32, #tpu.memory_space<vmem>>
      %dma_wait3A_205 = tpu.memref_slice %arg8[%mul3A_204] : memref<1280xi32, #tpu.memory_space<vmem>> -> memref<128xi32, #tpu.memory_space<vmem>>
      %dma_wait3A_206 = arith.constant 0 : i32
      %dma_wait3A_207 = tpu.memref_slice %arg2[%dma_wait3A_206] : memref<320000xi32, #tpu.memory_space<hbm>> -> memref<320000xi32, #tpu.memory_space<hbm>>
      tpu.wait_indirect_dma semaphore(%arg9 : memref<!tpu.dma_semaphore, #tpu.memory_space<semaphore_mem>>) src(%dma_wait3A_207 : memref<320000xi32, #tpu.memory_space<hbm>>) dst(%dma_wait3A : memref<128xi32, #tpu.memory_space<vmem>>)
      %scan3A_208 = arith.constant 0 : i32
      scf.yield %scan3A_208 : i32
    }
    %scan3A_198 = arith.constant 10 : i32
    %run_scoped3A_199 = arith.constant 1 : i32
    %run_scoped3A_200 = arith.constant 3 : i32
    "tpu.region"() ({
      %run_scoped3A_201 = tpu.sem_alloc : memref<!tpu.dma_semaphore, #tpu.memory_space<semaphore_mem>>
      %dma_start3A = tpu.memref_slice %arg5[%run_scoped3A_199, %run_scoped3A_200, %mul3A_2] : memref<2x4x40960xi32, #tpu.memory_space<hbm>> -> memref<1x1x1280xi32, #tpu.memory_space<hbm>>
      %dma_start3A_202 = tpu.memref_squeeze %dma_start3A : memref<1x1x1280xi32, #tpu.memory_space<hbm>> -> memref<1280xi32, #tpu.memory_space<hbm>>
      %dma_start3A_203 = tpu.memref_slice %arg5[%run_scoped3A_199, %run_scoped3A_200, %mul3A_2] : memref<2x4x40960xi32, #tpu.memory_space<hbm>> -> memref<1x1x1280xi32, #tpu.memory_space<hbm>>
      %dma_start3A_204 = tpu.memref_squeeze %dma_start3A_203 : memref<1x1x1280xi32, #tpu.memory_space<hbm>> -> memref<1280xi32, #tpu.memory_space<hbm>>
      tpu.enqueue_dma source(%arg6 : memref<1280xi32, #tpu.memory_space<vmem>>) target(%dma_start3A_204 : memref<1280xi32, #tpu.memory_space<hbm>>) target_semaphore(%run_scoped3A_201 : memref<!tpu.dma_semaphore, #tpu.memory_space<semaphore_mem>>)
      %dma_wait3A = tpu.memref_slice %arg5[%run_scoped3A_199, %run_scoped3A_200, %mul3A_2] : memref<2x4x40960xi32, #tpu.memory_space<hbm>> -> memref<1x1x1280xi32, #tpu.memory_space<hbm>>
      %dma_wait3A_205 = tpu.memref_squeeze %dma_wait3A : memref<1x1x1280xi32, #tpu.memory_space<hbm>> -> memref<1280xi32, #tpu.memory_space<hbm>>
      %dma_wait3A_206 = tpu.memref_slice %arg5[%run_scoped3A_199, %run_scoped3A_200, %mul3A_2] : memref<2x4x40960xi32, #tpu.memory_space<hbm>> -> memref<1x1x1280xi32, #tpu.memory_space<hbm>>
      %dma_wait3A_207 = tpu.memref_squeeze %dma_wait3A_206 : memref<1x1x1280xi32, #tpu.memory_space<hbm>> -> memref<1280xi32, #tpu.memory_space<hbm>>
      tpu.wait_dma2 semaphore(%run_scoped3A_201 : memref<!tpu.dma_semaphore, #tpu.memory_space<semaphore_mem>>) src(%arg6 : memref<1280xi32, #tpu.memory_space<vmem>>) dst(%dma_wait3A_207 : memref<1280xi32, #tpu.memory_space<hbm>>)
      tpu.yield
    }) : () -> ()
    return
  }
}

#map = affine_map<(d0, d1) -> (0, 0)>
#map1 = affine_map<(d0, d1) -> (0)>
module attributes {stable_mosaic.version = 14 : i64} {
  func.func @gk(%arg0: i32, %arg1: i32, %arg2: memref<10000x128xf32, #tpu.memory_space<hbm>>, %arg3: memref<163840xi32, #tpu.memory_space<hbm>>, %arg4: memref<163840x128xf32, #tpu.memory_space<hbm>>, %arg5: memref<5120xi32, #tpu.memory_space<vmem>>, %arg6: memref<4x128x128xf32, #tpu.memory_space<vmem>>, %arg7: memref<!tpu.dma_semaphore, #tpu.memory_space<semaphore_mem>>, %arg8: memref<!tpu.dma_semaphore, #tpu.memory_space<semaphore_mem>>, %arg9: memref<!tpu.dma_semaphore, #tpu.memory_space<semaphore_mem>>, %arg10: memref<!tpu.dma_semaphore, #tpu.memory_space<semaphore_mem>>) attributes {dimension_semantics = [#tpu.dimension_semantics<core_parallel>, #tpu.dimension_semantics<subcore_parallel>], iteration_bounds = array<i64: 2, 16>, scalar_prefetch = 0 : i64, scratch_operands = 6 : i64, tpu.core_type = #tpu.core_type<sc_vector_subcore>, window_params = [{transform_indices = #map}, {transform_indices = #map1}, {transform_indices = #map}]} {
    %mul3A = arith.constant 2 : i32
    %mul3A_0 = arith.muli %arg1, %mul3A : i32
    %add3A = arith.addi %mul3A_0, %arg0 : i32
    %mul3A_1 = arith.constant 5120 : i32
    %mul3A_2 = arith.muli %add3A, %mul3A_1 : i32
    "tpu.region"() ({
      %run_scoped3A = tpu.sem_alloc : memref<!tpu.dma_semaphore, #tpu.memory_space<semaphore_mem>>
      %dma_start3A = tpu.memref_slice %arg3[%mul3A_2] : memref<163840xi32, #tpu.memory_space<hbm>> -> memref<5120xi32, #tpu.memory_space<hbm>>
      %dma_start3A_9 = tpu.memref_slice %arg3[%mul3A_2] : memref<163840xi32, #tpu.memory_space<hbm>> -> memref<5120xi32, #tpu.memory_space<hbm>>
      tpu.enqueue_dma source(%dma_start3A_9 : memref<5120xi32, #tpu.memory_space<hbm>>) target(%arg5 : memref<5120xi32, #tpu.memory_space<vmem>>) target_semaphore(%run_scoped3A : memref<!tpu.dma_semaphore, #tpu.memory_space<semaphore_mem>>)
      %dma_wait3A = tpu.memref_slice %arg3[%mul3A_2] : memref<163840xi32, #tpu.memory_space<hbm>> -> memref<5120xi32, #tpu.memory_space<hbm>>
      %dma_wait3A_10 = tpu.memref_slice %arg3[%mul3A_2] : memref<163840xi32, #tpu.memory_space<hbm>> -> memref<5120xi32, #tpu.memory_space<hbm>>
      tpu.wait_dma2 semaphore(%run_scoped3A : memref<!tpu.dma_semaphore, #tpu.memory_space<semaphore_mem>>) src(%dma_wait3A_10 : memref<5120xi32, #tpu.memory_space<hbm>>) dst(%arg5 : memref<5120xi32, #tpu.memory_space<vmem>>)
      tpu.yield
    }) : () -> ()
    %scan3A = arith.constant 0 : i32
    %scan3A_3 = arith.constant 0 : i32
    %scan3A_4 = arith.constant 10 : i32
    %scan3A_5 = arith.addi %scan3A_3, %scan3A_4 : i32
    %scan3A_6 = arith.constant 1 : i32
    %scan3A_7 = scf.for %scan3A_9 = %scan3A_3 to %scan3A_5 step %scan3A_6 iter_args(%scan3A_10 = %scan3A) -> (i32)  : i32 {
      %mul3A_11 = arith.constant 4 : i32
      %mul3A_12 = arith.muli %scan3A_9, %mul3A_11 : i32
      %add3A_13 = arith.constant 0 : i32
      %add3A_14 = arith.addi %mul3A_12, %add3A_13 : i32
      %mul3A_15 = arith.constant 128 : i32
      %mul3A_16 = arith.muli %add3A_14, %mul3A_15 : i32
      %dma_start3A = arith.constant 0 : i32
      %dma_start3A_17 = arith.constant 0 : i32
      %dma_start3A_18 = arith.constant 0 : i32
      %dma_start3A_19 = tpu.memref_slice %arg6[%dma_start3A, %dma_start3A_17, %dma_start3A_18] : memref<4x128x128xf32, #tpu.memory_space<vmem>> -> memref<1x128x128xf32, #tpu.memory_space<vmem>>
      %dma_start3A_20 = tpu.memref_squeeze %dma_start3A_19 : memref<1x128x128xf32, #tpu.memory_space<vmem>> -> memref<128x128xf32, #tpu.memory_space<vmem>>
      %dma_start3A_21 = tpu.memref_slice %arg5[%mul3A_16] : memref<5120xi32, #tpu.memory_space<vmem>> -> memref<128xi32, #tpu.memory_space<vmem>>
      %dma_start3A_22 = arith.constant 0 : i32
      %dma_start3A_23 = arith.constant 0 : i32
      %dma_start3A_24 = tpu.memref_slice %arg2[%dma_start3A_22, %dma_start3A_23] : memref<10000x128xf32, #tpu.memory_space<hbm>> -> memref<10000x128xf32, #tpu.memory_space<hbm>>
      tpu.enqueue_indirect_dma source(%dma_start3A_24 : memref<10000x128xf32, #tpu.memory_space<hbm>>) target(%dma_start3A_20 : memref<128x128xf32, #tpu.memory_space<vmem>>) offsets(%dma_start3A_21 : memref<128xi32, #tpu.memory_space<vmem>>) semaphore(%arg7 : memref<!tpu.dma_semaphore, #tpu.memory_space<semaphore_mem>>)
      %add3A_25 = arith.constant 1 : i32
      %add3A_26 = arith.addi %mul3A_12, %add3A_25 : i32
      %mul3A_27 = arith.constant 128 : i32
      %mul3A_28 = arith.muli %add3A_26, %mul3A_27 : i32
      %dma_start3A_29 = arith.constant 1 : i32
      %dma_start3A_30 = arith.constant 0 : i32
      %dma_start3A_31 = arith.constant 0 : i32
      %dma_start3A_32 = tpu.memref_slice %arg6[%dma_start3A_29, %dma_start3A_30, %dma_start3A_31] : memref<4x128x128xf32, #tpu.memory_space<vmem>> -> memref<1x128x128xf32, #tpu.memory_space<vmem>>
      %dma_start3A_33 = tpu.memref_squeeze %dma_start3A_32 : memref<1x128x128xf32, #tpu.memory_space<vmem>> -> memref<128x128xf32, #tpu.memory_space<vmem>>
      %dma_start3A_34 = tpu.memref_slice %arg5[%mul3A_28] : memref<5120xi32, #tpu.memory_space<vmem>> -> memref<128xi32, #tpu.memory_space<vmem>>
      %dma_start3A_35 = arith.constant 0 : i32
      %dma_start3A_36 = arith.constant 0 : i32
      %dma_start3A_37 = tpu.memref_slice %arg2[%dma_start3A_35, %dma_start3A_36] : memref<10000x128xf32, #tpu.memory_space<hbm>> -> memref<10000x128xf32, #tpu.memory_space<hbm>>
      tpu.enqueue_indirect_dma source(%dma_start3A_37 : memref<10000x128xf32, #tpu.memory_space<hbm>>) target(%dma_start3A_33 : memref<128x128xf32, #tpu.memory_space<vmem>>) offsets(%dma_start3A_34 : memref<128xi32, #tpu.memory_space<vmem>>) semaphore(%arg8 : memref<!tpu.dma_semaphore, #tpu.memory_space<semaphore_mem>>)
      %add3A_38 = arith.constant 2 : i32
      %add3A_39 = arith.addi %mul3A_12, %add3A_38 : i32
      %mul3A_40 = arith.constant 128 : i32
      %mul3A_41 = arith.muli %add3A_39, %mul3A_40 : i32
      %dma_start3A_42 = arith.constant 2 : i32
      %dma_start3A_43 = arith.constant 0 : i32
      %dma_start3A_44 = arith.constant 0 : i32
      %dma_start3A_45 = tpu.memref_slice %arg6[%dma_start3A_42, %dma_start3A_43, %dma_start3A_44] : memref<4x128x128xf32, #tpu.memory_space<vmem>> -> memref<1x128x128xf32, #tpu.memory_space<vmem>>
      %dma_start3A_46 = tpu.memref_squeeze %dma_start3A_45 : memref<1x128x128xf32, #tpu.memory_space<vmem>> -> memref<128x128xf32, #tpu.memory_space<vmem>>
      %dma_start3A_47 = tpu.memref_slice %arg5[%mul3A_41] : memref<5120xi32, #tpu.memory_space<vmem>> -> memref<128xi32, #tpu.memory_space<vmem>>
      %dma_start3A_48 = arith.constant 0 : i32
      %dma_start3A_49 = arith.constant 0 : i32
      %dma_start3A_50 = tpu.memref_slice %arg2[%dma_start3A_48, %dma_start3A_49] : memref<10000x128xf32, #tpu.memory_space<hbm>> -> memref<10000x128xf32, #tpu.memory_space<hbm>>
      tpu.enqueue_indirect_dma source(%dma_start3A_50 : memref<10000x128xf32, #tpu.memory_space<hbm>>) target(%dma_start3A_46 : memref<128x128xf32, #tpu.memory_space<vmem>>) offsets(%dma_start3A_47 : memref<128xi32, #tpu.memory_space<vmem>>) semaphore(%arg9 : memref<!tpu.dma_semaphore, #tpu.memory_space<semaphore_mem>>)
      %add3A_51 = arith.constant 3 : i32
      %add3A_52 = arith.addi %mul3A_12, %add3A_51 : i32
      %mul3A_53 = arith.constant 128 : i32
      %mul3A_54 = arith.muli %add3A_52, %mul3A_53 : i32
      %dma_start3A_55 = arith.constant 3 : i32
      %dma_start3A_56 = arith.constant 0 : i32
      %dma_start3A_57 = arith.constant 0 : i32
      %dma_start3A_58 = tpu.memref_slice %arg6[%dma_start3A_55, %dma_start3A_56, %dma_start3A_57] : memref<4x128x128xf32, #tpu.memory_space<vmem>> -> memref<1x128x128xf32, #tpu.memory_space<vmem>>
      %dma_start3A_59 = tpu.memref_squeeze %dma_start3A_58 : memref<1x128x128xf32, #tpu.memory_space<vmem>> -> memref<128x128xf32, #tpu.memory_space<vmem>>
      %dma_start3A_60 = tpu.memref_slice %arg5[%mul3A_54] : memref<5120xi32, #tpu.memory_space<vmem>> -> memref<128xi32, #tpu.memory_space<vmem>>
      %dma_start3A_61 = arith.constant 0 : i32
      %dma_start3A_62 = arith.constant 0 : i32
      %dma_start3A_63 = tpu.memref_slice %arg2[%dma_start3A_61, %dma_start3A_62] : memref<10000x128xf32, #tpu.memory_space<hbm>> -> memref<10000x128xf32, #tpu.memory_space<hbm>>
      tpu.enqueue_indirect_dma source(%dma_start3A_63 : memref<10000x128xf32, #tpu.memory_space<hbm>>) target(%dma_start3A_59 : memref<128x128xf32, #tpu.memory_space<vmem>>) offsets(%dma_start3A_60 : memref<128xi32, #tpu.memory_space<vmem>>) semaphore(%arg10 : memref<!tpu.dma_semaphore, #tpu.memory_space<semaphore_mem>>)
      %dma_wait3A = arith.constant 0 : i32
      %dma_wait3A_64 = arith.constant 0 : i32
      %dma_wait3A_65 = arith.constant 0 : i32
      %dma_wait3A_66 = tpu.memref_slice %arg6[%dma_wait3A, %dma_wait3A_64, %dma_wait3A_65] : memref<4x128x128xf32, #tpu.memory_space<vmem>> -> memref<1x128x128xf32, #tpu.memory_space<vmem>>
      %dma_wait3A_67 = tpu.memref_squeeze %dma_wait3A_66 : memref<1x128x128xf32, #tpu.memory_space<vmem>> -> memref<128x128xf32, #tpu.memory_space<vmem>>
      %dma_wait3A_68 = tpu.memref_slice %arg5[%mul3A_16] : memref<5120xi32, #tpu.memory_space<vmem>> -> memref<128xi32, #tpu.memory_space<vmem>>
      %dma_wait3A_69 = arith.constant 0 : i32
      %dma_wait3A_70 = arith.constant 0 : i32
      %dma_wait3A_71 = tpu.memref_slice %arg2[%dma_wait3A_69, %dma_wait3A_70] : memref<10000x128xf32, #tpu.memory_space<hbm>> -> memref<10000x128xf32, #tpu.memory_space<hbm>>
      tpu.wait_indirect_dma semaphore(%arg7 : memref<!tpu.dma_semaphore, #tpu.memory_space<semaphore_mem>>) src(%dma_wait3A_71 : memref<10000x128xf32, #tpu.memory_space<hbm>>) dst(%dma_wait3A_67 : memref<128x128xf32, #tpu.memory_space<vmem>>)
      %add3A_72 = arith.constant 0 : i32
      %add3A_73 = arith.addi %mul3A_12, %add3A_72 : i32
      %mul3A_74 = arith.constant 128 : i32
      %mul3A_75 = arith.muli %add3A_73, %mul3A_74 : i32
      %add3A_76 = arith.addi %mul3A_2, %mul3A_75 : i32
      %run_scoped3A = arith.constant 0 : i32
      "tpu.region"() ({
        %run_scoped3A_123 = tpu.sem_alloc : memref<!tpu.dma_semaphore, #tpu.memory_space<semaphore_mem>>
        %dma_start3A_124 = arith.constant 0 : i32
        %dma_start3A_125 = arith.constant 0 : i32
        %dma_start3A_126 = tpu.memref_slice %arg6[%run_scoped3A, %dma_start3A_124, %dma_start3A_125] : memref<4x128x128xf32, #tpu.memory_space<vmem>> -> memref<1x128x128xf32, #tpu.memory_space<vmem>>
        %dma_start3A_127 = tpu.memref_squeeze %dma_start3A_126 : memref<1x128x128xf32, #tpu.memory_space<vmem>> -> memref<128x128xf32, #tpu.memory_space<vmem>>
        %dma_start3A_128 = arith.constant 0 : i32
        %dma_start3A_129 = tpu.memref_slice %arg4[%add3A_76, %dma_start3A_128] : memref<163840x128xf32, #tpu.memory_space<hbm>> -> memref<128x128xf32, #tpu.memory_space<hbm>>
        %dma_start3A_130 = arith.constant 0 : i32
        %dma_start3A_131 = tpu.memref_slice %arg4[%add3A_76, %dma_start3A_130] : memref<163840x128xf32, #tpu.memory_space<hbm>> -> memref<128x128xf32, #tpu.memory_space<hbm>>
        %dma_start3A_132 = arith.constant 0 : i32
        %dma_start3A_133 = arith.constant 0 : i32
        %dma_start3A_134 = tpu.memref_slice %arg6[%run_scoped3A, %dma_start3A_132, %dma_start3A_133] : memref<4x128x128xf32, #tpu.memory_space<vmem>> -> memref<1x128x128xf32, #tpu.memory_space<vmem>>
        %dma_start3A_135 = tpu.memref_squeeze %dma_start3A_134 : memref<1x128x128xf32, #tpu.memory_space<vmem>> -> memref<128x128xf32, #tpu.memory_space<vmem>>
        tpu.enqueue_dma source(%dma_start3A_135 : memref<128x128xf32, #tpu.memory_space<vmem>>) target(%dma_start3A_131 : memref<128x128xf32, #tpu.memory_space<hbm>>) target_semaphore(%run_scoped3A_123 : memref<!tpu.dma_semaphore, #tpu.memory_space<semaphore_mem>>)
        %dma_wait3A_136 = arith.constant 0 : i32
        %dma_wait3A_137 = arith.constant 0 : i32
        %dma_wait3A_138 = tpu.memref_slice %arg6[%run_scoped3A, %dma_wait3A_136, %dma_wait3A_137] : memref<4x128x128xf32, #tpu.memory_space<vmem>> -> memref<1x128x128xf32, #tpu.memory_space<vmem>>
        %dma_wait3A_139 = tpu.memref_squeeze %dma_wait3A_138 : memref<1x128x128xf32, #tpu.memory_space<vmem>> -> memref<128x128xf32, #tpu.memory_space<vmem>>
        %dma_wait3A_140 = arith.constant 0 : i32
        %dma_wait3A_141 = tpu.memref_slice %arg4[%add3A_76, %dma_wait3A_140] : memref<163840x128xf32, #tpu.memory_space<hbm>> -> memref<128x128xf32, #tpu.memory_space<hbm>>
        %dma_wait3A_142 = arith.constant 0 : i32
        %dma_wait3A_143 = tpu.memref_slice %arg4[%add3A_76, %dma_wait3A_142] : memref<163840x128xf32, #tpu.memory_space<hbm>> -> memref<128x128xf32, #tpu.memory_space<hbm>>
        %dma_wait3A_144 = arith.constant 0 : i32
        %dma_wait3A_145 = arith.constant 0 : i32
        %dma_wait3A_146 = tpu.memref_slice %arg6[%run_scoped3A, %dma_wait3A_144, %dma_wait3A_145] : memref<4x128x128xf32, #tpu.memory_space<vmem>> -> memref<1x128x128xf32, #tpu.memory_space<vmem>>
        %dma_wait3A_147 = tpu.memref_squeeze %dma_wait3A_146 : memref<1x128x128xf32, #tpu.memory_space<vmem>> -> memref<128x128xf32, #tpu.memory_space<vmem>>
        tpu.wait_dma2 semaphore(%run_scoped3A_123 : memref<!tpu.dma_semaphore, #tpu.memory_space<semaphore_mem>>) src(%dma_wait3A_147 : memref<128x128xf32, #tpu.memory_space<vmem>>) dst(%dma_wait3A_143 : memref<128x128xf32, #tpu.memory_space<hbm>>)
        tpu.yield
      }) : () -> ()
      %dma_wait3A_77 = arith.constant 1 : i32
      %dma_wait3A_78 = arith.constant 0 : i32
      %dma_wait3A_79 = arith.constant 0 : i32
      %dma_wait3A_80 = tpu.memref_slice %arg6[%dma_wait3A_77, %dma_wait3A_78, %dma_wait3A_79] : memref<4x128x128xf32, #tpu.memory_space<vmem>> -> memref<1x128x128xf32, #tpu.memory_space<vmem>>
      %dma_wait3A_81 = tpu.memref_squeeze %dma_wait3A_80 : memref<1x128x128xf32, #tpu.memory_space<vmem>> -> memref<128x128xf32, #tpu.memory_space<vmem>>
      %dma_wait3A_82 = tpu.memref_slice %arg5[%mul3A_28] : memref<5120xi32, #tpu.memory_space<vmem>> -> memref<128xi32, #tpu.memory_space<vmem>>
      %dma_wait3A_83 = arith.constant 0 : i32
      %dma_wait3A_84 = arith.constant 0 : i32
      %dma_wait3A_85 = tpu.memref_slice %arg2[%dma_wait3A_83, %dma_wait3A_84] : memref<10000x128xf32, #tpu.memory_space<hbm>> -> memref<10000x128xf32, #tpu.memory_space<hbm>>
      tpu.wait_indirect_dma semaphore(%arg8 : memref<!tpu.dma_semaphore, #tpu.memory_space<semaphore_mem>>) src(%dma_wait3A_85 : memref<10000x128xf32, #tpu.memory_space<hbm>>) dst(%dma_wait3A_81 : memref<128x128xf32, #tpu.memory_space<vmem>>)
      %add3A_86 = arith.constant 1 : i32
      %add3A_87 = arith.addi %mul3A_12, %add3A_86 : i32
      %mul3A_88 = arith.constant 128 : i32
      %mul3A_89 = arith.muli %add3A_87, %mul3A_88 : i32
      %add3A_90 = arith.addi %mul3A_2, %mul3A_89 : i32
      %run_scoped3A_91 = arith.constant 1 : i32
      "tpu.region"() ({
        %run_scoped3A_123 = tpu.sem_alloc : memref<!tpu.dma_semaphore, #tpu.memory_space<semaphore_mem>>
        %dma_start3A_124 = arith.constant 0 : i32
        %dma_start3A_125 = arith.constant 0 : i32
        %dma_start3A_126 = tpu.memref_slice %arg6[%run_scoped3A_91, %dma_start3A_124, %dma_start3A_125] : memref<4x128x128xf32, #tpu.memory_space<vmem>> -> memref<1x128x128xf32, #tpu.memory_space<vmem>>
        %dma_start3A_127 = tpu.memref_squeeze %dma_start3A_126 : memref<1x128x128xf32, #tpu.memory_space<vmem>> -> memref<128x128xf32, #tpu.memory_space<vmem>>
        %dma_start3A_128 = arith.constant 0 : i32
        %dma_start3A_129 = tpu.memref_slice %arg4[%add3A_90, %dma_start3A_128] : memref<163840x128xf32, #tpu.memory_space<hbm>> -> memref<128x128xf32, #tpu.memory_space<hbm>>
        %dma_start3A_130 = arith.constant 0 : i32
        %dma_start3A_131 = tpu.memref_slice %arg4[%add3A_90, %dma_start3A_130] : memref<163840x128xf32, #tpu.memory_space<hbm>> -> memref<128x128xf32, #tpu.memory_space<hbm>>
        %dma_start3A_132 = arith.constant 0 : i32
        %dma_start3A_133 = arith.constant 0 : i32
        %dma_start3A_134 = tpu.memref_slice %arg6[%run_scoped3A_91, %dma_start3A_132, %dma_start3A_133] : memref<4x128x128xf32, #tpu.memory_space<vmem>> -> memref<1x128x128xf32, #tpu.memory_space<vmem>>
        %dma_start3A_135 = tpu.memref_squeeze %dma_start3A_134 : memref<1x128x128xf32, #tpu.memory_space<vmem>> -> memref<128x128xf32, #tpu.memory_space<vmem>>
        tpu.enqueue_dma source(%dma_start3A_135 : memref<128x128xf32, #tpu.memory_space<vmem>>) target(%dma_start3A_131 : memref<128x128xf32, #tpu.memory_space<hbm>>) target_semaphore(%run_scoped3A_123 : memref<!tpu.dma_semaphore, #tpu.memory_space<semaphore_mem>>)
        %dma_wait3A_136 = arith.constant 0 : i32
        %dma_wait3A_137 = arith.constant 0 : i32
        %dma_wait3A_138 = tpu.memref_slice %arg6[%run_scoped3A_91, %dma_wait3A_136, %dma_wait3A_137] : memref<4x128x128xf32, #tpu.memory_space<vmem>> -> memref<1x128x128xf32, #tpu.memory_space<vmem>>
        %dma_wait3A_139 = tpu.memref_squeeze %dma_wait3A_138 : memref<1x128x128xf32, #tpu.memory_space<vmem>> -> memref<128x128xf32, #tpu.memory_space<vmem>>
        %dma_wait3A_140 = arith.constant 0 : i32
        %dma_wait3A_141 = tpu.memref_slice %arg4[%add3A_90, %dma_wait3A_140] : memref<163840x128xf32, #tpu.memory_space<hbm>> -> memref<128x128xf32, #tpu.memory_space<hbm>>
        %dma_wait3A_142 = arith.constant 0 : i32
        %dma_wait3A_143 = tpu.memref_slice %arg4[%add3A_90, %dma_wait3A_142] : memref<163840x128xf32, #tpu.memory_space<hbm>> -> memref<128x128xf32, #tpu.memory_space<hbm>>
        %dma_wait3A_144 = arith.constant 0 : i32
        %dma_wait3A_145 = arith.constant 0 : i32
        %dma_wait3A_146 = tpu.memref_slice %arg6[%run_scoped3A_91, %dma_wait3A_144, %dma_wait3A_145] : memref<4x128x128xf32, #tpu.memory_space<vmem>> -> memref<1x128x128xf32, #tpu.memory_space<vmem>>
        %dma_wait3A_147 = tpu.memref_squeeze %dma_wait3A_146 : memref<1x128x128xf32, #tpu.memory_space<vmem>> -> memref<128x128xf32, #tpu.memory_space<vmem>>
        tpu.wait_dma2 semaphore(%run_scoped3A_123 : memref<!tpu.dma_semaphore, #tpu.memory_space<semaphore_mem>>) src(%dma_wait3A_147 : memref<128x128xf32, #tpu.memory_space<vmem>>) dst(%dma_wait3A_143 : memref<128x128xf32, #tpu.memory_space<hbm>>)
        tpu.yield
      }) : () -> ()
      %dma_wait3A_92 = arith.constant 2 : i32
      %dma_wait3A_93 = arith.constant 0 : i32
      %dma_wait3A_94 = arith.constant 0 : i32
      %dma_wait3A_95 = tpu.memref_slice %arg6[%dma_wait3A_92, %dma_wait3A_93, %dma_wait3A_94] : memref<4x128x128xf32, #tpu.memory_space<vmem>> -> memref<1x128x128xf32, #tpu.memory_space<vmem>>
      %dma_wait3A_96 = tpu.memref_squeeze %dma_wait3A_95 : memref<1x128x128xf32, #tpu.memory_space<vmem>> -> memref<128x128xf32, #tpu.memory_space<vmem>>
      %dma_wait3A_97 = tpu.memref_slice %arg5[%mul3A_41] : memref<5120xi32, #tpu.memory_space<vmem>> -> memref<128xi32, #tpu.memory_space<vmem>>
      %dma_wait3A_98 = arith.constant 0 : i32
      %dma_wait3A_99 = arith.constant 0 : i32
      %dma_wait3A_100 = tpu.memref_slice %arg2[%dma_wait3A_98, %dma_wait3A_99] : memref<10000x128xf32, #tpu.memory_space<hbm>> -> memref<10000x128xf32, #tpu.memory_space<hbm>>
      tpu.wait_indirect_dma semaphore(%arg9 : memref<!tpu.dma_semaphore, #tpu.memory_space<semaphore_mem>>) src(%dma_wait3A_100 : memref<10000x128xf32, #tpu.memory_space<hbm>>) dst(%dma_wait3A_96 : memref<128x128xf32, #tpu.memory_space<vmem>>)
      %add3A_101 = arith.constant 2 : i32
      %add3A_102 = arith.addi %mul3A_12, %add3A_101 : i32
      %mul3A_103 = arith.constant 128 : i32
      %mul3A_104 = arith.muli %add3A_102, %mul3A_103 : i32
      %add3A_105 = arith.addi %mul3A_2, %mul3A_104 : i32
      %run_scoped3A_106 = arith.constant 2 : i32
      "tpu.region"() ({
        %run_scoped3A_123 = tpu.sem_alloc : memref<!tpu.dma_semaphore, #tpu.memory_space<semaphore_mem>>
        %dma_start3A_124 = arith.constant 0 : i32
        %dma_start3A_125 = arith.constant 0 : i32
        %dma_start3A_126 = tpu.memref_slice %arg6[%run_scoped3A_106, %dma_start3A_124, %dma_start3A_125] : memref<4x128x128xf32, #tpu.memory_space<vmem>> -> memref<1x128x128xf32, #tpu.memory_space<vmem>>
        %dma_start3A_127 = tpu.memref_squeeze %dma_start3A_126 : memref<1x128x128xf32, #tpu.memory_space<vmem>> -> memref<128x128xf32, #tpu.memory_space<vmem>>
        %dma_start3A_128 = arith.constant 0 : i32
        %dma_start3A_129 = tpu.memref_slice %arg4[%add3A_105, %dma_start3A_128] : memref<163840x128xf32, #tpu.memory_space<hbm>> -> memref<128x128xf32, #tpu.memory_space<hbm>>
        %dma_start3A_130 = arith.constant 0 : i32
        %dma_start3A_131 = tpu.memref_slice %arg4[%add3A_105, %dma_start3A_130] : memref<163840x128xf32, #tpu.memory_space<hbm>> -> memref<128x128xf32, #tpu.memory_space<hbm>>
        %dma_start3A_132 = arith.constant 0 : i32
        %dma_start3A_133 = arith.constant 0 : i32
        %dma_start3A_134 = tpu.memref_slice %arg6[%run_scoped3A_106, %dma_start3A_132, %dma_start3A_133] : memref<4x128x128xf32, #tpu.memory_space<vmem>> -> memref<1x128x128xf32, #tpu.memory_space<vmem>>
        %dma_start3A_135 = tpu.memref_squeeze %dma_start3A_134 : memref<1x128x128xf32, #tpu.memory_space<vmem>> -> memref<128x128xf32, #tpu.memory_space<vmem>>
        tpu.enqueue_dma source(%dma_start3A_135 : memref<128x128xf32, #tpu.memory_space<vmem>>) target(%dma_start3A_131 : memref<128x128xf32, #tpu.memory_space<hbm>>) target_semaphore(%run_scoped3A_123 : memref<!tpu.dma_semaphore, #tpu.memory_space<semaphore_mem>>)
        %dma_wait3A_136 = arith.constant 0 : i32
        %dma_wait3A_137 = arith.constant 0 : i32
        %dma_wait3A_138 = tpu.memref_slice %arg6[%run_scoped3A_106, %dma_wait3A_136, %dma_wait3A_137] : memref<4x128x128xf32, #tpu.memory_space<vmem>> -> memref<1x128x128xf32, #tpu.memory_space<vmem>>
        %dma_wait3A_139 = tpu.memref_squeeze %dma_wait3A_138 : memref<1x128x128xf32, #tpu.memory_space<vmem>> -> memref<128x128xf32, #tpu.memory_space<vmem>>
        %dma_wait3A_140 = arith.constant 0 : i32
        %dma_wait3A_141 = tpu.memref_slice %arg4[%add3A_105, %dma_wait3A_140] : memref<163840x128xf32, #tpu.memory_space<hbm>> -> memref<128x128xf32, #tpu.memory_space<hbm>>
        %dma_wait3A_142 = arith.constant 0 : i32
        %dma_wait3A_143 = tpu.memref_slice %arg4[%add3A_105, %dma_wait3A_142] : memref<163840x128xf32, #tpu.memory_space<hbm>> -> memref<128x128xf32, #tpu.memory_space<hbm>>
        %dma_wait3A_144 = arith.constant 0 : i32
        %dma_wait3A_145 = arith.constant 0 : i32
        %dma_wait3A_146 = tpu.memref_slice %arg6[%run_scoped3A_106, %dma_wait3A_144, %dma_wait3A_145] : memref<4x128x128xf32, #tpu.memory_space<vmem>> -> memref<1x128x128xf32, #tpu.memory_space<vmem>>
        %dma_wait3A_147 = tpu.memref_squeeze %dma_wait3A_146 : memref<1x128x128xf32, #tpu.memory_space<vmem>> -> memref<128x128xf32, #tpu.memory_space<vmem>>
        tpu.wait_dma2 semaphore(%run_scoped3A_123 : memref<!tpu.dma_semaphore, #tpu.memory_space<semaphore_mem>>) src(%dma_wait3A_147 : memref<128x128xf32, #tpu.memory_space<vmem>>) dst(%dma_wait3A_143 : memref<128x128xf32, #tpu.memory_space<hbm>>)
        tpu.yield
      }) : () -> ()
      %dma_wait3A_107 = arith.constant 3 : i32
      %dma_wait3A_108 = arith.constant 0 : i32
      %dma_wait3A_109 = arith.constant 0 : i32
      %dma_wait3A_110 = tpu.memref_slice %arg6[%dma_wait3A_107, %dma_wait3A_108, %dma_wait3A_109] : memref<4x128x128xf32, #tpu.memory_space<vmem>> -> memref<1x128x128xf32, #tpu.memory_space<vmem>>
      %dma_wait3A_111 = tpu.memref_squeeze %dma_wait3A_110 : memref<1x128x128xf32, #tpu.memory_space<vmem>> -> memref<128x128xf32, #tpu.memory_space<vmem>>
      %dma_wait3A_112 = tpu.memref_slice %arg5[%mul3A_54] : memref<5120xi32, #tpu.memory_space<vmem>> -> memref<128xi32, #tpu.memory_space<vmem>>
      %dma_wait3A_113 = arith.constant 0 : i32
      %dma_wait3A_114 = arith.constant 0 : i32
      %dma_wait3A_115 = tpu.memref_slice %arg2[%dma_wait3A_113, %dma_wait3A_114] : memref<10000x128xf32, #tpu.memory_space<hbm>> -> memref<10000x128xf32, #tpu.memory_space<hbm>>
      tpu.wait_indirect_dma semaphore(%arg10 : memref<!tpu.dma_semaphore, #tpu.memory_space<semaphore_mem>>) src(%dma_wait3A_115 : memref<10000x128xf32, #tpu.memory_space<hbm>>) dst(%dma_wait3A_111 : memref<128x128xf32, #tpu.memory_space<vmem>>)
      %add3A_116 = arith.constant 3 : i32
      %add3A_117 = arith.addi %mul3A_12, %add3A_116 : i32
      %mul3A_118 = arith.constant 128 : i32
      %mul3A_119 = arith.muli %add3A_117, %mul3A_118 : i32
      %add3A_120 = arith.addi %mul3A_2, %mul3A_119 : i32
      %run_scoped3A_121 = arith.constant 3 : i32
      "tpu.region"() ({
        %run_scoped3A_123 = tpu.sem_alloc : memref<!tpu.dma_semaphore, #tpu.memory_space<semaphore_mem>>
        %dma_start3A_124 = arith.constant 0 : i32
        %dma_start3A_125 = arith.constant 0 : i32
        %dma_start3A_126 = tpu.memref_slice %arg6[%run_scoped3A_121, %dma_start3A_124, %dma_start3A_125] : memref<4x128x128xf32, #tpu.memory_space<vmem>> -> memref<1x128x128xf32, #tpu.memory_space<vmem>>
        %dma_start3A_127 = tpu.memref_squeeze %dma_start3A_126 : memref<1x128x128xf32, #tpu.memory_space<vmem>> -> memref<128x128xf32, #tpu.memory_space<vmem>>
        %dma_start3A_128 = arith.constant 0 : i32
        %dma_start3A_129 = tpu.memref_slice %arg4[%add3A_120, %dma_start3A_128] : memref<163840x128xf32, #tpu.memory_space<hbm>> -> memref<128x128xf32, #tpu.memory_space<hbm>>
        %dma_start3A_130 = arith.constant 0 : i32
        %dma_start3A_131 = tpu.memref_slice %arg4[%add3A_120, %dma_start3A_130] : memref<163840x128xf32, #tpu.memory_space<hbm>> -> memref<128x128xf32, #tpu.memory_space<hbm>>
        %dma_start3A_132 = arith.constant 0 : i32
        %dma_start3A_133 = arith.constant 0 : i32
        %dma_start3A_134 = tpu.memref_slice %arg6[%run_scoped3A_121, %dma_start3A_132, %dma_start3A_133] : memref<4x128x128xf32, #tpu.memory_space<vmem>> -> memref<1x128x128xf32, #tpu.memory_space<vmem>>
        %dma_start3A_135 = tpu.memref_squeeze %dma_start3A_134 : memref<1x128x128xf32, #tpu.memory_space<vmem>> -> memref<128x128xf32, #tpu.memory_space<vmem>>
        tpu.enqueue_dma source(%dma_start3A_135 : memref<128x128xf32, #tpu.memory_space<vmem>>) target(%dma_start3A_131 : memref<128x128xf32, #tpu.memory_space<hbm>>) target_semaphore(%run_scoped3A_123 : memref<!tpu.dma_semaphore, #tpu.memory_space<semaphore_mem>>)
        %dma_wait3A_136 = arith.constant 0 : i32
        %dma_wait3A_137 = arith.constant 0 : i32
        %dma_wait3A_138 = tpu.memref_slice %arg6[%run_scoped3A_121, %dma_wait3A_136, %dma_wait3A_137] : memref<4x128x128xf32, #tpu.memory_space<vmem>> -> memref<1x128x128xf32, #tpu.memory_space<vmem>>
        %dma_wait3A_139 = tpu.memref_squeeze %dma_wait3A_138 : memref<1x128x128xf32, #tpu.memory_space<vmem>> -> memref<128x128xf32, #tpu.memory_space<vmem>>
        %dma_wait3A_140 = arith.constant 0 : i32
        %dma_wait3A_141 = tpu.memref_slice %arg4[%add3A_120, %dma_wait3A_140] : memref<163840x128xf32, #tpu.memory_space<hbm>> -> memref<128x128xf32, #tpu.memory_space<hbm>>
        %dma_wait3A_142 = arith.constant 0 : i32
        %dma_wait3A_143 = tpu.memref_slice %arg4[%add3A_120, %dma_wait3A_142] : memref<163840x128xf32, #tpu.memory_space<hbm>> -> memref<128x128xf32, #tpu.memory_space<hbm>>
        %dma_wait3A_144 = arith.constant 0 : i32
        %dma_wait3A_145 = arith.constant 0 : i32
        %dma_wait3A_146 = tpu.memref_slice %arg6[%run_scoped3A_121, %dma_wait3A_144, %dma_wait3A_145] : memref<4x128x128xf32, #tpu.memory_space<vmem>> -> memref<1x128x128xf32, #tpu.memory_space<vmem>>
        %dma_wait3A_147 = tpu.memref_squeeze %dma_wait3A_146 : memref<1x128x128xf32, #tpu.memory_space<vmem>> -> memref<128x128xf32, #tpu.memory_space<vmem>>
        tpu.wait_dma2 semaphore(%run_scoped3A_123 : memref<!tpu.dma_semaphore, #tpu.memory_space<semaphore_mem>>) src(%dma_wait3A_147 : memref<128x128xf32, #tpu.memory_space<vmem>>) dst(%dma_wait3A_143 : memref<128x128xf32, #tpu.memory_space<hbm>>)
        tpu.yield
      }) : () -> ()
      %scan3A_122 = arith.constant 0 : i32
      scf.yield %scan3A_122 : i32
    }
    %scan3A_8 = arith.constant 10 : i32
    return
  }
}

#map = affine_map<(d0, d1) -> (0, 0)>
#map1 = affine_map<(d0, d1) -> (0)>
module attributes {stable_mosaic.version = 14 : i64} {
  func.func @gk(%arg0: i32, %arg1: i32, %arg2: memref<10000x128xf32, #tpu.memory_space<hbm>>, %arg3: memref<163840xi32, #tpu.memory_space<hbm>>, %arg4: memref<163840x128xf32, #tpu.memory_space<hbm>>, %arg5: memref<5120xi32, #tpu.memory_space<vmem>>, %arg6: memref<4x128x128xf32, #tpu.memory_space<vmem>>, %arg7: memref<!tpu.dma_semaphore, #tpu.memory_space<semaphore_mem>>, %arg8: memref<!tpu.dma_semaphore, #tpu.memory_space<semaphore_mem>>, %arg9: memref<!tpu.dma_semaphore, #tpu.memory_space<semaphore_mem>>, %arg10: memref<!tpu.dma_semaphore, #tpu.memory_space<semaphore_mem>>) attributes {dimension_semantics = [#tpu.dimension_semantics<core_parallel>, #tpu.dimension_semantics<subcore_parallel>], iteration_bounds = array<i64: 2, 16>, scalar_prefetch = 0 : i64, scratch_operands = 6 : i64, tpu.core_type = #tpu.core_type<sc_vector_subcore>, window_params = [{transform_indices = #map}, {transform_indices = #map1}, {transform_indices = #map}]} {
    %mul3A = arith.constant 2 : i32
    %mul3A_0 = arith.muli %arg1, %mul3A : i32
    %add3A = arith.addi %mul3A_0, %arg0 : i32
    %mul3A_1 = arith.constant 5120 : i32
    %mul3A_2 = arith.muli %add3A, %mul3A_1 : i32
    "tpu.region"() ({
      %run_scoped3A = tpu.sem_alloc : memref<!tpu.dma_semaphore, #tpu.memory_space<semaphore_mem>>
      %dma_start3A = tpu.memref_slice %arg3[%mul3A_2] : memref<163840xi32, #tpu.memory_space<hbm>> -> memref<5120xi32, #tpu.memory_space<hbm>>
      %dma_start3A_9 = tpu.memref_slice %arg3[%mul3A_2] : memref<163840xi32, #tpu.memory_space<hbm>> -> memref<5120xi32, #tpu.memory_space<hbm>>
      tpu.enqueue_dma source(%dma_start3A_9 : memref<5120xi32, #tpu.memory_space<hbm>>) target(%arg5 : memref<5120xi32, #tpu.memory_space<vmem>>) target_semaphore(%run_scoped3A : memref<!tpu.dma_semaphore, #tpu.memory_space<semaphore_mem>>)
      %dma_wait3A = tpu.memref_slice %arg3[%mul3A_2] : memref<163840xi32, #tpu.memory_space<hbm>> -> memref<5120xi32, #tpu.memory_space<hbm>>
      %dma_wait3A_10 = tpu.memref_slice %arg3[%mul3A_2] : memref<163840xi32, #tpu.memory_space<hbm>> -> memref<5120xi32, #tpu.memory_space<hbm>>
      tpu.wait_dma2 semaphore(%run_scoped3A : memref<!tpu.dma_semaphore, #tpu.memory_space<semaphore_mem>>) src(%dma_wait3A_10 : memref<5120xi32, #tpu.memory_space<hbm>>) dst(%arg5 : memref<5120xi32, #tpu.memory_space<vmem>>)
      tpu.yield
    }) : () -> ()
    %scan3A = arith.constant 0 : i32
    %scan3A_3 = arith.constant 0 : i32
    %scan3A_4 = arith.constant 10 : i32
    %scan3A_5 = arith.addi %scan3A_3, %scan3A_4 : i32
    %scan3A_6 = arith.constant 1 : i32
    %scan3A_7 = scf.for %scan3A_9 = %scan3A_3 to %scan3A_5 step %scan3A_6 iter_args(%scan3A_10 = %scan3A) -> (i32)  : i32 {
      %mul3A_11 = arith.constant 4 : i32
      %mul3A_12 = arith.muli %scan3A_9, %mul3A_11 : i32
      %add3A_13 = arith.constant 0 : i32
      %add3A_14 = arith.addi %mul3A_12, %add3A_13 : i32
      %mul3A_15 = arith.constant 128 : i32
      %mul3A_16 = arith.muli %add3A_14, %mul3A_15 : i32
      %dma_start3A = arith.constant 0 : i32
      %dma_start3A_17 = arith.constant 0 : i32
      %dma_start3A_18 = arith.constant 0 : i32
      %dma_start3A_19 = tpu.memref_slice %arg6[%dma_start3A, %dma_start3A_17, %dma_start3A_18] : memref<4x128x128xf32, #tpu.memory_space<vmem>> -> memref<1x128x128xf32, #tpu.memory_space<vmem>>
      %dma_start3A_20 = tpu.memref_squeeze %dma_start3A_19 : memref<1x128x128xf32, #tpu.memory_space<vmem>> -> memref<128x128xf32, #tpu.memory_space<vmem>>
      %dma_start3A_21 = tpu.memref_slice %arg5[%mul3A_16] : memref<5120xi32, #tpu.memory_space<vmem>> -> memref<128xi32, #tpu.memory_space<vmem>>
      %dma_start3A_22 = arith.constant 0 : i32
      %dma_start3A_23 = arith.constant 0 : i32
      %dma_start3A_24 = tpu.memref_slice %arg2[%dma_start3A_22, %dma_start3A_23] : memref<10000x128xf32, #tpu.memory_space<hbm>> -> memref<10000x128xf32, #tpu.memory_space<hbm>>
      tpu.enqueue_indirect_dma source(%dma_start3A_24 : memref<10000x128xf32, #tpu.memory_space<hbm>>) target(%dma_start3A_20 : memref<128x128xf32, #tpu.memory_space<vmem>>) offsets(%dma_start3A_21 : memref<128xi32, #tpu.memory_space<vmem>>) semaphore(%arg7 : memref<!tpu.dma_semaphore, #tpu.memory_space<semaphore_mem>>)
      %add3A_25 = arith.constant 1 : i32
      %add3A_26 = arith.addi %mul3A_12, %add3A_25 : i32
      %mul3A_27 = arith.constant 128 : i32
      %mul3A_28 = arith.muli %add3A_26, %mul3A_27 : i32
      %dma_start3A_29 = arith.constant 1 : i32
      %dma_start3A_30 = arith.constant 0 : i32
      %dma_start3A_31 = arith.constant 0 : i32
      %dma_start3A_32 = tpu.memref_slice %arg6[%dma_start3A_29, %dma_start3A_30, %dma_start3A_31] : memref<4x128x128xf32, #tpu.memory_space<vmem>> -> memref<1x128x128xf32, #tpu.memory_space<vmem>>
      %dma_start3A_33 = tpu.memref_squeeze %dma_start3A_32 : memref<1x128x128xf32, #tpu.memory_space<vmem>> -> memref<128x128xf32, #tpu.memory_space<vmem>>
      %dma_start3A_34 = tpu.memref_slice %arg5[%mul3A_28] : memref<5120xi32, #tpu.memory_space<vmem>> -> memref<128xi32, #tpu.memory_space<vmem>>
      %dma_start3A_35 = arith.constant 0 : i32
      %dma_start3A_36 = arith.constant 0 : i32
      %dma_start3A_37 = tpu.memref_slice %arg2[%dma_start3A_35, %dma_start3A_36] : memref<10000x128xf32, #tpu.memory_space<hbm>> -> memref<10000x128xf32, #tpu.memory_space<hbm>>
      tpu.enqueue_indirect_dma source(%dma_start3A_37 : memref<10000x128xf32, #tpu.memory_space<hbm>>) target(%dma_start3A_33 : memref<128x128xf32, #tpu.memory_space<vmem>>) offsets(%dma_start3A_34 : memref<128xi32, #tpu.memory_space<vmem>>) semaphore(%arg8 : memref<!tpu.dma_semaphore, #tpu.memory_space<semaphore_mem>>)
      %add3A_38 = arith.constant 2 : i32
      %add3A_39 = arith.addi %mul3A_12, %add3A_38 : i32
      %mul3A_40 = arith.constant 128 : i32
      %mul3A_41 = arith.muli %add3A_39, %mul3A_40 : i32
      %dma_start3A_42 = arith.constant 2 : i32
      %dma_start3A_43 = arith.constant 0 : i32
      %dma_start3A_44 = arith.constant 0 : i32
      %dma_start3A_45 = tpu.memref_slice %arg6[%dma_start3A_42, %dma_start3A_43, %dma_start3A_44] : memref<4x128x128xf32, #tpu.memory_space<vmem>> -> memref<1x128x128xf32, #tpu.memory_space<vmem>>
      %dma_start3A_46 = tpu.memref_squeeze %dma_start3A_45 : memref<1x128x128xf32, #tpu.memory_space<vmem>> -> memref<128x128xf32, #tpu.memory_space<vmem>>
      %dma_start3A_47 = tpu.memref_slice %arg5[%mul3A_41] : memref<5120xi32, #tpu.memory_space<vmem>> -> memref<128xi32, #tpu.memory_space<vmem>>
      %dma_start3A_48 = arith.constant 0 : i32
      %dma_start3A_49 = arith.constant 0 : i32
      %dma_start3A_50 = tpu.memref_slice %arg2[%dma_start3A_48, %dma_start3A_49] : memref<10000x128xf32, #tpu.memory_space<hbm>> -> memref<10000x128xf32, #tpu.memory_space<hbm>>
      tpu.enqueue_indirect_dma source(%dma_start3A_50 : memref<10000x128xf32, #tpu.memory_space<hbm>>) target(%dma_start3A_46 : memref<128x128xf32, #tpu.memory_space<vmem>>) offsets(%dma_start3A_47 : memref<128xi32, #tpu.memory_space<vmem>>) semaphore(%arg9 : memref<!tpu.dma_semaphore, #tpu.memory_space<semaphore_mem>>)
      %add3A_51 = arith.constant 3 : i32
      %add3A_52 = arith.addi %mul3A_12, %add3A_51 : i32
      %mul3A_53 = arith.constant 128 : i32
      %mul3A_54 = arith.muli %add3A_52, %mul3A_53 : i32
      %dma_start3A_55 = arith.constant 3 : i32
      %dma_start3A_56 = arith.constant 0 : i32
      %dma_start3A_57 = arith.constant 0 : i32
      %dma_start3A_58 = tpu.memref_slice %arg6[%dma_start3A_55, %dma_start3A_56, %dma_start3A_57] : memref<4x128x128xf32, #tpu.memory_space<vmem>> -> memref<1x128x128xf32, #tpu.memory_space<vmem>>
      %dma_start3A_59 = tpu.memref_squeeze %dma_start3A_58 : memref<1x128x128xf32, #tpu.memory_space<vmem>> -> memref<128x128xf32, #tpu.memory_space<vmem>>
      %dma_start3A_60 = tpu.memref_slice %arg5[%mul3A_54] : memref<5120xi32, #tpu.memory_space<vmem>> -> memref<128xi32, #tpu.memory_space<vmem>>
      %dma_start3A_61 = arith.constant 0 : i32
      %dma_start3A_62 = arith.constant 0 : i32
      %dma_start3A_63 = tpu.memref_slice %arg2[%dma_start3A_61, %dma_start3A_62] : memref<10000x128xf32, #tpu.memory_space<hbm>> -> memref<10000x128xf32, #tpu.memory_space<hbm>>
      tpu.enqueue_indirect_dma source(%dma_start3A_63 : memref<10000x128xf32, #tpu.memory_space<hbm>>) target(%dma_start3A_59 : memref<128x128xf32, #tpu.memory_space<vmem>>) offsets(%dma_start3A_60 : memref<128xi32, #tpu.memory_space<vmem>>) semaphore(%arg10 : memref<!tpu.dma_semaphore, #tpu.memory_space<semaphore_mem>>)
      %dma_wait3A = arith.constant 0 : i32
      %dma_wait3A_64 = arith.constant 0 : i32
      %dma_wait3A_65 = arith.constant 0 : i32
      %dma_wait3A_66 = tpu.memref_slice %arg6[%dma_wait3A, %dma_wait3A_64, %dma_wait3A_65] : memref<4x128x128xf32, #tpu.memory_space<vmem>> -> memref<1x128x128xf32, #tpu.memory_space<vmem>>
      %dma_wait3A_67 = tpu.memref_squeeze %dma_wait3A_66 : memref<1x128x128xf32, #tpu.memory_space<vmem>> -> memref<128x128xf32, #tpu.memory_space<vmem>>
      %dma_wait3A_68 = tpu.memref_slice %arg5[%mul3A_16] : memref<5120xi32, #tpu.memory_space<vmem>> -> memref<128xi32, #tpu.memory_space<vmem>>
      %dma_wait3A_69 = arith.constant 0 : i32
      %dma_wait3A_70 = arith.constant 0 : i32
      %dma_wait3A_71 = tpu.memref_slice %arg2[%dma_wait3A_69, %dma_wait3A_70] : memref<10000x128xf32, #tpu.memory_space<hbm>> -> memref<10000x128xf32, #tpu.memory_space<hbm>>
      tpu.wait_indirect_dma semaphore(%arg7 : memref<!tpu.dma_semaphore, #tpu.memory_space<semaphore_mem>>) src(%dma_wait3A_71 : memref<10000x128xf32, #tpu.memory_space<hbm>>) dst(%dma_wait3A_67 : memref<128x128xf32, #tpu.memory_space<vmem>>)
      %add3A_72 = arith.constant 0 : i32
      %add3A_73 = arith.addi %mul3A_12, %add3A_72 : i32
      %mul3A_74 = arith.constant 128 : i32
      %mul3A_75 = arith.muli %add3A_73, %mul3A_74 : i32
      %add3A_76 = arith.addi %mul3A_2, %mul3A_75 : i32
      %run_scoped3A = arith.constant 0 : i32
      "tpu.region"() ({
        %run_scoped3A_123 = tpu.sem_alloc : memref<!tpu.dma_semaphore, #tpu.memory_space<semaphore_mem>>
        %dma_start3A_124 = arith.constant 0 : i32
        %dma_start3A_125 = arith.constant 0 : i32
        %dma_start3A_126 = tpu.memref_slice %arg6[%run_scoped3A, %dma_start3A_124, %dma_start3A_125] : memref<4x128x128xf32, #tpu.memory_space<vmem>> -> memref<1x128x128xf32, #tpu.memory_space<vmem>>
        %dma_start3A_127 = tpu.memref_squeeze %dma_start3A_126 : memref<1x128x128xf32, #tpu.memory_space<vmem>> -> memref<128x128xf32, #tpu.memory_space<vmem>>
        %dma_start3A_128 = arith.constant 0 : i32
        %dma_start3A_129 = tpu.memref_slice %arg4[%add3A_76, %dma_start3A_128] : memref<163840x128xf32, #tpu.memory_space<hbm>> -> memref<128x128xf32, #tpu.memory_space<hbm>>
        %dma_start3A_130 = arith.constant 0 : i32
        %dma_start3A_131 = tpu.memref_slice %arg4[%add3A_76, %dma_start3A_130] : memref<163840x128xf32, #tpu.memory_space<hbm>> -> memref<128x128xf32, #tpu.memory_space<hbm>>
        %dma_start3A_132 = arith.constant 0 : i32
        %dma_start3A_133 = arith.constant 0 : i32
        %dma_start3A_134 = tpu.memref_slice %arg6[%run_scoped3A, %dma_start3A_132, %dma_start3A_133] : memref<4x128x128xf32, #tpu.memory_space<vmem>> -> memref<1x128x128xf32, #tpu.memory_space<vmem>>
        %dma_start3A_135 = tpu.memref_squeeze %dma_start3A_134 : memref<1x128x128xf32, #tpu.memory_space<vmem>> -> memref<128x128xf32, #tpu.memory_space<vmem>>
        tpu.enqueue_dma source(%dma_start3A_135 : memref<128x128xf32, #tpu.memory_space<vmem>>) target(%dma_start3A_131 : memref<128x128xf32, #tpu.memory_space<hbm>>) target_semaphore(%run_scoped3A_123 : memref<!tpu.dma_semaphore, #tpu.memory_space<semaphore_mem>>)
        %dma_wait3A_136 = arith.constant 0 : i32
        %dma_wait3A_137 = arith.constant 0 : i32
        %dma_wait3A_138 = tpu.memref_slice %arg6[%run_scoped3A, %dma_wait3A_136, %dma_wait3A_137] : memref<4x128x128xf32, #tpu.memory_space<vmem>> -> memref<1x128x128xf32, #tpu.memory_space<vmem>>
        %dma_wait3A_139 = tpu.memref_squeeze %dma_wait3A_138 : memref<1x128x128xf32, #tpu.memory_space<vmem>> -> memref<128x128xf32, #tpu.memory_space<vmem>>
        %dma_wait3A_140 = arith.constant 0 : i32
        %dma_wait3A_141 = tpu.memref_slice %arg4[%add3A_76, %dma_wait3A_140] : memref<163840x128xf32, #tpu.memory_space<hbm>> -> memref<128x128xf32, #tpu.memory_space<hbm>>
        %dma_wait3A_142 = arith.constant 0 : i32
        %dma_wait3A_143 = tpu.memref_slice %arg4[%add3A_76, %dma_wait3A_142] : memref<163840x128xf32, #tpu.memory_space<hbm>> -> memref<128x128xf32, #tpu.memory_space<hbm>>
        %dma_wait3A_144 = arith.constant 0 : i32
        %dma_wait3A_145 = arith.constant 0 : i32
        %dma_wait3A_146 = tpu.memref_slice %arg6[%run_scoped3A, %dma_wait3A_144, %dma_wait3A_145] : memref<4x128x128xf32, #tpu.memory_space<vmem>> -> memref<1x128x128xf32, #tpu.memory_space<vmem>>
        %dma_wait3A_147 = tpu.memref_squeeze %dma_wait3A_146 : memref<1x128x128xf32, #tpu.memory_space<vmem>> -> memref<128x128xf32, #tpu.memory_space<vmem>>
        tpu.wait_dma2 semaphore(%run_scoped3A_123 : memref<!tpu.dma_semaphore, #tpu.memory_space<semaphore_mem>>) src(%dma_wait3A_147 : memref<128x128xf32, #tpu.memory_space<vmem>>) dst(%dma_wait3A_143 : memref<128x128xf32, #tpu.memory_space<hbm>>)
        tpu.yield
      }) : () -> ()
      %dma_wait3A_77 = arith.constant 1 : i32
      %dma_wait3A_78 = arith.constant 0 : i32
      %dma_wait3A_79 = arith.constant 0 : i32
      %dma_wait3A_80 = tpu.memref_slice %arg6[%dma_wait3A_77, %dma_wait3A_78, %dma_wait3A_79] : memref<4x128x128xf32, #tpu.memory_space<vmem>> -> memref<1x128x128xf32, #tpu.memory_space<vmem>>
      %dma_wait3A_81 = tpu.memref_squeeze %dma_wait3A_80 : memref<1x128x128xf32, #tpu.memory_space<vmem>> -> memref<128x128xf32, #tpu.memory_space<vmem>>
      %dma_wait3A_82 = tpu.memref_slice %arg5[%mul3A_28] : memref<5120xi32, #tpu.memory_space<vmem>> -> memref<128xi32, #tpu.memory_space<vmem>>
      %dma_wait3A_83 = arith.constant 0 : i32
      %dma_wait3A_84 = arith.constant 0 : i32
      %dma_wait3A_85 = tpu.memref_slice %arg2[%dma_wait3A_83, %dma_wait3A_84] : memref<10000x128xf32, #tpu.memory_space<hbm>> -> memref<10000x128xf32, #tpu.memory_space<hbm>>
      tpu.wait_indirect_dma semaphore(%arg8 : memref<!tpu.dma_semaphore, #tpu.memory_space<semaphore_mem>>) src(%dma_wait3A_85 : memref<10000x128xf32, #tpu.memory_space<hbm>>) dst(%dma_wait3A_81 : memref<128x128xf32, #tpu.memory_space<vmem>>)
      %add3A_86 = arith.constant 1 : i32
      %add3A_87 = arith.addi %mul3A_12, %add3A_86 : i32
      %mul3A_88 = arith.constant 128 : i32
      %mul3A_89 = arith.muli %add3A_87, %mul3A_88 : i32
      %add3A_90 = arith.addi %mul3A_2, %mul3A_89 : i32
      %run_scoped3A_91 = arith.constant 1 : i32
      "tpu.region"() ({
        %run_scoped3A_123 = tpu.sem_alloc : memref<!tpu.dma_semaphore, #tpu.memory_space<semaphore_mem>>
        %dma_start3A_124 = arith.constant 0 : i32
        %dma_start3A_125 = arith.constant 0 : i32
        %dma_start3A_126 = tpu.memref_slice %arg6[%run_scoped3A_91, %dma_start3A_124, %dma_start3A_125] : memref<4x128x128xf32, #tpu.memory_space<vmem>> -> memref<1x128x128xf32, #tpu.memory_space<vmem>>
        %dma_start3A_127 = tpu.memref_squeeze %dma_start3A_126 : memref<1x128x128xf32, #tpu.memory_space<vmem>> -> memref<128x128xf32, #tpu.memory_space<vmem>>
        %dma_start3A_128 = arith.constant 0 : i32
        %dma_start3A_129 = tpu.memref_slice %arg4[%add3A_90, %dma_start3A_128] : memref<163840x128xf32, #tpu.memory_space<hbm>> -> memref<128x128xf32, #tpu.memory_space<hbm>>
        %dma_start3A_130 = arith.constant 0 : i32
        %dma_start3A_131 = tpu.memref_slice %arg4[%add3A_90, %dma_start3A_130] : memref<163840x128xf32, #tpu.memory_space<hbm>> -> memref<128x128xf32, #tpu.memory_space<hbm>>
        %dma_start3A_132 = arith.constant 0 : i32
        %dma_start3A_133 = arith.constant 0 : i32
        %dma_start3A_134 = tpu.memref_slice %arg6[%run_scoped3A_91, %dma_start3A_132, %dma_start3A_133] : memref<4x128x128xf32, #tpu.memory_space<vmem>> -> memref<1x128x128xf32, #tpu.memory_space<vmem>>
        %dma_start3A_135 = tpu.memref_squeeze %dma_start3A_134 : memref<1x128x128xf32, #tpu.memory_space<vmem>> -> memref<128x128xf32, #tpu.memory_space<vmem>>
        tpu.enqueue_dma source(%dma_start3A_135 : memref<128x128xf32, #tpu.memory_space<vmem>>) target(%dma_start3A_131 : memref<128x128xf32, #tpu.memory_space<hbm>>) target_semaphore(%run_scoped3A_123 : memref<!tpu.dma_semaphore, #tpu.memory_space<semaphore_mem>>)
        %dma_wait3A_136 = arith.constant 0 : i32
        %dma_wait3A_137 = arith.constant 0 : i32
        %dma_wait3A_138 = tpu.memref_slice %arg6[%run_scoped3A_91, %dma_wait3A_136, %dma_wait3A_137] : memref<4x128x128xf32, #tpu.memory_space<vmem>> -> memref<1x128x128xf32, #tpu.memory_space<vmem>>
        %dma_wait3A_139 = tpu.memref_squeeze %dma_wait3A_138 : memref<1x128x128xf32, #tpu.memory_space<vmem>> -> memref<128x128xf32, #tpu.memory_space<vmem>>
        %dma_wait3A_140 = arith.constant 0 : i32
        %dma_wait3A_141 = tpu.memref_slice %arg4[%add3A_90, %dma_wait3A_140] : memref<163840x128xf32, #tpu.memory_space<hbm>> -> memref<128x128xf32, #tpu.memory_space<hbm>>
        %dma_wait3A_142 = arith.constant 0 : i32
        %dma_wait3A_143 = tpu.memref_slice %arg4[%add3A_90, %dma_wait3A_142] : memref<163840x128xf32, #tpu.memory_space<hbm>> -> memref<128x128xf32, #tpu.memory_space<hbm>>
        %dma_wait3A_144 = arith.constant 0 : i32
        %dma_wait3A_145 = arith.constant 0 : i32
        %dma_wait3A_146 = tpu.memref_slice %arg6[%run_scoped3A_91, %dma_wait3A_144, %dma_wait3A_145] : memref<4x128x128xf32, #tpu.memory_space<vmem>> -> memref<1x128x128xf32, #tpu.memory_space<vmem>>
        %dma_wait3A_147 = tpu.memref_squeeze %dma_wait3A_146 : memref<1x128x128xf32, #tpu.memory_space<vmem>> -> memref<128x128xf32, #tpu.memory_space<vmem>>
        tpu.wait_dma2 semaphore(%run_scoped3A_123 : memref<!tpu.dma_semaphore, #tpu.memory_space<semaphore_mem>>) src(%dma_wait3A_147 : memref<128x128xf32, #tpu.memory_space<vmem>>) dst(%dma_wait3A_143 : memref<128x128xf32, #tpu.memory_space<hbm>>)
        tpu.yield
      }) : () -> ()
      %dma_wait3A_92 = arith.constant 2 : i32
      %dma_wait3A_93 = arith.constant 0 : i32
      %dma_wait3A_94 = arith.constant 0 : i32
      %dma_wait3A_95 = tpu.memref_slice %arg6[%dma_wait3A_92, %dma_wait3A_93, %dma_wait3A_94] : memref<4x128x128xf32, #tpu.memory_space<vmem>> -> memref<1x128x128xf32, #tpu.memory_space<vmem>>
      %dma_wait3A_96 = tpu.memref_squeeze %dma_wait3A_95 : memref<1x128x128xf32, #tpu.memory_space<vmem>> -> memref<128x128xf32, #tpu.memory_space<vmem>>
      %dma_wait3A_97 = tpu.memref_slice %arg5[%mul3A_41] : memref<5120xi32, #tpu.memory_space<vmem>> -> memref<128xi32, #tpu.memory_space<vmem>>
      %dma_wait3A_98 = arith.constant 0 : i32
      %dma_wait3A_99 = arith.constant 0 : i32
      %dma_wait3A_100 = tpu.memref_slice %arg2[%dma_wait3A_98, %dma_wait3A_99] : memref<10000x128xf32, #tpu.memory_space<hbm>> -> memref<10000x128xf32, #tpu.memory_space<hbm>>
      tpu.wait_indirect_dma semaphore(%arg9 : memref<!tpu.dma_semaphore, #tpu.memory_space<semaphore_mem>>) src(%dma_wait3A_100 : memref<10000x128xf32, #tpu.memory_space<hbm>>) dst(%dma_wait3A_96 : memref<128x128xf32, #tpu.memory_space<vmem>>)
      %add3A_101 = arith.constant 2 : i32
      %add3A_102 = arith.addi %mul3A_12, %add3A_101 : i32
      %mul3A_103 = arith.constant 128 : i32
      %mul3A_104 = arith.muli %add3A_102, %mul3A_103 : i32
      %add3A_105 = arith.addi %mul3A_2, %mul3A_104 : i32
      %run_scoped3A_106 = arith.constant 2 : i32
      "tpu.region"() ({
        %run_scoped3A_123 = tpu.sem_alloc : memref<!tpu.dma_semaphore, #tpu.memory_space<semaphore_mem>>
        %dma_start3A_124 = arith.constant 0 : i32
        %dma_start3A_125 = arith.constant 0 : i32
        %dma_start3A_126 = tpu.memref_slice %arg6[%run_scoped3A_106, %dma_start3A_124, %dma_start3A_125] : memref<4x128x128xf32, #tpu.memory_space<vmem>> -> memref<1x128x128xf32, #tpu.memory_space<vmem>>
        %dma_start3A_127 = tpu.memref_squeeze %dma_start3A_126 : memref<1x128x128xf32, #tpu.memory_space<vmem>> -> memref<128x128xf32, #tpu.memory_space<vmem>>
        %dma_start3A_128 = arith.constant 0 : i32
        %dma_start3A_129 = tpu.memref_slice %arg4[%add3A_105, %dma_start3A_128] : memref<163840x128xf32, #tpu.memory_space<hbm>> -> memref<128x128xf32, #tpu.memory_space<hbm>>
        %dma_start3A_130 = arith.constant 0 : i32
        %dma_start3A_131 = tpu.memref_slice %arg4[%add3A_105, %dma_start3A_130] : memref<163840x128xf32, #tpu.memory_space<hbm>> -> memref<128x128xf32, #tpu.memory_space<hbm>>
        %dma_start3A_132 = arith.constant 0 : i32
        %dma_start3A_133 = arith.constant 0 : i32
        %dma_start3A_134 = tpu.memref_slice %arg6[%run_scoped3A_106, %dma_start3A_132, %dma_start3A_133] : memref<4x128x128xf32, #tpu.memory_space<vmem>> -> memref<1x128x128xf32, #tpu.memory_space<vmem>>
        %dma_start3A_135 = tpu.memref_squeeze %dma_start3A_134 : memref<1x128x128xf32, #tpu.memory_space<vmem>> -> memref<128x128xf32, #tpu.memory_space<vmem>>
        tpu.enqueue_dma source(%dma_start3A_135 : memref<128x128xf32, #tpu.memory_space<vmem>>) target(%dma_start3A_131 : memref<128x128xf32, #tpu.memory_space<hbm>>) target_semaphore(%run_scoped3A_123 : memref<!tpu.dma_semaphore, #tpu.memory_space<semaphore_mem>>)
        %dma_wait3A_136 = arith.constant 0 : i32
        %dma_wait3A_137 = arith.constant 0 : i32
        %dma_wait3A_138 = tpu.memref_slice %arg6[%run_scoped3A_106, %dma_wait3A_136, %dma_wait3A_137] : memref<4x128x128xf32, #tpu.memory_space<vmem>> -> memref<1x128x128xf32, #tpu.memory_space<vmem>>
        %dma_wait3A_139 = tpu.memref_squeeze %dma_wait3A_138 : memref<1x128x128xf32, #tpu.memory_space<vmem>> -> memref<128x128xf32, #tpu.memory_space<vmem>>
        %dma_wait3A_140 = arith.constant 0 : i32
        %dma_wait3A_141 = tpu.memref_slice %arg4[%add3A_105, %dma_wait3A_140] : memref<163840x128xf32, #tpu.memory_space<hbm>> -> memref<128x128xf32, #tpu.memory_space<hbm>>
        %dma_wait3A_142 = arith.constant 0 : i32
        %dma_wait3A_143 = tpu.memref_slice %arg4[%add3A_105, %dma_wait3A_142] : memref<163840x128xf32, #tpu.memory_space<hbm>> -> memref<128x128xf32, #tpu.memory_space<hbm>>
        %dma_wait3A_144 = arith.constant 0 : i32
        %dma_wait3A_145 = arith.constant 0 : i32
        %dma_wait3A_146 = tpu.memref_slice %arg6[%run_scoped3A_106, %dma_wait3A_144, %dma_wait3A_145] : memref<4x128x128xf32, #tpu.memory_space<vmem>> -> memref<1x128x128xf32, #tpu.memory_space<vmem>>
        %dma_wait3A_147 = tpu.memref_squeeze %dma_wait3A_146 : memref<1x128x128xf32, #tpu.memory_space<vmem>> -> memref<128x128xf32, #tpu.memory_space<vmem>>
        tpu.wait_dma2 semaphore(%run_scoped3A_123 : memref<!tpu.dma_semaphore, #tpu.memory_space<semaphore_mem>>) src(%dma_wait3A_147 : memref<128x128xf32, #tpu.memory_space<vmem>>) dst(%dma_wait3A_143 : memref<128x128xf32, #tpu.memory_space<hbm>>)
        tpu.yield
      }) : () -> ()
      %dma_wait3A_107 = arith.constant 3 : i32
      %dma_wait3A_108 = arith.constant 0 : i32
      %dma_wait3A_109 = arith.constant 0 : i32
      %dma_wait3A_110 = tpu.memref_slice %arg6[%dma_wait3A_107, %dma_wait3A_108, %dma_wait3A_109] : memref<4x128x128xf32, #tpu.memory_space<vmem>> -> memref<1x128x128xf32, #tpu.memory_space<vmem>>
      %dma_wait3A_111 = tpu.memref_squeeze %dma_wait3A_110 : memref<1x128x128xf32, #tpu.memory_space<vmem>> -> memref<128x128xf32, #tpu.memory_space<vmem>>
      %dma_wait3A_112 = tpu.memref_slice %arg5[%mul3A_54] : memref<5120xi32, #tpu.memory_space<vmem>> -> memref<128xi32, #tpu.memory_space<vmem>>
      %dma_wait3A_113 = arith.constant 0 : i32
      %dma_wait3A_114 = arith.constant 0 : i32
      %dma_wait3A_115 = tpu.memref_slice %arg2[%dma_wait3A_113, %dma_wait3A_114] : memref<10000x128xf32, #tpu.memory_space<hbm>> -> memref<10000x128xf32, #tpu.memory_space<hbm>>
      tpu.wait_indirect_dma semaphore(%arg10 : memref<!tpu.dma_semaphore, #tpu.memory_space<semaphore_mem>>) src(%dma_wait3A_115 : memref<10000x128xf32, #tpu.memory_space<hbm>>) dst(%dma_wait3A_111 : memref<128x128xf32, #tpu.memory_space<vmem>>)
      %add3A_116 = arith.constant 3 : i32
      %add3A_117 = arith.addi %mul3A_12, %add3A_116 : i32
      %mul3A_118 = arith.constant 128 : i32
      %mul3A_119 = arith.muli %add3A_117, %mul3A_118 : i32
      %add3A_120 = arith.addi %mul3A_2, %mul3A_119 : i32
      %run_scoped3A_121 = arith.constant 3 : i32
      "tpu.region"() ({
        %run_scoped3A_123 = tpu.sem_alloc : memref<!tpu.dma_semaphore, #tpu.memory_space<semaphore_mem>>
        %dma_start3A_124 = arith.constant 0 : i32
        %dma_start3A_125 = arith.constant 0 : i32
        %dma_start3A_126 = tpu.memref_slice %arg6[%run_scoped3A_121, %dma_start3A_124, %dma_start3A_125] : memref<4x128x128xf32, #tpu.memory_space<vmem>> -> memref<1x128x128xf32, #tpu.memory_space<vmem>>
        %dma_start3A_127 = tpu.memref_squeeze %dma_start3A_126 : memref<1x128x128xf32, #tpu.memory_space<vmem>> -> memref<128x128xf32, #tpu.memory_space<vmem>>
        %dma_start3A_128 = arith.constant 0 : i32
        %dma_start3A_129 = tpu.memref_slice %arg4[%add3A_120, %dma_start3A_128] : memref<163840x128xf32, #tpu.memory_space<hbm>> -> memref<128x128xf32, #tpu.memory_space<hbm>>
        %dma_start3A_130 = arith.constant 0 : i32
        %dma_start3A_131 = tpu.memref_slice %arg4[%add3A_120, %dma_start3A_130] : memref<163840x128xf32, #tpu.memory_space<hbm>> -> memref<128x128xf32, #tpu.memory_space<hbm>>
        %dma_start3A_132 = arith.constant 0 : i32
        %dma_start3A_133 = arith.constant 0 : i32
        %dma_start3A_134 = tpu.memref_slice %arg6[%run_scoped3A_121, %dma_start3A_132, %dma_start3A_133] : memref<4x128x128xf32, #tpu.memory_space<vmem>> -> memref<1x128x128xf32, #tpu.memory_space<vmem>>
        %dma_start3A_135 = tpu.memref_squeeze %dma_start3A_134 : memref<1x128x128xf32, #tpu.memory_space<vmem>> -> memref<128x128xf32, #tpu.memory_space<vmem>>
        tpu.enqueue_dma source(%dma_start3A_135 : memref<128x128xf32, #tpu.memory_space<vmem>>) target(%dma_start3A_131 : memref<128x128xf32, #tpu.memory_space<hbm>>) target_semaphore(%run_scoped3A_123 : memref<!tpu.dma_semaphore, #tpu.memory_space<semaphore_mem>>)
        %dma_wait3A_136 = arith.constant 0 : i32
        %dma_wait3A_137 = arith.constant 0 : i32
        %dma_wait3A_138 = tpu.memref_slice %arg6[%run_scoped3A_121, %dma_wait3A_136, %dma_wait3A_137] : memref<4x128x128xf32, #tpu.memory_space<vmem>> -> memref<1x128x128xf32, #tpu.memory_space<vmem>>
        %dma_wait3A_139 = tpu.memref_squeeze %dma_wait3A_138 : memref<1x128x128xf32, #tpu.memory_space<vmem>> -> memref<128x128xf32, #tpu.memory_space<vmem>>
        %dma_wait3A_140 = arith.constant 0 : i32
        %dma_wait3A_141 = tpu.memref_slice %arg4[%add3A_120, %dma_wait3A_140] : memref<163840x128xf32, #tpu.memory_space<hbm>> -> memref<128x128xf32, #tpu.memory_space<hbm>>
        %dma_wait3A_142 = arith.constant 0 : i32
        %dma_wait3A_143 = tpu.memref_slice %arg4[%add3A_120, %dma_wait3A_142] : memref<163840x128xf32, #tpu.memory_space<hbm>> -> memref<128x128xf32, #tpu.memory_space<hbm>>
        %dma_wait3A_144 = arith.constant 0 : i32
        %dma_wait3A_145 = arith.constant 0 : i32
        %dma_wait3A_146 = tpu.memref_slice %arg6[%run_scoped3A_121, %dma_wait3A_144, %dma_wait3A_145] : memref<4x128x128xf32, #tpu.memory_space<vmem>> -> memref<1x128x128xf32, #tpu.memory_space<vmem>>
        %dma_wait3A_147 = tpu.memref_squeeze %dma_wait3A_146 : memref<1x128x128xf32, #tpu.memory_space<vmem>> -> memref<128x128xf32, #tpu.memory_space<vmem>>
        tpu.wait_dma2 semaphore(%run_scoped3A_123 : memref<!tpu.dma_semaphore, #tpu.memory_space<semaphore_mem>>) src(%dma_wait3A_147 : memref<128x128xf32, #tpu.memory_space<vmem>>) dst(%dma_wait3A_143 : memref<128x128xf32, #tpu.memory_space<hbm>>)
        tpu.yield
      }) : () -> ()
      %scan3A_122 = arith.constant 0 : i32
      scf.yield %scan3A_122 : i32
    }
    %scan3A_8 = arith.constant 10 : i32
    return
  }
}

module attributes {stable_mosaic.version = 14 : i64} {
  func.func @_wprep_body(%arg0: memref<128x128xf32, #tpu.memory_space<vmem>>, %arg1: memref<128x384xf32, #tpu.memory_space<vmem>>, %arg2: memref<1x128xf32, #tpu.memory_space<vmem>>, %arg3: memref<1x384xf32, #tpu.memory_space<vmem>>, %arg4: memref<128x384xf32, #tpu.memory_space<vmem>>, %arg5: memref<1x384xf32, #tpu.memory_space<vmem>>) attributes {dimension_semantics = [], scalar_prefetch = 0 : i64, scratch_operands = 0 : i64, tpu.core_type = #tpu.core_type<tc>} {
    %get3A = arith.constant 0 : index
    %get3A_0 = arith.constant 0 : index
    %get3A_1 = vector.load %arg0[%get3A, %get3A_0] : memref<128x128xf32, #tpu.memory_space<vmem>>, vector<128x128xf32>
    %get3A_2 = arith.constant 0 : index
    %get3A_3 = arith.constant 0 : index
    %get3A_4 = vector.load %arg1[%get3A_2, %get3A_3] : memref<128x384xf32, #tpu.memory_space<vmem>>, vector<128x384xf32>
    %dot_general3A = arith.constant dense<0.000000e+00> : vector<128x384xf32>
    %dot_general3A_5 = tpu.matmul %get3A_1, %get3A_4, %dot_general3A {dimension_numbers = #tpu.dot_dimension_numbers<[1], [0], [0], [1], [0, 0, 1, 1], [], []>, transpose_lhs_hint = false} : vector<128x128xf32>, vector<128x384xf32>, vector<128x384xf32> -> vector<128x384xf32>
    %swap3A = arith.constant 0 : index
    %swap3A_6 = arith.constant 0 : index
    %swap3A_7 = vector.load %arg4[%swap3A, %swap3A_6] : memref<128x384xf32, #tpu.memory_space<vmem>>, vector<128x384xf32>
    tpu.vector_store %arg4[%swap3A, %swap3A_6], %dot_general3A_5 {strides = array<i32>} : memref<128x384xf32, #tpu.memory_space<vmem>>, vector<128x384xf32>,
    %get3A_8 = arith.constant 0 : index
    %get3A_9 = arith.constant 0 : index
    %get3A_10 = vector.load %arg3[%get3A_8, %get3A_9] : memref<1x384xf32, #tpu.memory_space<vmem>>, vector<1x384xf32>
    %get3A_11 = arith.constant 0 : index
    %get3A_12 = arith.constant 0 : index
    %get3A_13 = vector.load %arg2[%get3A_11, %get3A_12] : memref<1x128xf32, #tpu.memory_space<vmem>>, vector<1x128xf32>
    %get3A_14 = arith.constant 0 : index
    %get3A_15 = arith.constant 0 : index
    %get3A_16 = vector.load %arg1[%get3A_14, %get3A_15] : memref<128x384xf32, #tpu.memory_space<vmem>>, vector<128x384xf32>
    %dot_general3A_17 = arith.constant dense<0.000000e+00> : vector<1x384xf32>
    %dot_general3A_18 = tpu.matmul %get3A_13, %get3A_16, %dot_general3A_17 {dimension_numbers = #tpu.dot_dimension_numbers<[1], [0], [0], [1], [0, 0, 1, 1], [], []>, transpose_lhs_hint = false} : vector<1x128xf32>, vector<128x384xf32>, vector<1x384xf32> -> vector<1x384xf32>
    %add3A = arith.addf %get3A_10, %dot_general3A_18 : vector<1x384xf32>
    %swap3A_19 = arith.constant 0 : index
    %swap3A_20 = arith.constant 0 : index
    %swap3A_21 = vector.load %arg5[%swap3A_19, %swap3A_20] : memref<1x384xf32, #tpu.memory_space<vmem>>, vector<1x384xf32>
    tpu.vector_store %arg5[%swap3A_19, %swap3A_20], %add3A {strides = array<i32>} : memref<1x384xf32, #tpu.memory_space<vmem>>, vector<1x384xf32>,
    return
  }
}

module attributes {stable_mosaic.version = 14 : i64} {
  func.func @_gru0_body(%arg0: i32, %arg1: i32, %arg2: memref<4x1000x128xf32, #tpu.memory_space<vmem>>, %arg3: memref<1000x128xf32, #tpu.memory_space<vmem>>, %arg4: memref<256x256xbf16, #tpu.memory_space<vmem>>, %arg5: memref<128x128xbf16, #tpu.memory_space<vmem>>, %arg6: memref<128x128xbf16, #tpu.memory_space<vmem>>, %arg7: memref<1x256xf32, #tpu.memory_space<vmem>>, %arg8: memref<1x128xf32, #tpu.memory_space<vmem>>, %arg9: memref<1x128xf32, #tpu.memory_space<vmem>>, %arg10: memref<128x128xbf16, #tpu.memory_space<vmem>>, %arg11: memref<1x128xf32, #tpu.memory_space<vmem>>, %arg12: memref<1000x128xf32, #tpu.memory_space<vmem>>, %arg13: memref<1x1xf32, #tpu.memory_space<smem>>) attributes {dimension_semantics = [#tpu.dimension_semantics<arbitrary>, #tpu.dimension_semantics<arbitrary>], iteration_bounds = array<i64: 10, 4>, scalar_prefetch = 0 : i64, scratch_operands = 0 : i64, tpu.core_type = #tpu.core_type<tc>, window_params = [{transform_indices = @transform_0, window_bounds = array<i64: 4, 1000, 128>}, {transform_indices = @transform_1, window_bounds = array<i64: 1000, 128>}, {pipeline_mode = #tpu.pipeline_mode<synchronous>, transform_indices = @transform_2, window_bounds = array<i64: 256, 256>}, {pipeline_mode = #tpu.pipeline_mode<synchronous>, transform_indices = @transform_3, window_bounds = array<i64: 128, 128>}, {pipeline_mode = #tpu.pipeline_mode<synchronous>, transform_indices = @transform_4, window_bounds = array<i64: 128, 128>}, {pipeline_mode = #tpu.pipeline_mode<synchronous>, transform_indices = @transform_5, window_bounds = array<i64: 1, 256>}, {pipeline_mode = #tpu.pipeline_mode<synchronous>, transform_indices = @transform_6, window_bounds = array<i64: 1, 128>}, {pipeline_mode = #tpu.pipeline_mode<synchronous>, transform_indices = @transform_7, window_bounds = array<i64: 1, 128>}, {pipeline_mode = #tpu.pipeline_mode<synchronous>, transform_indices = @transform_8, window_bounds = array<i64: 128, 128>}, {pipeline_mode = #tpu.pipeline_mode<synchronous>, transform_indices = @transform_9, window_bounds = array<i64: 1, 128>}, {transform_indices = @transform_10, window_bounds = array<i64: 1000, 128>}, {transform_indices = @transform_11, window_bounds = array<i64: 1, 1>}]} {
    %get3A = arith.constant 0 : index
    %get3A_0 = arith.constant 0 : index
    %get3A_1 = vector.load %arg3[%get3A, %get3A_0] : memref<1000x128xf32, #tpu.memory_space<vmem>>, vector<1000x128xf32>
    %convert_element_type3A = arith.truncf %get3A_1 : vector<1000x128xf32> to vector<1000x128xbf16>
    %broadcast_in_dim3A = arith.constant 0.000000e+00 : f32
    %broadcast_in_dim3A_2 = vector.broadcast %broadcast_in_dim3A : f32 to vector<1000x128xf32>
    %convert_element_type3A_3 = arith.truncf %broadcast_in_dim3A_2 : vector<1000x128xf32> to vector<1000x128xbf16>
    %concatenate3A = tpu.concatenate %convert_element_type3A, %convert_element_type3A_3 in 1 : vector<1000x128xbf16>, vector<1000x128xbf16> -> vector<1000x256xbf16>
    %get3A_4 = arith.constant 0 : index
    %get3A_5 = arith.constant 0 : index
    %get3A_6 = vector.load %arg4[%get3A_4, %get3A_5] : memref<256x256xbf16, #tpu.memory_space<vmem>>, vector<256x256xbf16>
    %dot_general3A = arith.constant dense<0.000000e+00> : vector<1000x256xf32>
    %dot_general3A_7 = tpu.matmul %concatenate3A, %get3A_6, %dot_general3A {dimension_numbers = #tpu.dot_dimension_numbers<[1], [0], [0], [1], [0, 0, 1, 1], [], []>, transpose_lhs_hint = false} : vector<1000x256xbf16>, vector<256x256xbf16>, vector<1000x256xf32> -> vector<1000x256xf32>
    %get3A_8 = arith.constant 0 : index
    %get3A_9 = arith.constant 0 : index
    %get3A_10 = vector.load %arg7[%get3A_8, %get3A_9] : memref<1x256xf32, #tpu.memory_space<vmem>>, vector<1x256xf32>
    %add3A = vector.broadcast %get3A_10 : vector<1x256xf32> to vector<1000x256xf32>
    %add3A_11 = arith.addf %dot_general3A_7, %add3A : vector<1000x256xf32>
    %slice3A = vector.extract_strided_slice %add3A_11 {offsets = [0, 0], sizes = [1000, 128], strides = [1, 1]} : vector<1000x256xf32> to vector<1000x128xf32>
    %logistic3A = arith.negf %slice3A : vector<1000x128xf32>
    %logistic3A_12 = math.exp %logistic3A : vector<1000x128xf32>
    %logistic3A_13 = arith.constant 1.000000e+00 : f32
    %logistic3A_14 = vector.broadcast %logistic3A_13 : f32 to vector<1000x128xf32>
    %logistic3A_15 = arith.addf %logistic3A_14, %logistic3A_12 : vector<1000x128xf32>
    %logistic3A_16 = arith.divf %logistic3A_14, %logistic3A_15 : vector<1000x128xf32>
    %slice3A_17 = vector.extract_strided_slice %add3A_11 {offsets = [0, 128], sizes = [1000, 128], strides = [1, 1]} : vector<1000x256xf32> to vector<1000x128xf32>
    %logistic3A_18 = arith.negf %slice3A_17 : vector<1000x128xf32>
    %logistic3A_19 = math.exp %logistic3A_18 : vector<1000x128xf32>
    %logistic3A_20 = arith.constant 1.000000e+00 : f32
    %logistic3A_21 = vector.broadcast %logistic3A_20 : f32 to vector<1000x128xf32>
    %logistic3A_22 = arith.addf %logistic3A_21, %logistic3A_19 : vector<1000x128xf32>
    %logistic3A_23 = arith.divf %logistic3A_21, %logistic3A_22 : vector<1000x128xf32>
    %get3A_24 = arith.constant 0 : index
    %get3A_25 = arith.constant 0 : index
    %get3A_26 = vector.load %arg5[%get3A_24, %get3A_25] : memref<128x128xbf16, #tpu.memory_space<vmem>>, vector<128x128xbf16>
    %dot_general3A_27 = arith.constant dense<0.000000e+00> : vector<1000x128xf32>
    %dot_general3A_28 = tpu.matmul %convert_element_type3A, %get3A_26, %dot_general3A_27 {dimension_numbers = #tpu.dot_dimension_numbers<[1], [0], [0], [1], [0, 0, 1, 1], [], []>, transpose_lhs_hint = false} : vector<1000x128xbf16>, vector<128x128xbf16>, vector<1000x128xf32> -> vector<1000x128xf32>
    %get3A_29 = arith.constant 0 : index
    %get3A_30 = arith.constant 0 : index
    %get3A_31 = vector.load %arg8[%get3A_29, %get3A_30] : memref<1x128xf32, #tpu.memory_space<vmem>>, vector<1x128xf32>
    %add3A_32 = vector.broadcast %get3A_31 : vector<1x128xf32> to vector<1000x128xf32>
    %add3A_33 = arith.addf %dot_general3A_28, %add3A_32 : vector<1000x128xf32>
    %get3A_34 = arith.constant 0 : index
    %get3A_35 = arith.constant 0 : index
    %get3A_36 = vector.load %arg6[%get3A_34, %get3A_35] : memref<128x128xbf16, #tpu.memory_space<vmem>>, vector<128x128xbf16>
    %dot_general3A_37 = arith.constant dense<0.000000e+00> : vector<1000x128xf32>
    %dot_general3A_38 = tpu.matmul %convert_element_type3A_3, %get3A_36, %dot_general3A_37 {dimension_numbers = #tpu.dot_dimension_numbers<[1], [0], [0], [1], [0, 0, 1, 1], [], []>, transpose_lhs_hint = false} : vector<1000x128xbf16>, vector<128x128xbf16>, vector<1000x128xf32> -> vector<1000x128xf32>
    %get3A_39 = arith.constant 0 : index
    %get3A_40 = arith.constant 0 : index
    %get3A_41 = vector.load %arg9[%get3A_39, %get3A_40] : memref<1x128xf32, #tpu.memory_space<vmem>>, vector<1x128xf32>
    %add3A_42 = vector.broadcast %get3A_41 : vector<1x128xf32> to vector<1000x128xf32>
    %add3A_43 = arith.addf %dot_general3A_38, %add3A_42 : vector<1000x128xf32>
    %mul3A = arith.mulf %logistic3A_16, %add3A_43 : vector<1000x128xf32>
    %add3A_44 = arith.addf %add3A_33, %mul3A : vector<1000x128xf32>
    %tanh3A = math.tanh %add3A_44 : vector<1000x128xf32>
    %sub3A = arith.constant 1.000000e+00 : f32
    %sub3A_45 = vector.broadcast %sub3A : f32 to vector<1000x128xf32>
    %sub3A_46 = arith.subf %sub3A_45, %logistic3A_23 : vector<1000x128xf32>
    %mul3A_47 = arith.mulf %sub3A_46, %tanh3A : vector<1000x128xf32>
    %mul3A_48 = arith.mulf %logistic3A_23, %broadcast_in_dim3A_2 : vector<1000x128xf32>
    %add3A_49 = arith.addf %mul3A_47, %mul3A_48 : vector<1000x128xf32>
    %convert_element_type3A_50 = arith.truncf %add3A_49 : vector<1000x128xf32> to vector<1000x128xbf16>
    %get3A_51 = arith.constant 0 : index
    %get3A_52 = arith.constant 0 : index
    %get3A_53 = vector.load %arg10[%get3A_51, %get3A_52] : memref<128x128xbf16, #tpu.memory_space<vmem>>, vector<128x128xbf16>
    %dot_general3A_54 = arith.constant dense<0.000000e+00> : vector<1000x128xf32>
    %dot_general3A_55 = tpu.matmul %convert_element_type3A_50, %get3A_53, %dot_general3A_54 {dimension_numbers = #tpu.dot_dimension_numbers<[1], [0], [0], [1], [0, 0, 1, 1], [], []>, transpose_lhs_hint = false} : vector<1000x128xbf16>, vector<128x128xbf16>, vector<1000x128xf32> -> vector<1000x128xf32>
    %get3A_56 = arith.constant 0 : index
    %get3A_57 = arith.constant 0 : index
    %get3A_58 = vector.load %arg11[%get3A_56, %get3A_57] : memref<1x128xf32, #tpu.memory_space<vmem>>, vector<1x128xf32>
    %add3A_59 = vector.broadcast %get3A_58 : vector<1x128xf32> to vector<1000x128xf32>
    %add3A_60 = arith.addf %dot_general3A_55, %add3A_59 : vector<1000x128xf32>
    %sub3A_61 = arith.subf %add3A_60, %get3A_1 : vector<1000x128xf32>
    %mul3A_62 = arith.mulf %sub3A_61, %sub3A_61 : vector<1000x128xf32>
    %reduce_sum3A = vector.shape_cast %mul3A_62 : vector<1000x128xf32> to vector<1x1000x128xf32>
    %reduce_sum3A_63 = arith.constant dense<0.000000e+00> : vector<1xf32>
    %reduce_sum3A_64 = vector.multi_reduction <add>, %reduce_sum3A, %reduce_sum3A_63 [1, 2] : vector<1x1000x128xf32> to vector<1xf32>
    %reduce_sum3A_65 = vector.shape_cast %reduce_sum3A_64 : vector<1xf32> to vector<1x1x1xf32>
    %reduce_sum3A_66 = vector.extract %reduce_sum3A_65[0, 0, 0] : f32 from vector<1x1x1xf32>
    %add3A_67 = arith.constant 0.000000e+00 : f32
    %add3A_68 = arith.addf %add3A_67, %reduce_sum3A_66 : f32
    %get3A_69 = arith.constant 0 : index
    %get3A_70 = arith.constant 0 : index
    %get3A_71 = arith.constant 0 : index
    %get3A_72 = vector.load %arg2[%get3A_69, %get3A_70, %get3A_71] : memref<4x1000x128xf32, #tpu.memory_space<vmem>>, vector<1x1000x128xf32>
    %get3A_73 = vector.shape_cast %get3A_72 : vector<1x1000x128xf32> to vector<1000x128xf32>
    %convert_element_type3A_74 = arith.truncf %get3A_73 : vector<1000x128xf32> to vector<1000x128xbf16>
    %convert_element_type3A_75 = arith.truncf %add3A_49 : vector<1000x128xf32> to vector<1000x128xbf16>
    %concatenate3A_76 = tpu.concatenate %convert_element_type3A_74, %convert_element_type3A_75 in 1 : vector<1000x128xbf16>, vector<1000x128xbf16> -> vector<1000x256xbf16>
    %get3A_77 = arith.constant 0 : index
    %get3A_78 = arith.constant 0 : index
    %get3A_79 = vector.load %arg4[%get3A_77, %get3A_78] : memref<256x256xbf16, #tpu.memory_space<vmem>>, vector<256x256xbf16>
    %dot_general3A_80 = arith.constant dense<0.000000e+00> : vector<1000x256xf32>
    %dot_general3A_81 = tpu.matmul %concatenate3A_76, %get3A_79, %dot_general3A_80 {dimension_numbers = #tpu.dot_dimension_numbers<[1], [0], [0], [1], [0, 0, 1, 1], [], []>, transpose_lhs_hint = false} : vector<1000x256xbf16>, vector<256x256xbf16>, vector<1000x256xf32> -> vector<1000x256xf32>
    %get3A_82 = arith.constant 0 : index
    %get3A_83 = arith.constant 0 : index
    %get3A_84 = vector.load %arg7[%get3A_82, %get3A_83] : memref<1x256xf32, #tpu.memory_space<vmem>>, vector<1x256xf32>
    %add3A_85 = vector.broadcast %get3A_84 : vector<1x256xf32> to vector<1000x256xf32>
    %add3A_86 = arith.addf %dot_general3A_81, %add3A_85 : vector<1000x256xf32>
    %slice3A_87 = vector.extract_strided_slice %add3A_86 {offsets = [0, 0], sizes = [1000, 128], strides = [1, 1]} : vector<1000x256xf32> to vector<1000x128xf32>
    %logistic3A_88 = arith.negf %slice3A_87 : vector<1000x128xf32>
    %logistic3A_89 = math.exp %logistic3A_88 : vector<1000x128xf32>
    %logistic3A_90 = arith.constant 1.000000e+00 : f32
    %logistic3A_91 = vector.broadcast %logistic3A_90 : f32 to vector<1000x128xf32>
    %logistic3A_92 = arith.addf %logistic3A_91, %logistic3A_89 : vector<1000x128xf32>
    %logistic3A_93 = arith.divf %logistic3A_91, %logistic3A_92 : vector<1000x128xf32>
    %slice3A_94 = vector.extract_strided_slice %add3A_86 {offsets = [0, 128], sizes = [1000, 128], strides = [1, 1]} : vector<1000x256xf32> to vector<1000x128xf32>
    %logistic3A_95 = arith.negf %slice3A_94 : vector<1000x128xf32>
    %logistic3A_96 = math.exp %logistic3A_95 : vector<1000x128xf32>
    %logistic3A_97 = arith.constant 1.000000e+00 : f32
    %logistic3A_98 = vector.broadcast %logistic3A_97 : f32 to vector<1000x128xf32>
    %logistic3A_99 = arith.addf %logistic3A_98, %logistic3A_96 : vector<1000x128xf32>
    %logistic3A_100 = arith.divf %logistic3A_98, %logistic3A_99 : vector<1000x128xf32>
    %get3A_101 = arith.constant 0 : index
    %get3A_102 = arith.constant 0 : index
    %get3A_103 = vector.load %arg5[%get3A_101, %get3A_102] : memref<128x128xbf16, #tpu.memory_space<vmem>>, vector<128x128xbf16>
    %dot_general3A_104 = arith.constant dense<0.000000e+00> : vector<1000x128xf32>
    %dot_general3A_105 = tpu.matmul %convert_element_type3A_74, %get3A_103, %dot_general3A_104 {dimension_numbers = #tpu.dot_dimension_numbers<[1], [0], [0], [1], [0, 0, 1, 1], [], []>, transpose_lhs_hint = false} : vector<1000x128xbf16>, vector<128x128xbf16>, vector<1000x128xf32> -> vector<1000x128xf32>
    %get3A_106 = arith.constant 0 : index
    %get3A_107 = arith.constant 0 : index
    %get3A_108 = vector.load %arg8[%get3A_106, %get3A_107] : memref<1x128xf32, #tpu.memory_space<vmem>>, vector<1x128xf32>
    %add3A_109 = vector.broadcast %get3A_108 : vector<1x128xf32> to vector<1000x128xf32>
    %add3A_110 = arith.addf %dot_general3A_105, %add3A_109 : vector<1000x128xf32>
    %get3A_111 = arith.constant 0 : index
    %get3A_112 = arith.constant 0 : index
    %get3A_113 = vector.load %arg6[%get3A_111, %get3A_112] : memref<128x128xbf16, #tpu.memory_space<vmem>>, vector<128x128xbf16>
    %dot_general3A_114 = arith.constant dense<0.000000e+00> : vector<1000x128xf32>
    %dot_general3A_115 = tpu.matmul %convert_element_type3A_75, %get3A_113, %dot_general3A_114 {dimension_numbers = #tpu.dot_dimension_numbers<[1], [0], [0], [1], [0, 0, 1, 1], [], []>, transpose_lhs_hint = false} : vector<1000x128xbf16>, vector<128x128xbf16>, vector<1000x128xf32> -> vector<1000x128xf32>
    %get3A_116 = arith.constant 0 : index
    %get3A_117 = arith.constant 0 : index
    %get3A_118 = vector.load %arg9[%get3A_116, %get3A_117] : memref<1x128xf32, #tpu.memory_space<vmem>>, vector<1x128xf32>
    %add3A_119 = vector.broadcast %get3A_118 : vector<1x128xf32> to vector<1000x128xf32>
    %add3A_120 = arith.addf %dot_general3A_115, %add3A_119 : vector<1000x128xf32>
    %mul3A_121 = arith.mulf %logistic3A_93, %add3A_120 : vector<1000x128xf32>
    %add3A_122 = arith.addf %add3A_110, %mul3A_121 : vector<1000x128xf32>
    %tanh3A_123 = math.tanh %add3A_122 : vector<1000x128xf32>
    %sub3A_124 = arith.constant 1.000000e+00 : f32
    %sub3A_125 = vector.broadcast %sub3A_124 : f32 to vector<1000x128xf32>
    %sub3A_126 = arith.subf %sub3A_125, %logistic3A_100 : vector<1000x128xf32>
    %mul3A_127 = arith.mulf %sub3A_126, %tanh3A_123 : vector<1000x128xf32>
    %mul3A_128 = arith.mulf %logistic3A_100, %add3A_49 : vector<1000x128xf32>
    %add3A_129 = arith.addf %mul3A_127, %mul3A_128 : vector<1000x128xf32>
    %convert_element_type3A_130 = arith.truncf %add3A_129 : vector<1000x128xf32> to vector<1000x128xbf16>
    %get3A_131 = arith.constant 0 : index
    %get3A_132 = arith.constant 0 : index
    %get3A_133 = vector.load %arg10[%get3A_131, %get3A_132] : memref<128x128xbf16, #tpu.memory_space<vmem>>, vector<128x128xbf16>
    %dot_general3A_134 = arith.constant dense<0.000000e+00> : vector<1000x128xf32>
    %dot_general3A_135 = tpu.matmul %convert_element_type3A_130, %get3A_133, %dot_general3A_134 {dimension_numbers = #tpu.dot_dimension_numbers<[1], [0], [0], [1], [0, 0, 1, 1], [], []>, transpose_lhs_hint = false} : vector<1000x128xbf16>, vector<128x128xbf16>, vector<1000x128xf32> -> vector<1000x128xf32>
    %get3A_136 = arith.constant 0 : index
    %get3A_137 = arith.constant 0 : index
    %get3A_138 = vector.load %arg11[%get3A_136, %get3A_137] : memref<1x128xf32, #tpu.memory_space<vmem>>, vector<1x128xf32>
    %add3A_139 = vector.broadcast %get3A_138 : vector<1x128xf32> to vector<1000x128xf32>
    %add3A_140 = arith.addf %dot_general3A_135, %add3A_139 : vector<1000x128xf32>
    %get3A_141 = arith.constant 0 : index
    %get3A_142 = arith.constant 0 : index
    %get3A_143 = arith.constant 0 : index
    %get3A_144 = vector.load %arg2[%get3A_141, %get3A_142, %get3A_143] : memref<4x1000x128xf32, #tpu.memory_space<vmem>>, vector<1x1000x128xf32>
    %get3A_145 = vector.shape_cast %get3A_144 : vector<1x1000x128xf32> to vector<1000x128xf32>
    %sub3A_146 = arith.subf %add3A_140, %get3A_145 : vector<1000x128xf32>
    %mul3A_147 = arith.mulf %sub3A_146, %sub3A_146 : vector<1000x128xf32>
    %reduce_sum3A_148 = vector.shape_cast %mul3A_147 : vector<1000x128xf32> to vector<1x1000x128xf32>
    %reduce_sum3A_149 = arith.constant dense<0.000000e+00> : vector<1xf32>
    %reduce_sum3A_150 = vector.multi_reduction <add>, %reduce_sum3A_148, %reduce_sum3A_149 [1, 2] : vector<1x1000x128xf32> to vector<1xf32>
    %reduce_sum3A_151 = vector.shape_cast %reduce_sum3A_150 : vector<1xf32> to vector<1x1x1xf32>
    %reduce_sum3A_152 = vector.extract %reduce_sum3A_151[0, 0, 0] : f32 from vector<1x1x1xf32>
    %add3A_153 = arith.addf %add3A_68, %reduce_sum3A_152 : f32
    %get3A_154 = arith.constant 1 : index
    %get3A_155 = arith.constant 0 : index
    %get3A_156 = arith.constant 0 : index
    %get3A_157 = vector.load %arg2[%get3A_154, %get3A_155, %get3A_156] : memref<4x1000x128xf32, #tpu.memory_space<vmem>>, vector<1x1000x128xf32>
    %get3A_158 = vector.shape_cast %get3A_157 : vector<1x1000x128xf32> to vector<1000x128xf32>
    %convert_element_type3A_159 = arith.truncf %get3A_158 : vector<1000x128xf32> to vector<1000x128xbf16>
    %convert_element_type3A_160 = arith.truncf %add3A_129 : vector<1000x128xf32> to vector<1000x128xbf16>
    %concatenate3A_161 = tpu.concatenate %convert_element_type3A_159, %convert_element_type3A_160 in 1 : vector<1000x128xbf16>, vector<1000x128xbf16> -> vector<1000x256xbf16>
    %get3A_162 = arith.constant 0 : index
    %get3A_163 = arith.constant 0 : index
    %get3A_164 = vector.load %arg4[%get3A_162, %get3A_163] : memref<256x256xbf16, #tpu.memory_space<vmem>>, vector<256x256xbf16>
    %dot_general3A_165 = arith.constant dense<0.000000e+00> : vector<1000x256xf32>
    %dot_general3A_166 = tpu.matmul %concatenate3A_161, %get3A_164, %dot_general3A_165 {dimension_numbers = #tpu.dot_dimension_numbers<[1], [0], [0], [1], [0, 0, 1, 1], [], []>, transpose_lhs_hint = false} : vector<1000x256xbf16>, vector<256x256xbf16>, vector<1000x256xf32> -> vector<1000x256xf32>
    %get3A_167 = arith.constant 0 : index
    %get3A_168 = arith.constant 0 : index
    %get3A_169 = vector.load %arg7[%get3A_167, %get3A_168] : memref<1x256xf32, #tpu.memory_space<vmem>>, vector<1x256xf32>
    %add3A_170 = vector.broadcast %get3A_169 : vector<1x256xf32> to vector<1000x256xf32>
    %add3A_171 = arith.addf %dot_general3A_166, %add3A_170 : vector<1000x256xf32>
    %slice3A_172 = vector.extract_strided_slice %add3A_171 {offsets = [0, 0], sizes = [1000, 128], strides = [1, 1]} : vector<1000x256xf32> to vector<1000x128xf32>
    %logistic3A_173 = arith.negf %slice3A_172 : vector<1000x128xf32>
    %logistic3A_174 = math.exp %logistic3A_173 : vector<1000x128xf32>
    %logistic3A_175 = arith.constant 1.000000e+00 : f32
    %logistic3A_176 = vector.broadcast %logistic3A_175 : f32 to vector<1000x128xf32>
    %logistic3A_177 = arith.addf %logistic3A_176, %logistic3A_174 : vector<1000x128xf32>
    %logistic3A_178 = arith.divf %logistic3A_176, %logistic3A_177 : vector<1000x128xf32>
    %slice3A_179 = vector.extract_strided_slice %add3A_171 {offsets = [0, 128], sizes = [1000, 128], strides = [1, 1]} : vector<1000x256xf32> to vector<1000x128xf32>
    %logistic3A_180 = arith.negf %slice3A_179 : vector<1000x128xf32>
    %logistic3A_181 = math.exp %logistic3A_180 : vector<1000x128xf32>
    %logistic3A_182 = arith.constant 1.000000e+00 : f32
    %logistic3A_183 = vector.broadcast %logistic3A_182 : f32 to vector<1000x128xf32>
    %logistic3A_184 = arith.addf %logistic3A_183, %logistic3A_181 : vector<1000x128xf32>
    %logistic3A_185 = arith.divf %logistic3A_183, %logistic3A_184 : vector<1000x128xf32>
    %get3A_186 = arith.constant 0 : index
    %get3A_187 = arith.constant 0 : index
    %get3A_188 = vector.load %arg5[%get3A_186, %get3A_187] : memref<128x128xbf16, #tpu.memory_space<vmem>>, vector<128x128xbf16>
    %dot_general3A_189 = arith.constant dense<0.000000e+00> : vector<1000x128xf32>
    %dot_general3A_190 = tpu.matmul %convert_element_type3A_159, %get3A_188, %dot_general3A_189 {dimension_numbers = #tpu.dot_dimension_numbers<[1], [0], [0], [1], [0, 0, 1, 1], [], []>, transpose_lhs_hint = false} : vector<1000x128xbf16>, vector<128x128xbf16>, vector<1000x128xf32> -> vector<1000x128xf32>
    %get3A_191 = arith.constant 0 : index
    %get3A_192 = arith.constant 0 : index
    %get3A_193 = vector.load %arg8[%get3A_191, %get3A_192] : memref<1x128xf32, #tpu.memory_space<vmem>>, vector<1x128xf32>
    %add3A_194 = vector.broadcast %get3A_193 : vector<1x128xf32> to vector<1000x128xf32>
    %add3A_195 = arith.addf %dot_general3A_190, %add3A_194 : vector<1000x128xf32>
    %get3A_196 = arith.constant 0 : index
    %get3A_197 = arith.constant 0 : index
    %get3A_198 = vector.load %arg6[%get3A_196, %get3A_197] : memref<128x128xbf16, #tpu.memory_space<vmem>>, vector<128x128xbf16>
    %dot_general3A_199 = arith.constant dense<0.000000e+00> : vector<1000x128xf32>
    %dot_general3A_200 = tpu.matmul %convert_element_type3A_160, %get3A_198, %dot_general3A_199 {dimension_numbers = #tpu.dot_dimension_numbers<[1], [0], [0], [1], [0, 0, 1, 1], [], []>, transpose_lhs_hint = false} : vector<1000x128xbf16>, vector<128x128xbf16>, vector<1000x128xf32> -> vector<1000x128xf32>
    %get3A_201 = arith.constant 0 : index
    %get3A_202 = arith.constant 0 : index
    %get3A_203 = vector.load %arg9[%get3A_201, %get3A_202] : memref<1x128xf32, #tpu.memory_space<vmem>>, vector<1x128xf32>
    %add3A_204 = vector.broadcast %get3A_203 : vector<1x128xf32> to vector<1000x128xf32>
    %add3A_205 = arith.addf %dot_general3A_200, %add3A_204 : vector<1000x128xf32>
    %mul3A_206 = arith.mulf %logistic3A_178, %add3A_205 : vector<1000x128xf32>
    %add3A_207 = arith.addf %add3A_195, %mul3A_206 : vector<1000x128xf32>
    %tanh3A_208 = math.tanh %add3A_207 : vector<1000x128xf32>
    %sub3A_209 = arith.constant 1.000000e+00 : f32
    %sub3A_210 = vector.broadcast %sub3A_209 : f32 to vector<1000x128xf32>
    %sub3A_211 = arith.subf %sub3A_210, %logistic3A_185 : vector<1000x128xf32>
    %mul3A_212 = arith.mulf %sub3A_211, %tanh3A_208 : vector<1000x128xf32>
    %mul3A_213 = arith.mulf %logistic3A_185, %add3A_129 : vector<1000x128xf32>
    %add3A_214 = arith.addf %mul3A_212, %mul3A_213 : vector<1000x128xf32>
    %convert_element_type3A_215 = arith.truncf %add3A_214 : vector<1000x128xf32> to vector<1000x128xbf16>
    %get3A_216 = arith.constant 0 : index
    %get3A_217 = arith.constant 0 : index
    %get3A_218 = vector.load %arg10[%get3A_216, %get3A_217] : memref<128x128xbf16, #tpu.memory_space<vmem>>, vector<128x128xbf16>
    %dot_general3A_219 = arith.constant dense<0.000000e+00> : vector<1000x128xf32>
    %dot_general3A_220 = tpu.matmul %convert_element_type3A_215, %get3A_218, %dot_general3A_219 {dimension_numbers = #tpu.dot_dimension_numbers<[1], [0], [0], [1], [0, 0, 1, 1], [], []>, transpose_lhs_hint = false} : vector<1000x128xbf16>, vector<128x128xbf16>, vector<1000x128xf32> -> vector<1000x128xf32>
    %get3A_221 = arith.constant 0 : index
    %get3A_222 = arith.constant 0 : index
    %get3A_223 = vector.load %arg11[%get3A_221, %get3A_222] : memref<1x128xf32, #tpu.memory_space<vmem>>, vector<1x128xf32>
    %add3A_224 = vector.broadcast %get3A_223 : vector<1x128xf32> to vector<1000x128xf32>
    %add3A_225 = arith.addf %dot_general3A_220, %add3A_224 : vector<1000x128xf32>
    %get3A_226 = arith.constant 1 : index
    %get3A_227 = arith.constant 0 : index
    %get3A_228 = arith.constant 0 : index
    %get3A_229 = vector.load %arg2[%get3A_226, %get3A_227, %get3A_228] : memref<4x1000x128xf32, #tpu.memory_space<vmem>>, vector<1x1000x128xf32>
    %get3A_230 = vector.shape_cast %get3A_229 : vector<1x1000x128xf32> to vector<1000x128xf32>
    %sub3A_231 = arith.subf %add3A_225, %get3A_230 : vector<1000x128xf32>
    %mul3A_232 = arith.mulf %sub3A_231, %sub3A_231 : vector<1000x128xf32>
    %reduce_sum3A_233 = vector.shape_cast %mul3A_232 : vector<1000x128xf32> to vector<1x1000x128xf32>
    %reduce_sum3A_234 = arith.constant dense<0.000000e+00> : vector<1xf32>
    %reduce_sum3A_235 = vector.multi_reduction <add>, %reduce_sum3A_233, %reduce_sum3A_234 [1, 2] : vector<1x1000x128xf32> to vector<1xf32>
    %reduce_sum3A_236 = vector.shape_cast %reduce_sum3A_235 : vector<1xf32> to vector<1x1x1xf32>
    %reduce_sum3A_237 = vector.extract %reduce_sum3A_236[0, 0, 0] : f32 from vector<1x1x1xf32>
    %add3A_238 = arith.addf %add3A_153, %reduce_sum3A_237 : f32
    %get3A_239 = arith.constant 2 : index
    %get3A_240 = arith.constant 0 : index
    %get3A_241 = arith.constant 0 : index
    %get3A_242 = vector.load %arg2[%get3A_239, %get3A_240, %get3A_241] : memref<4x1000x128xf32, #tpu.memory_space<vmem>>, vector<1x1000x128xf32>
    %get3A_243 = vector.shape_cast %get3A_242 : vector<1x1000x128xf32> to vector<1000x128xf32>
    %convert_element_type3A_244 = arith.truncf %get3A_243 : vector<1000x128xf32> to vector<1000x128xbf16>
    %convert_element_type3A_245 = arith.truncf %add3A_214 : vector<1000x128xf32> to vector<1000x128xbf16>
    %concatenate3A_246 = tpu.concatenate %convert_element_type3A_244, %convert_element_type3A_245 in 1 : vector<1000x128xbf16>, vector<1000x128xbf16> -> vector<1000x256xbf16>
    %get3A_247 = arith.constant 0 : index
    %get3A_248 = arith.constant 0 : index
    %get3A_249 = vector.load %arg4[%get3A_247, %get3A_248] : memref<256x256xbf16, #tpu.memory_space<vmem>>, vector<256x256xbf16>
    %dot_general3A_250 = arith.constant dense<0.000000e+00> : vector<1000x256xf32>
    %dot_general3A_251 = tpu.matmul %concatenate3A_246, %get3A_249, %dot_general3A_250 {dimension_numbers = #tpu.dot_dimension_numbers<[1], [0], [0], [1], [0, 0, 1, 1], [], []>, transpose_lhs_hint = false} : vector<1000x256xbf16>, vector<256x256xbf16>, vector<1000x256xf32> -> vector<1000x256xf32>
    %get3A_252 = arith.constant 0 : index
    %get3A_253 = arith.constant 0 : index
    %get3A_254 = vector.load %arg7[%get3A_252, %get3A_253] : memref<1x256xf32, #tpu.memory_space<vmem>>, vector<1x256xf32>
    %add3A_255 = vector.broadcast %get3A_254 : vector<1x256xf32> to vector<1000x256xf32>
    %add3A_256 = arith.addf %dot_general3A_251, %add3A_255 : vector<1000x256xf32>
    %slice3A_257 = vector.extract_strided_slice %add3A_256 {offsets = [0, 0], sizes = [1000, 128], strides = [1, 1]} : vector<1000x256xf32> to vector<1000x128xf32>
    %logistic3A_258 = arith.negf %slice3A_257 : vector<1000x128xf32>
    %logistic3A_259 = math.exp %logistic3A_258 : vector<1000x128xf32>
    %logistic3A_260 = arith.constant 1.000000e+00 : f32
    %logistic3A_261 = vector.broadcast %logistic3A_260 : f32 to vector<1000x128xf32>
    %logistic3A_262 = arith.addf %logistic3A_261, %logistic3A_259 : vector<1000x128xf32>
    %logistic3A_263 = arith.divf %logistic3A_261, %logistic3A_262 : vector<1000x128xf32>
    %slice3A_264 = vector.extract_strided_slice %add3A_256 {offsets = [0, 128], sizes = [1000, 128], strides = [1, 1]} : vector<1000x256xf32> to vector<1000x128xf32>
    %logistic3A_265 = arith.negf %slice3A_264 : vector<1000x128xf32>
    %logistic3A_266 = math.exp %logistic3A_265 : vector<1000x128xf32>
    %logistic3A_267 = arith.constant 1.000000e+00 : f32
    %logistic3A_268 = vector.broadcast %logistic3A_267 : f32 to vector<1000x128xf32>
    %logistic3A_269 = arith.addf %logistic3A_268, %logistic3A_266 : vector<1000x128xf32>
    %logistic3A_270 = arith.divf %logistic3A_268, %logistic3A_269 : vector<1000x128xf32>
    %get3A_271 = arith.constant 0 : index
    %get3A_272 = arith.constant 0 : index
    %get3A_273 = vector.load %arg5[%get3A_271, %get3A_272] : memref<128x128xbf16, #tpu.memory_space<vmem>>, vector<128x128xbf16>
    %dot_general3A_274 = arith.constant dense<0.000000e+00> : vector<1000x128xf32>
    %dot_general3A_275 = tpu.matmul %convert_element_type3A_244, %get3A_273, %dot_general3A_274 {dimension_numbers = #tpu.dot_dimension_numbers<[1], [0], [0], [1], [0, 0, 1, 1], [], []>, transpose_lhs_hint = false} : vector<1000x128xbf16>, vector<128x128xbf16>, vector<1000x128xf32> -> vector<1000x128xf32>
    %get3A_276 = arith.constant 0 : index
    %get3A_277 = arith.constant 0 : index
    %get3A_278 = vector.load %arg8[%get3A_276, %get3A_277] : memref<1x128xf32, #tpu.memory_space<vmem>>, vector<1x128xf32>
    %add3A_279 = vector.broadcast %get3A_278 : vector<1x128xf32> to vector<1000x128xf32>
    %add3A_280 = arith.addf %dot_general3A_275, %add3A_279 : vector<1000x128xf32>
    %get3A_281 = arith.constant 0 : index
    %get3A_282 = arith.constant 0 : index
    %get3A_283 = vector.load %arg6[%get3A_281, %get3A_282] : memref<128x128xbf16, #tpu.memory_space<vmem>>, vector<128x128xbf16>
    %dot_general3A_284 = arith.constant dense<0.000000e+00> : vector<1000x128xf32>
    %dot_general3A_285 = tpu.matmul %convert_element_type3A_245, %get3A_283, %dot_general3A_284 {dimension_numbers = #tpu.dot_dimension_numbers<[1], [0], [0], [1], [0, 0, 1, 1], [], []>, transpose_lhs_hint = false} : vector<1000x128xbf16>, vector<128x128xbf16>, vector<1000x128xf32> -> vector<1000x128xf32>
    %get3A_286 = arith.constant 0 : index
    %get3A_287 = arith.constant 0 : index
    %get3A_288 = vector.load %arg9[%get3A_286, %get3A_287] : memref<1x128xf32, #tpu.memory_space<vmem>>, vector<1x128xf32>
    %add3A_289 = vector.broadcast %get3A_288 : vector<1x128xf32> to vector<1000x128xf32>
    %add3A_290 = arith.addf %dot_general3A_285, %add3A_289 : vector<1000x128xf32>
    %mul3A_291 = arith.mulf %logistic3A_263, %add3A_290 : vector<1000x128xf32>
    %add3A_292 = arith.addf %add3A_280, %mul3A_291 : vector<1000x128xf32>
    %tanh3A_293 = math.tanh %add3A_292 : vector<1000x128xf32>
    %sub3A_294 = arith.constant 1.000000e+00 : f32
    %sub3A_295 = vector.broadcast %sub3A_294 : f32 to vector<1000x128xf32>
    %sub3A_296 = arith.subf %sub3A_295, %logistic3A_270 : vector<1000x128xf32>
    %mul3A_297 = arith.mulf %sub3A_296, %tanh3A_293 : vector<1000x128xf32>
    %mul3A_298 = arith.mulf %logistic3A_270, %add3A_214 : vector<1000x128xf32>
    %add3A_299 = arith.addf %mul3A_297, %mul3A_298 : vector<1000x128xf32>
    %convert_element_type3A_300 = arith.truncf %add3A_299 : vector<1000x128xf32> to vector<1000x128xbf16>
    %get3A_301 = arith.constant 0 : index
    %get3A_302 = arith.constant 0 : index
    %get3A_303 = vector.load %arg10[%get3A_301, %get3A_302] : memref<128x128xbf16, #tpu.memory_space<vmem>>, vector<128x128xbf16>
    %dot_general3A_304 = arith.constant dense<0.000000e+00> : vector<1000x128xf32>
    %dot_general3A_305 = tpu.matmul %convert_element_type3A_300, %get3A_303, %dot_general3A_304 {dimension_numbers = #tpu.dot_dimension_numbers<[1], [0], [0], [1], [0, 0, 1, 1], [], []>, transpose_lhs_hint = false} : vector<1000x128xbf16>, vector<128x128xbf16>, vector<1000x128xf32> -> vector<1000x128xf32>
    %get3A_306 = arith.constant 0 : index
    %get3A_307 = arith.constant 0 : index
    %get3A_308 = vector.load %arg11[%get3A_306, %get3A_307] : memref<1x128xf32, #tpu.memory_space<vmem>>, vector<1x128xf32>
    %add3A_309 = vector.broadcast %get3A_308 : vector<1x128xf32> to vector<1000x128xf32>
    %add3A_310 = arith.addf %dot_general3A_305, %add3A_309 : vector<1000x128xf32>
    %get3A_311 = arith.constant 2 : index
    %get3A_312 = arith.constant 0 : index
    %get3A_313 = arith.constant 0 : index
    %get3A_314 = vector.load %arg2[%get3A_311, %get3A_312, %get3A_313] : memref<4x1000x128xf32, #tpu.memory_space<vmem>>, vector<1x1000x128xf32>
    %get3A_315 = vector.shape_cast %get3A_314 : vector<1x1000x128xf32> to vector<1000x128xf32>
    %sub3A_316 = arith.subf %add3A_310, %get3A_315 : vector<1000x128xf32>
    %mul3A_317 = arith.mulf %sub3A_316, %sub3A_316 : vector<1000x128xf32>
    %reduce_sum3A_318 = vector.shape_cast %mul3A_317 : vector<1000x128xf32> to vector<1x1000x128xf32>
    %reduce_sum3A_319 = arith.constant dense<0.000000e+00> : vector<1xf32>
    %reduce_sum3A_320 = vector.multi_reduction <add>, %reduce_sum3A_318, %reduce_sum3A_319 [1, 2] : vector<1x1000x128xf32> to vector<1xf32>
    %reduce_sum3A_321 = vector.shape_cast %reduce_sum3A_320 : vector<1xf32> to vector<1x1x1xf32>
    %reduce_sum3A_322 = vector.extract %reduce_sum3A_321[0, 0, 0] : f32 from vector<1x1x1xf32>
    %add3A_323 = arith.addf %add3A_238, %reduce_sum3A_322 : f32
    %get3A_324 = arith.constant 3 : index
    %get3A_325 = arith.constant 0 : index
    %get3A_326 = arith.constant 0 : index
    %get3A_327 = vector.load %arg2[%get3A_324, %get3A_325, %get3A_326] : memref<4x1000x128xf32, #tpu.memory_space<vmem>>, vector<1x1000x128xf32>
    %get3A_328 = vector.shape_cast %get3A_327 : vector<1x1000x128xf32> to vector<1000x128xf32>
    %convert_element_type3A_329 = arith.truncf %get3A_328 : vector<1000x128xf32> to vector<1000x128xbf16>
    %convert_element_type3A_330 = arith.truncf %add3A_299 : vector<1000x128xf32> to vector<1000x128xbf16>
    %concatenate3A_331 = tpu.concatenate %convert_element_type3A_329, %convert_element_type3A_330 in 1 : vector<1000x128xbf16>, vector<1000x128xbf16> -> vector<1000x256xbf16>
    %get3A_332 = arith.constant 0 : index
    %get3A_333 = arith.constant 0 : index
    %get3A_334 = vector.load %arg4[%get3A_332, %get3A_333] : memref<256x256xbf16, #tpu.memory_space<vmem>>, vector<256x256xbf16>
    %dot_general3A_335 = arith.constant dense<0.000000e+00> : vector<1000x256xf32>
    %dot_general3A_336 = tpu.matmul %concatenate3A_331, %get3A_334, %dot_general3A_335 {dimension_numbers = #tpu.dot_dimension_numbers<[1], [0], [0], [1], [0, 0, 1, 1], [], []>, transpose_lhs_hint = false} : vector<1000x256xbf16>, vector<256x256xbf16>, vector<1000x256xf32> -> vector<1000x256xf32>
    %get3A_337 = arith.constant 0 : index
    %get3A_338 = arith.constant 0 : index
    %get3A_339 = vector.load %arg7[%get3A_337, %get3A_338] : memref<1x256xf32, #tpu.memory_space<vmem>>, vector<1x256xf32>
    %add3A_340 = vector.broadcast %get3A_339 : vector<1x256xf32> to vector<1000x256xf32>
    %add3A_341 = arith.addf %dot_general3A_336, %add3A_340 : vector<1000x256xf32>
    %slice3A_342 = vector.extract_strided_slice %add3A_341 {offsets = [0, 0], sizes = [1000, 128], strides = [1, 1]} : vector<1000x256xf32> to vector<1000x128xf32>
    %logistic3A_343 = arith.negf %slice3A_342 : vector<1000x128xf32>
    %logistic3A_344 = math.exp %logistic3A_343 : vector<1000x128xf32>
    %logistic3A_345 = arith.constant 1.000000e+00 : f32
    %logistic3A_346 = vector.broadcast %logistic3A_345 : f32 to vector<1000x128xf32>
    %logistic3A_347 = arith.addf %logistic3A_346, %logistic3A_344 : vector<1000x128xf32>
    %logistic3A_348 = arith.divf %logistic3A_346, %logistic3A_347 : vector<1000x128xf32>
    %slice3A_349 = vector.extract_strided_slice %add3A_341 {offsets = [0, 128], sizes = [1000, 128], strides = [1, 1]} : vector<1000x256xf32> to vector<1000x128xf32>
    %logistic3A_350 = arith.negf %slice3A_349 : vector<1000x128xf32>
    %logistic3A_351 = math.exp %logistic3A_350 : vector<1000x128xf32>
    %logistic3A_352 = arith.constant 1.000000e+00 : f32
    %logistic3A_353 = vector.broadcast %logistic3A_352 : f32 to vector<1000x128xf32>
    %logistic3A_354 = arith.addf %logistic3A_353, %logistic3A_351 : vector<1000x128xf32>
    %logistic3A_355 = arith.divf %logistic3A_353, %logistic3A_354 : vector<1000x128xf32>
    %get3A_356 = arith.constant 0 : index
    %get3A_357 = arith.constant 0 : index
    %get3A_358 = vector.load %arg5[%get3A_356, %get3A_357] : memref<128x128xbf16, #tpu.memory_space<vmem>>, vector<128x128xbf16>
    %dot_general3A_359 = arith.constant dense<0.000000e+00> : vector<1000x128xf32>
    %dot_general3A_360 = tpu.matmul %convert_element_type3A_329, %get3A_358, %dot_general3A_359 {dimension_numbers = #tpu.dot_dimension_numbers<[1], [0], [0], [1], [0, 0, 1, 1], [], []>, transpose_lhs_hint = false} : vector<1000x128xbf16>, vector<128x128xbf16>, vector<1000x128xf32> -> vector<1000x128xf32>
    %get3A_361 = arith.constant 0 : index
    %get3A_362 = arith.constant 0 : index
    %get3A_363 = vector.load %arg8[%get3A_361, %get3A_362] : memref<1x128xf32, #tpu.memory_space<vmem>>, vector<1x128xf32>
    %add3A_364 = vector.broadcast %get3A_363 : vector<1x128xf32> to vector<1000x128xf32>
    %add3A_365 = arith.addf %dot_general3A_360, %add3A_364 : vector<1000x128xf32>
    %get3A_366 = arith.constant 0 : index
    %get3A_367 = arith.constant 0 : index
    %get3A_368 = vector.load %arg6[%get3A_366, %get3A_367] : memref<128x128xbf16, #tpu.memory_space<vmem>>, vector<128x128xbf16>
    %dot_general3A_369 = arith.constant dense<0.000000e+00> : vector<1000x128xf32>
    %dot_general3A_370 = tpu.matmul %convert_element_type3A_330, %get3A_368, %dot_general3A_369 {dimension_numbers = #tpu.dot_dimension_numbers<[1], [0], [0], [1], [0, 0, 1, 1], [], []>, transpose_lhs_hint = false} : vector<1000x128xbf16>, vector<128x128xbf16>, vector<1000x128xf32> -> vector<1000x128xf32>
    %get3A_371 = arith.constant 0 : index
    %get3A_372 = arith.constant 0 : index
    %get3A_373 = vector.load %arg9[%get3A_371, %get3A_372] : memref<1x128xf32, #tpu.memory_space<vmem>>, vector<1x128xf32>
    %add3A_374 = vector.broadcast %get3A_373 : vector<1x128xf32> to vector<1000x128xf32>
    %add3A_375 = arith.addf %dot_general3A_370, %add3A_374 : vector<1000x128xf32>
    %mul3A_376 = arith.mulf %logistic3A_348, %add3A_375 : vector<1000x128xf32>
    %add3A_377 = arith.addf %add3A_365, %mul3A_376 : vector<1000x128xf32>
    %tanh3A_378 = math.tanh %add3A_377 : vector<1000x128xf32>
    %sub3A_379 = arith.constant 1.000000e+00 : f32
    %sub3A_380 = vector.broadcast %sub3A_379 : f32 to vector<1000x128xf32>
    %sub3A_381 = arith.subf %sub3A_380, %logistic3A_355 : vector<1000x128xf32>
    %mul3A_382 = arith.mulf %sub3A_381, %tanh3A_378 : vector<1000x128xf32>
    %mul3A_383 = arith.mulf %logistic3A_355, %add3A_299 : vector<1000x128xf32>
    %add3A_384 = arith.addf %mul3A_382, %mul3A_383 : vector<1000x128xf32>
    %convert_element_type3A_385 = arith.truncf %add3A_384 : vector<1000x128xf32> to vector<1000x128xbf16>
    %get3A_386 = arith.constant 0 : index
    %get3A_387 = arith.constant 0 : index
    %get3A_388 = vector.load %arg10[%get3A_386, %get3A_387] : memref<128x128xbf16, #tpu.memory_space<vmem>>, vector<128x128xbf16>
    %dot_general3A_389 = arith.constant dense<0.000000e+00> : vector<1000x128xf32>
    %dot_general3A_390 = tpu.matmul %convert_element_type3A_385, %get3A_388, %dot_general3A_389 {dimension_numbers = #tpu.dot_dimension_numbers<[1], [0], [0], [1], [0, 0, 1, 1], [], []>, transpose_lhs_hint = false} : vector<1000x128xbf16>, vector<128x128xbf16>, vector<1000x128xf32> -> vector<1000x128xf32>
    %get3A_391 = arith.constant 0 : index
    %get3A_392 = arith.constant 0 : index
    %get3A_393 = vector.load %arg11[%get3A_391, %get3A_392] : memref<1x128xf32, #tpu.memory_space<vmem>>, vector<1x128xf32>
    %add3A_394 = vector.broadcast %get3A_393 : vector<1x128xf32> to vector<1000x128xf32>
    %add3A_395 = arith.addf %dot_general3A_390, %add3A_394 : vector<1000x128xf32>
    %get3A_396 = arith.constant 3 : index
    %get3A_397 = arith.constant 0 : index
    %get3A_398 = arith.constant 0 : index
    %get3A_399 = vector.load %arg2[%get3A_396, %get3A_397, %get3A_398] : memref<4x1000x128xf32, #tpu.memory_space<vmem>>, vector<1x1000x128xf32>
    %get3A_400 = vector.shape_cast %get3A_399 : vector<1x1000x128xf32> to vector<1000x128xf32>
    %sub3A_401 = arith.subf %add3A_395, %get3A_400 : vector<1000x128xf32>
    %mul3A_402 = arith.mulf %sub3A_401, %sub3A_401 : vector<1000x128xf32>
    %reduce_sum3A_403 = vector.shape_cast %mul3A_402 : vector<1000x128xf32> to vector<1x1000x128xf32>
    %reduce_sum3A_404 = arith.constant dense<0.000000e+00> : vector<1xf32>
    %reduce_sum3A_405 = vector.multi_reduction <add>, %reduce_sum3A_403, %reduce_sum3A_404 [1, 2] : vector<1x1000x128xf32> to vector<1xf32>
    %reduce_sum3A_406 = vector.shape_cast %reduce_sum3A_405 : vector<1xf32> to vector<1x1x1xf32>
    %reduce_sum3A_407 = vector.extract %reduce_sum3A_406[0, 0, 0] : f32 from vector<1x1x1xf32>
    %add3A_408 = arith.addf %add3A_323, %reduce_sum3A_407 : f32
    %eq3A = arith.constant 0 : i32
    %eq3A_409 = arith.cmpi eq, %arg1, %eq3A : i32
    %convert_element_type3A_410 = arith.extui %eq3A_409 : i1 to i32
    %cond3A = arith.constant 0 : i32
    %cond3A_411 = arith.cmpi ne, %convert_element_type3A_410, %cond3A : i32
    scf.if %cond3A_411 {
      %swap3A = arith.constant 0 : index
      %swap3A_432 = arith.constant 0 : index
      %swap3A_433 = vector.load %arg12[%swap3A, %swap3A_432] : memref<1000x128xf32, #tpu.memory_space<vmem>>, vector<1000x128xf32>
      tpu.vector_store %arg12[%swap3A, %swap3A_432], %add3A_384 {strides = array<i32>} : memref<1000x128xf32, #tpu.memory_space<vmem>>, vector<1000x128xf32>,
    } else {
    }
    %gt3A = arith.constant 0 : i32
    %gt3A_412 = arith.cmpi sgt, %arg1, %gt3A : i32
    %convert_element_type3A_413 = arith.extui %gt3A_412 : i1 to i32
    %cond3A_414 = arith.constant 0 : i32
    %cond3A_415 = arith.cmpi ne, %convert_element_type3A_413, %cond3A_414 : i32
    scf.if %cond3A_415 {
      %get3A_432 = arith.constant 0 : index
      %get3A_433 = arith.constant 0 : index
      %get3A_434 = vector.load %arg12[%get3A_432, %get3A_433] : memref<1000x128xf32, #tpu.memory_space<vmem>>, vector<1000x128xf32>
      %add3A_435 = arith.addf %get3A_434, %add3A_384 : vector<1000x128xf32>
      %swap3A = arith.constant 0 : index
      %swap3A_436 = arith.constant 0 : index
      %swap3A_437 = vector.load %arg12[%swap3A, %swap3A_436] : memref<1000x128xf32, #tpu.memory_space<vmem>>, vector<1000x128xf32>
      tpu.vector_store %arg12[%swap3A, %swap3A_436], %add3A_435 {strides = array<i32>} : memref<1000x128xf32, #tpu.memory_space<vmem>>, vector<1000x128xf32>,
    } else {
    }
    %eq3A_416 = arith.constant 3 : i32
    %eq3A_417 = arith.cmpi eq, %arg1, %eq3A_416 : i32
    %convert_element_type3A_418 = arith.extui %eq3A_417 : i1 to i32
    %cond3A_419 = arith.constant 0 : i32
    %cond3A_420 = arith.cmpi ne, %convert_element_type3A_418, %cond3A_419 : i32
    scf.if %cond3A_420 {
      %get3A_432 = arith.constant 0 : index
      %get3A_433 = arith.constant 0 : index
      %get3A_434 = vector.load %arg12[%get3A_432, %get3A_433] : memref<1000x128xf32, #tpu.memory_space<vmem>>, vector<1000x128xf32>
      %mul3A_435 = arith.constant 2.500000e-01 : f32
      %mul3A_436 = vector.broadcast %mul3A_435 : f32 to vector<1000x128xf32>
      %mul3A_437 = arith.mulf %get3A_434, %mul3A_436 : vector<1000x128xf32>
      %swap3A = arith.constant 0 : index
      %swap3A_438 = arith.constant 0 : index
      %swap3A_439 = vector.load %arg12[%swap3A, %swap3A_438] : memref<1000x128xf32, #tpu.memory_space<vmem>>, vector<1000x128xf32>
      tpu.vector_store %arg12[%swap3A, %swap3A_438], %mul3A_437 {strides = array<i32>} : memref<1000x128xf32, #tpu.memory_space<vmem>>, vector<1000x128xf32>,
    } else {
    }
    %eq3A_421 = arith.constant 0 : i32
    %eq3A_422 = arith.cmpi eq, %arg0, %eq3A_421 : i32
    %eq3A_423 = arith.constant 0 : i32
    %eq3A_424 = arith.cmpi eq, %arg1, %eq3A_423 : i32
    %and3A = arith.andi %eq3A_422, %eq3A_424 : i1
    %convert_element_type3A_425 = arith.extui %and3A : i1 to i32
    %cond3A_426 = arith.constant 0 : i32
    %cond3A_427 = arith.cmpi ne, %convert_element_type3A_425, %cond3A_426 : i32
    scf.if %cond3A_427 {
      %swap3A = arith.constant 0 : index
      %swap3A_432 = arith.constant 0 : index
      %swap3A_433 = memref.load %arg13[%swap3A, %swap3A_432] : memref<1x1xf32, #tpu.memory_space<smem>>
      memref.store %add3A_408, %arg13[%swap3A, %swap3A_432] : memref<1x1xf32, #tpu.memory_space<smem>>
    } else {
    }
    %not3A = arith.constant true
    %not3A_428 = arith.xori %and3A, %not3A : i1
    %convert_element_type3A_429 = arith.extui %not3A_428 : i1 to i32
    %cond3A_430 = arith.constant 0 : i32
    %cond3A_431 = arith.cmpi ne, %convert_element_type3A_429, %cond3A_430 : i32
    scf.if %cond3A_431 {
      %get3A_432 = arith.constant 0 : index
      %get3A_433 = arith.constant 0 : index
      %get3A_434 = memref.load %arg13[%get3A_432, %get3A_433] : memref<1x1xf32, #tpu.memory_space<smem>>
      %add3A_435 = arith.addf %get3A_434, %add3A_408 : f32
      %swap3A = arith.constant 0 : index
      %swap3A_436 = arith.constant 0 : index
      %swap3A_437 = memref.load %arg13[%swap3A, %swap3A_436] : memref<1x1xf32, #tpu.memory_space<smem>>
      memref.store %add3A_435, %arg13[%swap3A, %swap3A_436] : memref<1x1xf32, #tpu.memory_space<smem>>
    } else {
    }
    return
  }
  func.func @transform_0(%arg0: i32, %arg1: i32) -> (i32, i32, i32) {
    %mul3A = arith.constant 10 : i32
    %mul3A_0 = arith.muli %arg1, %mul3A : i32
    %add3A = arith.addi %mul3A_0, %arg0 : i32
    %c0_i32 = arith.constant 0 : i32
    %c0_i32_1 = arith.constant 0 : i32
    %c0_i32_2 = arith.constant 0 : i32
    return %c0_i32, %add3A, %c0_i32_1 : i32, i32, i32
  }
  func.func @transform_1(%arg0: i32, %arg1: i32) -> (i32, i32) {
    %c0_i32 = arith.constant 0 : i32
    %c0_i32_0 = arith.constant 0 : i32
    return %arg0, %c0_i32 : i32, i32
  }
  func.func @transform_2(%arg0: i32, %arg1: i32) -> (i32, i32) {
    %c0_i32 = arith.constant 0 : i32
    %c0_i32_0 = arith.constant 0 : i32
    %c0_i32_1 = arith.constant 0 : i32
    return %c0_i32, %c0_i32_0 : i32, i32
  }
  func.func @transform_3(%arg0: i32, %arg1: i32) -> (i32, i32) {
    %c0_i32 = arith.constant 0 : i32
    %c0_i32_0 = arith.constant 0 : i32
    %c0_i32_1 = arith.constant 0 : i32
    return %c0_i32, %c0_i32_0 : i32, i32
  }
  func.func @transform_4(%arg0: i32, %arg1: i32) -> (i32, i32) {
    %c0_i32 = arith.constant 0 : i32
    %c0_i32_0 = arith.constant 0 : i32
    %c0_i32_1 = arith.constant 0 : i32
    return %c0_i32, %c0_i32_0 : i32, i32
  }
  func.func @transform_5(%arg0: i32, %arg1: i32) -> (i32, i32) {
    %c0_i32 = arith.constant 0 : i32
    %c0_i32_0 = arith.constant 0 : i32
    %c0_i32_1 = arith.constant 0 : i32
    return %c0_i32, %c0_i32_0 : i32, i32
  }
  func.func @transform_6(%arg0: i32, %arg1: i32) -> (i32, i32) {
    %c0_i32 = arith.constant 0 : i32
    %c0_i32_0 = arith.constant 0 : i32
    %c0_i32_1 = arith.constant 0 : i32
    return %c0_i32, %c0_i32_0 : i32, i32
  }
  func.func @transform_7(%arg0: i32, %arg1: i32) -> (i32, i32) {
    %c0_i32 = arith.constant 0 : i32
    %c0_i32_0 = arith.constant 0 : i32
    %c0_i32_1 = arith.constant 0 : i32
    return %c0_i32, %c0_i32_0 : i32, i32
  }
  func.func @transform_8(%arg0: i32, %arg1: i32) -> (i32, i32) {
    %c0_i32 = arith.constant 0 : i32
    %c0_i32_0 = arith.constant 0 : i32
    %c0_i32_1 = arith.constant 0 : i32
    return %c0_i32, %c0_i32_0 : i32, i32
  }
  func.func @transform_9(%arg0: i32, %arg1: i32) -> (i32, i32) {
    %c0_i32 = arith.constant 0 : i32
    %c0_i32_0 = arith.constant 0 : i32
    %c0_i32_1 = arith.constant 0 : i32
    return %c0_i32, %c0_i32_0 : i32, i32
  }
  func.func @transform_10(%arg0: i32, %arg1: i32) -> (i32, i32) {
    %c0_i32 = arith.constant 0 : i32
    %c0_i32_0 = arith.constant 0 : i32
    return %arg0, %c0_i32 : i32, i32
  }
  func.func @transform_11(%arg0: i32, %arg1: i32) -> (i32, i32) {
    %c0_i32 = arith.constant 0 : i32
    %c0_i32_0 = arith.constant 0 : i32
    %c0_i32_1 = arith.constant 0 : i32
    return %c0_i32, %c0_i32_0 : i32, i32
  }
}

module attributes {stable_mosaic.version = 14 : i64} {
  func.func @_gru1_body(%arg0: i32, %arg1: i32, %arg2: memref<4x1000x128xf32, #tpu.memory_space<vmem>>, %arg3: memref<1000x64xf32, #tpu.memory_space<vmem>>, %arg4: memref<1000x128xf32, #tpu.memory_space<vmem>>, %arg5: memref<256x256xbf16, #tpu.memory_space<vmem>>, %arg6: memref<128x128xbf16, #tpu.memory_space<vmem>>, %arg7: memref<128x128xbf16, #tpu.memory_space<vmem>>, %arg8: memref<1x256xf32, #tpu.memory_space<vmem>>, %arg9: memref<1x128xf32, #tpu.memory_space<vmem>>, %arg10: memref<1x128xf32, #tpu.memory_space<vmem>>, %arg11: memref<128x128xbf16, #tpu.memory_space<vmem>>, %arg12: memref<1x128xf32, #tpu.memory_space<vmem>>, %arg13: memref<128x40xf32, #tpu.memory_space<vmem>>, %arg14: memref<1x40xf32, #tpu.memory_space<vmem>>, %arg15: memref<1x1000x40xf32, #tpu.memory_space<vmem>>, %arg16: memref<1x1xf32, #tpu.memory_space<smem>>) attributes {dimension_semantics = [#tpu.dimension_semantics<arbitrary>, #tpu.dimension_semantics<arbitrary>], iteration_bounds = array<i64: 10, 4>, scalar_prefetch = 0 : i64, scratch_operands = 0 : i64, tpu.core_type = #tpu.core_type<tc>, window_params = [{transform_indices = @transform_0, window_bounds = array<i64: 4, 1000, 128>}, {transform_indices = @transform_1, window_bounds = array<i64: 1000, 64>}, {transform_indices = @transform_2, window_bounds = array<i64: 1000, 128>}, {pipeline_mode = #tpu.pipeline_mode<synchronous>, transform_indices = @transform_3, window_bounds = array<i64: 256, 256>}, {pipeline_mode = #tpu.pipeline_mode<synchronous>, transform_indices = @transform_4, window_bounds = array<i64: 128, 128>}, {pipeline_mode = #tpu.pipeline_mode<synchronous>, transform_indices = @transform_5, window_bounds = array<i64: 128, 128>}, {pipeline_mode = #tpu.pipeline_mode<synchronous>, transform_indices = @transform_6, window_bounds = array<i64: 1, 256>}, {pipeline_mode = #tpu.pipeline_mode<synchronous>, transform_indices = @transform_7, window_bounds = array<i64: 1, 128>}, {pipeline_mode = #tpu.pipeline_mode<synchronous>, transform_indices = @transform_8, window_bounds = array<i64: 1, 128>}, {pipeline_mode = #tpu.pipeline_mode<synchronous>, transform_indices = @transform_9, window_bounds = array<i64: 128, 128>}, {pipeline_mode = #tpu.pipeline_mode<synchronous>, transform_indices = @transform_10, window_bounds = array<i64: 1, 128>}, {pipeline_mode = #tpu.pipeline_mode<synchronous>, transform_indices = @transform_11, window_bounds = array<i64: 128, 40>}, {pipeline_mode = #tpu.pipeline_mode<synchronous>, transform_indices = @transform_12, window_bounds = array<i64: 1, 40>}, {transform_indices = @transform_13, window_bounds = array<i64: 1, 1000, 40>}, {transform_indices = @transform_14, window_bounds = array<i64: 1, 1>}]} {
    %get3A = arith.constant 0 : index
    %get3A_0 = arith.constant 0 : index
    %get3A_1 = vector.load %arg4[%get3A, %get3A_0] : memref<1000x128xf32, #tpu.memory_space<vmem>>, vector<1000x128xf32>
    %get3A_2 = arith.constant 0 : index
    %get3A_3 = arith.constant 0 : index
    %get3A_4 = vector.load %arg3[%get3A_2, %get3A_3] : memref<1000x64xf32, #tpu.memory_space<vmem>>, vector<1000x64xf32>
    %bitcast_convert_type3A = tpu.bitcast %get3A_4 : vector<1000x64xf32> -> vector<1000x64xi32>
    %shift_left3A = arith.constant 16 : i32
    %shift_left3A_5 = vector.broadcast %shift_left3A : i32 to vector<1000x64xi32>
    %shift_left3A_6 = arith.shli %bitcast_convert_type3A, %shift_left3A_5 : vector<1000x64xi32>
    %bitcast_convert_type3A_7 = tpu.bitcast %shift_left3A_6 : vector<1000x64xi32> -> vector<1000x64xf32>
    %and3A = arith.constant -65536 : i32
    %and3A_8 = vector.broadcast %and3A : i32 to vector<1000x64xi32>
    %and3A_9 = arith.andi %bitcast_convert_type3A, %and3A_8 : vector<1000x64xi32>
    %bitcast_convert_type3A_10 = tpu.bitcast %and3A_9 : vector<1000x64xi32> -> vector<1000x64xf32>
    %concatenate3A = tpu.concatenate %bitcast_convert_type3A_7, %bitcast_convert_type3A_10 in 1 : vector<1000x64xf32>, vector<1000x64xf32> -> vector<1000x128xf32>
    %convert_element_type3A = arith.truncf %concatenate3A : vector<1000x128xf32> to vector<1000x128xbf16>
    %broadcast_in_dim3A = arith.constant 0.000000e+00 : f32
    %broadcast_in_dim3A_11 = vector.broadcast %broadcast_in_dim3A : f32 to vector<1000x128xf32>
    %convert_element_type3A_12 = arith.truncf %broadcast_in_dim3A_11 : vector<1000x128xf32> to vector<1000x128xbf16>
    %concatenate3A_13 = tpu.concatenate %convert_element_type3A, %convert_element_type3A_12 in 1 : vector<1000x128xbf16>, vector<1000x128xbf16> -> vector<1000x256xbf16>
    %get3A_14 = arith.constant 0 : index
    %get3A_15 = arith.constant 0 : index
    %get3A_16 = vector.load %arg5[%get3A_14, %get3A_15] : memref<256x256xbf16, #tpu.memory_space<vmem>>, vector<256x256xbf16>
    %dot_general3A = arith.constant dense<0.000000e+00> : vector<1000x256xf32>
    %dot_general3A_17 = tpu.matmul %concatenate3A_13, %get3A_16, %dot_general3A {dimension_numbers = #tpu.dot_dimension_numbers<[1], [0], [0], [1], [0, 0, 1, 1], [], []>, transpose_lhs_hint = false} : vector<1000x256xbf16>, vector<256x256xbf16>, vector<1000x256xf32> -> vector<1000x256xf32>
    %get3A_18 = arith.constant 0 : index
    %get3A_19 = arith.constant 0 : index
    %get3A_20 = vector.load %arg8[%get3A_18, %get3A_19] : memref<1x256xf32, #tpu.memory_space<vmem>>, vector<1x256xf32>
    %add3A = vector.broadcast %get3A_20 : vector<1x256xf32> to vector<1000x256xf32>
    %add3A_21 = arith.addf %dot_general3A_17, %add3A : vector<1000x256xf32>
    %slice3A = vector.extract_strided_slice %add3A_21 {offsets = [0, 0], sizes = [1000, 128], strides = [1, 1]} : vector<1000x256xf32> to vector<1000x128xf32>
    %logistic3A = arith.negf %slice3A : vector<1000x128xf32>
    %logistic3A_22 = math.exp %logistic3A : vector<1000x128xf32>
    %logistic3A_23 = arith.constant 1.000000e+00 : f32
    %logistic3A_24 = vector.broadcast %logistic3A_23 : f32 to vector<1000x128xf32>
    %logistic3A_25 = arith.addf %logistic3A_24, %logistic3A_22 : vector<1000x128xf32>
    %logistic3A_26 = arith.divf %logistic3A_24, %logistic3A_25 : vector<1000x128xf32>
    %slice3A_27 = vector.extract_strided_slice %add3A_21 {offsets = [0, 128], sizes = [1000, 128], strides = [1, 1]} : vector<1000x256xf32> to vector<1000x128xf32>
    %logistic3A_28 = arith.negf %slice3A_27 : vector<1000x128xf32>
    %logistic3A_29 = math.exp %logistic3A_28 : vector<1000x128xf32>
    %logistic3A_30 = arith.constant 1.000000e+00 : f32
    %logistic3A_31 = vector.broadcast %logistic3A_30 : f32 to vector<1000x128xf32>
    %logistic3A_32 = arith.addf %logistic3A_31, %logistic3A_29 : vector<1000x128xf32>
    %logistic3A_33 = arith.divf %logistic3A_31, %logistic3A_32 : vector<1000x128xf32>
    %get3A_34 = arith.constant 0 : index
    %get3A_35 = arith.constant 0 : index
    %get3A_36 = vector.load %arg6[%get3A_34, %get3A_35] : memref<128x128xbf16, #tpu.memory_space<vmem>>, vector<128x128xbf16>
    %dot_general3A_37 = arith.constant dense<0.000000e+00> : vector<1000x128xf32>
    %dot_general3A_38 = tpu.matmul %convert_element_type3A, %get3A_36, %dot_general3A_37 {dimension_numbers = #tpu.dot_dimension_numbers<[1], [0], [0], [1], [0, 0, 1, 1], [], []>, transpose_lhs_hint = false} : vector<1000x128xbf16>, vector<128x128xbf16>, vector<1000x128xf32> -> vector<1000x128xf32>
    %get3A_39 = arith.constant 0 : index
    %get3A_40 = arith.constant 0 : index
    %get3A_41 = vector.load %arg9[%get3A_39, %get3A_40] : memref<1x128xf32, #tpu.memory_space<vmem>>, vector<1x128xf32>
    %add3A_42 = vector.broadcast %get3A_41 : vector<1x128xf32> to vector<1000x128xf32>
    %add3A_43 = arith.addf %dot_general3A_38, %add3A_42 : vector<1000x128xf32>
    %get3A_44 = arith.constant 0 : index
    %get3A_45 = arith.constant 0 : index
    %get3A_46 = vector.load %arg7[%get3A_44, %get3A_45] : memref<128x128xbf16, #tpu.memory_space<vmem>>, vector<128x128xbf16>
    %dot_general3A_47 = arith.constant dense<0.000000e+00> : vector<1000x128xf32>
    %dot_general3A_48 = tpu.matmul %convert_element_type3A_12, %get3A_46, %dot_general3A_47 {dimension_numbers = #tpu.dot_dimension_numbers<[1], [0], [0], [1], [0, 0, 1, 1], [], []>, transpose_lhs_hint = false} : vector<1000x128xbf16>, vector<128x128xbf16>, vector<1000x128xf32> -> vector<1000x128xf32>
    %get3A_49 = arith.constant 0 : index
    %get3A_50 = arith.constant 0 : index
    %get3A_51 = vector.load %arg10[%get3A_49, %get3A_50] : memref<1x128xf32, #tpu.memory_space<vmem>>, vector<1x128xf32>
    %add3A_52 = vector.broadcast %get3A_51 : vector<1x128xf32> to vector<1000x128xf32>
    %add3A_53 = arith.addf %dot_general3A_48, %add3A_52 : vector<1000x128xf32>
    %mul3A = arith.mulf %logistic3A_26, %add3A_53 : vector<1000x128xf32>
    %add3A_54 = arith.addf %add3A_43, %mul3A : vector<1000x128xf32>
    %tanh3A = math.tanh %add3A_54 : vector<1000x128xf32>
    %sub3A = arith.constant 1.000000e+00 : f32
    %sub3A_55 = vector.broadcast %sub3A : f32 to vector<1000x128xf32>
    %sub3A_56 = arith.subf %sub3A_55, %logistic3A_33 : vector<1000x128xf32>
    %mul3A_57 = arith.mulf %sub3A_56, %tanh3A : vector<1000x128xf32>
    %mul3A_58 = arith.mulf %logistic3A_33, %broadcast_in_dim3A_11 : vector<1000x128xf32>
    %add3A_59 = arith.addf %mul3A_57, %mul3A_58 : vector<1000x128xf32>
    %convert_element_type3A_60 = arith.truncf %add3A_59 : vector<1000x128xf32> to vector<1000x128xbf16>
    %get3A_61 = arith.constant 0 : index
    %get3A_62 = arith.constant 0 : index
    %get3A_63 = vector.load %arg11[%get3A_61, %get3A_62] : memref<128x128xbf16, #tpu.memory_space<vmem>>, vector<128x128xbf16>
    %dot_general3A_64 = arith.constant dense<0.000000e+00> : vector<1000x128xf32>
    %dot_general3A_65 = tpu.matmul %convert_element_type3A_60, %get3A_63, %dot_general3A_64 {dimension_numbers = #tpu.dot_dimension_numbers<[1], [0], [0], [1], [0, 0, 1, 1], [], []>, transpose_lhs_hint = false} : vector<1000x128xbf16>, vector<128x128xbf16>, vector<1000x128xf32> -> vector<1000x128xf32>
    %get3A_66 = arith.constant 0 : index
    %get3A_67 = arith.constant 0 : index
    %get3A_68 = vector.load %arg12[%get3A_66, %get3A_67] : memref<1x128xf32, #tpu.memory_space<vmem>>, vector<1x128xf32>
    %add3A_69 = vector.broadcast %get3A_68 : vector<1x128xf32> to vector<1000x128xf32>
    %add3A_70 = arith.addf %dot_general3A_65, %add3A_69 : vector<1000x128xf32>
    %sub3A_71 = arith.subf %add3A_70, %get3A_1 : vector<1000x128xf32>
    %mul3A_72 = arith.mulf %sub3A_71, %sub3A_71 : vector<1000x128xf32>
    %reduce_sum3A = vector.shape_cast %mul3A_72 : vector<1000x128xf32> to vector<1x1000x128xf32>
    %reduce_sum3A_73 = arith.constant dense<0.000000e+00> : vector<1xf32>
    %reduce_sum3A_74 = vector.multi_reduction <add>, %reduce_sum3A, %reduce_sum3A_73 [1, 2] : vector<1x1000x128xf32> to vector<1xf32>
    %reduce_sum3A_75 = vector.shape_cast %reduce_sum3A_74 : vector<1xf32> to vector<1x1x1xf32>
    %reduce_sum3A_76 = vector.extract %reduce_sum3A_75[0, 0, 0] : f32 from vector<1x1x1xf32>
    %add3A_77 = arith.constant 0.000000e+00 : f32
    %add3A_78 = arith.addf %add3A_77, %reduce_sum3A_76 : f32
    %get3A_79 = arith.constant 0 : index
    %get3A_80 = arith.constant 0 : index
    %get3A_81 = arith.constant 0 : index
    %get3A_82 = vector.load %arg2[%get3A_79, %get3A_80, %get3A_81] : memref<4x1000x128xf32, #tpu.memory_space<vmem>>, vector<1x1000x128xf32>
    %get3A_83 = vector.shape_cast %get3A_82 : vector<1x1000x128xf32> to vector<1000x128xf32>
    %slice3A_84 = vector.extract_strided_slice %get3A_83 {offsets = [0, 64], sizes = [1000, 64], strides = [1, 1]} : vector<1000x128xf32> to vector<1000x64xf32>
    %bitcast_convert_type3A_85 = tpu.bitcast %slice3A_84 : vector<1000x64xf32> -> vector<1000x64xi32>
    %shift_left3A_86 = arith.constant 16 : i32
    %shift_left3A_87 = vector.broadcast %shift_left3A_86 : i32 to vector<1000x64xi32>
    %shift_left3A_88 = arith.shli %bitcast_convert_type3A_85, %shift_left3A_87 : vector<1000x64xi32>
    %bitcast_convert_type3A_89 = tpu.bitcast %shift_left3A_88 : vector<1000x64xi32> -> vector<1000x64xf32>
    %and3A_90 = arith.constant -65536 : i32
    %and3A_91 = vector.broadcast %and3A_90 : i32 to vector<1000x64xi32>
    %and3A_92 = arith.andi %bitcast_convert_type3A_85, %and3A_91 : vector<1000x64xi32>
    %bitcast_convert_type3A_93 = tpu.bitcast %and3A_92 : vector<1000x64xi32> -> vector<1000x64xf32>
    %concatenate3A_94 = tpu.concatenate %bitcast_convert_type3A_89, %bitcast_convert_type3A_93 in 1 : vector<1000x64xf32>, vector<1000x64xf32> -> vector<1000x128xf32>
    %convert_element_type3A_95 = arith.truncf %concatenate3A_94 : vector<1000x128xf32> to vector<1000x128xbf16>
    %convert_element_type3A_96 = arith.truncf %add3A_59 : vector<1000x128xf32> to vector<1000x128xbf16>
    %concatenate3A_97 = tpu.concatenate %convert_element_type3A_95, %convert_element_type3A_96 in 1 : vector<1000x128xbf16>, vector<1000x128xbf16> -> vector<1000x256xbf16>
    %get3A_98 = arith.constant 0 : index
    %get3A_99 = arith.constant 0 : index
    %get3A_100 = vector.load %arg5[%get3A_98, %get3A_99] : memref<256x256xbf16, #tpu.memory_space<vmem>>, vector<256x256xbf16>
    %dot_general3A_101 = arith.constant dense<0.000000e+00> : vector<1000x256xf32>
    %dot_general3A_102 = tpu.matmul %concatenate3A_97, %get3A_100, %dot_general3A_101 {dimension_numbers = #tpu.dot_dimension_numbers<[1], [0], [0], [1], [0, 0, 1, 1], [], []>, transpose_lhs_hint = false} : vector<1000x256xbf16>, vector<256x256xbf16>, vector<1000x256xf32> -> vector<1000x256xf32>
    %get3A_103 = arith.constant 0 : index
    %get3A_104 = arith.constant 0 : index
    %get3A_105 = vector.load %arg8[%get3A_103, %get3A_104] : memref<1x256xf32, #tpu.memory_space<vmem>>, vector<1x256xf32>
    %add3A_106 = vector.broadcast %get3A_105 : vector<1x256xf32> to vector<1000x256xf32>
    %add3A_107 = arith.addf %dot_general3A_102, %add3A_106 : vector<1000x256xf32>
    %slice3A_108 = vector.extract_strided_slice %add3A_107 {offsets = [0, 0], sizes = [1000, 128], strides = [1, 1]} : vector<1000x256xf32> to vector<1000x128xf32>
    %logistic3A_109 = arith.negf %slice3A_108 : vector<1000x128xf32>
    %logistic3A_110 = math.exp %logistic3A_109 : vector<1000x128xf32>
    %logistic3A_111 = arith.constant 1.000000e+00 : f32
    %logistic3A_112 = vector.broadcast %logistic3A_111 : f32 to vector<1000x128xf32>
    %logistic3A_113 = arith.addf %logistic3A_112, %logistic3A_110 : vector<1000x128xf32>
    %logistic3A_114 = arith.divf %logistic3A_112, %logistic3A_113 : vector<1000x128xf32>
    %slice3A_115 = vector.extract_strided_slice %add3A_107 {offsets = [0, 128], sizes = [1000, 128], strides = [1, 1]} : vector<1000x256xf32> to vector<1000x128xf32>
    %logistic3A_116 = arith.negf %slice3A_115 : vector<1000x128xf32>
    %logistic3A_117 = math.exp %logistic3A_116 : vector<1000x128xf32>
    %logistic3A_118 = arith.constant 1.000000e+00 : f32
    %logistic3A_119 = vector.broadcast %logistic3A_118 : f32 to vector<1000x128xf32>
    %logistic3A_120 = arith.addf %logistic3A_119, %logistic3A_117 : vector<1000x128xf32>
    %logistic3A_121 = arith.divf %logistic3A_119, %logistic3A_120 : vector<1000x128xf32>
    %get3A_122 = arith.constant 0 : index
    %get3A_123 = arith.constant 0 : index
    %get3A_124 = vector.load %arg6[%get3A_122, %get3A_123] : memref<128x128xbf16, #tpu.memory_space<vmem>>, vector<128x128xbf16>
    %dot_general3A_125 = arith.constant dense<0.000000e+00> : vector<1000x128xf32>
    %dot_general3A_126 = tpu.matmul %convert_element_type3A_95, %get3A_124, %dot_general3A_125 {dimension_numbers = #tpu.dot_dimension_numbers<[1], [0], [0], [1], [0, 0, 1, 1], [], []>, transpose_lhs_hint = false} : vector<1000x128xbf16>, vector<128x128xbf16>, vector<1000x128xf32> -> vector<1000x128xf32>
    %get3A_127 = arith.constant 0 : index
    %get3A_128 = arith.constant 0 : index
    %get3A_129 = vector.load %arg9[%get3A_127, %get3A_128] : memref<1x128xf32, #tpu.memory_space<vmem>>, vector<1x128xf32>
    %add3A_130 = vector.broadcast %get3A_129 : vector<1x128xf32> to vector<1000x128xf32>
    %add3A_131 = arith.addf %dot_general3A_126, %add3A_130 : vector<1000x128xf32>
    %get3A_132 = arith.constant 0 : index
    %get3A_133 = arith.constant 0 : index
    %get3A_134 = vector.load %arg7[%get3A_132, %get3A_133] : memref<128x128xbf16, #tpu.memory_space<vmem>>, vector<128x128xbf16>
    %dot_general3A_135 = arith.constant dense<0.000000e+00> : vector<1000x128xf32>
    %dot_general3A_136 = tpu.matmul %convert_element_type3A_96, %get3A_134, %dot_general3A_135 {dimension_numbers = #tpu.dot_dimension_numbers<[1], [0], [0], [1], [0, 0, 1, 1], [], []>, transpose_lhs_hint = false} : vector<1000x128xbf16>, vector<128x128xbf16>, vector<1000x128xf32> -> vector<1000x128xf32>
    %get3A_137 = arith.constant 0 : index
    %get3A_138 = arith.constant 0 : index
    %get3A_139 = vector.load %arg10[%get3A_137, %get3A_138] : memref<1x128xf32, #tpu.memory_space<vmem>>, vector<1x128xf32>
    %add3A_140 = vector.broadcast %get3A_139 : vector<1x128xf32> to vector<1000x128xf32>
    %add3A_141 = arith.addf %dot_general3A_136, %add3A_140 : vector<1000x128xf32>
    %mul3A_142 = arith.mulf %logistic3A_114, %add3A_141 : vector<1000x128xf32>
    %add3A_143 = arith.addf %add3A_131, %mul3A_142 : vector<1000x128xf32>
    %tanh3A_144 = math.tanh %add3A_143 : vector<1000x128xf32>
    %sub3A_145 = arith.constant 1.000000e+00 : f32
    %sub3A_146 = vector.broadcast %sub3A_145 : f32 to vector<1000x128xf32>
    %sub3A_147 = arith.subf %sub3A_146, %logistic3A_121 : vector<1000x128xf32>
    %mul3A_148 = arith.mulf %sub3A_147, %tanh3A_144 : vector<1000x128xf32>
    %mul3A_149 = arith.mulf %logistic3A_121, %add3A_59 : vector<1000x128xf32>
    %add3A_150 = arith.addf %mul3A_148, %mul3A_149 : vector<1000x128xf32>
    %convert_element_type3A_151 = arith.truncf %add3A_150 : vector<1000x128xf32> to vector<1000x128xbf16>
    %get3A_152 = arith.constant 0 : index
    %get3A_153 = arith.constant 0 : index
    %get3A_154 = vector.load %arg11[%get3A_152, %get3A_153] : memref<128x128xbf16, #tpu.memory_space<vmem>>, vector<128x128xbf16>
    %dot_general3A_155 = arith.constant dense<0.000000e+00> : vector<1000x128xf32>
    %dot_general3A_156 = tpu.matmul %convert_element_type3A_151, %get3A_154, %dot_general3A_155 {dimension_numbers = #tpu.dot_dimension_numbers<[1], [0], [0], [1], [0, 0, 1, 1], [], []>, transpose_lhs_hint = false} : vector<1000x128xbf16>, vector<128x128xbf16>, vector<1000x128xf32> -> vector<1000x128xf32>
    %get3A_157 = arith.constant 0 : index
    %get3A_158 = arith.constant 0 : index
    %get3A_159 = vector.load %arg12[%get3A_157, %get3A_158] : memref<1x128xf32, #tpu.memory_space<vmem>>, vector<1x128xf32>
    %add3A_160 = vector.broadcast %get3A_159 : vector<1x128xf32> to vector<1000x128xf32>
    %add3A_161 = arith.addf %dot_general3A_156, %add3A_160 : vector<1000x128xf32>
    %get3A_162 = arith.constant 0 : index
    %get3A_163 = arith.constant 0 : index
    %get3A_164 = arith.constant 0 : index
    %get3A_165 = vector.load %arg2[%get3A_162, %get3A_163, %get3A_164] : memref<4x1000x128xf32, #tpu.memory_space<vmem>>, vector<1x1000x128xf32>
    %get3A_166 = vector.shape_cast %get3A_165 : vector<1x1000x128xf32> to vector<1000x128xf32>
    %slice3A_167 = vector.extract_strided_slice %get3A_166 {offsets = [0, 0], sizes = [1000, 64], strides = [1, 1]} : vector<1000x128xf32> to vector<1000x64xf32>
    %bitcast_convert_type3A_168 = tpu.bitcast %slice3A_167 : vector<1000x64xf32> -> vector<1000x64xi32>
    %shift_left3A_169 = arith.constant 16 : i32
    %shift_left3A_170 = vector.broadcast %shift_left3A_169 : i32 to vector<1000x64xi32>
    %shift_left3A_171 = arith.shli %bitcast_convert_type3A_168, %shift_left3A_170 : vector<1000x64xi32>
    %bitcast_convert_type3A_172 = tpu.bitcast %shift_left3A_171 : vector<1000x64xi32> -> vector<1000x64xf32>
    %and3A_173 = arith.constant -65536 : i32
    %and3A_174 = vector.broadcast %and3A_173 : i32 to vector<1000x64xi32>
    %and3A_175 = arith.andi %bitcast_convert_type3A_168, %and3A_174 : vector<1000x64xi32>
    %bitcast_convert_type3A_176 = tpu.bitcast %and3A_175 : vector<1000x64xi32> -> vector<1000x64xf32>
    %concatenate3A_177 = tpu.concatenate %bitcast_convert_type3A_172, %bitcast_convert_type3A_176 in 1 : vector<1000x64xf32>, vector<1000x64xf32> -> vector<1000x128xf32>
    %sub3A_178 = arith.subf %add3A_161, %concatenate3A_177 : vector<1000x128xf32>
    %mul3A_179 = arith.mulf %sub3A_178, %sub3A_178 : vector<1000x128xf32>
    %reduce_sum3A_180 = vector.shape_cast %mul3A_179 : vector<1000x128xf32> to vector<1x1000x128xf32>
    %reduce_sum3A_181 = arith.constant dense<0.000000e+00> : vector<1xf32>
    %reduce_sum3A_182 = vector.multi_reduction <add>, %reduce_sum3A_180, %reduce_sum3A_181 [1, 2] : vector<1x1000x128xf32> to vector<1xf32>
    %reduce_sum3A_183 = vector.shape_cast %reduce_sum3A_182 : vector<1xf32> to vector<1x1x1xf32>
    %reduce_sum3A_184 = vector.extract %reduce_sum3A_183[0, 0, 0] : f32 from vector<1x1x1xf32>
    %add3A_185 = arith.addf %add3A_78, %reduce_sum3A_184 : f32
    %get3A_186 = arith.constant 1 : index
    %get3A_187 = arith.constant 0 : index
    %get3A_188 = arith.constant 0 : index
    %get3A_189 = vector.load %arg2[%get3A_186, %get3A_187, %get3A_188] : memref<4x1000x128xf32, #tpu.memory_space<vmem>>, vector<1x1000x128xf32>
    %get3A_190 = vector.shape_cast %get3A_189 : vector<1x1000x128xf32> to vector<1000x128xf32>
    %slice3A_191 = vector.extract_strided_slice %get3A_190 {offsets = [0, 64], sizes = [1000, 64], strides = [1, 1]} : vector<1000x128xf32> to vector<1000x64xf32>
    %bitcast_convert_type3A_192 = tpu.bitcast %slice3A_191 : vector<1000x64xf32> -> vector<1000x64xi32>
    %shift_left3A_193 = arith.constant 16 : i32
    %shift_left3A_194 = vector.broadcast %shift_left3A_193 : i32 to vector<1000x64xi32>
    %shift_left3A_195 = arith.shli %bitcast_convert_type3A_192, %shift_left3A_194 : vector<1000x64xi32>
    %bitcast_convert_type3A_196 = tpu.bitcast %shift_left3A_195 : vector<1000x64xi32> -> vector<1000x64xf32>
    %and3A_197 = arith.constant -65536 : i32
    %and3A_198 = vector.broadcast %and3A_197 : i32 to vector<1000x64xi32>
    %and3A_199 = arith.andi %bitcast_convert_type3A_192, %and3A_198 : vector<1000x64xi32>
    %bitcast_convert_type3A_200 = tpu.bitcast %and3A_199 : vector<1000x64xi32> -> vector<1000x64xf32>
    %concatenate3A_201 = tpu.concatenate %bitcast_convert_type3A_196, %bitcast_convert_type3A_200 in 1 : vector<1000x64xf32>, vector<1000x64xf32> -> vector<1000x128xf32>
    %convert_element_type3A_202 = arith.truncf %concatenate3A_201 : vector<1000x128xf32> to vector<1000x128xbf16>
    %convert_element_type3A_203 = arith.truncf %add3A_150 : vector<1000x128xf32> to vector<1000x128xbf16>
    %concatenate3A_204 = tpu.concatenate %convert_element_type3A_202, %convert_element_type3A_203 in 1 : vector<1000x128xbf16>, vector<1000x128xbf16> -> vector<1000x256xbf16>
    %get3A_205 = arith.constant 0 : index
    %get3A_206 = arith.constant 0 : index
    %get3A_207 = vector.load %arg5[%get3A_205, %get3A_206] : memref<256x256xbf16, #tpu.memory_space<vmem>>, vector<256x256xbf16>
    %dot_general3A_208 = arith.constant dense<0.000000e+00> : vector<1000x256xf32>
    %dot_general3A_209 = tpu.matmul %concatenate3A_204, %get3A_207, %dot_general3A_208 {dimension_numbers = #tpu.dot_dimension_numbers<[1], [0], [0], [1], [0, 0, 1, 1], [], []>, transpose_lhs_hint = false} : vector<1000x256xbf16>, vector<256x256xbf16>, vector<1000x256xf32> -> vector<1000x256xf32>
    %get3A_210 = arith.constant 0 : index
    %get3A_211 = arith.constant 0 : index
    %get3A_212 = vector.load %arg8[%get3A_210, %get3A_211] : memref<1x256xf32, #tpu.memory_space<vmem>>, vector<1x256xf32>
    %add3A_213 = vector.broadcast %get3A_212 : vector<1x256xf32> to vector<1000x256xf32>
    %add3A_214 = arith.addf %dot_general3A_209, %add3A_213 : vector<1000x256xf32>
    %slice3A_215 = vector.extract_strided_slice %add3A_214 {offsets = [0, 0], sizes = [1000, 128], strides = [1, 1]} : vector<1000x256xf32> to vector<1000x128xf32>
    %logistic3A_216 = arith.negf %slice3A_215 : vector<1000x128xf32>
    %logistic3A_217 = math.exp %logistic3A_216 : vector<1000x128xf32>
    %logistic3A_218 = arith.constant 1.000000e+00 : f32
    %logistic3A_219 = vector.broadcast %logistic3A_218 : f32 to vector<1000x128xf32>
    %logistic3A_220 = arith.addf %logistic3A_219, %logistic3A_217 : vector<1000x128xf32>
    %logistic3A_221 = arith.divf %logistic3A_219, %logistic3A_220 : vector<1000x128xf32>
    %slice3A_222 = vector.extract_strided_slice %add3A_214 {offsets = [0, 128], sizes = [1000, 128], strides = [1, 1]} : vector<1000x256xf32> to vector<1000x128xf32>
    %logistic3A_223 = arith.negf %slice3A_222 : vector<1000x128xf32>
    %logistic3A_224 = math.exp %logistic3A_223 : vector<1000x128xf32>
    %logistic3A_225 = arith.constant 1.000000e+00 : f32
    %logistic3A_226 = vector.broadcast %logistic3A_225 : f32 to vector<1000x128xf32>
    %logistic3A_227 = arith.addf %logistic3A_226, %logistic3A_224 : vector<1000x128xf32>
    %logistic3A_228 = arith.divf %logistic3A_226, %logistic3A_227 : vector<1000x128xf32>
    %get3A_229 = arith.constant 0 : index
    %get3A_230 = arith.constant 0 : index
    %get3A_231 = vector.load %arg6[%get3A_229, %get3A_230] : memref<128x128xbf16, #tpu.memory_space<vmem>>, vector<128x128xbf16>
    %dot_general3A_232 = arith.constant dense<0.000000e+00> : vector<1000x128xf32>
    %dot_general3A_233 = tpu.matmul %convert_element_type3A_202, %get3A_231, %dot_general3A_232 {dimension_numbers = #tpu.dot_dimension_numbers<[1], [0], [0], [1], [0, 0, 1, 1], [], []>, transpose_lhs_hint = false} : vector<1000x128xbf16>, vector<128x128xbf16>, vector<1000x128xf32> -> vector<1000x128xf32>
    %get3A_234 = arith.constant 0 : index
    %get3A_235 = arith.constant 0 : index
    %get3A_236 = vector.load %arg9[%get3A_234, %get3A_235] : memref<1x128xf32, #tpu.memory_space<vmem>>, vector<1x128xf32>
    %add3A_237 = vector.broadcast %get3A_236 : vector<1x128xf32> to vector<1000x128xf32>
    %add3A_238 = arith.addf %dot_general3A_233, %add3A_237 : vector<1000x128xf32>
    %get3A_239 = arith.constant 0 : index
    %get3A_240 = arith.constant 0 : index
    %get3A_241 = vector.load %arg7[%get3A_239, %get3A_240] : memref<128x128xbf16, #tpu.memory_space<vmem>>, vector<128x128xbf16>
    %dot_general3A_242 = arith.constant dense<0.000000e+00> : vector<1000x128xf32>
    %dot_general3A_243 = tpu.matmul %convert_element_type3A_203, %get3A_241, %dot_general3A_242 {dimension_numbers = #tpu.dot_dimension_numbers<[1], [0], [0], [1], [0, 0, 1, 1], [], []>, transpose_lhs_hint = false} : vector<1000x128xbf16>, vector<128x128xbf16>, vector<1000x128xf32> -> vector<1000x128xf32>
    %get3A_244 = arith.constant 0 : index
    %get3A_245 = arith.constant 0 : index
    %get3A_246 = vector.load %arg10[%get3A_244, %get3A_245] : memref<1x128xf32, #tpu.memory_space<vmem>>, vector<1x128xf32>
    %add3A_247 = vector.broadcast %get3A_246 : vector<1x128xf32> to vector<1000x128xf32>
    %add3A_248 = arith.addf %dot_general3A_243, %add3A_247 : vector<1000x128xf32>
    %mul3A_249 = arith.mulf %logistic3A_221, %add3A_248 : vector<1000x128xf32>
    %add3A_250 = arith.addf %add3A_238, %mul3A_249 : vector<1000x128xf32>
    %tanh3A_251 = math.tanh %add3A_250 : vector<1000x128xf32>
    %sub3A_252 = arith.constant 1.000000e+00 : f32
    %sub3A_253 = vector.broadcast %sub3A_252 : f32 to vector<1000x128xf32>
    %sub3A_254 = arith.subf %sub3A_253, %logistic3A_228 : vector<1000x128xf32>
    %mul3A_255 = arith.mulf %sub3A_254, %tanh3A_251 : vector<1000x128xf32>
    %mul3A_256 = arith.mulf %logistic3A_228, %add3A_150 : vector<1000x128xf32>
    %add3A_257 = arith.addf %mul3A_255, %mul3A_256 : vector<1000x128xf32>
    %convert_element_type3A_258 = arith.truncf %add3A_257 : vector<1000x128xf32> to vector<1000x128xbf16>
    %get3A_259 = arith.constant 0 : index
    %get3A_260 = arith.constant 0 : index
    %get3A_261 = vector.load %arg11[%get3A_259, %get3A_260] : memref<128x128xbf16, #tpu.memory_space<vmem>>, vector<128x128xbf16>
    %dot_general3A_262 = arith.constant dense<0.000000e+00> : vector<1000x128xf32>
    %dot_general3A_263 = tpu.matmul %convert_element_type3A_258, %get3A_261, %dot_general3A_262 {dimension_numbers = #tpu.dot_dimension_numbers<[1], [0], [0], [1], [0, 0, 1, 1], [], []>, transpose_lhs_hint = false} : vector<1000x128xbf16>, vector<128x128xbf16>, vector<1000x128xf32> -> vector<1000x128xf32>
    %get3A_264 = arith.constant 0 : index
    %get3A_265 = arith.constant 0 : index
    %get3A_266 = vector.load %arg12[%get3A_264, %get3A_265] : memref<1x128xf32, #tpu.memory_space<vmem>>, vector<1x128xf32>
    %add3A_267 = vector.broadcast %get3A_266 : vector<1x128xf32> to vector<1000x128xf32>
    %add3A_268 = arith.addf %dot_general3A_263, %add3A_267 : vector<1000x128xf32>
    %get3A_269 = arith.constant 1 : index
    %get3A_270 = arith.constant 0 : index
    %get3A_271 = arith.constant 0 : index
    %get3A_272 = vector.load %arg2[%get3A_269, %get3A_270, %get3A_271] : memref<4x1000x128xf32, #tpu.memory_space<vmem>>, vector<1x1000x128xf32>
    %get3A_273 = vector.shape_cast %get3A_272 : vector<1x1000x128xf32> to vector<1000x128xf32>
    %slice3A_274 = vector.extract_strided_slice %get3A_273 {offsets = [0, 0], sizes = [1000, 64], strides = [1, 1]} : vector<1000x128xf32> to vector<1000x64xf32>
    %bitcast_convert_type3A_275 = tpu.bitcast %slice3A_274 : vector<1000x64xf32> -> vector<1000x64xi32>
    %shift_left3A_276 = arith.constant 16 : i32
    %shift_left3A_277 = vector.broadcast %shift_left3A_276 : i32 to vector<1000x64xi32>
    %shift_left3A_278 = arith.shli %bitcast_convert_type3A_275, %shift_left3A_277 : vector<1000x64xi32>
    %bitcast_convert_type3A_279 = tpu.bitcast %shift_left3A_278 : vector<1000x64xi32> -> vector<1000x64xf32>
    %and3A_280 = arith.constant -65536 : i32
    %and3A_281 = vector.broadcast %and3A_280 : i32 to vector<1000x64xi32>
    %and3A_282 = arith.andi %bitcast_convert_type3A_275, %and3A_281 : vector<1000x64xi32>
    %bitcast_convert_type3A_283 = tpu.bitcast %and3A_282 : vector<1000x64xi32> -> vector<1000x64xf32>
    %concatenate3A_284 = tpu.concatenate %bitcast_convert_type3A_279, %bitcast_convert_type3A_283 in 1 : vector<1000x64xf32>, vector<1000x64xf32> -> vector<1000x128xf32>
    %sub3A_285 = arith.subf %add3A_268, %concatenate3A_284 : vector<1000x128xf32>
    %mul3A_286 = arith.mulf %sub3A_285, %sub3A_285 : vector<1000x128xf32>
    %reduce_sum3A_287 = vector.shape_cast %mul3A_286 : vector<1000x128xf32> to vector<1x1000x128xf32>
    %reduce_sum3A_288 = arith.constant dense<0.000000e+00> : vector<1xf32>
    %reduce_sum3A_289 = vector.multi_reduction <add>, %reduce_sum3A_287, %reduce_sum3A_288 [1, 2] : vector<1x1000x128xf32> to vector<1xf32>
    %reduce_sum3A_290 = vector.shape_cast %reduce_sum3A_289 : vector<1xf32> to vector<1x1x1xf32>
    %reduce_sum3A_291 = vector.extract %reduce_sum3A_290[0, 0, 0] : f32 from vector<1x1x1xf32>
    %add3A_292 = arith.addf %add3A_185, %reduce_sum3A_291 : f32
    %get3A_293 = arith.constant 2 : index
    %get3A_294 = arith.constant 0 : index
    %get3A_295 = arith.constant 0 : index
    %get3A_296 = vector.load %arg2[%get3A_293, %get3A_294, %get3A_295] : memref<4x1000x128xf32, #tpu.memory_space<vmem>>, vector<1x1000x128xf32>
    %get3A_297 = vector.shape_cast %get3A_296 : vector<1x1000x128xf32> to vector<1000x128xf32>
    %slice3A_298 = vector.extract_strided_slice %get3A_297 {offsets = [0, 64], sizes = [1000, 64], strides = [1, 1]} : vector<1000x128xf32> to vector<1000x64xf32>
    %bitcast_convert_type3A_299 = tpu.bitcast %slice3A_298 : vector<1000x64xf32> -> vector<1000x64xi32>
    %shift_left3A_300 = arith.constant 16 : i32
    %shift_left3A_301 = vector.broadcast %shift_left3A_300 : i32 to vector<1000x64xi32>
    %shift_left3A_302 = arith.shli %bitcast_convert_type3A_299, %shift_left3A_301 : vector<1000x64xi32>
    %bitcast_convert_type3A_303 = tpu.bitcast %shift_left3A_302 : vector<1000x64xi32> -> vector<1000x64xf32>
    %and3A_304 = arith.constant -65536 : i32
    %and3A_305 = vector.broadcast %and3A_304 : i32 to vector<1000x64xi32>
    %and3A_306 = arith.andi %bitcast_convert_type3A_299, %and3A_305 : vector<1000x64xi32>
    %bitcast_convert_type3A_307 = tpu.bitcast %and3A_306 : vector<1000x64xi32> -> vector<1000x64xf32>
    %concatenate3A_308 = tpu.concatenate %bitcast_convert_type3A_303, %bitcast_convert_type3A_307 in 1 : vector<1000x64xf32>, vector<1000x64xf32> -> vector<1000x128xf32>
    %convert_element_type3A_309 = arith.truncf %concatenate3A_308 : vector<1000x128xf32> to vector<1000x128xbf16>
    %convert_element_type3A_310 = arith.truncf %add3A_257 : vector<1000x128xf32> to vector<1000x128xbf16>
    %concatenate3A_311 = tpu.concatenate %convert_element_type3A_309, %convert_element_type3A_310 in 1 : vector<1000x128xbf16>, vector<1000x128xbf16> -> vector<1000x256xbf16>
    %get3A_312 = arith.constant 0 : index
    %get3A_313 = arith.constant 0 : index
    %get3A_314 = vector.load %arg5[%get3A_312, %get3A_313] : memref<256x256xbf16, #tpu.memory_space<vmem>>, vector<256x256xbf16>
    %dot_general3A_315 = arith.constant dense<0.000000e+00> : vector<1000x256xf32>
    %dot_general3A_316 = tpu.matmul %concatenate3A_311, %get3A_314, %dot_general3A_315 {dimension_numbers = #tpu.dot_dimension_numbers<[1], [0], [0], [1], [0, 0, 1, 1], [], []>, transpose_lhs_hint = false} : vector<1000x256xbf16>, vector<256x256xbf16>, vector<1000x256xf32> -> vector<1000x256xf32>
    %get3A_317 = arith.constant 0 : index
    %get3A_318 = arith.constant 0 : index
    %get3A_319 = vector.load %arg8[%get3A_317, %get3A_318] : memref<1x256xf32, #tpu.memory_space<vmem>>, vector<1x256xf32>
    %add3A_320 = vector.broadcast %get3A_319 : vector<1x256xf32> to vector<1000x256xf32>
    %add3A_321 = arith.addf %dot_general3A_316, %add3A_320 : vector<1000x256xf32>
    %slice3A_322 = vector.extract_strided_slice %add3A_321 {offsets = [0, 0], sizes = [1000, 128], strides = [1, 1]} : vector<1000x256xf32> to vector<1000x128xf32>
    %logistic3A_323 = arith.negf %slice3A_322 : vector<1000x128xf32>
    %logistic3A_324 = math.exp %logistic3A_323 : vector<1000x128xf32>
    %logistic3A_325 = arith.constant 1.000000e+00 : f32
    %logistic3A_326 = vector.broadcast %logistic3A_325 : f32 to vector<1000x128xf32>
    %logistic3A_327 = arith.addf %logistic3A_326, %logistic3A_324 : vector<1000x128xf32>
    %logistic3A_328 = arith.divf %logistic3A_326, %logistic3A_327 : vector<1000x128xf32>
    %slice3A_329 = vector.extract_strided_slice %add3A_321 {offsets = [0, 128], sizes = [1000, 128], strides = [1, 1]} : vector<1000x256xf32> to vector<1000x128xf32>
    %logistic3A_330 = arith.negf %slice3A_329 : vector<1000x128xf32>
    %logistic3A_331 = math.exp %logistic3A_330 : vector<1000x128xf32>
    %logistic3A_332 = arith.constant 1.000000e+00 : f32
    %logistic3A_333 = vector.broadcast %logistic3A_332 : f32 to vector<1000x128xf32>
    %logistic3A_334 = arith.addf %logistic3A_333, %logistic3A_331 : vector<1000x128xf32>
    %logistic3A_335 = arith.divf %logistic3A_333, %logistic3A_334 : vector<1000x128xf32>
    %get3A_336 = arith.constant 0 : index
    %get3A_337 = arith.constant 0 : index
    %get3A_338 = vector.load %arg6[%get3A_336, %get3A_337] : memref<128x128xbf16, #tpu.memory_space<vmem>>, vector<128x128xbf16>
    %dot_general3A_339 = arith.constant dense<0.000000e+00> : vector<1000x128xf32>
    %dot_general3A_340 = tpu.matmul %convert_element_type3A_309, %get3A_338, %dot_general3A_339 {dimension_numbers = #tpu.dot_dimension_numbers<[1], [0], [0], [1], [0, 0, 1, 1], [], []>, transpose_lhs_hint = false} : vector<1000x128xbf16>, vector<128x128xbf16>, vector<1000x128xf32> -> vector<1000x128xf32>
    %get3A_341 = arith.constant 0 : index
    %get3A_342 = arith.constant 0 : index
    %get3A_343 = vector.load %arg9[%get3A_341, %get3A_342] : memref<1x128xf32, #tpu.memory_space<vmem>>, vector<1x128xf32>
    %add3A_344 = vector.broadcast %get3A_343 : vector<1x128xf32> to vector<1000x128xf32>
    %add3A_345 = arith.addf %dot_general3A_340, %add3A_344 : vector<1000x128xf32>
    %get3A_346 = arith.constant 0 : index
    %get3A_347 = arith.constant 0 : index
    %get3A_348 = vector.load %arg7[%get3A_346, %get3A_347] : memref<128x128xbf16, #tpu.memory_space<vmem>>, vector<128x128xbf16>
    %dot_general3A_349 = arith.constant dense<0.000000e+00> : vector<1000x128xf32>
    %dot_general3A_350 = tpu.matmul %convert_element_type3A_310, %get3A_348, %dot_general3A_349 {dimension_numbers = #tpu.dot_dimension_numbers<[1], [0], [0], [1], [0, 0, 1, 1], [], []>, transpose_lhs_hint = false} : vector<1000x128xbf16>, vector<128x128xbf16>, vector<1000x128xf32> -> vector<1000x128xf32>
    %get3A_351 = arith.constant 0 : index
    %get3A_352 = arith.constant 0 : index
    %get3A_353 = vector.load %arg10[%get3A_351, %get3A_352] : memref<1x128xf32, #tpu.memory_space<vmem>>, vector<1x128xf32>
    %add3A_354 = vector.broadcast %get3A_353 : vector<1x128xf32> to vector<1000x128xf32>
    %add3A_355 = arith.addf %dot_general3A_350, %add3A_354 : vector<1000x128xf32>
    %mul3A_356 = arith.mulf %logistic3A_328, %add3A_355 : vector<1000x128xf32>
    %add3A_357 = arith.addf %add3A_345, %mul3A_356 : vector<1000x128xf32>
    %tanh3A_358 = math.tanh %add3A_357 : vector<1000x128xf32>
    %sub3A_359 = arith.constant 1.000000e+00 : f32
    %sub3A_360 = vector.broadcast %sub3A_359 : f32 to vector<1000x128xf32>
    %sub3A_361 = arith.subf %sub3A_360, %logistic3A_335 : vector<1000x128xf32>
    %mul3A_362 = arith.mulf %sub3A_361, %tanh3A_358 : vector<1000x128xf32>
    %mul3A_363 = arith.mulf %logistic3A_335, %add3A_257 : vector<1000x128xf32>
    %add3A_364 = arith.addf %mul3A_362, %mul3A_363 : vector<1000x128xf32>
    %convert_element_type3A_365 = arith.truncf %add3A_364 : vector<1000x128xf32> to vector<1000x128xbf16>
    %get3A_366 = arith.constant 0 : index
    %get3A_367 = arith.constant 0 : index
    %get3A_368 = vector.load %arg11[%get3A_366, %get3A_367] : memref<128x128xbf16, #tpu.memory_space<vmem>>, vector<128x128xbf16>
    %dot_general3A_369 = arith.constant dense<0.000000e+00> : vector<1000x128xf32>
    %dot_general3A_370 = tpu.matmul %convert_element_type3A_365, %get3A_368, %dot_general3A_369 {dimension_numbers = #tpu.dot_dimension_numbers<[1], [0], [0], [1], [0, 0, 1, 1], [], []>, transpose_lhs_hint = false} : vector<1000x128xbf16>, vector<128x128xbf16>, vector<1000x128xf32> -> vector<1000x128xf32>
    %get3A_371 = arith.constant 0 : index
    %get3A_372 = arith.constant 0 : index
    %get3A_373 = vector.load %arg12[%get3A_371, %get3A_372] : memref<1x128xf32, #tpu.memory_space<vmem>>, vector<1x128xf32>
    %add3A_374 = vector.broadcast %get3A_373 : vector<1x128xf32> to vector<1000x128xf32>
    %add3A_375 = arith.addf %dot_general3A_370, %add3A_374 : vector<1000x128xf32>
    %get3A_376 = arith.constant 2 : index
    %get3A_377 = arith.constant 0 : index
    %get3A_378 = arith.constant 0 : index
    %get3A_379 = vector.load %arg2[%get3A_376, %get3A_377, %get3A_378] : memref<4x1000x128xf32, #tpu.memory_space<vmem>>, vector<1x1000x128xf32>
    %get3A_380 = vector.shape_cast %get3A_379 : vector<1x1000x128xf32> to vector<1000x128xf32>
    %slice3A_381 = vector.extract_strided_slice %get3A_380 {offsets = [0, 0], sizes = [1000, 64], strides = [1, 1]} : vector<1000x128xf32> to vector<1000x64xf32>
    %bitcast_convert_type3A_382 = tpu.bitcast %slice3A_381 : vector<1000x64xf32> -> vector<1000x64xi32>
    %shift_left3A_383 = arith.constant 16 : i32
    %shift_left3A_384 = vector.broadcast %shift_left3A_383 : i32 to vector<1000x64xi32>
    %shift_left3A_385 = arith.shli %bitcast_convert_type3A_382, %shift_left3A_384 : vector<1000x64xi32>
    %bitcast_convert_type3A_386 = tpu.bitcast %shift_left3A_385 : vector<1000x64xi32> -> vector<1000x64xf32>
    %and3A_387 = arith.constant -65536 : i32
    %and3A_388 = vector.broadcast %and3A_387 : i32 to vector<1000x64xi32>
    %and3A_389 = arith.andi %bitcast_convert_type3A_382, %and3A_388 : vector<1000x64xi32>
    %bitcast_convert_type3A_390 = tpu.bitcast %and3A_389 : vector<1000x64xi32> -> vector<1000x64xf32>
    %concatenate3A_391 = tpu.concatenate %bitcast_convert_type3A_386, %bitcast_convert_type3A_390 in 1 : vector<1000x64xf32>, vector<1000x64xf32> -> vector<1000x128xf32>
    %sub3A_392 = arith.subf %add3A_375, %concatenate3A_391 : vector<1000x128xf32>
    %mul3A_393 = arith.mulf %sub3A_392, %sub3A_392 : vector<1000x128xf32>
    %reduce_sum3A_394 = vector.shape_cast %mul3A_393 : vector<1000x128xf32> to vector<1x1000x128xf32>
    %reduce_sum3A_395 = arith.constant dense<0.000000e+00> : vector<1xf32>
    %reduce_sum3A_396 = vector.multi_reduction <add>, %reduce_sum3A_394, %reduce_sum3A_395 [1, 2] : vector<1x1000x128xf32> to vector<1xf32>
    %reduce_sum3A_397 = vector.shape_cast %reduce_sum3A_396 : vector<1xf32> to vector<1x1x1xf32>
    %reduce_sum3A_398 = vector.extract %reduce_sum3A_397[0, 0, 0] : f32 from vector<1x1x1xf32>
    %add3A_399 = arith.addf %add3A_292, %reduce_sum3A_398 : f32
    %get3A_400 = arith.constant 3 : index
    %get3A_401 = arith.constant 0 : index
    %get3A_402 = arith.constant 0 : index
    %get3A_403 = vector.load %arg2[%get3A_400, %get3A_401, %get3A_402] : memref<4x1000x128xf32, #tpu.memory_space<vmem>>, vector<1x1000x128xf32>
    %get3A_404 = vector.shape_cast %get3A_403 : vector<1x1000x128xf32> to vector<1000x128xf32>
    %slice3A_405 = vector.extract_strided_slice %get3A_404 {offsets = [0, 64], sizes = [1000, 64], strides = [1, 1]} : vector<1000x128xf32> to vector<1000x64xf32>
    %bitcast_convert_type3A_406 = tpu.bitcast %slice3A_405 : vector<1000x64xf32> -> vector<1000x64xi32>
    %shift_left3A_407 = arith.constant 16 : i32
    %shift_left3A_408 = vector.broadcast %shift_left3A_407 : i32 to vector<1000x64xi32>
    %shift_left3A_409 = arith.shli %bitcast_convert_type3A_406, %shift_left3A_408 : vector<1000x64xi32>
    %bitcast_convert_type3A_410 = tpu.bitcast %shift_left3A_409 : vector<1000x64xi32> -> vector<1000x64xf32>
    %and3A_411 = arith.constant -65536 : i32
    %and3A_412 = vector.broadcast %and3A_411 : i32 to vector<1000x64xi32>
    %and3A_413 = arith.andi %bitcast_convert_type3A_406, %and3A_412 : vector<1000x64xi32>
    %bitcast_convert_type3A_414 = tpu.bitcast %and3A_413 : vector<1000x64xi32> -> vector<1000x64xf32>
    %concatenate3A_415 = tpu.concatenate %bitcast_convert_type3A_410, %bitcast_convert_type3A_414 in 1 : vector<1000x64xf32>, vector<1000x64xf32> -> vector<1000x128xf32>
    %convert_element_type3A_416 = arith.truncf %concatenate3A_415 : vector<1000x128xf32> to vector<1000x128xbf16>
    %convert_element_type3A_417 = arith.truncf %add3A_364 : vector<1000x128xf32> to vector<1000x128xbf16>
    %concatenate3A_418 = tpu.concatenate %convert_element_type3A_416, %convert_element_type3A_417 in 1 : vector<1000x128xbf16>, vector<1000x128xbf16> -> vector<1000x256xbf16>
    %get3A_419 = arith.constant 0 : index
    %get3A_420 = arith.constant 0 : index
    %get3A_421 = vector.load %arg5[%get3A_419, %get3A_420] : memref<256x256xbf16, #tpu.memory_space<vmem>>, vector<256x256xbf16>
    %dot_general3A_422 = arith.constant dense<0.000000e+00> : vector<1000x256xf32>
    %dot_general3A_423 = tpu.matmul %concatenate3A_418, %get3A_421, %dot_general3A_422 {dimension_numbers = #tpu.dot_dimension_numbers<[1], [0], [0], [1], [0, 0, 1, 1], [], []>, transpose_lhs_hint = false} : vector<1000x256xbf16>, vector<256x256xbf16>, vector<1000x256xf32> -> vector<1000x256xf32>
    %get3A_424 = arith.constant 0 : index
    %get3A_425 = arith.constant 0 : index
    %get3A_426 = vector.load %arg8[%get3A_424, %get3A_425] : memref<1x256xf32, #tpu.memory_space<vmem>>, vector<1x256xf32>
    %add3A_427 = vector.broadcast %get3A_426 : vector<1x256xf32> to vector<1000x256xf32>
    %add3A_428 = arith.addf %dot_general3A_423, %add3A_427 : vector<1000x256xf32>
    %slice3A_429 = vector.extract_strided_slice %add3A_428 {offsets = [0, 0], sizes = [1000, 128], strides = [1, 1]} : vector<1000x256xf32> to vector<1000x128xf32>
    %logistic3A_430 = arith.negf %slice3A_429 : vector<1000x128xf32>
    %logistic3A_431 = math.exp %logistic3A_430 : vector<1000x128xf32>
    %logistic3A_432 = arith.constant 1.000000e+00 : f32
    %logistic3A_433 = vector.broadcast %logistic3A_432 : f32 to vector<1000x128xf32>
    %logistic3A_434 = arith.addf %logistic3A_433, %logistic3A_431 : vector<1000x128xf32>
    %logistic3A_435 = arith.divf %logistic3A_433, %logistic3A_434 : vector<1000x128xf32>
    %slice3A_436 = vector.extract_strided_slice %add3A_428 {offsets = [0, 128], sizes = [1000, 128], strides = [1, 1]} : vector<1000x256xf32> to vector<1000x128xf32>
    %logistic3A_437 = arith.negf %slice3A_436 : vector<1000x128xf32>
    %logistic3A_438 = math.exp %logistic3A_437 : vector<1000x128xf32>
    %logistic3A_439 = arith.constant 1.000000e+00 : f32
    %logistic3A_440 = vector.broadcast %logistic3A_439 : f32 to vector<1000x128xf32>
    %logistic3A_441 = arith.addf %logistic3A_440, %logistic3A_438 : vector<1000x128xf32>
    %logistic3A_442 = arith.divf %logistic3A_440, %logistic3A_441 : vector<1000x128xf32>
    %get3A_443 = arith.constant 0 : index
    %get3A_444 = arith.constant 0 : index
    %get3A_445 = vector.load %arg6[%get3A_443, %get3A_444] : memref<128x128xbf16, #tpu.memory_space<vmem>>, vector<128x128xbf16>
    %dot_general3A_446 = arith.constant dense<0.000000e+00> : vector<1000x128xf32>
    %dot_general3A_447 = tpu.matmul %convert_element_type3A_416, %get3A_445, %dot_general3A_446 {dimension_numbers = #tpu.dot_dimension_numbers<[1], [0], [0], [1], [0, 0, 1, 1], [], []>, transpose_lhs_hint = false} : vector<1000x128xbf16>, vector<128x128xbf16>, vector<1000x128xf32> -> vector<1000x128xf32>
    %get3A_448 = arith.constant 0 : index
    %get3A_449 = arith.constant 0 : index
    %get3A_450 = vector.load %arg9[%get3A_448, %get3A_449] : memref<1x128xf32, #tpu.memory_space<vmem>>, vector<1x128xf32>
    %add3A_451 = vector.broadcast %get3A_450 : vector<1x128xf32> to vector<1000x128xf32>
    %add3A_452 = arith.addf %dot_general3A_447, %add3A_451 : vector<1000x128xf32>
    %get3A_453 = arith.constant 0 : index
    %get3A_454 = arith.constant 0 : index
    %get3A_455 = vector.load %arg7[%get3A_453, %get3A_454] : memref<128x128xbf16, #tpu.memory_space<vmem>>, vector<128x128xbf16>
    %dot_general3A_456 = arith.constant dense<0.000000e+00> : vector<1000x128xf32>
    %dot_general3A_457 = tpu.matmul %convert_element_type3A_417, %get3A_455, %dot_general3A_456 {dimension_numbers = #tpu.dot_dimension_numbers<[1], [0], [0], [1], [0, 0, 1, 1], [], []>, transpose_lhs_hint = false} : vector<1000x128xbf16>, vector<128x128xbf16>, vector<1000x128xf32> -> vector<1000x128xf32>
    %get3A_458 = arith.constant 0 : index
    %get3A_459 = arith.constant 0 : index
    %get3A_460 = vector.load %arg10[%get3A_458, %get3A_459] : memref<1x128xf32, #tpu.memory_space<vmem>>, vector<1x128xf32>
    %add3A_461 = vector.broadcast %get3A_460 : vector<1x128xf32> to vector<1000x128xf32>
    %add3A_462 = arith.addf %dot_general3A_457, %add3A_461 : vector<1000x128xf32>
    %mul3A_463 = arith.mulf %logistic3A_435, %add3A_462 : vector<1000x128xf32>
    %add3A_464 = arith.addf %add3A_452, %mul3A_463 : vector<1000x128xf32>
    %tanh3A_465 = math.tanh %add3A_464 : vector<1000x128xf32>
    %sub3A_466 = arith.constant 1.000000e+00 : f32
    %sub3A_467 = vector.broadcast %sub3A_466 : f32 to vector<1000x128xf32>
    %sub3A_468 = arith.subf %sub3A_467, %logistic3A_442 : vector<1000x128xf32>
    %mul3A_469 = arith.mulf %sub3A_468, %tanh3A_465 : vector<1000x128xf32>
    %mul3A_470 = arith.mulf %logistic3A_442, %add3A_364 : vector<1000x128xf32>
    %add3A_471 = arith.addf %mul3A_469, %mul3A_470 : vector<1000x128xf32>
    %convert_element_type3A_472 = arith.truncf %add3A_471 : vector<1000x128xf32> to vector<1000x128xbf16>
    %get3A_473 = arith.constant 0 : index
    %get3A_474 = arith.constant 0 : index
    %get3A_475 = vector.load %arg11[%get3A_473, %get3A_474] : memref<128x128xbf16, #tpu.memory_space<vmem>>, vector<128x128xbf16>
    %dot_general3A_476 = arith.constant dense<0.000000e+00> : vector<1000x128xf32>
    %dot_general3A_477 = tpu.matmul %convert_element_type3A_472, %get3A_475, %dot_general3A_476 {dimension_numbers = #tpu.dot_dimension_numbers<[1], [0], [0], [1], [0, 0, 1, 1], [], []>, transpose_lhs_hint = false} : vector<1000x128xbf16>, vector<128x128xbf16>, vector<1000x128xf32> -> vector<1000x128xf32>
    %get3A_478 = arith.constant 0 : index
    %get3A_479 = arith.constant 0 : index
    %get3A_480 = vector.load %arg12[%get3A_478, %get3A_479] : memref<1x128xf32, #tpu.memory_space<vmem>>, vector<1x128xf32>
    %add3A_481 = vector.broadcast %get3A_480 : vector<1x128xf32> to vector<1000x128xf32>
    %add3A_482 = arith.addf %dot_general3A_477, %add3A_481 : vector<1000x128xf32>
    %get3A_483 = arith.constant 3 : index
    %get3A_484 = arith.constant 0 : index
    %get3A_485 = arith.constant 0 : index
    %get3A_486 = vector.load %arg2[%get3A_483, %get3A_484, %get3A_485] : memref<4x1000x128xf32, #tpu.memory_space<vmem>>, vector<1x1000x128xf32>
    %get3A_487 = vector.shape_cast %get3A_486 : vector<1x1000x128xf32> to vector<1000x128xf32>
    %slice3A_488 = vector.extract_strided_slice %get3A_487 {offsets = [0, 0], sizes = [1000, 64], strides = [1, 1]} : vector<1000x128xf32> to vector<1000x64xf32>
    %bitcast_convert_type3A_489 = tpu.bitcast %slice3A_488 : vector<1000x64xf32> -> vector<1000x64xi32>
    %shift_left3A_490 = arith.constant 16 : i32
    %shift_left3A_491 = vector.broadcast %shift_left3A_490 : i32 to vector<1000x64xi32>
    %shift_left3A_492 = arith.shli %bitcast_convert_type3A_489, %shift_left3A_491 : vector<1000x64xi32>
    %bitcast_convert_type3A_493 = tpu.bitcast %shift_left3A_492 : vector<1000x64xi32> -> vector<1000x64xf32>
    %and3A_494 = arith.constant -65536 : i32
    %and3A_495 = vector.broadcast %and3A_494 : i32 to vector<1000x64xi32>
    %and3A_496 = arith.andi %bitcast_convert_type3A_489, %and3A_495 : vector<1000x64xi32>
    %bitcast_convert_type3A_497 = tpu.bitcast %and3A_496 : vector<1000x64xi32> -> vector<1000x64xf32>
    %concatenate3A_498 = tpu.concatenate %bitcast_convert_type3A_493, %bitcast_convert_type3A_497 in 1 : vector<1000x64xf32>, vector<1000x64xf32> -> vector<1000x128xf32>
    %sub3A_499 = arith.subf %add3A_482, %concatenate3A_498 : vector<1000x128xf32>
    %mul3A_500 = arith.mulf %sub3A_499, %sub3A_499 : vector<1000x128xf32>
    %reduce_sum3A_501 = vector.shape_cast %mul3A_500 : vector<1000x128xf32> to vector<1x1000x128xf32>
    %reduce_sum3A_502 = arith.constant dense<0.000000e+00> : vector<1xf32>
    %reduce_sum3A_503 = vector.multi_reduction <add>, %reduce_sum3A_501, %reduce_sum3A_502 [1, 2] : vector<1x1000x128xf32> to vector<1xf32>
    %reduce_sum3A_504 = vector.shape_cast %reduce_sum3A_503 : vector<1xf32> to vector<1x1x1xf32>
    %reduce_sum3A_505 = vector.extract %reduce_sum3A_504[0, 0, 0] : f32 from vector<1x1x1xf32>
    %add3A_506 = arith.addf %add3A_399, %reduce_sum3A_505 : f32
    %get3A_507 = arith.constant 0 : index
    %get3A_508 = arith.constant 0 : index
    %get3A_509 = vector.load %arg13[%get3A_507, %get3A_508] : memref<128x40xf32, #tpu.memory_space<vmem>>, vector<128x40xf32>
    %dot_general3A_510 = arith.constant dense<0.000000e+00> : vector<1000x40xf32>
    %dot_general3A_511 = tpu.matmul %add3A_471, %get3A_509, %dot_general3A_510 {dimension_numbers = #tpu.dot_dimension_numbers<[1], [0], [0], [1], [0, 0, 1, 1], [], []>, transpose_lhs_hint = false} : vector<1000x128xf32>, vector<128x40xf32>, vector<1000x40xf32> -> vector<1000x40xf32>
    %get3A_512 = arith.constant 0 : index
    %get3A_513 = arith.constant 0 : index
    %get3A_514 = vector.load %arg14[%get3A_512, %get3A_513] : memref<1x40xf32, #tpu.memory_space<vmem>>, vector<1x40xf32>
    %add3A_515 = vector.broadcast %get3A_514 : vector<1x40xf32> to vector<1000x40xf32>
    %add3A_516 = arith.addf %dot_general3A_511, %add3A_515 : vector<1000x40xf32>
    %reduce_max3A = arith.constant dense<0xFF800000> : vector<1000xf32>
    %reduce_max3A_517 = vector.multi_reduction <maximumf>, %add3A_516, %reduce_max3A [1] : vector<1000x40xf32> to vector<1000xf32>
    %broadcast_in_dim3A_518 = vector.shape_cast %reduce_max3A_517 : vector<1000xf32> to vector<1000x1xf32>
    %sub3A_519 = vector.broadcast %broadcast_in_dim3A_518 : vector<1000x1xf32> to vector<1000x40xf32>
    %sub3A_520 = arith.subf %add3A_516, %sub3A_519 : vector<1000x40xf32>
    %exp3A = math.exp %sub3A_520 : vector<1000x40xf32>
    %reduce_sum3A_521 = arith.constant dense<0.000000e+00> : vector<1000xf32>
    %reduce_sum3A_522 = vector.multi_reduction <add>, %exp3A, %reduce_sum3A_521 [1] : vector<1000x40xf32> to vector<1000xf32>
    %broadcast_in_dim3A_523 = vector.shape_cast %reduce_sum3A_522 : vector<1000xf32> to vector<1000x1xf32>
    %div3A = vector.broadcast %broadcast_in_dim3A_523 : vector<1000x1xf32> to vector<1000x40xf32>
    %div3A_524 = arith.divf %exp3A, %div3A : vector<1000x40xf32>
    %swap3A = arith.constant 0 : index
    %swap3A_525 = arith.constant 0 : index
    %swap3A_526 = arith.constant 0 : index
    %swap3A_527 = vector.load %arg15[%swap3A, %swap3A_525, %swap3A_526] : memref<1x1000x40xf32, #tpu.memory_space<vmem>>, vector<1x1000x40xf32>
    %swap3A_528 = vector.shape_cast %swap3A_527 : vector<1x1000x40xf32> to vector<1000x40xf32>
    %swap3A_529 = vector.shape_cast %div3A_524 : vector<1000x40xf32> to vector<1x1000x40xf32>
    tpu.vector_store %arg15[%swap3A, %swap3A_525, %swap3A_526], %swap3A_529 {strides = array<i32>} : memref<1x1000x40xf32, #tpu.memory_space<vmem>>, vector<1x1000x40xf32>,
    %eq3A = arith.constant 0 : i32
    %eq3A_530 = arith.cmpi eq, %arg0, %eq3A : i32
    %eq3A_531 = arith.constant 0 : i32
    %eq3A_532 = arith.cmpi eq, %arg1, %eq3A_531 : i32
    %and3A_533 = arith.andi %eq3A_530, %eq3A_532 : i1
    %convert_element_type3A_534 = arith.extui %and3A_533 : i1 to i32
    %cond3A = arith.constant 0 : i32
    %cond3A_535 = arith.cmpi ne, %convert_element_type3A_534, %cond3A : i32
    scf.if %cond3A_535 {
      %swap3A_540 = arith.constant 0 : index
      %swap3A_541 = arith.constant 0 : index
      %swap3A_542 = memref.load %arg16[%swap3A_540, %swap3A_541] : memref<1x1xf32, #tpu.memory_space<smem>>
      memref.store %add3A_506, %arg16[%swap3A_540, %swap3A_541] : memref<1x1xf32, #tpu.memory_space<smem>>
    } else {
    }
    %not3A = arith.constant true
    %not3A_536 = arith.xori %and3A_533, %not3A : i1
    %convert_element_type3A_537 = arith.extui %not3A_536 : i1 to i32
    %cond3A_538 = arith.constant 0 : i32
    %cond3A_539 = arith.cmpi ne, %convert_element_type3A_537, %cond3A_538 : i32
    scf.if %cond3A_539 {
      %get3A_540 = arith.constant 0 : index
      %get3A_541 = arith.constant 0 : index
      %get3A_542 = memref.load %arg16[%get3A_540, %get3A_541] : memref<1x1xf32, #tpu.memory_space<smem>>
      %add3A_543 = arith.addf %get3A_542, %add3A_506 : f32
      %swap3A_544 = arith.constant 0 : index
      %swap3A_545 = arith.constant 0 : index
      %swap3A_546 = memref.load %arg16[%swap3A_544, %swap3A_545] : memref<1x1xf32, #tpu.memory_space<smem>>
      memref.store %add3A_543, %arg16[%swap3A_544, %swap3A_545] : memref<1x1xf32, #tpu.memory_space<smem>>
    } else {
    }
    return
  }
  func.func @transform_0(%arg0: i32, %arg1: i32) -> (i32, i32, i32) {
    %mul3A = arith.constant 10 : i32
    %mul3A_0 = arith.muli %arg1, %mul3A : i32
    %add3A = arith.addi %mul3A_0, %arg0 : i32
    %c0_i32 = arith.constant 0 : i32
    %c0_i32_1 = arith.constant 0 : i32
    %c0_i32_2 = arith.constant 0 : i32
    return %c0_i32, %add3A, %c0_i32_1 : i32, i32, i32
  }
  func.func @transform_1(%arg0: i32, %arg1: i32) -> (i32, i32) {
    %c0_i32 = arith.constant 0 : i32
    %c0_i32_0 = arith.constant 0 : i32
    return %arg0, %c0_i32 : i32, i32
  }
  func.func @transform_2(%arg0: i32, %arg1: i32) -> (i32, i32) {
    %c0_i32 = arith.constant 0 : i32
    %c0_i32_0 = arith.constant 0 : i32
    return %arg0, %c0_i32 : i32, i32
  }
  func.func @transform_3(%arg0: i32, %arg1: i32) -> (i32, i32) {
    %c0_i32 = arith.constant 0 : i32
    %c0_i32_0 = arith.constant 0 : i32
    %c0_i32_1 = arith.constant 0 : i32
    return %c0_i32, %c0_i32_0 : i32, i32
  }
  func.func @transform_4(%arg0: i32, %arg1: i32) -> (i32, i32) {
    %c0_i32 = arith.constant 0 : i32
    %c0_i32_0 = arith.constant 0 : i32
    %c0_i32_1 = arith.constant 0 : i32
    return %c0_i32, %c0_i32_0 : i32, i32
  }
  func.func @transform_5(%arg0: i32, %arg1: i32) -> (i32, i32) {
    %c0_i32 = arith.constant 0 : i32
    %c0_i32_0 = arith.constant 0 : i32
    %c0_i32_1 = arith.constant 0 : i32
    return %c0_i32, %c0_i32_0 : i32, i32
  }
  func.func @transform_6(%arg0: i32, %arg1: i32) -> (i32, i32) {
    %c0_i32 = arith.constant 0 : i32
    %c0_i32_0 = arith.constant 0 : i32
    %c0_i32_1 = arith.constant 0 : i32
    return %c0_i32, %c0_i32_0 : i32, i32
  }
  func.func @transform_7(%arg0: i32, %arg1: i32) -> (i32, i32) {
    %c0_i32 = arith.constant 0 : i32
    %c0_i32_0 = arith.constant 0 : i32
    %c0_i32_1 = arith.constant 0 : i32
    return %c0_i32, %c0_i32_0 : i32, i32
  }
  func.func @transform_8(%arg0: i32, %arg1: i32) -> (i32, i32) {
    %c0_i32 = arith.constant 0 : i32
    %c0_i32_0 = arith.constant 0 : i32
    %c0_i32_1 = arith.constant 0 : i32
    return %c0_i32, %c0_i32_0 : i32, i32
  }
  func.func @transform_9(%arg0: i32, %arg1: i32) -> (i32, i32) {
    %c0_i32 = arith.constant 0 : i32
    %c0_i32_0 = arith.constant 0 : i32
    %c0_i32_1 = arith.constant 0 : i32
    return %c0_i32, %c0_i32_0 : i32, i32
  }
  func.func @transform_10(%arg0: i32, %arg1: i32) -> (i32, i32) {
    %c0_i32 = arith.constant 0 : i32
    %c0_i32_0 = arith.constant 0 : i32
    %c0_i32_1 = arith.constant 0 : i32
    return %c0_i32, %c0_i32_0 : i32, i32
  }
  func.func @transform_11(%arg0: i32, %arg1: i32) -> (i32, i32) {
    %c0_i32 = arith.constant 0 : i32
    %c0_i32_0 = arith.constant 0 : i32
    %c0_i32_1 = arith.constant 0 : i32
    return %c0_i32, %c0_i32_0 : i32, i32
  }
  func.func @transform_12(%arg0: i32, %arg1: i32) -> (i32, i32) {
    %c0_i32 = arith.constant 0 : i32
    %c0_i32_0 = arith.constant 0 : i32
    %c0_i32_1 = arith.constant 0 : i32
    return %c0_i32, %c0_i32_0 : i32, i32
  }
  func.func @transform_13(%arg0: i32, %arg1: i32) -> (i32, i32, i32) {
    %c0_i32 = arith.constant 0 : i32
    %c0_i32_0 = arith.constant 0 : i32
    return %arg1, %arg0, %c0_i32 : i32, i32, i32
  }
  func.func @transform_14(%arg0: i32, %arg1: i32) -> (i32, i32) {
    %c0_i32 = arith.constant 0 : i32
    %c0_i32_0 = arith.constant 0 : i32
    %c0_i32_1 = arith.constant 0 : i32
    return %c0_i32, %c0_i32_0 : i32, i32
  }
}

module attributes {stable_mosaic.version = 14 : i64} {
  func.func @_final_body(%arg0: i32, %arg1: memref<4x1000x40xf32, #tpu.memory_space<vmem>>, %arg2: memref<1x1xf32, #tpu.memory_space<smem>>, %arg3: memref<1x1xf32, #tpu.memory_space<smem>>, %arg4: memref<1x1xf32, #tpu.memory_space<smem>>) attributes {dimension_semantics = [#tpu.dimension_semantics<arbitrary>], iteration_bounds = array<i64: 10>, scalar_prefetch = 0 : i64, scratch_operands = 0 : i64, tpu.core_type = #tpu.core_type<tc>, window_params = [{transform_indices = @transform_0, window_bounds = array<i64: 4, 1000, 40>}, {transform_indices = @transform_1, window_bounds = array<i64: 1, 1>}, {transform_indices = @transform_2, window_bounds = array<i64: 1, 1>}, {transform_indices = @transform_3, window_bounds = array<i64: 1, 1>}]} {
    %get3A = arith.constant 0 : index
    %get3A_0 = arith.constant 0 : index
    %get3A_1 = arith.constant 0 : index
    %get3A_2 = vector.load %arg1[%get3A, %get3A_0, %get3A_1] : memref<4x1000x40xf32, #tpu.memory_space<vmem>>, vector<4x1000x40xf32>
    %reduce_sum3A = arith.constant dense<0.000000e+00> : vector<1000x40xf32>
    %reduce_sum3A_3 = vector.multi_reduction <add>, %get3A_2, %reduce_sum3A [0] : vector<4x1000x40xf32> to vector<1000x40xf32>
    %div3A = arith.constant 4.000000e+00 : f32
    %div3A_4 = vector.broadcast %div3A : f32 to vector<1000x40xf32>
    %div3A_5 = arith.divf %reduce_sum3A_3, %div3A_4 : vector<1000x40xf32>
    %mul3A = arith.mulf %div3A_5, %div3A_5 : vector<1000x40xf32>
    %mul3A_6 = arith.mulf %mul3A, %mul3A : vector<1000x40xf32>
    %mul3A_7 = arith.mulf %mul3A_6, %mul3A_6 : vector<1000x40xf32>
    %mul3A_8 = arith.mulf %mul3A_7, %mul3A : vector<1000x40xf32>
    %reduce_sum3A_9 = arith.constant dense<0.000000e+00> : vector<1000xf32>
    %reduce_sum3A_10 = vector.multi_reduction <add>, %mul3A_8, %reduce_sum3A_9 [1] : vector<1000x40xf32> to vector<1000xf32>
    %broadcast_in_dim3A = vector.shape_cast %reduce_sum3A_10 : vector<1000xf32> to vector<1000x1xf32>
    %div3A_11 = vector.broadcast %broadcast_in_dim3A : vector<1000x1xf32> to vector<1000x40xf32>
    %div3A_12 = arith.divf %mul3A_8, %div3A_11 : vector<1000x40xf32>
    %broadcast_in_dim3A_13 = vector.shape_cast %div3A_12 : vector<1000x40xf32> to vector<1x1000x40xf32>
    %sub3A = vector.broadcast %broadcast_in_dim3A_13 : vector<1x1000x40xf32> to vector<4x1000x40xf32>
    %sub3A_14 = arith.subf %sub3A, %get3A_2 : vector<4x1000x40xf32>
    %mul3A_15 = arith.mulf %sub3A_14, %sub3A_14 : vector<4x1000x40xf32>
    %reduce_sum3A_16 = vector.shape_cast %mul3A_15 : vector<4x1000x40xf32> to vector<1x4x1000x40xf32>
    %reduce_sum3A_17 = arith.constant dense<0.000000e+00> : vector<1xf32>
    %reduce_sum3A_18 = vector.multi_reduction <add>, %reduce_sum3A_16, %reduce_sum3A_17 [1, 2, 3] : vector<1x4x1000x40xf32> to vector<1xf32>
    %reduce_sum3A_19 = vector.shape_cast %reduce_sum3A_18 : vector<1xf32> to vector<1x1x1x1xf32>
    %reduce_sum3A_20 = vector.extract %reduce_sum3A_19[0, 0, 0, 0] : f32 from vector<1x1x1x1xf32>
    %eq3A = arith.constant 0 : i32
    %eq3A_21 = arith.cmpi eq, %arg0, %eq3A : i32
    %convert_element_type3A = arith.extui %eq3A_21 : i1 to i32
    %cond3A = arith.constant 0 : i32
    %cond3A_22 = arith.cmpi ne, %convert_element_type3A, %cond3A : i32
    scf.if %cond3A_22 {
      %swap3A = arith.constant 0 : index
      %swap3A_32 = arith.constant 0 : index
      %swap3A_33 = memref.load %arg4[%swap3A, %swap3A_32] : memref<1x1xf32, #tpu.memory_space<smem>>
      memref.store %reduce_sum3A_20, %arg4[%swap3A, %swap3A_32] : memref<1x1xf32, #tpu.memory_space<smem>>
    } else {
    }
    %gt3A = arith.constant 0 : i32
    %gt3A_23 = arith.cmpi sgt, %arg0, %gt3A : i32
    %convert_element_type3A_24 = arith.extui %gt3A_23 : i1 to i32
    %cond3A_25 = arith.constant 0 : i32
    %cond3A_26 = arith.cmpi ne, %convert_element_type3A_24, %cond3A_25 : i32
    scf.if %cond3A_26 {
      %get3A_32 = arith.constant 0 : index
      %get3A_33 = arith.constant 0 : index
      %get3A_34 = memref.load %arg4[%get3A_32, %get3A_33] : memref<1x1xf32, #tpu.memory_space<smem>>
      %add3A = arith.addf %get3A_34, %reduce_sum3A_20 : f32
      %swap3A = arith.constant 0 : index
      %swap3A_35 = arith.constant 0 : index
      %swap3A_36 = memref.load %arg4[%swap3A, %swap3A_35] : memref<1x1xf32, #tpu.memory_space<smem>>
      memref.store %add3A, %arg4[%swap3A, %swap3A_35] : memref<1x1xf32, #tpu.memory_space<smem>>
    } else {
    }
    %eq3A_27 = arith.constant 9 : i32
    %eq3A_28 = arith.cmpi eq, %arg0, %eq3A_27 : i32
    %convert_element_type3A_29 = arith.extui %eq3A_28 : i1 to i32
    %cond3A_30 = arith.constant 0 : i32
    %cond3A_31 = arith.cmpi ne, %convert_element_type3A_29, %cond3A_30 : i32
    scf.if %cond3A_31 {
      %get3A_32 = arith.constant 0 : index
      %get3A_33 = arith.constant 0 : index
      %get3A_34 = memref.load %arg4[%get3A_32, %get3A_33] : memref<1x1xf32, #tpu.memory_space<smem>>
      %mul3A_35 = arith.constant 6.250000e-07 : f32
      %mul3A_36 = arith.mulf %get3A_34, %mul3A_35 : f32
      %get3A_37 = arith.constant 0 : index
      %get3A_38 = arith.constant 0 : index
      %get3A_39 = memref.load %arg2[%get3A_37, %get3A_38] : memref<1x1xf32, #tpu.memory_space<smem>>
      %get3A_40 = arith.constant 0 : index
      %get3A_41 = arith.constant 0 : index
      %get3A_42 = memref.load %arg3[%get3A_40, %get3A_41] : memref<1x1xf32, #tpu.memory_space<smem>>
      %add3A = arith.addf %get3A_39, %get3A_42 : f32
      %mul3A_43 = arith.constant 3.906250e-08 : f32
      %mul3A_44 = arith.mulf %add3A, %mul3A_43 : f32
      %mul3A_45 = arith.constant 5.000000e-02 : f32
      %mul3A_46 = arith.mulf %mul3A_45, %mul3A_44 : f32
      %mul3A_47 = arith.constant 0.00999999977 : f32
      %mul3A_48 = arith.mulf %mul3A_47, %mul3A_36 : f32
      %add3A_49 = arith.addf %mul3A_46, %mul3A_48 : f32
      %swap3A = arith.constant 0 : index
      %swap3A_50 = arith.constant 0 : index
      %swap3A_51 = memref.load %arg4[%swap3A, %swap3A_50] : memref<1x1xf32, #tpu.memory_space<smem>>
      memref.store %add3A_49, %arg4[%swap3A, %swap3A_50] : memref<1x1xf32, #tpu.memory_space<smem>>
    } else {
    }
    return
  }
  func.func @transform_0(%arg0: i32) -> (i32, i32, i32) {
    %c0_i32 = arith.constant 0 : i32
    %c0_i32_0 = arith.constant 0 : i32
    %c0_i32_1 = arith.constant 0 : i32
    return %c0_i32, %arg0, %c0_i32_0 : i32, i32, i32
  }
  func.func @transform_1(%arg0: i32) -> (i32, i32) {
    %c0_i32 = arith.constant 0 : i32
    %c0_i32_0 = arith.constant 0 : i32
    %c0_i32_1 = arith.constant 0 : i32
    return %c0_i32, %c0_i32_0 : i32, i32
  }
  func.func @transform_2(%arg0: i32) -> (i32, i32) {
    %c0_i32 = arith.constant 0 : i32
    %c0_i32_0 = arith.constant 0 : i32
    %c0_i32_1 = arith.constant 0 : i32
    return %c0_i32, %c0_i32_0 : i32, i32
  }
  func.func @transform_3(%arg0: i32) -> (i32, i32) {
    %c0_i32 = arith.constant 0 : i32
    %c0_i32_0 = arith.constant 0 : i32
    %c0_i32_1 = arith.constant 0 : i32
    return %c0_i32, %c0_i32_0 : i32, i32
  }
}

</mosaic_0001>

<sc_bundles>
// kernel: kernel.14.cloned.1.call-start
scs
__scs_entry_jumppad:
0x0: {  	(pc) =	sbr.rel $0x88, $3  }
0x1: {  	(tag) =	ssettag $0x0;
	lr =	simm.s32 $0x1  }
0x2: {  	[smem:$0x3F8F] =	sst lr;
	_ =	strace $0xD0000000  }
0x3: {  	_ = 	snop  }
0x4: {  	_ = 	snop  }
0x5: {  	_ = 	snop  }
0x6: {  	_ = 	snop  }
0x7: {  	_ = 	snop  }
__scs_overlays_trampoline_lowered:
0x8: {  	[smem:$0x3F9E] =	sst s0  }
0x9: {  	[smem:$0x3F9F] =	sst s1  }
0xa: {  	[smem:$0x3FA0] =	sst s2  }
0xb: {  	[smem:$0x3FA1] =	sst s3  }
0xc: {  	[smem:$0x3FA2] =	sst s4  }
0xd: {  	[smem:$0x3FA3] =	sst s5  }
0xe: {  	[smem:$0x3FA4] =	sst s6  }
0xf: {  	[smem:$0x3FA5] =	sst s7  }
0x10: {  	[smem:$0x3FA6] =	sst s8  }
0x11: {  	[smem:$0x3FA7] =	sst s9;
	s0 =	simm.s32 @!p0 $0x0  }
0x12: {  	s1 =	sld [smem:$0x3F8D];
	s0 =	simm.s32 @p0 $0x1  }
0x13: {  	[smem:$0x3FA8] =	sst s0;
	s0 =	simm.s32 @!p1 $0x0  }
0x14: {  	s2 =	sld [smem:$0x3F8C];
	s0 =	simm.s32 @p1 $0x1  }
0x15: {  	[smem:$0x3FA9] =	sst s0;
	s0 =	simm.s32 @!p2 $0x0  }
0x16: {  	s3 =	sld [smem:$0x3FDB];
	s0 =	simm.s32 @p2 $0x1  }
0x17: {  	s4 =	simm.s32 $0x1BF5;
	[smem:$0x3FAB] =	sst s0  }
0x18: {  	s0 =	sld [smem:$0x3F8E];
	_ =	swait.ge [sflag:s4], $0x0  }
0x19: {  	s7 =	sld [smem:$0x3F8F]  }
0x1a: {  	s8 =	sadd.s32 $0xFFFFE003, lr  }
0x1b: {  	s9 =	sadd.s32 $0xFFFFFEF7, lr;
	s5 =	simm.s32 $0xFFFFFFFF;
	p2 =	slt.u32 s8, $0xFFFFF086  }
0x1c: {  	p1 =	slt.u32 s9, $0xF7A;
	s5 =	simm.s32 @!p2 $0x0  }
0x1d: {  	s5 =	simm.s32 @p1 $0x1;
	p0 =	seq.s32 s7, s2  }
0x1e: {  	s7 =	smul.u32 @!p0 $0xF7A, s2;
	p2 =	seq.s32 @!p0 s5, $0x0  }
0x1f: {  	s9 =	smul.u32 $0xF7A, s1;
	s8 =	simm.s32 @!p0 $0x1BF5;
	p2 =	por !p2, p0  }
0x20: {  	[sflag:s8] =	ssyncset.s32 @!p0 $0xFFFFF086;
	s6 =	sadd.s32 @!p0 s3, s7;
	s7 =	simm.s32 @!p0 $0x108  }
0x21: {  	s3 =	sadd.s32 s3, s9;
	s6 =	sadd.s32 @!p0 $0x88, s6;
	s7 =	simm.s32 @p2 $0x1082  }
0x22: {  	[simem:s7], [sflag:s8] =	dma.local @!p0 [hbm:s6], $0xF7A  }
0x23: {  	s9 =	sor.u32 $0xD0000000, s2;
	s6 =	simm.s32 $0x108;
	_ =	swait.ge @!p0 [sflag:s8], $0x0  }
0x24: {  	s3 =	sadd.s32 $0x88, s3;
	s6 =	simm.s32 @!p1 $0x1082;
	[sflag:s4] =	ssyncset.s32 $0xFFFFF086  }
0x25: {  	[simem:s6], [sflag:s4] =	dma.local [hbm:s3], $0xF7A  }
0x26: {  	[smem:$0x3F8F] =	sst s1;
	(tag) =	ssettag s2;
	_ =	strace s9  }
0x27: {  	s1 =	sld [smem:$0x3F9F]  }
0x28: {  	s2 =	sld [smem:$0x3FA0]  }
0x29: {  	s4 =	sld [smem:$0x3FA2]  }
0x2a: {  	p0 =	seq.s32 s5, $0x0;
	s5 =	sld [smem:$0x3FA3]  }
0x2b: {  	s6 =	sld [smem:$0x3FA4]  }
0x2c: {  	s7 =	sld [smem:$0x3FA5]  }
0x2d: {  	s3 =	simm.s32 $0x108;
	s8 =	sld [smem:$0x3FA6]  }
0x2e: {  	s3 =	simm.s32 @!p0 $0x1082;
	s9 =	sld [smem:$0x3FA7]  }
0x2f: {  	lr =	sadd.s32 s0, s3;
	s0 =	sld [smem:$0x3F9E]  }
0x30: {  	s3 =	sld [smem:$0x3FA1]  }
0x31: {  	[smem:$0x3FAA] =	sst s10  }
0x32: {  	s10 =	sld [smem:$0x3FA8];
	_ =	sdelay $0x3  }
0x33: {  	p0 =	seq.s32 s10, $0x1;
	s10 =	sld [smem:$0x3FAA];
	_ =	sdelay $0x3  }
0x34: {  	[smem:$0x3FAA] =	sst s10  }
0x35: {  	s10 =	sld [smem:$0x3FA9];
	_ =	sdelay $0x3  }
0x36: {  	p1 =	seq.s32 s10, $0x1;
	s10 =	sld [smem:$0x3FAA];
	_ =	sdelay $0x3  }
0x37: {  	[smem:$0x3FAA] =	sst s10  }
0x38: {  	s10 =	sld [smem:$0x3FAB]  }
0x39: {  	_ = 	snop;
	(pc) =	sbr.ind lr, $3  }
0x3a: {  	_ = 	snop  }
0x3b: {  	_ = 	snop  }
0x3c: {  	p2 =	seq.s32 s10, $0x1;
	s10 =	sld [smem:$0x3FAA]  }
0x3d: {  	_ =	shalt  }
0x3e: {  	_ =	shalt  }
0x3f: {  	_ =	shalt  }
0x40: {  	_ =	shalt  }
0x41: {  	_ =	shalt  }
0x42: {  	_ =	shalt  }
0x43: {  	_ =	shalt  }
0x44: {  	_ =	shalt  }
0x45: {  	_ =	shalt  }
0x46: {  	_ =	shalt  }
0x47: {  	_ =	shalt  }
0x48: {  	_ =	shalt  }
0x49: {  	_ =	shalt  }
0x4a: {  	_ =	shalt  }
0x4b: {  	_ =	shalt  }
0x4c: {  	_ =	shalt  }
0x4d: {  	_ =	shalt  }
0x4e: {  	_ =	shalt  }
0x4f: {  	_ =	shalt  }
0x50: {  	_ =	shalt  }
0x51: {  	_ =	shalt  }
0x52: {  	_ =	shalt  }
0x53: {  	_ =	shalt  }
0x54: {  	_ =	shalt  }
0x55: {  	_ =	shalt  }
0x56: {  	_ =	shalt  }
0x57: {  	_ =	shalt  }
0x58: {  	_ =	shalt  }
0x59: {  	_ =	shalt  }
0x5a: {  	_ =	shalt  }
0x5b: {  	_ =	shalt  }
0x5c: {  	_ =	shalt  }
0x5d: {  	_ =	shalt  }
0x5e: {  	_ =	shalt  }
0x5f: {  	_ =	shalt  }
0x60: {  	_ =	shalt  }
0x61: {  	_ =	shalt  }
0x62: {  	_ =	shalt  }
0x63: {  	_ =	shalt  }
0x64: {  	_ =	shalt  }
0x65: {  	_ =	shalt  }
0x66: {  	_ =	shalt  }
0x67: {  	_ =	shalt  }
0x68: {  	_ =	shalt  }
0x69: {  	_ =	shalt  }
0x6a: {  	_ =	shalt  }
0x6b: {  	_ =	shalt  }
0x6c: {  	_ =	shalt  }
0x6d: {  	_ =	shalt  }
0x6e: {  	_ =	shalt  }
0x6f: {  	_ =	shalt  }
0x70: {  	_ =	shalt  }
0x71: {  	_ =	shalt  }
0x72: {  	_ =	shalt  }
0x73: {  	_ =	shalt  }
0x74: {  	_ =	shalt  }
0x75: {  	_ =	shalt  }
0x76: {  	_ =	shalt  }
0x77: {  	_ =	shalt  }
0x78: {  	_ =	shalt  }
0x79: {  	_ =	shalt  }
0x7a: {  	_ =	shalt  }
0x7b: {  	_ =	shalt  }
0x7c: {  	_ =	shalt  }
0x7d: {  	_ =	shalt  }
0x7e: {  	_ =	shalt  }
0x7f: {  	_ =	shalt  }
0x80: {  	_ =	shalt  }
0x81: {  	_ =	shalt  }
0x82: {  	_ =	shalt  }
0x83: {  	_ =	shalt  }
0x84: {  	_ =	shalt  }
0x85: {  	_ =	shalt  }
0x86: {  	_ =	shalt  }
0x87: {  	_ =	shalt  }
.Lfunc_end0:
.L_simem_size_0:
called_computation.1_lowered:
.L_overlay_start_0:
0x88: {  	s2 =	sld [smem:$0x3FD9]  }
0x89: {  	s3 =	sld [smem:$0x3FFE];
	_ =	sdelay $0x1  }
0x8a: {  	s1 =	srdreg.scid  }
0x8b: {  	s0 =	sand.u32 $0x1, s1  }
0x8c: {  	s14 =	sshll.u32 s0, $0xA;
	s2 =	sadd.s32 s3, s2  }
0x8d: {  	s2 =	sadd.s32 s2, s14  }
0x8e: {  	[smem:$0x3FB6] =	sst s2  }
0x8f: {  	_ = 	snop  }
0x90: {  	s2 =	sld [smem:$0x3FD0];
	_ =	sdelay $0x2  }
0x91: {  	s4 =	simm.s32 $0xA;
	s5 =	simm.s32 $0x10;
	s15 =	sld [smem:$0x3FC9]  }
0x92: {  	[smem:s5], [sflag:s4] =	dma.local [hbm:s2], $0x1  }
0x93: {  	_ =	swait.eq [sflag:s4], $0x1  }
0x94: {  	[sflag:s4] =	ssyncset.done $0x0  }
0x95: {  	[sflag:s4] =	ssyncadd.s32 $0xFFFFFFFF  }
0x96: {  	s16 =	sld [smem:$0x10];
	(tm) =	ssettm $0x1  }
0x97: {  	s17 =	sld [smem:$0x3FFB];
	_ =	sdelay $0x3  }
0x98: {  	_ =	strace s17  }
0x99: {  	s4 =	sld [smem:$0x3FFC];
	_ =	sdelay $0x3  }
0x9a: {  	_ =	strace s4  }
0x9b: {  	s4 =	sld [smem:$0x3FFD];
	_ =	sdelay $0x3  }
0x9c: {  	_ =	strace s4  }
0x9d: {  	_ =	strace $0x8FFFFFFF  }
0x9e: {  	s18 =	sld [smem:$0x3FDB];
	_ =	sdelay $0x1  }
0x9f: {  	s19 =	simm.s32 $_scs_section_size  }
0xa0: {  	s6 =	simm.s32 $_size__tile_overlayer_lowered;
	s7 =	simm.s32 $_tile_overlayer_lowered  }
0xa1: {  	s22 =	simm.s32 $0x1BFF;
	s21 =	sshll.u32 s7, $0x1;
	s4 =	sadd.s32 s19, s18  }
0xa2: {  	s8 =	simm.s32 $0x0;
	s20 =	sshll.u32 s6, $0x1;
	s6 =	sadd.s32 s21, s4  }
0xa3: {  	[timem:s8], [sflag:s22] =	dma.local [hbm:s6], s20  }
0xa4: {  	_ =	swait.ge [sflag:s22], s20  }
0xa5: {  	s5 =	ssub.s32 $0x0, s20;
	[sflag:s22] =	ssyncset.done $0x0  }
0xa6: {  	[sflag:s22] =	ssyncadd.s32 s5;
	_ =	sdelay $0x1  }
0xa7: {  	s23 =	simm.s32 $0x1B8B  }
0xa8: {  	_ =	swait.ge [sflag:s23], $0x1  }
0xa9: {  	[sflag:s23] =	ssyncset.done $0x0  }
0xaa: {  	s25 =	simm.s32 $0x1B8E;
	s24 =	sld [smem:$0x3FFE];
	[sflag:s23] =	ssyncadd.s32 $0xFFFFFFFF  }
0xab: {  	s26 =	simm.s32 $execute0_lowered;
	[smem:$0x3FD2] =	sst s25  }
0xac: {  	s6 =	sshll.u32 s26, $0x1;
	_ =	strace $0x80000049;
	[dreg:$0x1] =	wrdreg $0xFFFFFFFF  }
0xad: {  	s28 =	simm.s32 $_size_execute0_lowered;
	s4 =	sadd.s32 s4, s6;
	[dreg:$0x0] =	wrdreg $0x0  }
0xae: {  	s6 =	sshll.u32 s28, $0x1;
	[dreg:$0x2] =	wrdreg s4  }
0xaf: {  	[dreg:$0x3] =	wrdreg s6  }
0xb0: {  	[dreg:$0x4] =	wrdreg $0xC0  }
0xb1: {  	_ =	task [dreg:s8], $0x5FFFF  }
0xb2: {  	[dreg:$0x1] =	wrdreg $0xFFFFFFFF  }
0xb3: {  	[dreg:$0x0] =	wrdreg $0x60  }
0xb4: {  	[dreg:$0x2] =	wrdreg s15  }
0xb5: {  	[dreg:$0x3] =	wrdreg s16  }
0xb6: {  	[dreg:$0x4] =	wrdreg s24  }
0xb7: {  	[dreg:$0x5] =	wrdreg $0x9  }
0xb8: {  	_ =	task.clear_ibuf [dreg:s8], $0x6FFFF;
	_ =	strace $0x90000049  }
0xb9: {  	s29 =	simm.s32 $0x9;
	_ =	strace $0x8000004B  }
0xba: {  	_ =	swait.ge [sflag:s29], $0x1  }
0xbb: {  	[sflag:s29] =	ssyncadd.s32 $0xFFFFFFFF  }
0xbc: {  	_ =	strace $0x9000004B  }
0xbd: {  	_ =	sfence  }
0xbe: {  	s30 =	sld [smem:$0x0];
	_ =	sdelay $0x2  }
0xbf: {  	s31 =	sshll.u32 s1, $0xD;
	s1 =	sshrl.u32 s1, $0x2  }
0xc0: {  	s3 =	sand.u32 $0x4000, s31;
	s1 =	sadd.s32 s1, s30  }
0xc1: {  	s0 =	sor.u32 s3, s0;
	s1 =	sshll.u32 s1, $0x11  }
0xc2: {  	s0 =	sor.u32 s1, s0  }
0xc3: {  	s0 =	sadd.s32 $0x8F2B, s0  }
0xc4: {  	[sflag:s0] =	ssyncadd.remote.s32 $0x1  }
0xc5: {  	_ =	sfence.sel $0xFFFF  }
0xc6: {  	[dreg:$0x0] =	wrdreg $0xFFFFFFFF;
	(pc) =	sbr.abs _section_cstart, $3  }
0xc7: {  	[dreg:$0x1] =	wrdreg $0xFFFFFFFF  }
0xc8: {  	_ =	task.clear_ibuf [dreg:s8], $0x2FFFF;
	_ =	strace $0x9FFFFFFF  }
0xc9: {  	(tm) =	ssettm $0x7FFFFFFF  }
tec
execute0_lowered:
.L_overlay_start_1:
0x0: {  	(tag) =	ssettag $0x1  }
0x1: {  	s2 =	rddreg [dreg:$0x0]  }
0x2: {  	s4 =	rddreg [dreg:$0x1]  }
0x3: {  	s5 =	rddreg [dreg:$0x2]  }
0x4: {  	s1 =	stileid.u32;
	s3 =	srdreg.scid  }
0x5: {  	s0 =	rddreg [dreg:$0x3];
	s11 =	simm.s32 $0x9400;
	s12 =	simm.s32 $0xD400  }
0x6: {  	s13 =	simm.s32 $0x1;
	s14 =	simm.s32 $0x2;
	s15 =	simm.s32 $0x3  }
0x7: {  	s16 =	simm.s32 $0x4;
	s17 =	simm.s32 $0x0;
	s6 =	sand.u32 $0x1, s3  }
0x8: {  	s7 =	sshll.u32 s1, $0x1;
	s3 =	simm.s32 $0x0;
	s8 =	smul.u32 $0x28000, s1  }
0x9: {  	s7 =	sor.u32 s6, s7;
	s9 =	ssub.s32 $0x2, s6;
	s6 =	smul.u32 $0x14000, s6  }
0xa: {  	[smem:$0x7FF] =	sst s3;
	s7 =	smul.u32 $0x1400, s7;
	s10 =	sshrl.u32 s9, $0x1  }
0xb: {  	_ =	strace $0x8000004A;
	s8 =	sadd.s32 s8, s5;
	s31 =	ssub.s32 s9, s10  }
0xc: {  	s6 =	sadd.s32 s6, s8;
	s8 =	simm.s32 $0x80;
	s9 =	simm.s32 $0x1400  }
0xd: {  	s10 =	simm.s32 $0x5400;
	s7 =	sshrl.u32 s7, $0x3;
	s5 =	smax.u32 s31, $0x1  }
0xe: {  	s6 =	sadd.s32 $0x8400, s6;
	s4 =	sadd.s32 s4, s7;
	s7 =	simm.s32 $0x5  }
.LBB2_1:
0xf: {  	[tilespmem:s3], [sflag:$0x5] =	stream.linear.gather [hbm4b:s4+s3], $0x1400, $0x38;
	[tilespmem:$0x11400] =	vst v63  }
0x10: {  	_ =	swait.ge [sflag:s7], $0x1400  }
0x11: {  	[sflag:s7] =	ssyncset.done $0x0  }
0x12: {  	s18 =	simm.s32 $0x0;
	[sflag:s7] =	ssyncadd.s32 $0xFFFFEC00  }
0x13: {  	[tilespmem:s9], [sflag:$0x1] =	stream.indirect.gather [hbm4b:s2+s8], $0x80, s18, s8, $0xb8;
	[tilespmem:$0x11400] =	vst v63  }
0x14: {  	s25 =	simm.s32 $0x80  }
0x15: {  	[tilespmem:s10], [sflag:$0x2] =	stream.indirect.gather [hbm4b:s2+s8], $0x80, s25, s8, $0xb8;
	[tilespmem:$0x11400] =	vst v63  }
0x16: {  	s26 =	simm.s32 $0x100  }
0x17: {  	[tilespmem:s11], [sflag:$0x3] =	stream.indirect.gather [hbm4b:s2+s8], $0x80, s26, s8, $0xb8;
	[tilespmem:$0x11400] =	vst v63  }
0x18: {  	s28 =	simm.s32 $0x180  }
0x19: {  	[tilespmem:s12], [sflag:$0x4] =	stream.indirect.gather [hbm4b:s2+s8], $0x80, s28, s8, $0xb8;
	[tilespmem:$0x11400] =	vst v63  }
0x1a: {  	_ =	swait.ge [sflag:s13], $0x4000  }
0x1b: {  	[sflag:s13] =	ssyncset.done $0x0  }
0x1c: {  	s29 =	sadd.s32 $0xFFFFF000, s6;
	[sflag:s13] =	ssyncadd.s32 $0xFFFFC000  }
0x1d: {  	[hbm4b:s29+s3] =	stream.linear.scatter [tilespmem:s9], [sflag:$0x5], $0x4000, $0x38;
	[tilespmem:$0x11400] =	vst v63  }
0x1e: {  	_ =	swait.ge [sflag:s7], $0x4000  }
0x1f: {  	[sflag:s7] =	ssyncset.done $0x0  }
0x20: {  	[sflag:s7] =	ssyncadd.s32 $0xFFFFC000  }
0x21: {  	_ =	swait.ge [sflag:s14], $0x4000  }
0x22: {  	[sflag:s14] =	ssyncset.done $0x0  }
0x23: {  	s30 =	sadd.s32 $0xFFFFF800, s6;
	[sflag:s14] =	ssyncadd.s32 $0xFFFFC000  }
0x24: {  	[hbm4b:s30+s3] =	stream.linear.scatter [tilespmem:s10], [sflag:$0x5], $0x4000, $0x38;
	[tilespmem:$0x11400] =	vst v63  }
0x25: {  	_ =	swait.ge [sflag:s7], $0x4000  }
0x26: {  	[sflag:s7] =	ssyncset.done $0x0  }
0x27: {  	[sflag:s7] =	ssyncadd.s32 $0xFFFFC000  }
0x28: {  	_ =	swait.ge [sflag:s15], $0x4000  }
0x29: {  	[sflag:s15] =	ssyncset.done $0x0  }
0x2a: {  	[sflag:s15] =	ssyncadd.s32 $0xFFFFC000  }
0x2b: {  	[hbm4b:s6+s3] =	stream.linear.scatter [tilespmem:s11], [sflag:$0x5], $0x4000, $0x38;
	[tilespmem:$0x11400] =	vst v63  }
0x2c: {  	_ =	swait.ge [sflag:s7], $0x4000  }
0x2d: {  	[sflag:s7] =	ssyncset.done $0x0  }
0x2e: {  	[sflag:s7] =	ssyncadd.s32 $0xFFFFC000  }
0x2f: {  	_ =	swait.ge [sflag:s16], $0x4000  }
0x30: {  	[sflag:s16] =	ssyncset.done $0x0  }
0x31: {  	s31 =	sadd.s32 $0x800, s6;
	[sflag:s16] =	ssyncadd.s32 $0xFFFFC000  }
0x32: {  	[hbm4b:s31+s3] =	stream.linear.scatter [tilespmem:s12], [sflag:$0x5], $0x4000, $0x38;
	[tilespmem:$0x11400] =	vst v63  }
0x33: {  	s19 =	simm.s32 $0x800;
	_ =	swait.ge [sflag:s7], $0x4000  }
0x34: {  	s21 =	simm.s32 $0x1000;
	s18 =	sadd.s32 $0x2000, s6;
	[sflag:s7] =	ssyncset.done $0x0  }
.LBB2_2:
0x35: {  	s22 =	sshra.s32 s19, $0x2  }
0x36: {  	[sflag:s7] =	ssyncadd.s32 $0xFFFFC000;
	s19 =	smov.u32 s21;
	s20 =	sadd.s32 $0x800, s21  }
0x37: {  	[tilespmem:s9], [sflag:$0x1] =	stream.indirect.gather [hbm4b:s2+s8], $0x80, s22, s8, $0xb8;
	[tilespmem:$0x11400] =	vst v63  }
0x38: {  	p0 =	sne.s32 s21, $0x4800;
	s21 =	sadd.s32 $0x80, s22  }
0x39: {  	[tilespmem:s10], [sflag:$0x2] =	stream.indirect.gather [hbm4b:s2+s8], $0x80, s21, s8, $0xb8;
	[tilespmem:$0x11400] =	vst v63  }
0x3a: {  	s21 =	sadd.s32 $0x100, s22  }
0x3b: {  	[tilespmem:s11], [sflag:$0x3] =	stream.indirect.gather [hbm4b:s2+s8], $0x80, s21, s8, $0xb8;
	[tilespmem:$0x11400] =	vst v63  }
0x3c: {  	s21 =	sadd.s32 $0x180, s22  }
0x3d: {  	[tilespmem:s12], [sflag:$0x4] =	stream.indirect.gather [hbm4b:s2+s8], $0x80, s21, s8, $0xb8;
	[tilespmem:$0x11400] =	vst v63  }
0x3e: {  	_ =	swait.ge [sflag:s13], $0x4000  }
0x3f: {  	[sflag:s13] =	ssyncset.done $0x0  }
0x40: {  	s21 =	sadd.s32 $0xFFFFF000, s18;
	[sflag:s13] =	ssyncadd.s32 $0xFFFFC000  }
0x41: {  	[hbm4b:s21+s3] =	stream.linear.scatter [tilespmem:s9], [sflag:$0x5], $0x4000, $0x38;
	[tilespmem:$0x11400] =	vst v63  }
0x42: {  	_ =	swait.ge [sflag:s7], $0x4000  }
0x43: {  	[sflag:s7] =	ssyncset.done $0x0  }
0x44: {  	[sflag:s7] =	ssyncadd.s32 $0xFFFFC000  }
0x45: {  	_ =	swait.ge [sflag:s14], $0x4000  }
0x46: {  	[sflag:s14] =	ssyncset.done $0x0  }
0x47: {  	s21 =	sadd.s32 $0xFFFFF800, s18;
	[sflag:s14] =	ssyncadd.s32 $0xFFFFC000  }
0x48: {  	[hbm4b:s21+s3] =	stream.linear.scatter [tilespmem:s10], [sflag:$0x5], $0x4000, $0x38;
	[tilespmem:$0x11400] =	vst v63  }
0x49: {  	_ =	swait.ge [sflag:s7], $0x4000  }
0x4a: {  	[sflag:s7] =	ssyncset.done $0x0  }
0x4b: {  	[sflag:s7] =	ssyncadd.s32 $0xFFFFC000  }
0x4c: {  	_ =	swait.ge [sflag:s15], $0x4000  }
0x4d: {  	[sflag:s15] =	ssyncset.done $0x0  }
0x4e: {  	[sflag:s15] =	ssyncadd.s32 $0xFFFFC000  }
0x4f: {  	[hbm4b:s18+s3] =	stream.linear.scatter [tilespmem:s11], [sflag:$0x5], $0x4000, $0x38;
	[tilespmem:$0x11400] =	vst v63  }
0x50: {  	_ =	swait.ge [sflag:s7], $0x4000  }
0x51: {  	[sflag:s7] =	ssyncset.done $0x0  }
0x52: {  	[sflag:s7] =	ssyncadd.s32 $0xFFFFC000  }
0x53: {  	_ =	swait.ge [sflag:s16], $0x4000  }
.Ltmp0:
0x54: {  	[sflag:s16] =	ssyncset.done $0x0;
	(pc) =	sbr.rel @p0 .LBB2_2-.Ltmp0, $4  }
0x55: {  	s21 =	sadd.s32 $0x800, s18;
	[sflag:s16] =	ssyncadd.s32 $0xFFFFC000  }
0x56: {  	[hbm4b:s21+s3] =	stream.linear.scatter [tilespmem:s12], [sflag:$0x5], $0x4000, $0x38;
	[tilespmem:$0x11400] =	vst v63  }
0x57: {  	_ =	swait.ge [sflag:s7], $0x4000  }
0x58: {  	s18 =	sadd.s32 $0x2000, s18;
	s21 =	smov.u32 s20;
	[sflag:s7] =	ssyncset.done $0x0  }
0x59: {  	s19 =	sshra.s32 s19, $0x2;
	[sflag:s7] =	ssyncadd.s32 $0xFFFFC000  }
0x5a: {  	[tilespmem:s9], [sflag:$0x1] =	stream.indirect.gather [hbm4b:s2+s8], $0x80, s19, s8, $0xb8;
	[tilespmem:$0x11400] =	vst v63  }
0x5b: {  	s20 =	sadd.s32 $0x80, s19  }
0x5c: {  	[tilespmem:s10], [sflag:$0x2] =	stream.indirect.gather [hbm4b:s2+s8], $0x80, s20, s8, $0xb8;
	[tilespmem:$0x11400] =	vst v63  }
0x5d: {  	s28 =	sadd.s32 $0x100, s19  }
0x5e: {  	[tilespmem:s11], [sflag:$0x3] =	stream.indirect.gather [hbm4b:s2+s8], $0x80, s28, s8, $0xb8;
	[tilespmem:$0x11400] =	vst v63  }
0x5f: {  	s19 =	sadd.s32 $0x180, s19  }
0x60: {  	[tilespmem:s12], [sflag:$0x4] =	stream.indirect.gather [hbm4b:s2+s8], $0x80, s19, s8, $0xb8;
	[tilespmem:$0x11400] =	vst v63  }
0x61: {  	_ =	swait.ge [sflag:s13], $0x4000  }
0x62: {  	[sflag:s13] =	ssyncset.done $0x0  }
0x63: {  	s29 =	sadd.s32 $0xFFFFF000, s18;
	[sflag:s13] =	ssyncadd.s32 $0xFFFFC000  }
0x64: {  	[hbm4b:s29+s3] =	stream.linear.scatter [tilespmem:s9], [sflag:$0x5], $0x4000, $0x38;
	[tilespmem:$0x11400] =	vst v63  }
0x65: {  	_ =	swait.ge [sflag:s7], $0x4000  }
0x66: {  	[sflag:s7] =	ssyncset.done $0x0  }
0x67: {  	[sflag:s7] =	ssyncadd.s32 $0xFFFFC000  }
0x68: {  	_ =	swait.ge [sflag:s14], $0x4000  }
0x69: {  	[sflag:s14] =	ssyncset.done $0x0  }
0x6a: {  	s30 =	sadd.s32 $0xFFFFF800, s18;
	[sflag:s14] =	ssyncadd.s32 $0xFFFFC000  }
0x6b: {  	[hbm4b:s30+s3] =	stream.linear.scatter [tilespmem:s10], [sflag:$0x5], $0x4000, $0x38;
	[tilespmem:$0x11400] =	vst v63  }
0x6c: {  	_ =	swait.ge [sflag:s7], $0x4000  }
0x6d: {  	[sflag:s7] =	ssyncset.done $0x0  }
0x6e: {  	[sflag:s7] =	ssyncadd.s32 $0xFFFFC000  }
0x6f: {  	_ =	swait.ge [sflag:s15], $0x4000  }
0x70: {  	[sflag:s15] =	ssyncset.done $0x0  }
0x71: {  	[sflag:s15] =	ssyncadd.s32 $0xFFFFC000  }
0x72: {  	[hbm4b:s18+s3] =	stream.linear.scatter [tilespmem:s11], [sflag:$0x5], $0x4000, $0x38;
	[tilespmem:$0x11400] =	vst v63  }
0x73: {  	_ =	swait.ge [sflag:s7], $0x4000  }
0x74: {  	[sflag:s7] =	ssyncset.done $0x0  }
0x75: {  	[sflag:s7] =	ssyncadd.s32 $0xFFFFC000  }
0x76: {  	s17 =	sadd.s32 $0x1, s17;
	_ =	swait.ge [sflag:s16], $0x4000  }
0x77: {  	p0 =	sne.s32 s17, s5;
	[sflag:s16] =	ssyncset.done $0x0  }
.Ltmp1:
0x78: {  	s31 =	sadd.s32 $0x800, s18;
	[sflag:s16] =	ssyncadd.s32 $0xFFFFC000;
	(pc) =	sbr.rel @p0 .LBB2_1-.Ltmp1, $4  }
0x79: {  	[hbm4b:s31+s3] =	stream.linear.scatter [tilespmem:s12], [sflag:$0x5], $0x4000, $0x38;
	[tilespmem:$0x11400] =	vst v63  }
0x7a: {  	_ =	swait.ge [sflag:s7], $0x4000  }
0x7b: {  	[sflag:s7] =	ssyncset.done $0x0  }
0x7c: {  	[sflag:s7] =	ssyncadd.s32 $0xFFFFC000  }
0x7d: {  	_ =	sfence.sel $0x180000  }
0x7e: {  	[bflag:$0x0] =	sbarrier.arrive $0xFFFF  }
0x7f: {  	p0 =	sne.s32 s1, $0x0;
	_ =	strace $0x9000004A  }
0x80: {  	s0 =	sadd.s32 @!p0 $0x100000, s0;
	[bflag:$0x2] =	sbarrier.arrive $0xFFFF  }
0x81: {  	[sflag:s0] =	ssyncadd.tile.s32 @!p0 $0x1;
	_ =	shalt  }
.Lfunc_end2:
_tile_overlayer_lowered:
.L_overlay_start_2:
0x82: {  	(tag) =	ssettag $0x2  }
0x83: {  	s0 =	rddreg [dreg:$0x0];
	s2 =	stileid.u32  }
0x84: {  	s1 =	rddreg [dreg:$0x1];
	p0 =	sne.s32 s2, $0x0  }
0x85: {  	s3 =	rddreg [dreg:$0x2];
	[bflag:$0x3] =	sbarrier.arrive $0xFFFF;
	s2 =	simm.s32 @!p0 $0x1C05  }
0x86: {  	[timem:s3], [sflag:s2] =	dma.local @!p0 [hbm:s0], s1  }
0x87: {  	s0 =	simm.s32 @!p0 $0x5  }
0x88: {  	_ =	swait.ge @!p0 [sflag:s0], s1  }
0x89: {  	s1 =	ssub.s32 @!p0 $0x0, s1;
	[sflag:s0] =	ssyncset.done @!p0 $0x0  }
0x8a: {  	[sflag:s0] =	ssyncadd.s32 @!p0 s1  }
0x8b: {  	[bflag:$0x3] =	sbarrier.arrive $0xFFFF  }
0x8c: {  	_ =	shalt  }

// kernel: kernel.17.cloned.1.call-start
scs
__scs_entry_jumppad:
0x0: {  	(pc) =	sbr.rel $0x88, $3  }
0x1: {  	(tag) =	ssettag $0x0;
	lr =	simm.s32 $0x1  }
0x2: {  	[smem:$0x3F8F] =	sst lr;
	_ =	strace $0xD0000000  }
0x3: {  	_ = 	snop  }
0x4: {  	_ = 	snop  }
0x5: {  	_ = 	snop  }
0x6: {  	_ = 	snop  }
0x7: {  	_ = 	snop  }
__scs_overlays_trampoline_lowered:
0x8: {  	[smem:$0x3F9E] =	sst s0  }
0x9: {  	[smem:$0x3F9F] =	sst s1  }
0xa: {  	[smem:$0x3FA0] =	sst s2  }
0xb: {  	[smem:$0x3FA1] =	sst s3  }
0xc: {  	[smem:$0x3FA2] =	sst s4  }
0xd: {  	[smem:$0x3FA3] =	sst s5  }
0xe: {  	[smem:$0x3FA4] =	sst s6  }
0xf: {  	[smem:$0x3FA5] =	sst s7  }
0x10: {  	[smem:$0x3FA6] =	sst s8  }
0x11: {  	[smem:$0x3FA7] =	sst s9;
	s0 =	simm.s32 @!p0 $0x0  }
0x12: {  	s1 =	sld [smem:$0x3F8D];
	s0 =	simm.s32 @p0 $0x1  }
0x13: {  	[smem:$0x3FA8] =	sst s0;
	s0 =	simm.s32 @!p1 $0x0  }
0x14: {  	s2 =	sld [smem:$0x3F8C];
	s0 =	simm.s32 @p1 $0x1  }
0x15: {  	[smem:$0x3FA9] =	sst s0;
	s0 =	simm.s32 @!p2 $0x0  }
0x16: {  	s3 =	sld [smem:$0x3FDB];
	s0 =	simm.s32 @p2 $0x1  }
0x17: {  	s4 =	simm.s32 $0x1BF5;
	[smem:$0x3FAB] =	sst s0  }
0x18: {  	s0 =	sld [smem:$0x3F8E];
	_ =	swait.ge [sflag:s4], $0x0  }
0x19: {  	s7 =	sld [smem:$0x3F8F]  }
0x1a: {  	s8 =	sadd.s32 $0xFFFFE003, lr  }
0x1b: {  	s9 =	sadd.s32 $0xFFFFFEF7, lr;
	s5 =	simm.s32 $0xFFFFFFFF;
	p2 =	slt.u32 s8, $0xFFFFF086  }
0x1c: {  	p1 =	slt.u32 s9, $0xF7A;
	s5 =	simm.s32 @!p2 $0x0  }
0x1d: {  	s5 =	simm.s32 @p1 $0x1;
	p0 =	seq.s32 s7, s2  }
0x1e: {  	s7 =	smul.u32 @!p0 $0xF7A, s2;
	p2 =	seq.s32 @!p0 s5, $0x0  }
0x1f: {  	s9 =	smul.u32 $0xF7A, s1;
	s8 =	simm.s32 @!p0 $0x1BF5;
	p2 =	por !p2, p0  }
0x20: {  	[sflag:s8] =	ssyncset.s32 @!p0 $0xFFFFF086;
	s6 =	sadd.s32 @!p0 s3, s7;
	s7 =	simm.s32 @!p0 $0x108  }
0x21: {  	s3 =	sadd.s32 s3, s9;
	s6 =	sadd.s32 @!p0 $0x88, s6;
	s7 =	simm.s32 @p2 $0x1082  }
0x22: {  	[simem:s7], [sflag:s8] =	dma.local @!p0 [hbm:s6], $0xF7A  }
0x23: {  	s9 =	sor.u32 $0xD0000000, s2;
	s6 =	simm.s32 $0x108;
	_ =	swait.ge @!p0 [sflag:s8], $0x0  }
0x24: {  	s3 =	sadd.s32 $0x88, s3;
	s6 =	simm.s32 @!p1 $0x1082;
	[sflag:s4] =	ssyncset.s32 $0xFFFFF086  }
0x25: {  	[simem:s6], [sflag:s4] =	dma.local [hbm:s3], $0xF7A  }
0x26: {  	[smem:$0x3F8F] =	sst s1;
	(tag) =	ssettag s2;
	_ =	strace s9  }
0x27: {  	s1 =	sld [smem:$0x3F9F]  }
0x28: {  	s2 =	sld [smem:$0x3FA0]  }
0x29: {  	s4 =	sld [smem:$0x3FA2]  }
0x2a: {  	p0 =	seq.s32 s5, $0x0;
	s5 =	sld [smem:$0x3FA3]  }
0x2b: {  	s6 =	sld [smem:$0x3FA4]  }
0x2c: {  	s7 =	sld [smem:$0x3FA5]  }
0x2d: {  	s3 =	simm.s32 $0x108;
	s8 =	sld [smem:$0x3FA6]  }
0x2e: {  	s3 =	simm.s32 @!p0 $0x1082;
	s9 =	sld [smem:$0x3FA7]  }
0x2f: {  	lr =	sadd.s32 s0, s3;
	s0 =	sld [smem:$0x3F9E]  }
0x30: {  	s3 =	sld [smem:$0x3FA1]  }
0x31: {  	[smem:$0x3FAA] =	sst s10  }
0x32: {  	s10 =	sld [smem:$0x3FA8];
	_ =	sdelay $0x3  }
0x33: {  	p0 =	seq.s32 s10, $0x1;
	s10 =	sld [smem:$0x3FAA];
	_ =	sdelay $0x3  }
0x34: {  	[smem:$0x3FAA] =	sst s10  }
0x35: {  	s10 =	sld [smem:$0x3FA9];
	_ =	sdelay $0x3  }
0x36: {  	p1 =	seq.s32 s10, $0x1;
	s10 =	sld [smem:$0x3FAA];
	_ =	sdelay $0x3  }
0x37: {  	[smem:$0x3FAA] =	sst s10  }
0x38: {  	s10 =	sld [smem:$0x3FAB]  }
0x39: {  	_ = 	snop;
	(pc) =	sbr.ind lr, $3  }
0x3a: {  	_ = 	snop  }
0x3b: {  	_ = 	snop  }
0x3c: {  	p2 =	seq.s32 s10, $0x1;
	s10 =	sld [smem:$0x3FAA]  }
0x3d: {  	_ =	shalt  }
0x3e: {  	_ =	shalt  }
0x3f: {  	_ =	shalt  }
0x40: {  	_ =	shalt  }
0x41: {  	_ =	shalt  }
0x42: {  	_ =	shalt  }
0x43: {  	_ =	shalt  }
0x44: {  	_ =	shalt  }
0x45: {  	_ =	shalt  }
0x46: {  	_ =	shalt  }
0x47: {  	_ =	shalt  }
0x48: {  	_ =	shalt  }
0x49: {  	_ =	shalt  }
0x4a: {  	_ =	shalt  }
0x4b: {  	_ =	shalt  }
0x4c: {  	_ =	shalt  }
0x4d: {  	_ =	shalt  }
0x4e: {  	_ =	shalt  }
0x4f: {  	_ =	shalt  }
0x50: {  	_ =	shalt  }
0x51: {  	_ =	shalt  }
0x52: {  	_ =	shalt  }
0x53: {  	_ =	shalt  }
0x54: {  	_ =	shalt  }
0x55: {  	_ =	shalt  }
0x56: {  	_ =	shalt  }
0x57: {  	_ =	shalt  }
0x58: {  	_ =	shalt  }
0x59: {  	_ =	shalt  }
0x5a: {  	_ =	shalt  }
0x5b: {  	_ =	shalt  }
0x5c: {  	_ =	shalt  }
0x5d: {  	_ =	shalt  }
0x5e: {  	_ =	shalt  }
0x5f: {  	_ =	shalt  }
0x60: {  	_ =	shalt  }
0x61: {  	_ =	shalt  }
0x62: {  	_ =	shalt  }
0x63: {  	_ =	shalt  }
0x64: {  	_ =	shalt  }
0x65: {  	_ =	shalt  }
0x66: {  	_ =	shalt  }
0x67: {  	_ =	shalt  }
0x68: {  	_ =	shalt  }
0x69: {  	_ =	shalt  }
0x6a: {  	_ =	shalt  }
0x6b: {  	_ =	shalt  }
0x6c: {  	_ =	shalt  }
0x6d: {  	_ =	shalt  }
0x6e: {  	_ =	shalt  }
0x6f: {  	_ =	shalt  }
0x70: {  	_ =	shalt  }
0x71: {  	_ =	shalt  }
0x72: {  	_ =	shalt  }
0x73: {  	_ =	shalt  }
0x74: {  	_ =	shalt  }
0x75: {  	_ =	shalt  }
0x76: {  	_ =	shalt  }
0x77: {  	_ =	shalt  }
0x78: {  	_ =	shalt  }
0x79: {  	_ =	shalt  }
0x7a: {  	_ =	shalt  }
0x7b: {  	_ =	shalt  }
0x7c: {  	_ =	shalt  }
0x7d: {  	_ =	shalt  }
0x7e: {  	_ =	shalt  }
0x7f: {  	_ =	shalt  }
0x80: {  	_ =	shalt  }
0x81: {  	_ =	shalt  }
0x82: {  	_ =	shalt  }
0x83: {  	_ =	shalt  }
0x84: {  	_ =	shalt  }
0x85: {  	_ =	shalt  }
0x86: {  	_ =	shalt  }
0x87: {  	_ =	shalt  }
.Lfunc_end0:
.L_simem_size_0:
called_computation.2_lowered:
.L_overlay_start_0:
0x88: {  	s2 =	sld [smem:$0x3FD9]  }
0x89: {  	s3 =	sld [smem:$0x3FFE];
	_ =	sdelay $0x1  }
0x8a: {  	s1 =	srdreg.scid  }
0x8b: {  	s0 =	sand.u32 $0x1, s1  }
0x8c: {  	s14 =	sshll.u32 s0, $0xA;
	s2 =	sadd.s32 s3, s2  }
0x8d: {  	s2 =	sadd.s32 s2, s14  }
0x8e: {  	[smem:$0x3FB6] =	sst s2  }
0x8f: {  	_ = 	snop  }
0x90: {  	s2 =	sld [smem:$0x3FD0];
	_ =	sdelay $0x2  }
0x91: {  	s15 =	simm.s32 $0xA;
	s4 =	simm.s32 $0x10  }
0x92: {  	[smem:s4], [sflag:s15] =	dma.local [hbm:s2], $0x1  }
0x93: {  	_ =	swait.eq [sflag:s15], $0x1  }
0x94: {  	[sflag:s15] =	ssyncset.done $0x0  }
0x95: {  	[sflag:s15] =	ssyncadd.s32 $0xFFFFFFFF  }
0x96: {  	s16 =	sld [smem:$0x10];
	(tm) =	ssettm $0x1  }
0x97: {  	s17 =	sld [smem:$0x3FFB];
	_ =	sdelay $0x3  }
0x98: {  	_ =	strace s17  }
0x99: {  	s3 =	sld [smem:$0x3FFC];
	_ =	sdelay $0x3  }
0x9a: {  	_ =	strace s3  }
0x9b: {  	s3 =	sld [smem:$0x3FFD];
	_ =	sdelay $0x3  }
0x9c: {  	_ =	strace s3  }
0x9d: {  	_ =	strace $0x8FFFFFFF  }
0x9e: {  	s18 =	sld [smem:$0x3FDB];
	_ =	sdelay $0x1  }
0x9f: {  	s19 =	simm.s32 $_scs_section_size  }
0xa0: {  	s5 =	simm.s32 $_size__tile_overlayer_lowered;
	s6 =	simm.s32 $_tile_overlayer_lowered  }
0xa1: {  	s22 =	simm.s32 $0x1BFF;
	s21 =	sshll.u32 s6, $0x1;
	s3 =	sadd.s32 s19, s18  }
0xa2: {  	s7 =	simm.s32 $0x0;
	s20 =	sshll.u32 s5, $0x1;
	s5 =	sadd.s32 s21, s3  }
0xa3: {  	[timem:s7], [sflag:s22] =	dma.local [hbm:s5], s20  }
0xa4: {  	_ =	swait.ge [sflag:s22], s20  }
0xa5: {  	s4 =	ssub.s32 $0x0, s20;
	[sflag:s22] =	ssyncset.done $0x0  }
0xa6: {  	[sflag:s22] =	ssyncadd.s32 s4;
	_ =	sdelay $0x1  }
0xa7: {  	s23 =	simm.s32 $0x1B8B  }
0xa8: {  	_ =	swait.ge [sflag:s23], $0x1  }
0xa9: {  	[sflag:s23] =	ssyncset.done $0x0  }
0xaa: {  	s25 =	simm.s32 $0x1B8E;
	s24 =	sld [smem:$0x3FFE];
	[sflag:s23] =	ssyncadd.s32 $0xFFFFFFFF  }
0xab: {  	s26 =	simm.s32 $execute0_lowered;
	[smem:$0x3FD2] =	sst s25  }
0xac: {  	s5 =	sshll.u32 s26, $0x1;
	_ =	strace $0x8000004C;
	[dreg:$0x1] =	wrdreg $0xFFFFFFFF  }
0xad: {  	s28 =	simm.s32 $_size_execute0_lowered;
	s3 =	sadd.s32 s3, s5;
	[dreg:$0x0] =	wrdreg $0x0  }
0xae: {  	s5 =	sshll.u32 s28, $0x1;
	[dreg:$0x2] =	wrdreg s3  }
0xaf: {  	[dreg:$0x3] =	wrdreg s5  }
0xb0: {  	[dreg:$0x4] =	wrdreg $0xC0  }
0xb1: {  	_ =	task [dreg:s7], $0x5FFFF  }
0xb2: {  	[dreg:$0x1] =	wrdreg $0xFFFFFFFF  }
0xb3: {  	[dreg:$0x0] =	wrdreg $0x60  }
0xb4: {  	[dreg:$0x2] =	wrdreg s16  }
0xb5: {  	[dreg:$0x3] =	wrdreg s24  }
0xb6: {  	[dreg:$0x4] =	wrdreg $0x9  }
0xb7: {  	_ =	task.clear_ibuf [dreg:s7], $0x5FFFF;
	_ =	strace $0x9000004C  }
0xb8: {  	s29 =	simm.s32 $0x9;
	_ =	strace $0x8000004E  }
0xb9: {  	_ =	swait.ge [sflag:s29], $0x1  }
0xba: {  	[sflag:s29] =	ssyncadd.s32 $0xFFFFFFFF  }
0xbb: {  	_ =	strace $0x9000004E  }
0xbc: {  	_ =	sfence  }
0xbd: {  	s30 =	sld [smem:$0x0];
	_ =	sdelay $0x2  }
0xbe: {  	s31 =	sshll.u32 s1, $0xD;
	s1 =	sshrl.u32 s1, $0x2  }
0xbf: {  	s3 =	sand.u32 $0x4000, s31;
	s1 =	sadd.s32 s1, s30  }
0xc0: {  	s0 =	sor.u32 s3, s0;
	s1 =	sshll.u32 s1, $0x11  }
0xc1: {  	s0 =	sor.u32 s1, s0  }
0xc2: {  	s0 =	sadd.s32 $0x8F2B, s0  }
0xc3: {  	[sflag:s0] =	ssyncadd.remote.s32 $0x1  }
0xc4: {  	_ =	sfence.sel $0xFFFF  }
0xc5: {  	[dreg:$0x0] =	wrdreg $0xFFFFFFFF;
	(pc) =	sbr.abs _section_cstart, $3  }
0xc6: {  	[dreg:$0x1] =	wrdreg $0xFFFFFFFF  }
0xc7: {  	_ =	task.clear_ibuf [dreg:s7], $0x2FFFF;
	_ =	strace $0x9FFFFFFF  }
0xc8: {  	(tm) =	ssettm $0x7FFFFFFF  }
0xc9: {  	_ =	shalt  }
tec
execute0_lowered:
.L_overlay_start_1:
0x0: {  	(tag) =	ssettag $0x1  }
0x1: {  	s2 =	rddreg [dreg:$0x0];
	s1 =	srdreg.scid  }
0x2: {  	s0 =	stileid.u32;
	s4 =	rddreg [dreg:$0x1];
	s3 =	simm.s32 $0x0  }
0x3: {  	s11 =	simm.s32 $0x9400;
	s12 =	simm.s32 $0xD400;
	s13 =	simm.s32 $0x1  }
0x4: {  	s14 =	simm.s32 $0x2;
	s15 =	simm.s32 $0x3;
	s16 =	simm.s32 $0x4  }
0x5: {  	s17 =	simm.s32 $0x0;
	s5 =	sand.u32 $0x1, s1;
	s1 =	rddreg [dreg:$0x2]  }
0x6: {  	s6 =	sshll.u32 s0, $0x1;
	[smem:$0x7FF] =	sst s3;
	s7 =	smul.u32 $0x28000, s0  }
0x7: {  	s6 =	sor.u32 s5, s6;
	s8 =	ssub.s32 $0x2, s5;
	s10 =	smul.u32 $0x14000, s5  }
0x8: {  	_ =	strace $0x8000004D;
	s6 =	smul.u32 $0x1400, s6;
	s9 =	sshrl.u32 s8, $0x1  }
0x9: {  	s30 =	sadd.s32 s7, s4;
	s7 =	simm.s32 $0x5;
	s31 =	ssub.s32 s8, s9  }
0xa: {  	s8 =	simm.s32 $0x80;
	s9 =	simm.s32 $0x1400;
	s6 =	sshrl.u32 s6, $0x3  }
0xb: {  	s5 =	smax.u32 s31, $0x1;
	s29 =	sadd.s32 s6, s4;
	s6 =	sadd.s32 s10, s30  }
0xc: {  	s10 =	simm.s32 $0x5400;
	s4 =	sadd.s32 $0x287400, s29;
	s6 =	sadd.s32 $0x8400, s6  }
.LBB2_1:
0xd: {  	[tilespmem:s3], [sflag:$0x5] =	stream.linear.gather [hbm4b:s4+s3], $0x1400, $0x38;
	[tilespmem:$0x11400] =	vst v63  }
0xe: {  	_ =	swait.ge [sflag:s7], $0x1400  }
0xf: {  	[sflag:s7] =	ssyncset.done $0x0  }
0x10: {  	s18 =	simm.s32 $0x0;
	[sflag:s7] =	ssyncadd.s32 $0xFFFFEC00  }
0x11: {  	[tilespmem:s9], [sflag:$0x1] =	stream.indirect.gather [hbm4b:s2+s8], $0x80, s18, s8, $0xb8;
	[tilespmem:$0x11400] =	vst v63  }
0x12: {  	s25 =	simm.s32 $0x80  }
0x13: {  	[tilespmem:s10], [sflag:$0x2] =	stream.indirect.gather [hbm4b:s2+s8], $0x80, s25, s8, $0xb8;
	[tilespmem:$0x11400] =	vst v63  }
0x14: {  	s26 =	simm.s32 $0x100  }
0x15: {  	[tilespmem:s11], [sflag:$0x3] =	stream.indirect.gather [hbm4b:s2+s8], $0x80, s26, s8, $0xb8;
	[tilespmem:$0x11400] =	vst v63  }
0x16: {  	s28 =	simm.s32 $0x180  }
0x17: {  	[tilespmem:s12], [sflag:$0x4] =	stream.indirect.gather [hbm4b:s2+s8], $0x80, s28, s8, $0xb8;
	[tilespmem:$0x11400] =	vst v63  }
0x18: {  	_ =	swait.ge [sflag:s13], $0x4000  }
0x19: {  	[sflag:s13] =	ssyncset.done $0x0  }
0x1a: {  	s29 =	sadd.s32 $0xFFFFF000, s6;
	[sflag:s13] =	ssyncadd.s32 $0xFFFFC000  }
0x1b: {  	[hbm4b:s29+s3] =	stream.linear.scatter [tilespmem:s9], [sflag:$0x5], $0x4000, $0x38;
	[tilespmem:$0x11400] =	vst v63  }
0x1c: {  	_ =	swait.ge [sflag:s7], $0x4000  }
0x1d: {  	[sflag:s7] =	ssyncset.done $0x0  }
0x1e: {  	[sflag:s7] =	ssyncadd.s32 $0xFFFFC000  }
0x1f: {  	_ =	swait.ge [sflag:s14], $0x4000  }
0x20: {  	[sflag:s14] =	ssyncset.done $0x0  }
0x21: {  	s30 =	sadd.s32 $0xFFFFF800, s6;
	[sflag:s14] =	ssyncadd.s32 $0xFFFFC000  }
0x22: {  	[hbm4b:s30+s3] =	stream.linear.scatter [tilespmem:s10], [sflag:$0x5], $0x4000, $0x38;
	[tilespmem:$0x11400] =	vst v63  }
0x23: {  	_ =	swait.ge [sflag:s7], $0x4000  }
0x24: {  	[sflag:s7] =	ssyncset.done $0x0  }
0x25: {  	[sflag:s7] =	ssyncadd.s32 $0xFFFFC000  }
0x26: {  	_ =	swait.ge [sflag:s15], $0x4000  }
0x27: {  	[sflag:s15] =	ssyncset.done $0x0  }
0x28: {  	[sflag:s15] =	ssyncadd.s32 $0xFFFFC000  }
0x29: {  	[hbm4b:s6+s3] =	stream.linear.scatter [tilespmem:s11], [sflag:$0x5], $0x4000, $0x38;
	[tilespmem:$0x11400] =	vst v63  }
0x2a: {  	_ =	swait.ge [sflag:s7], $0x4000  }
0x2b: {  	[sflag:s7] =	ssyncset.done $0x0  }
0x2c: {  	[sflag:s7] =	ssyncadd.s32 $0xFFFFC000  }
0x2d: {  	_ =	swait.ge [sflag:s16], $0x4000  }
0x2e: {  	[sflag:s16] =	ssyncset.done $0x0  }
0x2f: {  	s31 =	sadd.s32 $0x800, s6;
	[sflag:s16] =	ssyncadd.s32 $0xFFFFC000  }
0x30: {  	[hbm4b:s31+s3] =	stream.linear.scatter [tilespmem:s12], [sflag:$0x5], $0x4000, $0x38;
	[tilespmem:$0x11400] =	vst v63  }
0x31: {  	s19 =	simm.s32 $0x800;
	_ =	swait.ge [sflag:s7], $0x4000  }
0x32: {  	s21 =	simm.s32 $0x1000;
	s18 =	sadd.s32 $0x2000, s6;
	[sflag:s7] =	ssyncset.done $0x0  }
.LBB2_2:
0x33: {  	s22 =	sshra.s32 s19, $0x2  }
0x34: {  	[sflag:s7] =	ssyncadd.s32 $0xFFFFC000;
	s19 =	smov.u32 s21;
	s20 =	sadd.s32 $0x800, s21  }
0x35: {  	[tilespmem:s9], [sflag:$0x1] =	stream.indirect.gather [hbm4b:s2+s8], $0x80, s22, s8, $0xb8;
	[tilespmem:$0x11400] =	vst v63  }
0x36: {  	p0 =	sne.s32 s21, $0x4800;
	s21 =	sadd.s32 $0x80, s22  }
0x37: {  	[tilespmem:s10], [sflag:$0x2] =	stream.indirect.gather [hbm4b:s2+s8], $0x80, s21, s8, $0xb8;
	[tilespmem:$0x11400] =	vst v63  }
0x38: {  	s21 =	sadd.s32 $0x100, s22  }
0x39: {  	[tilespmem:s11], [sflag:$0x3] =	stream.indirect.gather [hbm4b:s2+s8], $0x80, s21, s8, $0xb8;
	[tilespmem:$0x11400] =	vst v63  }
0x3a: {  	s21 =	sadd.s32 $0x180, s22  }
0x3b: {  	[tilespmem:s12], [sflag:$0x4] =	stream.indirect.gather [hbm4b:s2+s8], $0x80, s21, s8, $0xb8;
	[tilespmem:$0x11400] =	vst v63  }
0x3c: {  	_ =	swait.ge [sflag:s13], $0x4000  }
0x3d: {  	[sflag:s13] =	ssyncset.done $0x0  }
0x3e: {  	s21 =	sadd.s32 $0xFFFFF000, s18;
	[sflag:s13] =	ssyncadd.s32 $0xFFFFC000  }
0x3f: {  	[hbm4b:s21+s3] =	stream.linear.scatter [tilespmem:s9], [sflag:$0x5], $0x4000, $0x38;
	[tilespmem:$0x11400] =	vst v63  }
0x40: {  	_ =	swait.ge [sflag:s7], $0x4000  }
0x41: {  	[sflag:s7] =	ssyncset.done $0x0  }
0x42: {  	[sflag:s7] =	ssyncadd.s32 $0xFFFFC000  }
0x43: {  	_ =	swait.ge [sflag:s14], $0x4000  }
0x44: {  	[sflag:s14] =	ssyncset.done $0x0  }
0x45: {  	s21 =	sadd.s32 $0xFFFFF800, s18;
	[sflag:s14] =	ssyncadd.s32 $0xFFFFC000  }
0x46: {  	[hbm4b:s21+s3] =	stream.linear.scatter [tilespmem:s10], [sflag:$0x5], $0x4000, $0x38;
	[tilespmem:$0x11400] =	vst v63  }
0x47: {  	_ =	swait.ge [sflag:s7], $0x4000  }
0x48: {  	[sflag:s7] =	ssyncset.done $0x0  }
0x49: {  	[sflag:s7] =	ssyncadd.s32 $0xFFFFC000  }
0x4a: {  	_ =	swait.ge [sflag:s15], $0x4000  }
0x4b: {  	[sflag:s15] =	ssyncset.done $0x0  }
0x4c: {  	[sflag:s15] =	ssyncadd.s32 $0xFFFFC000  }
0x4d: {  	[hbm4b:s18+s3] =	stream.linear.scatter [tilespmem:s11], [sflag:$0x5], $0x4000, $0x38;
	[tilespmem:$0x11400] =	vst v63  }
0x4e: {  	_ =	swait.ge [sflag:s7], $0x4000  }
0x4f: {  	[sflag:s7] =	ssyncset.done $0x0  }
0x50: {  	[sflag:s7] =	ssyncadd.s32 $0xFFFFC000  }
0x51: {  	_ =	swait.ge [sflag:s16], $0x4000  }
.Ltmp0:
0x52: {  	[sflag:s16] =	ssyncset.done $0x0;
	(pc) =	sbr.rel @p0 .LBB2_2-.Ltmp0, $4  }
0x53: {  	s21 =	sadd.s32 $0x800, s18;
	[sflag:s16] =	ssyncadd.s32 $0xFFFFC000  }
0x54: {  	[hbm4b:s21+s3] =	stream.linear.scatter [tilespmem:s12], [sflag:$0x5], $0x4000, $0x38;
	[tilespmem:$0x11400] =	vst v63  }
0x55: {  	_ =	swait.ge [sflag:s7], $0x4000  }
0x56: {  	s18 =	sadd.s32 $0x2000, s18;
	s21 =	smov.u32 s20;
	[sflag:s7] =	ssyncset.done $0x0  }
0x57: {  	s19 =	sshra.s32 s19, $0x2;
	[sflag:s7] =	ssyncadd.s32 $0xFFFFC000  }
0x58: {  	[tilespmem:s9], [sflag:$0x1] =	stream.indirect.gather [hbm4b:s2+s8], $0x80, s19, s8, $0xb8;
	[tilespmem:$0x11400] =	vst v63  }
0x59: {  	s20 =	sadd.s32 $0x80, s19  }
0x5a: {  	[tilespmem:s10], [sflag:$0x2] =	stream.indirect.gather [hbm4b:s2+s8], $0x80, s20, s8, $0xb8;
	[tilespmem:$0x11400] =	vst v63  }
0x5b: {  	s28 =	sadd.s32 $0x100, s19  }
0x5c: {  	[tilespmem:s11], [sflag:$0x3] =	stream.indirect.gather [hbm4b:s2+s8], $0x80, s28, s8, $0xb8;
	[tilespmem:$0x11400] =	vst v63  }
0x5d: {  	s19 =	sadd.s32 $0x180, s19  }
0x5e: {  	[tilespmem:s12], [sflag:$0x4] =	stream.indirect.gather [hbm4b:s2+s8], $0x80, s19, s8, $0xb8;
	[tilespmem:$0x11400] =	vst v63  }
0x5f: {  	_ =	swait.ge [sflag:s13], $0x4000  }
0x60: {  	[sflag:s13] =	ssyncset.done $0x0  }
0x61: {  	s29 =	sadd.s32 $0xFFFFF000, s18;
	[sflag:s13] =	ssyncadd.s32 $0xFFFFC000  }
0x62: {  	[hbm4b:s29+s3] =	stream.linear.scatter [tilespmem:s9], [sflag:$0x5], $0x4000, $0x38;
	[tilespmem:$0x11400] =	vst v63  }
0x63: {  	_ =	swait.ge [sflag:s7], $0x4000  }
0x64: {  	[sflag:s7] =	ssyncset.done $0x0  }
0x65: {  	[sflag:s7] =	ssyncadd.s32 $0xFFFFC000  }
0x66: {  	_ =	swait.ge [sflag:s14], $0x4000  }
0x67: {  	[sflag:s14] =	ssyncset.done $0x0  }
0x68: {  	s30 =	sadd.s32 $0xFFFFF800, s18;
	[sflag:s14] =	ssyncadd.s32 $0xFFFFC000  }
0x69: {  	[hbm4b:s30+s3] =	stream.linear.scatter [tilespmem:s10], [sflag:$0x5], $0x4000, $0x38;
	[tilespmem:$0x11400] =	vst v63  }
0x6a: {  	_ =	swait.ge [sflag:s7], $0x4000  }
0x6b: {  	[sflag:s7] =	ssyncset.done $0x0  }
0x6c: {  	[sflag:s7] =	ssyncadd.s32 $0xFFFFC000  }
0x6d: {  	_ =	swait.ge [sflag:s15], $0x4000  }
0x6e: {  	[sflag:s15] =	ssyncset.done $0x0  }
0x6f: {  	[sflag:s15] =	ssyncadd.s32 $0xFFFFC000  }
0x70: {  	[hbm4b:s18+s3] =	stream.linear.scatter [tilespmem:s11], [sflag:$0x5], $0x4000, $0x38;
	[tilespmem:$0x11400] =	vst v63  }
0x71: {  	_ =	swait.ge [sflag:s7], $0x4000  }
0x72: {  	[sflag:s7] =	ssyncset.done $0x0  }
0x73: {  	[sflag:s7] =	ssyncadd.s32 $0xFFFFC000  }
0x74: {  	s17 =	sadd.s32 $0x1, s17;
	_ =	swait.ge [sflag:s16], $0x4000  }
0x75: {  	p0 =	sne.s32 s17, s5;
	[sflag:s16] =	ssyncset.done $0x0  }
.Ltmp1:
0x76: {  	s31 =	sadd.s32 $0x800, s18;
	[sflag:s16] =	ssyncadd.s32 $0xFFFFC000;
	(pc) =	sbr.rel @p0 .LBB2_1-.Ltmp1, $4  }
0x77: {  	[hbm4b:s31+s3] =	stream.linear.scatter [tilespmem:s12], [sflag:$0x5], $0x4000, $0x38;
	[tilespmem:$0x11400] =	vst v63  }
0x78: {  	_ =	swait.ge [sflag:s7], $0x4000  }
0x79: {  	[sflag:s7] =	ssyncset.done $0x0  }
0x7a: {  	[sflag:s7] =	ssyncadd.s32 $0xFFFFC000  }
0x7b: {  	_ =	sfence.sel $0x180000  }
0x7c: {  	[bflag:$0x0] =	sbarrier.arrive $0xFFFF  }
0x7d: {  	p0 =	sne.s32 s0, $0x0;
	_ =	strace $0x9000004D  }
0x7e: {  	s0 =	sadd.s32 @!p0 $0x100000, s1;
	[bflag:$0x2] =	sbarrier.arrive $0xFFFF  }
0x7f: {  	[sflag:s0] =	ssyncadd.tile.s32 @!p0 $0x1;
	_ =	shalt  }
.Lfunc_end2:
_tile_overlayer_lowered:
.L_overlay_start_2:
0x80: {  	(tag) =	ssettag $0x2  }
0x81: {  	s0 =	rddreg [dreg:$0x0];
	s2 =	stileid.u32  }
0x82: {  	s1 =	rddreg [dreg:$0x1];
	p0 =	sne.s32 s2, $0x0  }
0x83: {  	s3 =	rddreg [dreg:$0x2];
	[bflag:$0x3] =	sbarrier.arrive $0xFFFF;
	s2 =	simm.s32 @!p0 $0x1C05  }
0x84: {  	[timem:s3], [sflag:s2] =	dma.local @!p0 [hbm:s0], s1  }
0x85: {  	s0 =	simm.s32 @!p0 $0x5  }
0x86: {  	_ =	swait.ge @!p0 [sflag:s0], s1  }
0x87: {  	s1 =	ssub.s32 @!p0 $0x0, s1;
	[sflag:s0] =	ssyncset.done @!p0 $0x0  }
0x88: {  	[sflag:s0] =	ssyncadd.s32 @!p0 s1  }
0x89: {  	[bflag:$0x3] =	sbarrier.arrive $0xFFFF  }
0x8a: {  	_ =	shalt  }

// kernel: kernel.9.cloned.1.call-start
scs
__scs_entry_jumppad:
0x0: {  	(pc) =	sbr.rel $0x88, $3  }
0x1: {  	(tag) =	ssettag $0x0;
	lr =	simm.s32 $0x1  }
0x2: {  	[smem:$0x3F8F] =	sst lr;
	_ =	strace $0xD0000000  }
0x3: {  	_ = 	snop  }
0x4: {  	_ = 	snop  }
0x5: {  	_ = 	snop  }
0x6: {  	_ = 	snop  }
0x7: {  	_ = 	snop  }
__scs_overlays_trampoline_lowered:
0x8: {  	[smem:$0x3F9E] =	sst s0  }
0x9: {  	[smem:$0x3F9F] =	sst s1  }
0xa: {  	[smem:$0x3FA0] =	sst s2  }
0xb: {  	[smem:$0x3FA1] =	sst s3  }
0xc: {  	[smem:$0x3FA2] =	sst s4  }
0xd: {  	[smem:$0x3FA3] =	sst s5  }
0xe: {  	[smem:$0x3FA4] =	sst s6  }
0xf: {  	[smem:$0x3FA5] =	sst s7  }
0x10: {  	[smem:$0x3FA6] =	sst s8  }
0x11: {  	[smem:$0x3FA7] =	sst s9;
	s0 =	simm.s32 @!p0 $0x0  }
0x12: {  	s1 =	sld [smem:$0x3F8D];
	s0 =	simm.s32 @p0 $0x1  }
0x13: {  	[smem:$0x3FA8] =	sst s0;
	s0 =	simm.s32 @!p1 $0x0  }
0x14: {  	s2 =	sld [smem:$0x3F8C];
	s0 =	simm.s32 @p1 $0x1  }
0x15: {  	[smem:$0x3FA9] =	sst s0;
	s0 =	simm.s32 @!p2 $0x0  }
0x16: {  	s3 =	sld [smem:$0x3FDB];
	s0 =	simm.s32 @p2 $0x1  }
0x17: {  	s4 =	simm.s32 $0x1BF5;
	[smem:$0x3FAB] =	sst s0  }
0x18: {  	s0 =	sld [smem:$0x3F8E];
	_ =	swait.ge [sflag:s4], $0x0  }
0x19: {  	s7 =	sld [smem:$0x3F8F]  }
0x1a: {  	s8 =	sadd.s32 $0xFFFFE003, lr  }
0x1b: {  	s9 =	sadd.s32 $0xFFFFFEF7, lr;
	s5 =	simm.s32 $0xFFFFFFFF;
	p2 =	slt.u32 s8, $0xFFFFF086  }
0x1c: {  	p1 =	slt.u32 s9, $0xF7A;
	s5 =	simm.s32 @!p2 $0x0  }
0x1d: {  	s5 =	simm.s32 @p1 $0x1;
	p0 =	seq.s32 s7, s2  }
0x1e: {  	s7 =	smul.u32 @!p0 $0xF7A, s2;
	p2 =	seq.s32 @!p0 s5, $0x0  }
0x1f: {  	s9 =	smul.u32 $0xF7A, s1;
	s8 =	simm.s32 @!p0 $0x1BF5;
	p2 =	por !p2, p0  }
0x20: {  	[sflag:s8] =	ssyncset.s32 @!p0 $0xFFFFF086;
	s6 =	sadd.s32 @!p0 s3, s7;
	s7 =	simm.s32 @!p0 $0x108  }
0x21: {  	s3 =	sadd.s32 s3, s9;
	s6 =	sadd.s32 @!p0 $0x88, s6;
	s7 =	simm.s32 @p2 $0x1082  }
0x22: {  	[simem:s7], [sflag:s8] =	dma.local @!p0 [hbm:s6], $0xF7A  }
0x23: {  	s9 =	sor.u32 $0xD0000000, s2;
	s6 =	simm.s32 $0x108;
	_ =	swait.ge @!p0 [sflag:s8], $0x0  }
0x24: {  	s3 =	sadd.s32 $0x88, s3;
	s6 =	simm.s32 @!p1 $0x1082;
	[sflag:s4] =	ssyncset.s32 $0xFFFFF086  }
0x25: {  	[simem:s6], [sflag:s4] =	dma.local [hbm:s3], $0xF7A  }
0x26: {  	[smem:$0x3F8F] =	sst s1;
	(tag) =	ssettag s2;
	_ =	strace s9  }
0x27: {  	s1 =	sld [smem:$0x3F9F]  }
0x28: {  	s2 =	sld [smem:$0x3FA0]  }
0x29: {  	s4 =	sld [smem:$0x3FA2]  }
0x2a: {  	p0 =	seq.s32 s5, $0x0;
	s5 =	sld [smem:$0x3FA3]  }
0x2b: {  	s6 =	sld [smem:$0x3FA4]  }
0x2c: {  	s7 =	sld [smem:$0x3FA5]  }
0x2d: {  	s3 =	simm.s32 $0x108;
	s8 =	sld [smem:$0x3FA6]  }
0x2e: {  	s3 =	simm.s32 @!p0 $0x1082;
	s9 =	sld [smem:$0x3FA7]  }
0x2f: {  	lr =	sadd.s32 s0, s3;
	s0 =	sld [smem:$0x3F9E]  }
0x30: {  	s3 =	sld [smem:$0x3FA1]  }
0x31: {  	[smem:$0x3FAA] =	sst s10  }
0x32: {  	s10 =	sld [smem:$0x3FA8];
	_ =	sdelay $0x3  }
0x33: {  	p0 =	seq.s32 s10, $0x1;
	s10 =	sld [smem:$0x3FAA];
	_ =	sdelay $0x3  }
0x34: {  	[smem:$0x3FAA] =	sst s10  }
0x35: {  	s10 =	sld [smem:$0x3FA9];
	_ =	sdelay $0x3  }
0x36: {  	p1 =	seq.s32 s10, $0x1;
	s10 =	sld [smem:$0x3FAA];
	_ =	sdelay $0x3  }
0x37: {  	[smem:$0x3FAA] =	sst s10  }
0x38: {  	s10 =	sld [smem:$0x3FAB]  }
0x39: {  	_ = 	snop;
	(pc) =	sbr.ind lr, $3  }
0x3a: {  	_ = 	snop  }
0x3b: {  	_ = 	snop  }
0x3c: {  	p2 =	seq.s32 s10, $0x1;
	s10 =	sld [smem:$0x3FAA]  }
0x3d: {  	_ =	shalt  }
0x3e: {  	_ =	shalt  }
0x3f: {  	_ =	shalt  }
0x40: {  	_ =	shalt  }
0x41: {  	_ =	shalt  }
0x42: {  	_ =	shalt  }
0x43: {  	_ =	shalt  }
0x44: {  	_ =	shalt  }
0x45: {  	_ =	shalt  }
0x46: {  	_ =	shalt  }
0x47: {  	_ =	shalt  }
0x48: {  	_ =	shalt  }
0x49: {  	_ =	shalt  }
0x4a: {  	_ =	shalt  }
0x4b: {  	_ =	shalt  }
0x4c: {  	_ =	shalt  }
0x4d: {  	_ =	shalt  }
0x4e: {  	_ =	shalt  }
0x4f: {  	_ =	shalt  }
0x50: {  	_ =	shalt  }
0x51: {  	_ =	shalt  }
0x52: {  	_ =	shalt  }
0x53: {  	_ =	shalt  }
0x54: {  	_ =	shalt  }
0x55: {  	_ =	shalt  }
0x56: {  	_ =	shalt  }
0x57: {  	_ =	shalt  }
0x58: {  	_ =	shalt  }
0x59: {  	_ =	shalt  }
0x5a: {  	_ =	shalt  }
0x5b: {  	_ =	shalt  }
0x5c: {  	_ =	shalt  }
0x5d: {  	_ =	shalt  }
0x5e: {  	_ =	shalt  }
0x5f: {  	_ =	shalt  }
0x60: {  	_ =	shalt  }
0x61: {  	_ =	shalt  }
0x62: {  	_ =	shalt  }
0x63: {  	_ =	shalt  }
0x64: {  	_ =	shalt  }
0x65: {  	_ =	shalt  }
0x66: {  	_ =	shalt  }
0x67: {  	_ =	shalt  }
0x68: {  	_ =	shalt  }
0x69: {  	_ =	shalt  }
0x6a: {  	_ =	shalt  }
0x6b: {  	_ =	shalt  }
0x6c: {  	_ =	shalt  }
0x6d: {  	_ =	shalt  }
0x6e: {  	_ =	shalt  }
0x6f: {  	_ =	shalt  }
0x70: {  	_ =	shalt  }
0x71: {  	_ =	shalt  }
0x72: {  	_ =	shalt  }
0x73: {  	_ =	shalt  }
0x74: {  	_ =	shalt  }
0x75: {  	_ =	shalt  }
0x76: {  	_ =	shalt  }
0x77: {  	_ =	shalt  }
0x78: {  	_ =	shalt  }
0x79: {  	_ =	shalt  }
0x7a: {  	_ =	shalt  }
0x7b: {  	_ =	shalt  }
0x7c: {  	_ =	shalt  }
0x7d: {  	_ =	shalt  }
0x7e: {  	_ =	shalt  }
0x7f: {  	_ =	shalt  }
0x80: {  	_ =	shalt  }
0x81: {  	_ =	shalt  }
0x82: {  	_ =	shalt  }
0x83: {  	_ =	shalt  }
0x84: {  	_ =	shalt  }
0x85: {  	_ =	shalt  }
0x86: {  	_ =	shalt  }
0x87: {  	_ =	shalt  }
.Lfunc_end0:
.L_simem_size_0:
called_computation_lowered:
.L_overlay_start_0:
0x88: {  	s2 =	sld [smem:$0x3FD9]  }
0x89: {  	s3 =	sld [smem:$0x3FFE];
	_ =	sdelay $0x1  }
0x8a: {  	s1 =	srdreg.scid  }
0x8b: {  	s0 =	sand.u32 $0x1, s1  }
0x8c: {  	s14 =	sshll.u32 s0, $0xA;
	s2 =	sadd.s32 s3, s2  }
0x8d: {  	s2 =	sadd.s32 s2, s14  }
0x8e: {  	[smem:$0x3FB6] =	sst s2  }
0x8f: {  	_ = 	snop  }
0x90: {  	s2 =	sld [smem:$0x3FD0];
	_ =	sdelay $0x2  }
0x91: {  	s15 =	simm.s32 $0xA;
	s4 =	simm.s32 $0x10  }
0x92: {  	[smem:s4], [sflag:s15] =	dma.local [hbm:s2], $0x1  }
0x93: {  	_ =	swait.eq [sflag:s15], $0x1  }
0x94: {  	[sflag:s15] =	ssyncset.done $0x0  }
0x95: {  	[sflag:s15] =	ssyncadd.s32 $0xFFFFFFFF  }
0x96: {  	s16 =	sld [smem:$0x10];
	(tm) =	ssettm $0x1  }
0x97: {  	s17 =	sld [smem:$0x3FFB];
	_ =	sdelay $0x3  }
0x98: {  	_ =	strace s17  }
0x99: {  	s3 =	sld [smem:$0x3FFC];
	_ =	sdelay $0x3  }
0x9a: {  	_ =	strace s3  }
0x9b: {  	s3 =	sld [smem:$0x3FFD];
	_ =	sdelay $0x3  }
0x9c: {  	_ =	strace s3  }
0x9d: {  	_ =	strace $0x8FFFFFFF  }
0x9e: {  	s18 =	sld [smem:$0x3FDB];
	_ =	sdelay $0x1  }
0x9f: {  	s19 =	simm.s32 $_scs_section_size  }
0xa0: {  	s5 =	simm.s32 $_size__tile_overlayer_lowered;
	s6 =	simm.s32 $_tile_overlayer_lowered  }
0xa1: {  	s22 =	simm.s32 $0x1BFF;
	s21 =	sshll.u32 s6, $0x1;
	s3 =	sadd.s32 s19, s18  }
0xa2: {  	s7 =	simm.s32 $0x0;
	s20 =	sshll.u32 s5, $0x1;
	s5 =	sadd.s32 s21, s3  }
0xa3: {  	[timem:s7], [sflag:s22] =	dma.local [hbm:s5], s20  }
0xa4: {  	_ =	swait.ge [sflag:s22], s20  }
0xa5: {  	s4 =	ssub.s32 $0x0, s20;
	[sflag:s22] =	ssyncset.done $0x0  }
0xa6: {  	[sflag:s22] =	ssyncadd.s32 s4;
	_ =	sdelay $0x1  }
0xa7: {  	s23 =	simm.s32 $0x1B8B  }
0xa8: {  	_ =	swait.ge [sflag:s23], $0x1  }
0xa9: {  	[sflag:s23] =	ssyncset.done $0x0  }
0xaa: {  	s25 =	simm.s32 $0x1B8E;
	s24 =	sld [smem:$0x3FFE];
	[sflag:s23] =	ssyncadd.s32 $0xFFFFFFFF  }
0xab: {  	s26 =	simm.s32 $execute0_lowered;
	[smem:$0x3FD2] =	sst s25  }
0xac: {  	s5 =	sshll.u32 s26, $0x1;
	_ =	strace $0x80000046;
	[dreg:$0x1] =	wrdreg $0xFFFFFFFF  }
0xad: {  	s28 =	simm.s32 $_size_execute0_lowered;
	s3 =	sadd.s32 s3, s5;
	[dreg:$0x0] =	wrdreg $0x0  }
0xae: {  	s5 =	sshll.u32 s28, $0x1;
	[dreg:$0x2] =	wrdreg s3  }
0xaf: {  	[dreg:$0x3] =	wrdreg s5  }
0xb0: {  	[dreg:$0x4] =	wrdreg $0xC0  }
0xb1: {  	_ =	task [dreg:s7], $0x5FFFF  }
0xb2: {  	[dreg:$0x1] =	wrdreg $0xFFFFFFFF  }
0xb3: {  	[dreg:$0x0] =	wrdreg $0x60  }
0xb4: {  	[dreg:$0x2] =	wrdreg s24  }
0xb5: {  	[dreg:$0x3] =	wrdreg s16  }
0xb6: {  	[dreg:$0x4] =	wrdreg $0x9  }
0xb7: {  	_ =	task.clear_ibuf [dreg:s7], $0x5FFFF;
	_ =	strace $0x90000046  }
0xb8: {  	s29 =	simm.s32 $0x9;
	_ =	strace $0x80000048  }
0xb9: {  	_ =	swait.ge [sflag:s29], $0x1  }
0xba: {  	[sflag:s29] =	ssyncadd.s32 $0xFFFFFFFF  }
0xbb: {  	_ =	strace $0x90000048  }
0xbc: {  	_ =	sfence  }
0xbd: {  	s30 =	sld [smem:$0x0];
	_ =	sdelay $0x2  }
0xbe: {  	s31 =	sshll.u32 s1, $0xD;
	s1 =	sshrl.u32 s1, $0x2  }
0xbf: {  	s3 =	sand.u32 $0x4000, s31;
	s1 =	sadd.s32 s1, s30  }
0xc0: {  	s0 =	sor.u32 s3, s0;
	s1 =	sshll.u32 s1, $0x11  }
0xc1: {  	s0 =	sor.u32 s1, s0  }
0xc2: {  	s0 =	sadd.s32 $0x8F2B, s0  }
0xc3: {  	[sflag:s0] =	ssyncadd.remote.s32 $0x1  }
0xc4: {  	_ =	sfence.sel $0xFFFF  }
0xc5: {  	[dreg:$0x0] =	wrdreg $0xFFFFFFFF;
	(pc) =	sbr.abs _section_cstart, $3  }
0xc6: {  	[dreg:$0x1] =	wrdreg $0xFFFFFFFF  }
0xc7: {  	_ =	task.clear_ibuf [dreg:s7], $0x2FFFF;
	_ =	strace $0x9FFFFFFF  }
0xc8: {  	(tm) =	ssettm $0x7FFFFFFF  }
0xc9: {  	_ =	shalt  }
tec
execute0_lowered:
.L_overlay_start_1:
0x0: {  	(tag) =	ssettag $0x1  }
0x1: {  	s0 =	rddreg [dreg:$0x0];
	s1 =	srdreg.scid  }
0x2: {  	s2 =	stileid.u32;
	s5 =	rddreg [dreg:$0x1]  }
0x3: {  	s28 =	simm.s32 $0xA80;
	s29 =	simm.s32 $0xB00;
	s30 =	simm.s32 $0x100  }
0x4: {  	s31 =	simm.s32 $0xB80;
	s9 =	simm.s32 $0xD80;
	s10 =	simm.s32 $0x380  }
0x5: {  	s11 =	simm.s32 $0xE00;
	s1 =	sand.u32 $0x1, s1;
	s3 =	sshll.u32 s2, $0x1  }
0x6: {  	s12 =	simm.s32 $0x400;
	s2 =	simm.s32 $0x0;
	s3 =	sor.u32 s1, s3  }
0x7: {  	[smem:$0x7FF] =	sst s2;
	s1 =	ssub.s32 $0x2, s1;
	s4 =	smul.u32 $0xA0, s3  }
0x8: {  	_ =	strace $0x80000047;
	s6 =	smul.u32 $0x1400, s3;
	s7 =	sshrl.u32 s1, $0x1  }
0x9: {  	s3 =	sadd.s32 $0x8800, s0;
	s1 =	ssub.s32 s1, s7;
	s4 =	sadd.s32 s4, s0  }
0xa: {  	s0 =	sadd.s32 $0x12600, s0;
	s6 =	sshrl.u32 s6, $0x3;
	s4 =	sadd.s32 $0x7400, s4  }
0xb: {  	s13 =	sadd.s32 s5, s6;
	s14 =	sor.u32 $0x10, s6;
	s8 =	sadd.s32 s0, s6  }
0xc: {  	s16 =	sor.u32 $0x20, s6;
	s18 =	sor.u32 $0x30, s6;
	[dreg:$0x3] =	wrdreg s13  }
0xd: {  	s20 =	sadd.s32 $0x5000, s6;
	[dreg:$0x4] =	wrdreg s8;
	s15 =	sadd.s32 s5, s14  }
0xe: {  	s22 =	sadd.s32 $0x5010, s6;
	s7 =	sadd.s32 s0, s14;
	[dreg:$0x5] =	wrdreg s15  }
0xf: {  	s24 =	sadd.s32 $0x5020, s6;
	s17 =	sadd.s32 s5, s16;
	[dreg:$0x6] =	wrdreg s7  }
0x10: {  	s6 =	sadd.s32 $0x5030, s6;
	s8 =	sadd.s32 s0, s16;
	[dreg:$0x7] =	wrdreg s17  }
0x11: {  	s19 =	sadd.s32 s5, s18;
	s21 =	sadd.s32 s5, s20;
	[dreg:$0x8] =	wrdreg s8  }
0x12: {  	s23 =	sadd.s32 s5, s22;
	s25 =	sadd.s32 s5, s24;
	[dreg:$0x9] =	wrdreg s19  }
0x13: {  	s26 =	sadd.s32 s0, s24;
	s5 =	sadd.s32 s5, s6;
	[dreg:$0xb] =	wrdreg s21  }
0x14: {  	s24 =	simm.s32 $0x200;
	s13 =	simm.s32 $0xE80;
	[dreg:$0xd] =	wrdreg s23  }
0x15: {  	s14 =	simm.s32 $0x480;
	s16 =	simm.s32 $0x0;
	[dreg:$0xf] =	wrdreg s25  }
0x16: {  	s7 =	sadd.s32 s0, s18;
	s8 =	sadd.s32 s0, s20;
	[dreg:$0x10] =	wrdreg s26  }
0x17: {  	[dreg:$0x11] =	wrdreg s5;
	s20 =	sadd.s32 s0, s6;
	s21 =	smax.u32 s1, $0x1  }
0x18: {  	s23 =	simm.s32 $0x80;
	s25 =	simm.s32 $0x500;
	s26 =	simm.s32 $0xA00  }
0x19: {  	s1 =	simm.s32 $0x180;
	s5 =	simm.s32 $0xC80;
	[dreg:$0xa] =	wrdreg s7  }
0x1a: {  	s6 =	simm.s32 $0x280;
	s15 =	simm.s32 $0x1;
	[dreg:$0xc] =	wrdreg s8  }
0x1b: {  	s7 =	sadd.s32 s0, s22;
	s22 =	simm.s32 $0x2;
	s0 =	simm.s32 $0xC00  }
0x1c: {  	s8 =	simm.s32 $0x300;
	[dreg:$0xe] =	wrdreg s7;
	s7 =	simm.s32 $0xD00  }
.LBB2_1:
0x1d: {  	[tilespmem:s2], [sflag:$0x2] =	stream.linear.gather [hbm4b:s4+s2], $0x500, $0x38;
	[tilespmem:$0xF00] =	vst v63  }
0x1e: {  	_ =	swait.ge [sflag:s22], $0x500  }
0x1f: {  	[sflag:s22] =	ssyncset.done $0x0  }
0x20: {  	s17 =	rddreg [dreg:$0x3];
	[sflag:s22] =	ssyncadd.s32 $0xFFFFFB00  }
0x21: {  	[tilespmem:s25], [sflag:$0x2] =	stream.strided.gather [hbm4b:s17+s23], $0x500, s24, s23, $0x38;
	[tilespmem:$0xF00] =	vst v63  }
0x22: {  	_ =	swait.ge [sflag:s22], $0x500  }
0x23: {  	[sflag:s22] =	ssyncset.done $0x0  }
0x24: {  	s17 =	simm.s32 $0x0;
	[sflag:s22] =	ssyncadd.s32 $0xFFFFFB00  }
0x25: {  	v0 =	vld [tilespmem:s17+$0x0]  }
0x26: {  	s18 =	simm.s32 $0x40;
	v1 =	vld [tilespmem:s17+$0x500]  }
.LBB2_2:
0x27: {  	p0 =	sne.s32 s18, $0x13C0  }
.Ltmp0:
0x28: {  	_ = 	snop;
	(pc) =	sbr.rel @p0 .LBB2_2-.Ltmp0, $4  }
0x29: {  	_ = 	snop  }
0x2a: {  	s19 =	sshra.s32 s18, $0x2;
	s18 =	sadd.s32 $0x40, s18;
	v2 =	vshll.u32 v0, $0x5  }
0x2b: {  	v0 =	vld [tilespmem:s19+$0x0];
	v2 =	vadd.s32 v1, v2  }
0x2c: {  	v1 =	vld [tilespmem:s19+$0x500];
	[tilespmem:s17+$0xA00] =	vst v2;
	s17 =	smov.u32 s19  }
0x2d: {  	_ =	sdelay $0x2  }
0x2e: {  	v0 =	vshll.u32 v0, $0x5  }
0x2f: {  	v0 =	vadd.s32 v1, v0  }
0x30: {  	s19 =	simm.s32 $0x0;
	[tilespmem:s17+$0xA00] =	vst v0  }
0x31: {  	[tilespmem:s19], [sflag:$0x1] =	stream.indirect.gather [hbm4b:s3+s23], $0x1, s26, s23, $0xb8;
	[tilespmem:$0xF00] =	vst v63  }
0x32: {  	_ = 	snop  }
0x33: {  	[tilespmem:s23], [sflag:$0x1] =	stream.indirect.gather [hbm4b:s3+s23], $0x1, s28, s23, $0xb8;
	[tilespmem:$0xF00] =	vst v63  }
0x34: {  	_ = 	snop  }
0x35: {  	[tilespmem:s30], [sflag:$0x1] =	stream.indirect.gather [hbm4b:s3+s23], $0x1, s29, s23, $0xb8;
	[tilespmem:$0xF00] =	vst v63  }
0x36: {  	_ = 	snop  }
0x37: {  	[tilespmem:s1], [sflag:$0x1] =	stream.indirect.gather [hbm4b:s3+s23], $0x1, s31, s23, $0xb8;
	[tilespmem:$0xF00] =	vst v63  }
0x38: {  	_ = 	snop  }
0x39: {  	[tilespmem:s24], [sflag:$0x1] =	stream.indirect.gather [hbm4b:s3+s23], $0x1, s0, s23, $0xb8;
	[tilespmem:$0xF00] =	vst v63  }
0x3a: {  	_ = 	snop  }
0x3b: {  	[tilespmem:s6], [sflag:$0x1] =	stream.indirect.gather [hbm4b:s3+s23], $0x1, s5, s23, $0xb8;
	[tilespmem:$0xF00] =	vst v63  }
0x3c: {  	_ = 	snop  }
0x3d: {  	[tilespmem:s8], [sflag:$0x1] =	stream.indirect.gather [hbm4b:s3+s23], $0x1, s7, s23, $0xb8;
	[tilespmem:$0xF00] =	vst v63  }
0x3e: {  	_ = 	snop  }
0x3f: {  	[tilespmem:s10], [sflag:$0x1] =	stream.indirect.gather [hbm4b:s3+s23], $0x1, s9, s23, $0xb8;
	[tilespmem:$0xF00] =	vst v63  }
0x40: {  	_ = 	snop  }
0x41: {  	[tilespmem:s12], [sflag:$0x1] =	stream.indirect.gather [hbm4b:s3+s23], $0x1, s11, s23, $0xb8;
	[tilespmem:$0xF00] =	vst v63  }
0x42: {  	_ = 	snop  }
0x43: {  	[tilespmem:s14], [sflag:$0x1] =	stream.indirect.gather [hbm4b:s3+s23], $0x1, s13, s23, $0xb8;
	[tilespmem:$0xF00] =	vst v63  }
0x44: {  	_ =	swait.ge [sflag:s15], $0x80  }
0x45: {  	[sflag:s15] =	ssyncset.done $0x0  }
0x46: {  	[sflag:s15] =	ssyncadd.s32 $0xFFFFFF80  }
0x47: {  	_ =	swait.ge [sflag:s15], $0x80  }
0x48: {  	[sflag:s15] =	ssyncset.done $0x0  }
0x49: {  	[sflag:s15] =	ssyncadd.s32 $0xFFFFFF80  }
0x4a: {  	_ =	swait.ge [sflag:s15], $0x80  }
0x4b: {  	[sflag:s15] =	ssyncset.done $0x0  }
0x4c: {  	[sflag:s15] =	ssyncadd.s32 $0xFFFFFF80  }
0x4d: {  	_ =	swait.ge [sflag:s15], $0x80  }
0x4e: {  	[sflag:s15] =	ssyncset.done $0x0  }
0x4f: {  	[sflag:s15] =	ssyncadd.s32 $0xFFFFFF80  }
0x50: {  	_ =	swait.ge [sflag:s15], $0x80  }
0x51: {  	[sflag:s15] =	ssyncset.done $0x0  }
0x52: {  	[sflag:s15] =	ssyncadd.s32 $0xFFFFFF80  }
0x53: {  	_ =	swait.ge [sflag:s15], $0x80  }
0x54: {  	[sflag:s15] =	ssyncset.done $0x0  }
0x55: {  	[sflag:s15] =	ssyncadd.s32 $0xFFFFFF80  }
0x56: {  	_ =	swait.ge [sflag:s15], $0x80  }
0x57: {  	[sflag:s15] =	ssyncset.done $0x0  }
0x58: {  	[sflag:s15] =	ssyncadd.s32 $0xFFFFFF80  }
0x59: {  	_ =	swait.ge [sflag:s15], $0x80  }
0x5a: {  	[sflag:s15] =	ssyncset.done $0x0  }
0x5b: {  	[sflag:s15] =	ssyncadd.s32 $0xFFFFFF80  }
0x5c: {  	_ =	swait.ge [sflag:s15], $0x80  }
0x5d: {  	[sflag:s15] =	ssyncset.done $0x0  }
0x5e: {  	[sflag:s15] =	ssyncadd.s32 $0xFFFFFF80  }
0x5f: {  	_ =	swait.ge [sflag:s15], $0x80  }
0x60: {  	[sflag:s15] =	ssyncset.done $0x0  }
0x61: {  	s18 =	rddreg [dreg:$0x4];
	[sflag:s15] =	ssyncadd.s32 $0xFFFFFF80  }
0x62: {  	[hbm4b:s18+s23] =	stream.strided.scatter [tilespmem:s19], [sflag:$0x2], $0x500, s24, s23, $0x38;
	[tilespmem:$0xF00] =	vst v63  }
0x63: {  	_ =	swait.ge [sflag:s22], $0x500  }
0x64: {  	[sflag:s22] =	ssyncset.done $0x0  }
0x65: {  	s19 =	rddreg [dreg:$0x5];
	[sflag:s22] =	ssyncadd.s32 $0xFFFFFB00  }
0x66: {  	[tilespmem:s25], [sflag:$0x2] =	stream.strided.gather [hbm4b:s19+s23], $0x500, s24, s23, $0x38;
	[tilespmem:$0xF00] =	vst v63  }
0x67: {  	_ =	swait.ge [sflag:s22], $0x500  }
0x68: {  	[sflag:s22] =	ssyncset.done $0x0  }
0x69: {  	s17 =	simm.s32 $0x0;
	[sflag:s22] =	ssyncadd.s32 $0xFFFFFB00  }
0x6a: {  	v0 =	vld [tilespmem:s17+$0x0]  }
0x6b: {  	s18 =	simm.s32 $0x40;
	v1 =	vld [tilespmem:s17+$0x500]  }
.LBB2_4:
0x6c: {  	p0 =	sne.s32 s18, $0x13C0  }
.Ltmp1:
0x6d: {  	_ = 	snop;
	(pc) =	sbr.rel @p0 .LBB2_4-.Ltmp1, $4  }
0x6e: {  	_ = 	snop  }
0x6f: {  	s19 =	sshra.s32 s18, $0x2;
	s18 =	sadd.s32 $0x40, s18;
	v2 =	vshll.u32 v0, $0x5  }
0x70: {  	v0 =	vld [tilespmem:s19+$0x0];
	v2 =	vadd.s32 v1, v2  }
0x71: {  	v1 =	vld [tilespmem:s19+$0x500];
	[tilespmem:s17+$0xA00] =	vst v2;
	s17 =	smov.u32 s19  }
0x72: {  	_ =	sdelay $0x2  }
0x73: {  	v0 =	vshll.u32 v0, $0x5  }
0x74: {  	v0 =	vadd.s32 v1, v0  }
0x75: {  	s19 =	simm.s32 $0x0;
	[tilespmem:s17+$0xA00] =	vst v0  }
0x76: {  	[tilespmem:s19], [sflag:$0x1] =	stream.indirect.gather [hbm4b:s3+s23], $0x1, s26, s23, $0xb8;
	[tilespmem:$0xF00] =	vst v63  }
0x77: {  	_ = 	snop  }
0x78: {  	[tilespmem:s23], [sflag:$0x1] =	stream.indirect.gather [hbm4b:s3+s23], $0x1, s28, s23, $0xb8;
	[tilespmem:$0xF00] =	vst v63  }
0x79: {  	_ = 	snop  }
0x7a: {  	[tilespmem:s30], [sflag:$0x1] =	stream.indirect.gather [hbm4b:s3+s23], $0x1, s29, s23, $0xb8;
	[tilespmem:$0xF00] =	vst v63  }
0x7b: {  	_ = 	snop  }
0x7c: {  	[tilespmem:s1], [sflag:$0x1] =	stream.indirect.gather [hbm4b:s3+s23], $0x1, s31, s23, $0xb8;
	[tilespmem:$0xF00] =	vst v63  }
0x7d: {  	_ = 	snop  }
0x7e: {  	[tilespmem:s24], [sflag:$0x1] =	stream.indirect.gather [hbm4b:s3+s23], $0x1, s0, s23, $0xb8;
	[tilespmem:$0xF00] =	vst v63  }
0x7f: {  	_ = 	snop  }
0x80: {  	[tilespmem:s6], [sflag:$0x1] =	stream.indirect.gather [hbm4b:s3+s23], $0x1, s5, s23, $0xb8;
	[tilespmem:$0xF00] =	vst v63  }
0x81: {  	_ = 	snop  }
0x82: {  	[tilespmem:s8], [sflag:$0x1] =	stream.indirect.gather [hbm4b:s3+s23], $0x1, s7, s23, $0xb8;
	[tilespmem:$0xF00] =	vst v63  }
0x83: {  	_ = 	snop  }
0x84: {  	[tilespmem:s10], [sflag:$0x1] =	stream.indirect.gather [hbm4b:s3+s23], $0x1, s9, s23, $0xb8;
	[tilespmem:$0xF00] =	vst v63  }
0x85: {  	_ = 	snop  }
0x86: {  	[tilespmem:s12], [sflag:$0x1] =	stream.indirect.gather [hbm4b:s3+s23], $0x1, s11, s23, $0xb8;
	[tilespmem:$0xF00] =	vst v63  }
0x87: {  	_ = 	snop  }
0x88: {  	[tilespmem:s14], [sflag:$0x1] =	stream.indirect.gather [hbm4b:s3+s23], $0x1, s13, s23, $0xb8;
	[tilespmem:$0xF00] =	vst v63  }
0x89: {  	_ =	swait.ge [sflag:s15], $0x80  }
0x8a: {  	[sflag:s15] =	ssyncset.done $0x0  }
0x8b: {  	[sflag:s15] =	ssyncadd.s32 $0xFFFFFF80  }
0x8c: {  	_ =	swait.ge [sflag:s15], $0x80  }
0x8d: {  	[sflag:s15] =	ssyncset.done $0x0  }
0x8e: {  	[sflag:s15] =	ssyncadd.s32 $0xFFFFFF80  }
0x8f: {  	_ =	swait.ge [sflag:s15], $0x80  }
0x90: {  	[sflag:s15] =	ssyncset.done $0x0  }
0x91: {  	[sflag:s15] =	ssyncadd.s32 $0xFFFFFF80  }
0x92: {  	_ =	swait.ge [sflag:s15], $0x80  }
0x93: {  	[sflag:s15] =	ssyncset.done $0x0  }
0x94: {  	[sflag:s15] =	ssyncadd.s32 $0xFFFFFF80  }
0x95: {  	_ =	swait.ge [sflag:s15], $0x80  }
0x96: {  	[sflag:s15] =	ssyncset.done $0x0  }
0x97: {  	[sflag:s15] =	ssyncadd.s32 $0xFFFFFF80  }
0x98: {  	_ =	swait.ge [sflag:s15], $0x80  }
0x99: {  	[sflag:s15] =	ssyncset.done $0x0  }
0x9a: {  	[sflag:s15] =	ssyncadd.s32 $0xFFFFFF80  }
0x9b: {  	_ =	swait.ge [sflag:s15], $0x80  }
0x9c: {  	[sflag:s15] =	ssyncset.done $0x0  }
0x9d: {  	[sflag:s15] =	ssyncadd.s32 $0xFFFFFF80  }
0x9e: {  	_ =	swait.ge [sflag:s15], $0x80  }
0x9f: {  	[sflag:s15] =	ssyncset.done $0x0  }
0xa0: {  	[sflag:s15] =	ssyncadd.s32 $0xFFFFFF80  }
0xa1: {  	_ =	swait.ge [sflag:s15], $0x80  }
0xa2: {  	[sflag:s15] =	ssyncset.done $0x0  }
0xa3: {  	[sflag:s15] =	ssyncadd.s32 $0xFFFFFF80  }
0xa4: {  	_ =	swait.ge [sflag:s15], $0x80  }
0xa5: {  	[sflag:s15] =	ssyncset.done $0x0  }
0xa6: {  	s18 =	rddreg [dreg:$0x6];
	[sflag:s15] =	ssyncadd.s32 $0xFFFFFF80  }
0xa7: {  	[hbm4b:s18+s23] =	stream.strided.scatter [tilespmem:s19], [sflag:$0x2], $0x500, s24, s23, $0x38;
	[tilespmem:$0xF00] =	vst v63  }
0xa8: {  	_ =	swait.ge [sflag:s22], $0x500  }
0xa9: {  	[sflag:s22] =	ssyncset.done $0x0  }
0xaa: {  	s19 =	rddreg [dreg:$0x7];
	[sflag:s22] =	ssyncadd.s32 $0xFFFFFB00  }
0xab: {  	[tilespmem:s25], [sflag:$0x2] =	stream.strided.gather [hbm4b:s19+s23], $0x500, s24, s23, $0x38;
	[tilespmem:$0xF00] =	vst v63  }
0xac: {  	_ =	swait.ge [sflag:s22], $0x500  }
0xad: {  	[sflag:s22] =	ssyncset.done $0x0  }
0xae: {  	s17 =	simm.s32 $0x0;
	[sflag:s22] =	ssyncadd.s32 $0xFFFFFB00  }
0xaf: {  	v0 =	vld [tilespmem:s17+$0x0]  }
0xb0: {  	s18 =	simm.s32 $0x40;
	v1 =	vld [tilespmem:s17+$0x500]  }
.LBB2_6:
0xb1: {  	p0 =	sne.s32 s18, $0x13C0  }
.Ltmp2:
0xb2: {  	_ = 	snop;
	(pc) =	sbr.rel @p0 .LBB2_6-.Ltmp2, $4  }
0xb3: {  	_ = 	snop  }
0xb4: {  	s19 =	sshra.s32 s18, $0x2;
	s18 =	sadd.s32 $0x40, s18;
	v2 =	vshll.u32 v0, $0x5  }
0xb5: {  	v0 =	vld [tilespmem:s19+$0x0];
	v2 =	vadd.s32 v1, v2  }
0xb6: {  	v1 =	vld [tilespmem:s19+$0x500];
	[tilespmem:s17+$0xA00] =	vst v2;
	s17 =	smov.u32 s19  }
0xb7: {  	_ =	sdelay $0x2  }
0xb8: {  	v0 =	vshll.u32 v0, $0x5  }
0xb9: {  	v0 =	vadd.s32 v1, v0  }
0xba: {  	s19 =	simm.s32 $0x0;
	[tilespmem:s17+$0xA00] =	vst v0  }
0xbb: {  	[tilespmem:s19], [sflag:$0x1] =	stream.indirect.gather [hbm4b:s3+s23], $0x1, s26, s23, $0xb8;
	[tilespmem:$0xF00] =	vst v63  }
0xbc: {  	_ = 	snop  }
0xbd: {  	[tilespmem:s23], [sflag:$0x1] =	stream.indirect.gather [hbm4b:s3+s23], $0x1, s28, s23, $0xb8;
	[tilespmem:$0xF00] =	vst v63  }
0xbe: {  	_ = 	snop  }
0xbf: {  	[tilespmem:s30], [sflag:$0x1] =	stream.indirect.gather [hbm4b:s3+s23], $0x1, s29, s23, $0xb8;
	[tilespmem:$0xF00] =	vst v63  }
0xc0: {  	_ = 	snop  }
0xc1: {  	[tilespmem:s1], [sflag:$0x1] =	stream.indirect.gather [hbm4b:s3+s23], $0x1, s31, s23, $0xb8;
	[tilespmem:$0xF00] =	vst v63  }
0xc2: {  	_ = 	snop  }
0xc3: {  	[tilespmem:s24], [sflag:$0x1] =	stream.indirect.gather [hbm4b:s3+s23], $0x1, s0, s23, $0xb8;
	[tilespmem:$0xF00] =	vst v63  }
0xc4: {  	_ = 	snop  }
0xc5: {  	[tilespmem:s6], [sflag:$0x1] =	stream.indirect.gather [hbm4b:s3+s23], $0x1, s5, s23, $0xb8;
	[tilespmem:$0xF00] =	vst v63  }
0xc6: {  	_ = 	snop  }
0xc7: {  	[tilespmem:s8], [sflag:$0x1] =	stream.indirect.gather [hbm4b:s3+s23], $0x1, s7, s23, $0xb8;
	[tilespmem:$0xF00] =	vst v63  }
0xc8: {  	_ = 	snop  }
0xc9: {  	[tilespmem:s10], [sflag:$0x1] =	stream.indirect.gather [hbm4b:s3+s23], $0x1, s9, s23, $0xb8;
	[tilespmem:$0xF00] =	vst v63  }
0xca: {  	_ = 	snop  }
0xcb: {  	[tilespmem:s12], [sflag:$0x1] =	stream.indirect.gather [hbm4b:s3+s23], $0x1, s11, s23, $0xb8;
	[tilespmem:$0xF00] =	vst v63  }
0xcc: {  	_ = 	snop  }
0xcd: {  	[tilespmem:s14], [sflag:$0x1] =	stream.indirect.gather [hbm4b:s3+s23], $0x1, s13, s23, $0xb8;
	[tilespmem:$0xF00] =	vst v63  }
0xce: {  	_ =	swait.ge [sflag:s15], $0x80  }
0xcf: {  	[sflag:s15] =	ssyncset.done $0x0  }
0xd0: {  	[sflag:s15] =	ssyncadd.s32 $0xFFFFFF80  }
0xd1: {  	_ =	swait.ge [sflag:s15], $0x80  }
0xd2: {  	[sflag:s15] =	ssyncset.done $0x0  }
0xd3: {  	[sflag:s15] =	ssyncadd.s32 $0xFFFFFF80  }
0xd4: {  	_ =	swait.ge [sflag:s15], $0x80  }
0xd5: {  	[sflag:s15] =	ssyncset.done $0x0  }
0xd6: {  	[sflag:s15] =	ssyncadd.s32 $0xFFFFFF80  }
0xd7: {  	_ =	swait.ge [sflag:s15], $0x80  }
0xd8: {  	[sflag:s15] =	ssyncset.done $0x0  }
0xd9: {  	[sflag:s15] =	ssyncadd.s32 $0xFFFFFF80  }
0xda: {  	_ =	swait.ge [sflag:s15], $0x80  }
0xdb: {  	[sflag:s15] =	ssyncset.done $0x0  }
0xdc: {  	[sflag:s15] =	ssyncadd.s32 $0xFFFFFF80  }
0xdd: {  	_ =	swait.ge [sflag:s15], $0x80  }
0xde: {  	[sflag:s15] =	ssyncset.done $0x0  }
0xdf: {  	[sflag:s15] =	ssyncadd.s32 $0xFFFFFF80  }
0xe0: {  	_ =	swait.ge [sflag:s15], $0x80  }
0xe1: {  	[sflag:s15] =	ssyncset.done $0x0  }
0xe2: {  	[sflag:s15] =	ssyncadd.s32 $0xFFFFFF80  }
0xe3: {  	_ =	swait.ge [sflag:s15], $0x80  }
0xe4: {  	[sflag:s15] =	ssyncset.done $0x0  }
0xe5: {  	[sflag:s15] =	ssyncadd.s32 $0xFFFFFF80  }
0xe6: {  	_ =	swait.ge [sflag:s15], $0x80  }
0xe7: {  	[sflag:s15] =	ssyncset.done $0x0  }
0xe8: {  	[sflag:s15] =	ssyncadd.s32 $0xFFFFFF80  }
0xe9: {  	_ =	swait.ge [sflag:s15], $0x80  }
0xea: {  	[sflag:s15] =	ssyncset.done $0x0  }
0xeb: {  	s18 =	rddreg [dreg:$0x8];
	[sflag:s15] =	ssyncadd.s32 $0xFFFFFF80  }
0xec: {  	[hbm4b:s18+s23] =	stream.strided.scatter [tilespmem:s19], [sflag:$0x2], $0x500, s24, s23, $0x38;
	[tilespmem:$0xF00] =	vst v63  }
0xed: {  	_ =	swait.ge [sflag:s22], $0x500  }
0xee: {  	[sflag:s22] =	ssyncset.done $0x0  }
0xef: {  	s19 =	rddreg [dreg:$0x9];
	[sflag:s22] =	ssyncadd.s32 $0xFFFFFB00  }
0xf0: {  	[tilespmem:s25], [sflag:$0x2] =	stream.strided.gather [hbm4b:s19+s23], $0x500, s24, s23, $0x38;
	[tilespmem:$0xF00] =	vst v63  }
0xf1: {  	_ =	swait.ge [sflag:s22], $0x500  }
0xf2: {  	[sflag:s22] =	ssyncset.done $0x0  }
0xf3: {  	s17 =	simm.s32 $0x0;
	[sflag:s22] =	ssyncadd.s32 $0xFFFFFB00  }
0xf4: {  	v0 =	vld [tilespmem:s17+$0x0]  }
0xf5: {  	s18 =	simm.s32 $0x40;
	v1 =	vld [tilespmem:s17+$0x500]  }
.LBB2_8:
0xf6: {  	p0 =	sne.s32 s18, $0x13C0  }
.Ltmp3:
0xf7: {  	_ = 	snop;
	(pc) =	sbr.rel @p0 .LBB2_8-.Ltmp3, $4  }
0xf8: {  	_ = 	snop  }
0xf9: {  	s19 =	sshra.s32 s18, $0x2;
	s18 =	sadd.s32 $0x40, s18;
	v2 =	vshll.u32 v0, $0x5  }
0xfa: {  	v0 =	vld [tilespmem:s19+$0x0];
	v2 =	vadd.s32 v1, v2  }
0xfb: {  	v1 =	vld [tilespmem:s19+$0x500];
	[tilespmem:s17+$0xA00] =	vst v2;
	s17 =	smov.u32 s19  }
0xfc: {  	_ =	sdelay $0x2  }
0xfd: {  	v0 =	vshll.u32 v0, $0x5  }
0xfe: {  	v0 =	vadd.s32 v1, v0  }
0xff: {  	s19 =	simm.s32 $0x0;
	[tilespmem:s17+$0xA00] =	vst v0  }
0x100: {  	[tilespmem:s19], [sflag:$0x1] =	stream.indirect.gather [hbm4b:s3+s23], $0x1, s26, s23, $0xb8;
	[tilespmem:$0xF00] =	vst v63  }
0x101: {  	_ = 	snop  }
0x102: {  	[tilespmem:s23], [sflag:$0x1] =	stream.indirect.gather [hbm4b:s3+s23], $0x1, s28, s23, $0xb8;
	[tilespmem:$0xF00] =	vst v63  }
0x103: {  	_ = 	snop  }
0x104: {  	[tilespmem:s30], [sflag:$0x1] =	stream.indirect.gather [hbm4b:s3+s23], $0x1, s29, s23, $0xb8;
	[tilespmem:$0xF00] =	vst v63  }
0x105: {  	_ = 	snop  }
0x106: {  	[tilespmem:s1], [sflag:$0x1] =	stream.indirect.gather [hbm4b:s3+s23], $0x1, s31, s23, $0xb8;
	[tilespmem:$0xF00] =	vst v63  }
0x107: {  	_ = 	snop  }
0x108: {  	[tilespmem:s24], [sflag:$0x1] =	stream.indirect.gather [hbm4b:s3+s23], $0x1, s0, s23, $0xb8;
	[tilespmem:$0xF00] =	vst v63  }
0x109: {  	_ = 	snop  }
0x10a: {  	[tilespmem:s6], [sflag:$0x1] =	stream.indirect.gather [hbm4b:s3+s23], $0x1, s5, s23, $0xb8;
	[tilespmem:$0xF00] =	vst v63  }
0x10b: {  	_ = 	snop  }
0x10c: {  	[tilespmem:s8], [sflag:$0x1] =	stream.indirect.gather [hbm4b:s3+s23], $0x1, s7, s23, $0xb8;
	[tilespmem:$0xF00] =	vst v63  }
0x10d: {  	_ = 	snop  }
0x10e: {  	[tilespmem:s10], [sflag:$0x1] =	stream.indirect.gather [hbm4b:s3+s23], $0x1, s9, s23, $0xb8;
	[tilespmem:$0xF00] =	vst v63  }
0x10f: {  	_ = 	snop  }
0x110: {  	[tilespmem:s12], [sflag:$0x1] =	stream.indirect.gather [hbm4b:s3+s23], $0x1, s11, s23, $0xb8;
	[tilespmem:$0xF00] =	vst v63  }
0x111: {  	_ = 	snop  }
0x112: {  	[tilespmem:s14], [sflag:$0x1] =	stream.indirect.gather [hbm4b:s3+s23], $0x1, s13, s23, $0xb8;
	[tilespmem:$0xF00] =	vst v63  }
0x113: {  	_ =	swait.ge [sflag:s15], $0x80  }
0x114: {  	[sflag:s15] =	ssyncset.done $0x0  }
0x115: {  	[sflag:s15] =	ssyncadd.s32 $0xFFFFFF80  }
0x116: {  	_ =	swait.ge [sflag:s15], $0x80  }
0x117: {  	[sflag:s15] =	ssyncset.done $0x0  }
0x118: {  	[sflag:s15] =	ssyncadd.s32 $0xFFFFFF80  }
0x119: {  	_ =	swait.ge [sflag:s15], $0x80  }
0x11a: {  	[sflag:s15] =	ssyncset.done $0x0  }
0x11b: {  	[sflag:s15] =	ssyncadd.s32 $0xFFFFFF80  }
0x11c: {  	_ =	swait.ge [sflag:s15], $0x80  }
0x11d: {  	[sflag:s15] =	ssyncset.done $0x0  }
0x11e: {  	[sflag:s15] =	ssyncadd.s32 $0xFFFFFF80  }
0x11f: {  	_ =	swait.ge [sflag:s15], $0x80  }
0x120: {  	[sflag:s15] =	ssyncset.done $0x0  }
0x121: {  	[sflag:s15] =	ssyncadd.s32 $0xFFFFFF80  }
0x122: {  	_ =	swait.ge [sflag:s15], $0x80  }
0x123: {  	[sflag:s15] =	ssyncset.done $0x0  }
0x124: {  	[sflag:s15] =	ssyncadd.s32 $0xFFFFFF80  }
0x125: {  	_ =	swait.ge [sflag:s15], $0x80  }
0x126: {  	[sflag:s15] =	ssyncset.done $0x0  }
0x127: {  	[sflag:s15] =	ssyncadd.s32 $0xFFFFFF80  }
0x128: {  	_ =	swait.ge [sflag:s15], $0x80  }
0x129: {  	[sflag:s15] =	ssyncset.done $0x0  }
0x12a: {  	[sflag:s15] =	ssyncadd.s32 $0xFFFFFF80  }
0x12b: {  	_ =	swait.ge [sflag:s15], $0x80  }
0x12c: {  	[sflag:s15] =	ssyncset.done $0x0  }
0x12d: {  	[sflag:s15] =	ssyncadd.s32 $0xFFFFFF80  }
0x12e: {  	_ =	swait.ge [sflag:s15], $0x80  }
0x12f: {  	[sflag:s15] =	ssyncset.done $0x0  }
0x130: {  	s18 =	rddreg [dreg:$0xa];
	[sflag:s15] =	ssyncadd.s32 $0xFFFFFF80  }
0x131: {  	[hbm4b:s18+s23] =	stream.strided.scatter [tilespmem:s19], [sflag:$0x2], $0x500, s24, s23, $0x38;
	[tilespmem:$0xF00] =	vst v63  }
0x132: {  	_ =	swait.ge [sflag:s22], $0x500  }
0x133: {  	[sflag:s22] =	ssyncset.done $0x0  }
0x134: {  	[sflag:s22] =	ssyncadd.s32 $0xFFFFFB00  }
0x135: {  	[tilespmem:s19], [sflag:$0x2] =	stream.linear.gather [hbm4b:s4+s19], $0x500, $0x38;
	[tilespmem:$0xF00] =	vst v63  }
0x136: {  	_ =	swait.ge [sflag:s22], $0x500  }
0x137: {  	[sflag:s22] =	ssyncset.done $0x0  }
0x138: {  	s19 =	rddreg [dreg:$0xb];
	[sflag:s22] =	ssyncadd.s32 $0xFFFFFB00  }
0x139: {  	[tilespmem:s25], [sflag:$0x2] =	stream.strided.gather [hbm4b:s19+s23], $0x500, s24, s23, $0x38;
	[tilespmem:$0xF00] =	vst v63  }
0x13a: {  	_ =	swait.ge [sflag:s22], $0x500  }
0x13b: {  	[sflag:s22] =	ssyncset.done $0x0  }
0x13c: {  	s17 =	simm.s32 $0x0;
	[sflag:s22] =	ssyncadd.s32 $0xFFFFFB00  }
0x13d: {  	v0 =	vld [tilespmem:s17+$0x0]  }
0x13e: {  	s18 =	simm.s32 $0x40;
	v1 =	vld [tilespmem:s17+$0x500]  }
.LBB2_10:
0x13f: {  	p0 =	sne.s32 s18, $0x13C0  }
.Ltmp4:
0x140: {  	_ = 	snop;
	(pc) =	sbr.rel @p0 .LBB2_10-.Ltmp4, $4  }
0x141: {  	_ = 	snop  }
0x142: {  	s19 =	sshra.s32 s18, $0x2;
	s18 =	sadd.s32 $0x40, s18;
	v2 =	vshll.u32 v0, $0x5  }
0x143: {  	v0 =	vld [tilespmem:s19+$0x0];
	v2 =	vadd.s32 v1, v2  }
0x144: {  	v1 =	vld [tilespmem:s19+$0x500];
	[tilespmem:s17+$0xA00] =	vst v2;
	s17 =	smov.u32 s19  }
0x145: {  	_ =	sdelay $0x2  }
0x146: {  	v0 =	vshll.u32 v0, $0x5  }
0x147: {  	v0 =	vadd.s32 v1, v0  }
0x148: {  	s19 =	simm.s32 $0x0;
	[tilespmem:s17+$0xA00] =	vst v0  }
0x149: {  	[tilespmem:s19], [sflag:$0x1] =	stream.indirect.gather [hbm4b:s3+s23], $0x1, s26, s23, $0xb8;
	[tilespmem:$0xF00] =	vst v63  }
0x14a: {  	_ = 	snop  }
0x14b: {  	[tilespmem:s23], [sflag:$0x1] =	stream.indirect.gather [hbm4b:s3+s23], $0x1, s28, s23, $0xb8;
	[tilespmem:$0xF00] =	vst v63  }
0x14c: {  	_ = 	snop  }
0x14d: {  	[tilespmem:s30], [sflag:$0x1] =	stream.indirect.gather [hbm4b:s3+s23], $0x1, s29, s23, $0xb8;
	[tilespmem:$0xF00] =	vst v63  }
0x14e: {  	_ = 	snop  }
0x14f: {  	[tilespmem:s1], [sflag:$0x1] =	stream.indirect.gather [hbm4b:s3+s23], $0x1, s31, s23, $0xb8;
	[tilespmem:$0xF00] =	vst v63  }
0x150: {  	_ = 	snop  }
0x151: {  	[tilespmem:s24], [sflag:$0x1] =	stream.indirect.gather [hbm4b:s3+s23], $0x1, s0, s23, $0xb8;
	[tilespmem:$0xF00] =	vst v63  }
0x152: {  	_ = 	snop  }
0x153: {  	[tilespmem:s6], [sflag:$0x1] =	stream.indirect.gather [hbm4b:s3+s23], $0x1, s5, s23, $0xb8;
	[tilespmem:$0xF00] =	vst v63  }
0x154: {  	_ = 	snop  }
0x155: {  	[tilespmem:s8], [sflag:$0x1] =	stream.indirect.gather [hbm4b:s3+s23], $0x1, s7, s23, $0xb8;
	[tilespmem:$0xF00] =	vst v63  }
0x156: {  	_ = 	snop  }
0x157: {  	[tilespmem:s10], [sflag:$0x1] =	stream.indirect.gather [hbm4b:s3+s23], $0x1, s9, s23, $0xb8;
	[tilespmem:$0xF00] =	vst v63  }
0x158: {  	_ = 	snop  }
0x159: {  	[tilespmem:s12], [sflag:$0x1] =	stream.indirect.gather [hbm4b:s3+s23], $0x1, s11, s23, $0xb8;
	[tilespmem:$0xF00] =	vst v63  }
0x15a: {  	_ = 	snop  }
0x15b: {  	[tilespmem:s14], [sflag:$0x1] =	stream.indirect.gather [hbm4b:s3+s23], $0x1, s13, s23, $0xb8;
	[tilespmem:$0xF00] =	vst v63  }
0x15c: {  	_ =	swait.ge [sflag:s15], $0x80  }
0x15d: {  	[sflag:s15] =	ssyncset.done $0x0  }
0x15e: {  	[sflag:s15] =	ssyncadd.s32 $0xFFFFFF80  }
0x15f: {  	_ =	swait.ge [sflag:s15], $0x80  }
0x160: {  	[sflag:s15] =	ssyncset.done $0x0  }
0x161: {  	[sflag:s15] =	ssyncadd.s32 $0xFFFFFF80  }
0x162: {  	_ =	swait.ge [sflag:s15], $0x80  }
0x163: {  	[sflag:s15] =	ssyncset.done $0x0  }
0x164: {  	[sflag:s15] =	ssyncadd.s32 $0xFFFFFF80  }
0x165: {  	_ =	swait.ge [sflag:s15], $0x80  }
0x166: {  	[sflag:s15] =	ssyncset.done $0x0  }
0x167: {  	[sflag:s15] =	ssyncadd.s32 $0xFFFFFF80  }
0x168: {  	_ =	swait.ge [sflag:s15], $0x80  }
0x169: {  	[sflag:s15] =	ssyncset.done $0x0  }
0x16a: {  	[sflag:s15] =	ssyncadd.s32 $0xFFFFFF80  }
0x16b: {  	_ =	swait.ge [sflag:s15], $0x80  }
0x16c: {  	[sflag:s15] =	ssyncset.done $0x0  }
0x16d: {  	[sflag:s15] =	ssyncadd.s32 $0xFFFFFF80  }
0x16e: {  	_ =	swait.ge [sflag:s15], $0x80  }
0x16f: {  	[sflag:s15] =	ssyncset.done $0x0  }
0x170: {  	[sflag:s15] =	ssyncadd.s32 $0xFFFFFF80  }
0x171: {  	_ =	swait.ge [sflag:s15], $0x80  }
0x172: {  	[sflag:s15] =	ssyncset.done $0x0  }
0x173: {  	[sflag:s15] =	ssyncadd.s32 $0xFFFFFF80  }
0x174: {  	_ =	swait.ge [sflag:s15], $0x80  }
0x175: {  	[sflag:s15] =	ssyncset.done $0x0  }
0x176: {  	[sflag:s15] =	ssyncadd.s32 $0xFFFFFF80  }
0x177: {  	_ =	swait.ge [sflag:s15], $0x80  }
0x178: {  	[sflag:s15] =	ssyncset.done $0x0  }
0x179: {  	s18 =	rddreg [dreg:$0xc];
	[sflag:s15] =	ssyncadd.s32 $0xFFFFFF80  }
0x17a: {  	[hbm4b:s18+s23] =	stream.strided.scatter [tilespmem:s19], [sflag:$0x2], $0x500, s24, s23, $0x38;
	[tilespmem:$0xF00] =	vst v63  }
0x17b: {  	_ =	swait.ge [sflag:s22], $0x500  }
0x17c: {  	[sflag:s22] =	ssyncset.done $0x0  }
0x17d: {  	s19 =	rddreg [dreg:$0xd];
	[sflag:s22] =	ssyncadd.s32 $0xFFFFFB00  }
0x17e: {  	[tilespmem:s25], [sflag:$0x2] =	stream.strided.gather [hbm4b:s19+s23], $0x500, s24, s23, $0x38;
	[tilespmem:$0xF00] =	vst v63  }
0x17f: {  	_ =	swait.ge [sflag:s22], $0x500  }
0x180: {  	[sflag:s22] =	ssyncset.done $0x0  }
0x181: {  	s17 =	simm.s32 $0x0;
	[sflag:s22] =	ssyncadd.s32 $0xFFFFFB00  }
0x182: {  	v0 =	vld [tilespmem:s17+$0x0]  }
0x183: {  	s18 =	simm.s32 $0x40;
	v1 =	vld [tilespmem:s17+$0x500]  }
.LBB2_12:
0x184: {  	p0 =	sne.s32 s18, $0x13C0  }
.Ltmp5:
0x185: {  	_ = 	snop;
	(pc) =	sbr.rel @p0 .LBB2_12-.Ltmp5, $4  }
0x186: {  	_ = 	snop  }
0x187: {  	s19 =	sshra.s32 s18, $0x2;
	s18 =	sadd.s32 $0x40, s18;
	v2 =	vshll.u32 v0, $0x5  }
0x188: {  	v0 =	vld [tilespmem:s19+$0x0];
	v2 =	vadd.s32 v1, v2  }
0x189: {  	v1 =	vld [tilespmem:s19+$0x500];
	[tilespmem:s17+$0xA00] =	vst v2;
	s17 =	smov.u32 s19  }
0x18a: {  	_ =	sdelay $0x2  }
0x18b: {  	v0 =	vshll.u32 v0, $0x5  }
0x18c: {  	v0 =	vadd.s32 v1, v0  }
0x18d: {  	s19 =	simm.s32 $0x0;
	[tilespmem:s17+$0xA00] =	vst v0  }
0x18e: {  	[tilespmem:s19], [sflag:$0x1] =	stream.indirect.gather [hbm4b:s3+s23], $0x1, s26, s23, $0xb8;
	[tilespmem:$0xF00] =	vst v63  }
0x18f: {  	_ = 	snop  }
0x190: {  	[tilespmem:s23], [sflag:$0x1] =	stream.indirect.gather [hbm4b:s3+s23], $0x1, s28, s23, $0xb8;
	[tilespmem:$0xF00] =	vst v63  }
0x191: {  	_ = 	snop  }
0x192: {  	[tilespmem:s30], [sflag:$0x1] =	stream.indirect.gather [hbm4b:s3+s23], $0x1, s29, s23, $0xb8;
	[tilespmem:$0xF00] =	vst v63  }
0x193: {  	_ = 	snop  }
0x194: {  	[tilespmem:s1], [sflag:$0x1] =	stream.indirect.gather [hbm4b:s3+s23], $0x1, s31, s23, $0xb8;
	[tilespmem:$0xF00] =	vst v63  }
0x195: {  	_ = 	snop  }
0x196: {  	[tilespmem:s24], [sflag:$0x1] =	stream.indirect.gather [hbm4b:s3+s23], $0x1, s0, s23, $0xb8;
	[tilespmem:$0xF00] =	vst v63  }
0x197: {  	_ = 	snop  }
0x198: {  	[tilespmem:s6], [sflag:$0x1] =	stream.indirect.gather [hbm4b:s3+s23], $0x1, s5, s23, $0xb8;
	[tilespmem:$0xF00] =	vst v63  }
0x199: {  	_ = 	snop  }
0x19a: {  	[tilespmem:s8], [sflag:$0x1] =	stream.indirect.gather [hbm4b:s3+s23], $0x1, s7, s23, $0xb8;
	[tilespmem:$0xF00] =	vst v63  }
0x19b: {  	_ = 	snop  }
0x19c: {  	[tilespmem:s10], [sflag:$0x1] =	stream.indirect.gather [hbm4b:s3+s23], $0x1, s9, s23, $0xb8;
	[tilespmem:$0xF00] =	vst v63  }
0x19d: {  	_ = 	snop  }
0x19e: {  	[tilespmem:s12], [sflag:$0x1] =	stream.indirect.gather [hbm4b:s3+s23], $0x1, s11, s23, $0xb8;
	[tilespmem:$0xF00] =	vst v63  }
0x19f: {  	_ = 	snop  }
0x1a0: {  	[tilespmem:s14], [sflag:$0x1] =	stream.indirect.gather [hbm4b:s3+s23], $0x1, s13, s23, $0xb8;
	[tilespmem:$0xF00] =	vst v63  }
0x1a1: {  	_ =	swait.ge [sflag:s15], $0x80  }
0x1a2: {  	[sflag:s15] =	ssyncset.done $0x0  }
0x1a3: {  	[sflag:s15] =	ssyncadd.s32 $0xFFFFFF80  }
0x1a4: {  	_ =	swait.ge [sflag:s15], $0x80  }
0x1a5: {  	[sflag:s15] =	ssyncset.done $0x0  }
0x1a6: {  	[sflag:s15] =	ssyncadd.s32 $0xFFFFFF80  }
0x1a7: {  	_ =	swait.ge [sflag:s15], $0x80  }
0x1a8: {  	[sflag:s15] =	ssyncset.done $0x0  }
0x1a9: {  	[sflag:s15] =	ssyncadd.s32 $0xFFFFFF80  }
0x1aa: {  	_ =	swait.ge [sflag:s15], $0x80  }
0x1ab: {  	[sflag:s15] =	ssyncset.done $0x0  }
0x1ac: {  	[sflag:s15] =	ssyncadd.s32 $0xFFFFFF80  }
0x1ad: {  	_ =	swait.ge [sflag:s15], $0x80  }
0x1ae: {  	[sflag:s15] =	ssyncset.done $0x0  }
0x1af: {  	[sflag:s15] =	ssyncadd.s32 $0xFFFFFF80  }
0x1b0: {  	_ =	swait.ge [sflag:s15], $0x80  }
0x1b1: {  	[sflag:s15] =	ssyncset.done $0x0  }
0x1b2: {  	[sflag:s15] =	ssyncadd.s32 $0xFFFFFF80  }
0x1b3: {  	_ =	swait.ge [sflag:s15], $0x80  }
0x1b4: {  	[sflag:s15] =	ssyncset.done $0x0  }
0x1b5: {  	[sflag:s15] =	ssyncadd.s32 $0xFFFFFF80  }
0x1b6: {  	_ =	swait.ge [sflag:s15], $0x80  }
0x1b7: {  	[sflag:s15] =	ssyncset.done $0x0  }
0x1b8: {  	[sflag:s15] =	ssyncadd.s32 $0xFFFFFF80  }
0x1b9: {  	_ =	swait.ge [sflag:s15], $0x80  }
0x1ba: {  	[sflag:s15] =	ssyncset.done $0x0  }
0x1bb: {  	[sflag:s15] =	ssyncadd.s32 $0xFFFFFF80  }
0x1bc: {  	_ =	swait.ge [sflag:s15], $0x80  }
0x1bd: {  	[sflag:s15] =	ssyncset.done $0x0  }
0x1be: {  	s18 =	rddreg [dreg:$0xe];
	[sflag:s15] =	ssyncadd.s32 $0xFFFFFF80  }
0x1bf: {  	[hbm4b:s18+s23] =	stream.strided.scatter [tilespmem:s19], [sflag:$0x2], $0x500, s24, s23, $0x38;
	[tilespmem:$0xF00] =	vst v63  }
0x1c0: {  	_ =	swait.ge [sflag:s22], $0x500  }
0x1c1: {  	[sflag:s22] =	ssyncset.done $0x0  }
0x1c2: {  	s19 =	rddreg [dreg:$0xf];
	[sflag:s22] =	ssyncadd.s32 $0xFFFFFB00  }
0x1c3: {  	[tilespmem:s25], [sflag:$0x2] =	stream.strided.gather [hbm4b:s19+s23], $0x500, s24, s23, $0x38;
	[tilespmem:$0xF00] =	vst v63  }
0x1c4: {  	_ =	swait.ge [sflag:s22], $0x500  }
0x1c5: {  	[sflag:s22] =	ssyncset.done $0x0  }
0x1c6: {  	s17 =	simm.s32 $0x0;
	[sflag:s22] =	ssyncadd.s32 $0xFFFFFB00  }
0x1c7: {  	v0 =	vld [tilespmem:s17+$0x0]  }
0x1c8: {  	s18 =	simm.s32 $0x40;
	v1 =	vld [tilespmem:s17+$0x500]  }
.LBB2_14:
0x1c9: {  	p0 =	sne.s32 s18, $0x13C0  }
.Ltmp6:
0x1ca: {  	_ = 	snop;
	(pc) =	sbr.rel @p0 .LBB2_14-.Ltmp6, $4  }
0x1cb: {  	_ = 	snop  }
0x1cc: {  	s19 =	sshra.s32 s18, $0x2;
	s18 =	sadd.s32 $0x40, s18;
	v2 =	vshll.u32 v0, $0x5  }
0x1cd: {  	v0 =	vld [tilespmem:s19+$0x0];
	v2 =	vadd.s32 v1, v2  }
0x1ce: {  	v1 =	vld [tilespmem:s19+$0x500];
	[tilespmem:s17+$0xA00] =	vst v2;
	s17 =	smov.u32 s19  }
0x1cf: {  	_ =	sdelay $0x2  }
0x1d0: {  	v0 =	vshll.u32 v0, $0x5  }
0x1d1: {  	v0 =	vadd.s32 v1, v0  }
0x1d2: {  	s19 =	simm.s32 $0x0;
	[tilespmem:s17+$0xA00] =	vst v0  }
0x1d3: {  	[tilespmem:s19], [sflag:$0x1] =	stream.indirect.gather [hbm4b:s3+s23], $0x1, s26, s23, $0xb8;
	[tilespmem:$0xF00] =	vst v63  }
0x1d4: {  	_ = 	snop  }
0x1d5: {  	[tilespmem:s23], [sflag:$0x1] =	stream.indirect.gather [hbm4b:s3+s23], $0x1, s28, s23, $0xb8;
	[tilespmem:$0xF00] =	vst v63  }
0x1d6: {  	_ = 	snop  }
0x1d7: {  	[tilespmem:s30], [sflag:$0x1] =	stream.indirect.gather [hbm4b:s3+s23], $0x1, s29, s23, $0xb8;
	[tilespmem:$0xF00] =	vst v63  }
0x1d8: {  	_ = 	snop  }
0x1d9: {  	[tilespmem:s1], [sflag:$0x1] =	stream.indirect.gather [hbm4b:s3+s23], $0x1, s31, s23, $0xb8;
	[tilespmem:$0xF00] =	vst v63  }
0x1da: {  	_ = 	snop  }
0x1db: {  	[tilespmem:s24], [sflag:$0x1] =	stream.indirect.gather [hbm4b:s3+s23], $0x1, s0, s23, $0xb8;
	[tilespmem:$0xF00] =	vst v63  }
0x1dc: {  	_ = 	snop  }
0x1dd: {  	[tilespmem:s6], [sflag:$0x1] =	stream.indirect.gather [hbm4b:s3+s23], $0x1, s5, s23, $0xb8;
	[tilespmem:$0xF00] =	vst v63  }
0x1de: {  	_ = 	snop  }
0x1df: {  	[tilespmem:s8], [sflag:$0x1] =	stream.indirect.gather [hbm4b:s3+s23], $0x1, s7, s23, $0xb8;
	[tilespmem:$0xF00] =	vst v63  }
0x1e0: {  	_ = 	snop  }
0x1e1: {  	[tilespmem:s10], [sflag:$0x1] =	stream.indirect.gather [hbm4b:s3+s23], $0x1, s9, s23, $0xb8;
	[tilespmem:$0xF00] =	vst v63  }
0x1e2: {  	_ = 	snop  }
0x1e3: {  	[tilespmem:s12], [sflag:$0x1] =	stream.indirect.gather [hbm4b:s3+s23], $0x1, s11, s23, $0xb8;
	[tilespmem:$0xF00] =	vst v63  }
0x1e4: {  	_ = 	snop  }
0x1e5: {  	[tilespmem:s14], [sflag:$0x1] =	stream.indirect.gather [hbm4b:s3+s23], $0x1, s13, s23, $0xb8;
	[tilespmem:$0xF00] =	vst v63  }
0x1e6: {  	_ =	swait.ge [sflag:s15], $0x80  }
0x1e7: {  	[sflag:s15] =	ssyncset.done $0x0  }
0x1e8: {  	[sflag:s15] =	ssyncadd.s32 $0xFFFFFF80  }
0x1e9: {  	_ =	swait.ge [sflag:s15], $0x80  }
0x1ea: {  	[sflag:s15] =	ssyncset.done $0x0  }
0x1eb: {  	[sflag:s15] =	ssyncadd.s32 $0xFFFFFF80  }
0x1ec: {  	_ =	swait.ge [sflag:s15], $0x80  }
0x1ed: {  	[sflag:s15] =	ssyncset.done $0x0  }
0x1ee: {  	[sflag:s15] =	ssyncadd.s32 $0xFFFFFF80  }
0x1ef: {  	_ =	swait.ge [sflag:s15], $0x80  }
0x1f0: {  	[sflag:s15] =	ssyncset.done $0x0  }
0x1f1: {  	[sflag:s15] =	ssyncadd.s32 $0xFFFFFF80  }
0x1f2: {  	_ =	swait.ge [sflag:s15], $0x80  }
0x1f3: {  	[sflag:s15] =	ssyncset.done $0x0  }
0x1f4: {  	[sflag:s15] =	ssyncadd.s32 $0xFFFFFF80  }
0x1f5: {  	_ =	swait.ge [sflag:s15], $0x80  }
0x1f6: {  	[sflag:s15] =	ssyncset.done $0x0  }
0x1f7: {  	[sflag:s15] =	ssyncadd.s32 $0xFFFFFF80  }
0x1f8: {  	_ =	swait.ge [sflag:s15], $0x80  }
0x1f9: {  	[sflag:s15] =	ssyncset.done $0x0  }
0x1fa: {  	[sflag:s15] =	ssyncadd.s32 $0xFFFFFF80  }
0x1fb: {  	_ =	swait.ge [sflag:s15], $0x80  }
0x1fc: {  	[sflag:s15] =	ssyncset.done $0x0  }
0x1fd: {  	[sflag:s15] =	ssyncadd.s32 $0xFFFFFF80  }
0x1fe: {  	_ =	swait.ge [sflag:s15], $0x80  }
0x1ff: {  	[sflag:s15] =	ssyncset.done $0x0  }
0x200: {  	[sflag:s15] =	ssyncadd.s32 $0xFFFFFF80  }
0x201: {  	_ =	swait.ge [sflag:s15], $0x80  }
0x202: {  	[sflag:s15] =	ssyncset.done $0x0  }
0x203: {  	s18 =	rddreg [dreg:$0x10];
	[sflag:s15] =	ssyncadd.s32 $0xFFFFFF80  }
0x204: {  	[hbm4b:s18+s23] =	stream.strided.scatter [tilespmem:s19], [sflag:$0x2], $0x500, s24, s23, $0x38;
	[tilespmem:$0xF00] =	vst v63  }
0x205: {  	_ =	swait.ge [sflag:s22], $0x500  }
0x206: {  	[sflag:s22] =	ssyncset.done $0x0  }
0x207: {  	s19 =	rddreg [dreg:$0x11];
	[sflag:s22] =	ssyncadd.s32 $0xFFFFFB00  }
0x208: {  	[tilespmem:s25], [sflag:$0x2] =	stream.strided.gather [hbm4b:s19+s23], $0x500, s24, s23, $0x38;
	[tilespmem:$0xF00] =	vst v63  }
0x209: {  	_ =	swait.ge [sflag:s22], $0x500  }
0x20a: {  	[sflag:s22] =	ssyncset.done $0x0  }
0x20b: {  	s17 =	simm.s32 $0x0;
	[sflag:s22] =	ssyncadd.s32 $0xFFFFFB00  }
0x20c: {  	v0 =	vld [tilespmem:s17+$0x0]  }
0x20d: {  	s18 =	simm.s32 $0x40;
	v1 =	vld [tilespmem:s17+$0x500]  }
.LBB2_16:
0x20e: {  	p0 =	sne.s32 s18, $0x13C0  }
.Ltmp7:
0x20f: {  	_ = 	snop;
	(pc) =	sbr.rel @p0 .LBB2_16-.Ltmp7, $4  }
0x210: {  	_ = 	snop  }
0x211: {  	s19 =	sshra.s32 s18, $0x2;
	s18 =	sadd.s32 $0x40, s18;
	v2 =	vshll.u32 v0, $0x5  }
0x212: {  	v0 =	vld [tilespmem:s19+$0x0];
	v2 =	vadd.s32 v1, v2  }
0x213: {  	v1 =	vld [tilespmem:s19+$0x500];
	[tilespmem:s17+$0xA00] =	vst v2;
	s17 =	smov.u32 s19  }
0x214: {  	_ =	sdelay $0x2  }
0x215: {  	v0 =	vshll.u32 v0, $0x5  }
0x216: {  	v0 =	vadd.s32 v1, v0  }
0x217: {  	[tilespmem:s17+$0xA00] =	vst v0  }
0x218: {  	[tilespmem:s2], [sflag:$0x1] =	stream.indirect.gather [hbm4b:s3+s23], $0x1, s26, s23, $0xb8;
	[tilespmem:$0xF00] =	vst v63  }
0x219: {  	_ = 	snop  }
0x21a: {  	[tilespmem:s23], [sflag:$0x1] =	stream.indirect.gather [hbm4b:s3+s23], $0x1, s28, s23, $0xb8;
	[tilespmem:$0xF00] =	vst v63  }
0x21b: {  	_ = 	snop  }
0x21c: {  	[tilespmem:s30], [sflag:$0x1] =	stream.indirect.gather [hbm4b:s3+s23], $0x1, s29, s23, $0xb8;
	[tilespmem:$0xF00] =	vst v63  }
0x21d: {  	_ = 	snop  }
0x21e: {  	[tilespmem:s1], [sflag:$0x1] =	stream.indirect.gather [hbm4b:s3+s23], $0x1, s31, s23, $0xb8;
	[tilespmem:$0xF00] =	vst v63  }
0x21f: {  	_ = 	snop  }
0x220: {  	[tilespmem:s24], [sflag:$0x1] =	stream.indirect.gather [hbm4b:s3+s23], $0x1, s0, s23, $0xb8;
	[tilespmem:$0xF00] =	vst v63  }
0x221: {  	_ = 	snop  }
0x222: {  	[tilespmem:s6], [sflag:$0x1] =	stream.indirect.gather [hbm4b:s3+s23], $0x1, s5, s23, $0xb8;
	[tilespmem:$0xF00] =	vst v63  }
0x223: {  	_ = 	snop  }
0x224: {  	[tilespmem:s8], [sflag:$0x1] =	stream.indirect.gather [hbm4b:s3+s23], $0x1, s7, s23, $0xb8;
	[tilespmem:$0xF00] =	vst v63  }
0x225: {  	_ = 	snop  }
0x226: {  	[tilespmem:s10], [sflag:$0x1] =	stream.indirect.gather [hbm4b:s3+s23], $0x1, s9, s23, $0xb8;
	[tilespmem:$0xF00] =	vst v63  }
0x227: {  	_ = 	snop  }
0x228: {  	[tilespmem:s12], [sflag:$0x1] =	stream.indirect.gather [hbm4b:s3+s23], $0x1, s11, s23, $0xb8;
	[tilespmem:$0xF00] =	vst v63  }
0x229: {  	_ = 	snop  }
0x22a: {  	[tilespmem:s14], [sflag:$0x1] =	stream.indirect.gather [hbm4b:s3+s23], $0x1, s13, s23, $0xb8;
	[tilespmem:$0xF00] =	vst v63  }
0x22b: {  	_ =	swait.ge [sflag:s15], $0x80  }
0x22c: {  	[sflag:s15] =	ssyncset.done $0x0  }
0x22d: {  	[sflag:s15] =	ssyncadd.s32 $0xFFFFFF80  }
0x22e: {  	_ =	swait.ge [sflag:s15], $0x80  }
0x22f: {  	[sflag:s15] =	ssyncset.done $0x0  }
0x230: {  	[sflag:s15] =	ssyncadd.s32 $0xFFFFFF80  }
0x231: {  	_ =	swait.ge [sflag:s15], $0x80  }
0x232: {  	[sflag:s15] =	ssyncset.done $0x0  }
0x233: {  	[sflag:s15] =	ssyncadd.s32 $0xFFFFFF80  }
0x234: {  	_ =	swait.ge [sflag:s15], $0x80  }
0x235: {  	[sflag:s15] =	ssyncset.done $0x0  }
0x236: {  	[sflag:s15] =	ssyncadd.s32 $0xFFFFFF80  }
0x237: {  	_ =	swait.ge [sflag:s15], $0x80  }
0x238: {  	[sflag:s15] =	ssyncset.done $0x0  }
0x239: {  	[sflag:s15] =	ssyncadd.s32 $0xFFFFFF80  }
0x23a: {  	_ =	swait.ge [sflag:s15], $0x80  }
0x23b: {  	[sflag:s15] =	ssyncset.done $0x0  }
0x23c: {  	[sflag:s15] =	ssyncadd.s32 $0xFFFFFF80  }
0x23d: {  	_ =	swait.ge [sflag:s15], $0x80  }
0x23e: {  	[sflag:s15] =	ssyncset.done $0x0  }
0x23f: {  	[sflag:s15] =	ssyncadd.s32 $0xFFFFFF80  }
0x240: {  	_ =	swait.ge [sflag:s15], $0x80  }
0x241: {  	[sflag:s15] =	ssyncset.done $0x0  }
0x242: {  	[sflag:s15] =	ssyncadd.s32 $0xFFFFFF80  }
0x243: {  	_ =	swait.ge [sflag:s15], $0x80  }
0x244: {  	[sflag:s15] =	ssyncset.done $0x0  }
0x245: {  	[sflag:s15] =	ssyncadd.s32 $0xFFFFFF80  }
0x246: {  	s16 =	sadd.s32 $0x1, s16;
	_ =	swait.ge [sflag:s15], $0x80  }
0x247: {  	p0 =	sne.s32 s16, s21;
	[sflag:s15] =	ssyncset.done $0x0  }
.Ltmp8:
0x248: {  	[sflag:s15] =	ssyncadd.s32 $0xFFFFFF80;
	(pc) =	sbr.rel @p0 .LBB2_1-.Ltmp8, $4  }
0x249: {  	[hbm4b:s20+s23] =	stream.strided.scatter [tilespmem:s2], [sflag:$0x2], $0x500, s24, s23, $0x38;
	[tilespmem:$0xF00] =	vst v63  }
0x24a: {  	_ =	swait.ge [sflag:s22], $0x500  }
0x24b: {  	[sflag:s22] =	ssyncset.done $0x0  }
0x24c: {  	[sflag:s22] =	ssyncadd.s32 $0xFFFFFB00  }
0x24d: {  	_ =	sfence.sel $0x180000  }
0x24e: {  	[bflag:$0x0] =	sbarrier.arrive $0xFFFF  }
0x24f: {  	_ =	strace $0x90000047  }
0x250: {  	s0 =	stileid.u32;
	[bflag:$0x2] =	sbarrier.arrive $0xFFFF  }
0x251: {  	p0 =	sne.s32 s0, $0x0;
	s0 =	rddreg [dreg:$0x2]  }
0x252: {  	s0 =	sadd.s32 @!p0 $0x100000, s0  }
0x253: {  	[sflag:s0] =	ssyncadd.tile.s32 @!p0 $0x1;
	_ =	shalt  }
.Lfunc_end2:
_tile_overlayer_lowered:
.L_overlay_start_2:
0x254: {  	(tag) =	ssettag $0x2  }
0x255: {  	s0 =	rddreg [dreg:$0x0];
	s2 =	stileid.u32  }
0x256: {  	s1 =	rddreg [dreg:$0x1];
	p0 =	sne.s32 s2, $0x0  }
0x257: {  	s3 =	rddreg [dreg:$0x2];
	[bflag:$0x3] =	sbarrier.arrive $0xFFFF;
	s2 =	simm.s32 @!p0 $0x1C02  }
0x258: {  	[timem:s3], [sflag:s2] =	dma.local @!p0 [hbm:s0], s1  }
0x259: {  	s0 =	simm.s32 @!p0 $0x2  }
0x25a: {  	_ =	swait.ge @!p0 [sflag:s0], s1  }
0x25b: {  	s1 =	ssub.s32 @!p0 $0x0, s1;
	[sflag:s0] =	ssyncset.done @!p0 $0x0  }
0x25c: {  	[sflag:s0] =	ssyncadd.s32 @!p0 s1  }
0x25d: {  	[bflag:$0x3] =	sbarrier.arrive $0xFFFF  }
0x25e: {  	_ =	shalt  }

</sc_bundles>
